<compile_context>
chip_gen: v7x
topology: tpu7x:2x2x1
jax: 0.10.2.dev20260603
libtpu: 0.0.44.dev20260713+nightly
codegen_flags: <defaults>
</compile_context>

<pallas_src>
import functools

import jax
import jax.numpy as jnp
from jax import lax
from jax.experimental import pallas as pl
from jax.experimental.pallas import tpu as pltpu
from jax.experimental.pallas import tpu_sc as plsc

N_NODES = 10000
N_EDGES = 320000
D_FEAT = 128
N_GROUPS = 16

NP = 10240
EP = 327680
NC = 2
NS = 16
NW = NC * NS

CHUNK = 128
CPW = EP // (NW * CHUNK)
STRIPE = NP // NS

@functools.lru_cache(maxsize=1)
def _sc_mesh():
    return plsc.VectorSubcoreMesh(
        core_axis_name="c", subcore_axis_name="s",
        num_cores=NC, num_subcores=NS)


def _worker_id():
    return lax.axis_index("s") * NC + lax.axis_index("c")


def _zero_fill(ref, width):
    zeros16 = jnp.zeros((16,), jnp.float32)

    def body(i, _):
        for j in range(width // 16):
            ref[i, pl.ds(j * 16, 16)] = zeros16
        return 0

    lax.fori_loop(0, ref.shape[0], body, 0)


def _deg_body(dst_hbm, out_hbm, ones_v, didx, acc, d0, d1):
    c = lax.axis_index("c")
    s = lax.axis_index("s")
    w = _worker_id()
    dsem = [d0, d1]

    _zero_fill(ones_v, D_FEAT)
    zstart = pl.multiple_of(s * STRIPE, 8)
    for k in range(STRIPE // CHUNK):
        pltpu.sync_copy(ones_v, acc.at[pl.ds(zstart + k * CHUNK, CHUNK)])

    ones16 = jnp.ones((16,), jnp.float32)

    def ones_body(i, _):
        for j in range(D_FEAT // 16):
            ones_v[i, pl.ds(j * 16, 16)] = ones16
        return 0
    lax.fori_loop(0, CHUNK, ones_body, 0)

    pltpu.sync_copy(dst_hbm.at[pl.ds(w * CPW, CPW)], didx)
    plsc.subcore_barrier()

    def fire(j, b):
        pltpu.async_copy(ones_v, acc.at[didx.at[j]], dsem[b], add=True)

    def wait(j, b):
        pltpu.make_async_copy(ones_v, acc.at[didx.at[j]], dsem[b]).wait()

    fire(0, 0)
    fire(1, 1)

    def chunk_body(g, _):
        for k in range(2):
            j = g * 2 + k
            wait(j, k)
            fire(j + 2, k)
        return 0

    lax.fori_loop(0, CPW // 2 - 1, chunk_body, 0)
    wait(CPW - 2, 0)
    wait(CPW - 1, 1)

    plsc.subcore_barrier()
    dstart = pl.multiple_of(c * NP + s * STRIPE, 8)
    pltpu.sync_copy(acc.at[pl.ds(zstart, STRIPE)],
                    out_hbm.at[pl.ds(dstart, STRIPE)])


def _deg_call(dst2):
    return pl.kernel(
        _deg_body,
        out_type=jax.ShapeDtypeStruct((2 * NP, D_FEAT), jnp.float32),
        mesh=_sc_mesh(),
        scratch_types=[
            pltpu.VMEM((CHUNK, D_FEAT), jnp.float32),
            pltpu.VMEM((CPW, CHUNK), jnp.int32),
            pltpu.VMEM_SHARED((NP, D_FEAT), jnp.float32),
            pltpu.SemaphoreType.DMA,
            pltpu.SemaphoreType.DMA,
        ],
    )(dst2)


ACHUNK = 128
ACPW = EP // (NW * ACHUNK)
ACPB = ACPW // 2


def _agg_body(yp_hbm, src_hbm, dst_hbm, out_hbm, sidx, didx, rows, acc,
              g0, g1):
    c = lax.axis_index("c")
    s = lax.axis_index("s")
    w = _worker_id()
    gsem = [g0, g1]

    _zero_fill(rows.at[0], D_FEAT)
    zstart = pl.multiple_of(s * STRIPE, 8)
    for k in range(STRIPE // ACHUNK):
        pltpu.sync_copy(rows.at[0], acc.at[pl.ds(zstart + k * ACHUNK, ACHUNK)])
    plsc.subcore_barrier()

    def fire_g(j, b):
        pltpu.async_copy(yp_hbm.at[sidx.at[j]], rows.at[b], gsem[b])

    def wait_g(j, b):
        pltpu.make_async_copy(
            yp_hbm.at[sidx.at[j]], rows.at[b], gsem[b]).wait()

    for blk in range(2):
        cbase = w * ACPW + blk * ACPB
        pltpu.sync_copy(src_hbm.at[pl.ds(cbase, ACPB)], sidx)
        pltpu.sync_copy(dst_hbm.at[pl.ds(cbase, ACPB)], didx)

        for k in range(2):
            fire_g(k, k)

        def pair_body(g, _):
            for k in range(2):
                j = g * 2 + k
                wait_g(j, k)
                pltpu.sync_copy(rows.at[k], acc.at[didx.at[j]], add=True)
                fire_g(j + 2, k)
            return 0

        lax.fori_loop(0, ACPB // 2 - 1, pair_body, 0)

        for k in range(2):
            j = ACPB - 2 + k
            wait_g(j, k)
            pltpu.sync_copy(rows.at[k], acc.at[didx.at[j]], add=True)

    plsc.subcore_barrier()
    dstart = pl.multiple_of(c * NP + s * STRIPE, 8)
    pltpu.sync_copy(acc.at[pl.ds(zstart, STRIPE)],
                    out_hbm.at[pl.ds(dstart, STRIPE)])


def _agg_call(yp, src, dst):
    return pl.kernel(
        _agg_body,
        out_type=jax.ShapeDtypeStruct((2 * NP, D_FEAT), jnp.float32),
        mesh=_sc_mesh(),
        scratch_types=[
            pltpu.VMEM((ACPB, ACHUNK), jnp.int32),
            pltpu.VMEM((ACPB, ACHUNK), jnp.int32),
            pltpu.VMEM((2, ACHUNK, D_FEAT), jnp.float32),
            pltpu.VMEM_SHARED((NP, D_FEAT), jnp.float32),
            pltpu.SemaphoreType.DMA,
            pltpu.SemaphoreType.DMA,
        ],
    )(yp, src, dst)


_BLK = 1024
_GRID = NP // _BLK


def _mm_first_body(d0, d1, x_ref, w_ref, o_ref, dv_ref):
    deg = d0[:, 0:1] + d1[:, 0:1] + 1.0
    dinv = 1.0 / jnp.sqrt(deg)
    y = jnp.dot(x_ref[...], w_ref[...], preferred_element_type=jnp.float32)
    o_ref[...] = y * dinv
    dv_ref[...] = jnp.broadcast_to(dinv, (_BLK, 16))


def _mm_first(x, W1, degp):
    return pl.pallas_call(
        _mm_first_body,
        grid=(_GRID,),
        in_specs=[
            pl.BlockSpec((_BLK, D_FEAT), lambda i: (i, 0)),
            pl.BlockSpec((_BLK, D_FEAT), lambda i: (_GRID + i, 0)),
            pl.BlockSpec((_BLK, D_FEAT), lambda i: (i, 0)),
            pl.BlockSpec((D_FEAT, D_FEAT), lambda i: (0, 0)),
        ],
        out_specs=[
            pl.BlockSpec((_BLK, D_FEAT), lambda i: (i, 0)),
            pl.BlockSpec((_BLK, 16), lambda i: (i, 0)),
        ],
        out_shape=[
            jax.ShapeDtypeStruct((NP, D_FEAT), jnp.float32),
            jax.ShapeDtypeStruct((NP, 16), jnp.float32),
        ],
    )(degp, degp, x, W1)


def _mm_mid_body(dv, t0, t1, yp, b_ref, w_ref, o_ref):
    dinv = dv[:, 0:1]
    h = jnp.maximum(dinv * (t0[...] + t1[...] + yp[...]) + b_ref[...], 0.0)
    o_ref[...] = dinv * jnp.dot(h, w_ref[...],
                                preferred_element_type=jnp.float32)


def _mm_mid(tt, yp, dinv16, W, b):
    return pl.pallas_call(
        _mm_mid_body,
        grid=(_GRID,),
        in_specs=[
            pl.BlockSpec((_BLK, 16), lambda i: (i, 0)),
            pl.BlockSpec((_BLK, D_FEAT), lambda i: (i, 0)),
            pl.BlockSpec((_BLK, D_FEAT), lambda i: (_GRID + i, 0)),
            pl.BlockSpec((_BLK, D_FEAT), lambda i: (i, 0)),
            pl.BlockSpec((1, D_FEAT), lambda i: (0, 0)),
            pl.BlockSpec((D_FEAT, D_FEAT), lambda i: (0, 0)),
        ],
        out_specs=pl.BlockSpec((_BLK, D_FEAT), lambda i: (i, 0)),
        out_shape=jax.ShapeDtypeStruct((NP, D_FEAT), jnp.float32),
    )(dinv16, tt, tt, yp, b.reshape(1, D_FEAT), W)


def _final_body(dv, t0, t1, yp, b_ref, batch_ref, l1w, l1b, l2w, l2b,
                o_ref, sums, cnts):
    i = pl.program_id(0)

    @pl.when(i == 0)
    def _():
        sums[...] = jnp.zeros_like(sums)
        cnts[...] = jnp.zeros_like(cnts)

    dinv = dv[:, 0:1]
    h = jnp.maximum(dinv * (t0[...] + t1[...] + yp[...]) + b_ref[...], 0.0)

    brow = batch_ref[0]
    gids = lax.broadcasted_iota(jnp.int32, (N_GROUPS, _BLK), 0)
    onehot = (gids == brow).astype(jnp.float32)
    sums[...] += jnp.dot(onehot, h, preferred_element_type=jnp.float32)
    cnts[...] += jnp.sum(onehot, axis=1, keepdims=True)

    @pl.when(i == _GRID - 1)
    def _():
        pooled = sums[...] / jnp.maximum(cnts[...], 1.0)
        z = jnp.maximum(
            jnp.dot(pooled, l1w[...], preferred_element_type=jnp.float32)
            + l1b[...], 0.0)
        logits = jnp.dot(z, l2w[...], preferred_element_type=jnp.float32) \
            + l2b[...]
        m = jnp.max(logits, axis=1, keepdims=True)
        e = jnp.exp(logits - m)
        o_ref[...] = logits - m - jnp.log(jnp.sum(e, axis=1, keepdims=True))


def _final(tt, yp, dinv16, b, batch_r, L1W, L1b, L2W, L2b):
    return pl.pallas_call(
        _final_body,
        grid=(_GRID,),
        in_specs=[
            pl.BlockSpec((_BLK, 16), lambda i: (i, 0)),
            pl.BlockSpec((_BLK, D_FEAT), lambda i: (i, 0)),
            pl.BlockSpec((_BLK, D_FEAT), lambda i: (_GRID + i, 0)),
            pl.BlockSpec((_BLK, D_FEAT), lambda i: (i, 0)),
            pl.BlockSpec((1, D_FEAT), lambda i: (0, 0)),
            pl.BlockSpec((1, 1, _BLK), lambda i: (i, 0, 0)),
            pl.BlockSpec((D_FEAT, D_FEAT), lambda i: (0, 0)),
            pl.BlockSpec((1, D_FEAT), lambda i: (0, 0)),
            pl.BlockSpec((D_FEAT, 64), lambda i: (0, 0)),
            pl.BlockSpec((1, 64), lambda i: (0, 0)),
        ],
        out_specs=pl.BlockSpec((N_GROUPS, 64), lambda i: (0, 0)),
        out_shape=jax.ShapeDtypeStruct((N_GROUPS, 64), jnp.float32),
        scratch_shapes=[
            pltpu.VMEM((N_GROUPS, D_FEAT), jnp.float32),
            pltpu.VMEM((N_GROUPS, 1), jnp.float32),
        ],
    )(dinv16, tt, tt, yp, b.reshape(1, D_FEAT), batch_r,
      L1W, L1b.reshape(1, D_FEAT), L2W, L2b.reshape(1, 64))


def kernel(x, edge_index, batch, W1, b1, Wc, bc, L1W, L1b, L2W, L2b):
    npad = NP - N_NODES
    epad = EP - N_EDGES
    pad_rows = (N_NODES + jnp.arange(epad, dtype=jnp.int32) % npad)
    src1 = jnp.concatenate([edge_index[0].astype(jnp.int32), pad_rows])
    dst1 = jnp.concatenate([edge_index[1].astype(jnp.int32), pad_rows])
    src = src1.reshape(EP // ACHUNK, ACHUNK)
    dst = dst1.reshape(EP // ACHUNK, ACHUNK)
    dst_deg = dst1.reshape(EP // CHUNK, CHUNK)
    x_p = jnp.concatenate([x, jnp.zeros((npad, D_FEAT), jnp.float32)])
    batch_r = jnp.concatenate(
        [batch.astype(jnp.int32),
         jnp.full((npad,), N_GROUPS, jnp.int32)]).reshape(_GRID, 1, _BLK)

    degp = _deg_call(dst_deg)
    yp, dinv16 = _mm_first(x_p, W1, degp)
    biases = [b1, bc[0], bc[1]]
    for i in range(3):
        tt = _agg_call(yp, src, dst)
        yp = _mm_mid(tt, yp, dinv16, Wc[i], biases[i])
    tt = _agg_call(yp, src, dst)
    return _final(tt, yp, dinv16, bc[2], batch_r, L1W, L1b, L2W, L2b)

# --- scband reference (transcript-rebuilt; emitter-appended) ---
"""Pipeline reference for scband-deep-gcn-46926812676339 (READ-ONLY COPY).

The authoritative reference and input builder live on the scoring server;
editing this copy changes nothing except your own understanding.
"""

import jax, jax.numpy as jnp
import numpy as np

N = 10000
E = 320000
D = 128
H = 128
C = 64
DEPTH = 4
G = 16


def gcn_conv(x, src, dst, W, b, num_nodes):
    # add self loops
    loop = jnp.arange(num_nodes, dtype=src.dtype)
    s = jnp.concatenate([src, loop])
    d = jnp.concatenate([dst, loop])
    deg = jnp.zeros((num_nodes,), dtype=jnp.float32).at[d].add(1.0)
    dinv = jnp.where(deg > 0, 1.0 / jnp.sqrt(deg), 0.0)
    xw = x @ W
    norm = (dinv[s] * dinv[d])[:, None]
    msg = xw[s] * norm
    out = jnp.zeros((num_nodes, W.shape[1]), dtype=jnp.float32).at[d].add(msg)
    return out + b


def setup_inputs(seed: int = 0):
    key = jax.random.key(seed)
    ks = jax.random.split(key, 16)
    x = jax.random.normal(ks[0], (N, D), dtype=jnp.float32)
    edge_index = jax.random.randint(ks[1], (2, E), 0, N)
    batch = jnp.sort(jax.random.randint(ks[2], (N,), 0, G))
    s = 1.0 / np.sqrt(D)
    W1 = jax.random.normal(ks[3], (D, H), dtype=jnp.float32) * s
    b1 = jax.random.normal(ks[4], (H,), dtype=jnp.float32) * 0.01
    sh = 1.0 / np.sqrt(H)
    Wc = jax.random.normal(ks[5], (DEPTH - 1, H, H), dtype=jnp.float32) * sh
    bc = jax.random.normal(ks[6], (DEPTH - 1, H), dtype=jnp.float32) * 0.01
    L1W = jax.random.normal(ks[7], (H, H), dtype=jnp.float32) * sh
    L1b = jax.random.normal(ks[8], (H,), dtype=jnp.float32) * 0.01
    L2W = jax.random.normal(ks[9], (H, C), dtype=jnp.float32) * sh
    L2b = jax.random.normal(ks[10], (C,), dtype=jnp.float32) * 0.01
    return {"x": x, "edge_index": edge_index, "batch": batch, "W1": W1, "b1": b1,
            "Wc": Wc, "bc": bc, "L1W": L1W, "L1b": L1b, "L2W": L2W, "L2b": L2b}


def reference(x, edge_index, batch, W1, b1, Wc, bc, L1W, L1b, L2W, L2b):
    src, dst = edge_index[0], edge_index[1]
    h = gcn_conv(x, src, dst, W1, b1, N)
    h = jax.nn.relu(h)
    # dropout p=0.1 is identity in eval mode
    for i in range(DEPTH - 1):
        h = gcn_conv(h, src, dst, Wc[i], bc[i], N)
        h = jax.nn.relu(h)
    # global mean pool over batch ids
    sums = jax.ops.segment_sum(h, batch, num_segments=G)
    counts = jax.ops.segment_sum(jnp.ones((N,), dtype=jnp.float32), batch, num_segments=G)
    pooled = sums / jnp.maximum(counts, 1.0)[:, None]
    z = pooled[None, :, :]
    z = jax.nn.relu(z @ L1W + L1b)
    logits = z @ L2W + L2b
    out = jax.nn.log_softmax(logits, axis=2)
    return out.reshape(out.shape[1:])

if __name__ == "__main__":
    import jax
    _d = setup_inputs()
    print(jax.jit(kernel)(*tuple(_d.values())))

</pallas_src>

<mosaic_0001>
#map = affine_map<(d0, d1) -> (0, 0)>
module attributes {stable_mosaic.version = 14 : i64} {
  func.func @_agg_body(%arg0: i32, %arg1: i32, %arg2: memref<10240x128xf32, #tpu.memory_space<hbm>>, %arg3: memref<2560x128xi32, #tpu.memory_space<hbm>>, %arg4: memref<2560x128xi32, #tpu.memory_space<hbm>>, %arg5: memref<20480x128xf32, #tpu.memory_space<hbm>>, %arg6: memref<40x128xi32, #tpu.memory_space<vmem>>, %arg7: memref<40x128xi32, #tpu.memory_space<vmem>>, %arg8: memref<2x128x128xf32, #tpu.memory_space<vmem>>, %arg9: memref<10240x128xf32, #tpu.memory_space<vmem_shared>>, %arg10: memref<!tpu.dma_semaphore, #tpu.memory_space<semaphore_mem>>, %arg11: memref<!tpu.dma_semaphore, #tpu.memory_space<semaphore_mem>>) attributes {dimension_semantics = [#tpu.dimension_semantics<core_parallel>, #tpu.dimension_semantics<subcore_parallel>], iteration_bounds = array<i64: 2, 16>, scalar_prefetch = 0 : i64, scratch_operands = 6 : i64, tpu.core_type = #tpu.core_type<sc_vector_subcore>, window_params = [{transform_indices = #map}, {transform_indices = #map}, {transform_indices = #map}, {transform_indices = #map}]} {
    %mul3A = arith.constant 2 : i32
    %mul3A_0 = arith.muli %arg1, %mul3A : i32
    %add3A = arith.addi %mul3A_0, %arg0 : i32
    %broadcast_in_dim3A = arith.constant 0.000000e+00 : f32
    %broadcast_in_dim3A_1 = vector.broadcast %broadcast_in_dim3A : f32 to vector<16xf32>
    %scan3A = arith.constant 0 : i32
    %scan3A_2 = arith.constant 0 : i32
    %scan3A_3 = arith.constant 0 : i32
    %scan3A_4 = arith.constant 128 : i32
    %scan3A_5 = arith.addi %scan3A_3, %scan3A_4 : i32
    %scan3A_6 = arith.constant 1 : i32
    %scan3A_7 = scf.for %scan3A_156 = %scan3A_3 to %scan3A_5 step %scan3A_6 iter_args(%scan3A_157 = %scan3A_2) -> (i32)  : i32 {
      %swap3A = arith.constant 0 : i32
      %swap3A_158 = arith.constant 0 : i32
      %swap3A_159 = tpu.memref_slice %arg8[%scan3A, %swap3A, %swap3A_158] : memref<2x128x128xf32, #tpu.memory_space<vmem>> -> memref<1x128x128xf32, #tpu.memory_space<vmem>>
      %swap3A_160 = tpu.memref_squeeze %swap3A_159 : memref<1x128x128xf32, #tpu.memory_space<vmem>> -> memref<128x128xf32, #tpu.memory_space<vmem>>
      %swap3A_161 = arith.index_cast %scan3A_156 : i32 to index
      %swap3A_162 = arith.constant 0 : index
      %swap3A_163 = tpu.vector_load %swap3A_160[%swap3A_161, %swap3A_162] {strides = array<i32>} : memref<128x128xf32, #tpu.memory_space<vmem>>, vector<1x16xf32>,
      %swap3A_164 = vector.shape_cast %swap3A_163 : vector<1x16xf32> to vector<16xf32>
      %swap3A_165 = vector.shape_cast %broadcast_in_dim3A_1 : vector<16xf32> to vector<1x16xf32>
      tpu.vector_store %swap3A_160[%swap3A_161, %swap3A_162], %swap3A_165 {strides = array<i32>} : memref<128x128xf32, #tpu.memory_space<vmem>>, vector<1x16xf32>,
      %swap3A_166 = arith.constant 0 : i32
      %swap3A_167 = arith.constant 0 : i32
      %swap3A_168 = tpu.memref_slice %arg8[%scan3A, %swap3A_166, %swap3A_167] : memref<2x128x128xf32, #tpu.memory_space<vmem>> -> memref<1x128x128xf32, #tpu.memory_space<vmem>>
      %swap3A_169 = tpu.memref_squeeze %swap3A_168 : memref<1x128x128xf32, #tpu.memory_space<vmem>> -> memref<128x128xf32, #tpu.memory_space<vmem>>
      %swap3A_170 = arith.index_cast %scan3A_156 : i32 to index
      %swap3A_171 = arith.constant 16 : index
      %swap3A_172 = tpu.vector_load %swap3A_169[%swap3A_170, %swap3A_171] {strides = array<i32>} : memref<128x128xf32, #tpu.memory_space<vmem>>, vector<1x16xf32>,
      %swap3A_173 = vector.shape_cast %swap3A_172 : vector<1x16xf32> to vector<16xf32>
      %swap3A_174 = vector.shape_cast %broadcast_in_dim3A_1 : vector<16xf32> to vector<1x16xf32>
      tpu.vector_store %swap3A_169[%swap3A_170, %swap3A_171], %swap3A_174 {strides = array<i32>} : memref<128x128xf32, #tpu.memory_space<vmem>>, vector<1x16xf32>,
      %swap3A_175 = arith.constant 0 : i32
      %swap3A_176 = arith.constant 0 : i32
      %swap3A_177 = tpu.memref_slice %arg8[%scan3A, %swap3A_175, %swap3A_176] : memref<2x128x128xf32, #tpu.memory_space<vmem>> -> memref<1x128x128xf32, #tpu.memory_space<vmem>>
      %swap3A_178 = tpu.memref_squeeze %swap3A_177 : memref<1x128x128xf32, #tpu.memory_space<vmem>> -> memref<128x128xf32, #tpu.memory_space<vmem>>
      %swap3A_179 = arith.index_cast %scan3A_156 : i32 to index
      %swap3A_180 = arith.constant 32 : index
      %swap3A_181 = tpu.vector_load %swap3A_178[%swap3A_179, %swap3A_180] {strides = array<i32>} : memref<128x128xf32, #tpu.memory_space<vmem>>, vector<1x16xf32>,
      %swap3A_182 = vector.shape_cast %swap3A_181 : vector<1x16xf32> to vector<16xf32>
      %swap3A_183 = vector.shape_cast %broadcast_in_dim3A_1 : vector<16xf32> to vector<1x16xf32>
      tpu.vector_store %swap3A_178[%swap3A_179, %swap3A_180], %swap3A_183 {strides = array<i32>} : memref<128x128xf32, #tpu.memory_space<vmem>>, vector<1x16xf32>,
      %swap3A_184 = arith.constant 0 : i32
      %swap3A_185 = arith.constant 0 : i32
      %swap3A_186 = tpu.memref_slice %arg8[%scan3A, %swap3A_184, %swap3A_185] : memref<2x128x128xf32, #tpu.memory_space<vmem>> -> memref<1x128x128xf32, #tpu.memory_space<vmem>>
      %swap3A_187 = tpu.memref_squeeze %swap3A_186 : memref<1x128x128xf32, #tpu.memory_space<vmem>> -> memref<128x128xf32, #tpu.memory_space<vmem>>
      %swap3A_188 = arith.index_cast %scan3A_156 : i32 to index
      %swap3A_189 = arith.constant 48 : index
      %swap3A_190 = tpu.vector_load %swap3A_187[%swap3A_188, %swap3A_189] {strides = array<i32>} : memref<128x128xf32, #tpu.memory_space<vmem>>, vector<1x16xf32>,
      %swap3A_191 = vector.shape_cast %swap3A_190 : vector<1x16xf32> to vector<16xf32>
      %swap3A_192 = vector.shape_cast %broadcast_in_dim3A_1 : vector<16xf32> to vector<1x16xf32>
      tpu.vector_store %swap3A_187[%swap3A_188, %swap3A_189], %swap3A_192 {strides = array<i32>} : memref<128x128xf32, #tpu.memory_space<vmem>>, vector<1x16xf32>,
      %swap3A_193 = arith.constant 0 : i32
      %swap3A_194 = arith.constant 0 : i32
      %swap3A_195 = tpu.memref_slice %arg8[%scan3A, %swap3A_193, %swap3A_194] : memref<2x128x128xf32, #tpu.memory_space<vmem>> -> memref<1x128x128xf32, #tpu.memory_space<vmem>>
      %swap3A_196 = tpu.memref_squeeze %swap3A_195 : memref<1x128x128xf32, #tpu.memory_space<vmem>> -> memref<128x128xf32, #tpu.memory_space<vmem>>
      %swap3A_197 = arith.index_cast %scan3A_156 : i32 to index
      %swap3A_198 = arith.constant 64 : index
      %swap3A_199 = tpu.vector_load %swap3A_196[%swap3A_197, %swap3A_198] {strides = array<i32>} : memref<128x128xf32, #tpu.memory_space<vmem>>, vector<1x16xf32>,
      %swap3A_200 = vector.shape_cast %swap3A_199 : vector<1x16xf32> to vector<16xf32>
      %swap3A_201 = vector.shape_cast %broadcast_in_dim3A_1 : vector<16xf32> to vector<1x16xf32>
      tpu.vector_store %swap3A_196[%swap3A_197, %swap3A_198], %swap3A_201 {strides = array<i32>} : memref<128x128xf32, #tpu.memory_space<vmem>>, vector<1x16xf32>,
      %swap3A_202 = arith.constant 0 : i32
      %swap3A_203 = arith.constant 0 : i32
      %swap3A_204 = tpu.memref_slice %arg8[%scan3A, %swap3A_202, %swap3A_203] : memref<2x128x128xf32, #tpu.memory_space<vmem>> -> memref<1x128x128xf32, #tpu.memory_space<vmem>>
      %swap3A_205 = tpu.memref_squeeze %swap3A_204 : memref<1x128x128xf32, #tpu.memory_space<vmem>> -> memref<128x128xf32, #tpu.memory_space<vmem>>
      %swap3A_206 = arith.index_cast %scan3A_156 : i32 to index
      %swap3A_207 = arith.constant 80 : index
      %swap3A_208 = tpu.vector_load %swap3A_205[%swap3A_206, %swap3A_207] {strides = array<i32>} : memref<128x128xf32, #tpu.memory_space<vmem>>, vector<1x16xf32>,
      %swap3A_209 = vector.shape_cast %swap3A_208 : vector<1x16xf32> to vector<16xf32>
      %swap3A_210 = vector.shape_cast %broadcast_in_dim3A_1 : vector<16xf32> to vector<1x16xf32>
      tpu.vector_store %swap3A_205[%swap3A_206, %swap3A_207], %swap3A_210 {strides = array<i32>} : memref<128x128xf32, #tpu.memory_space<vmem>>, vector<1x16xf32>,
      %swap3A_211 = arith.constant 0 : i32
      %swap3A_212 = arith.constant 0 : i32
      %swap3A_213 = tpu.memref_slice %arg8[%scan3A, %swap3A_211, %swap3A_212] : memref<2x128x128xf32, #tpu.memory_space<vmem>> -> memref<1x128x128xf32, #tpu.memory_space<vmem>>
      %swap3A_214 = tpu.memref_squeeze %swap3A_213 : memref<1x128x128xf32, #tpu.memory_space<vmem>> -> memref<128x128xf32, #tpu.memory_space<vmem>>
      %swap3A_215 = arith.index_cast %scan3A_156 : i32 to index
      %swap3A_216 = arith.constant 96 : index
      %swap3A_217 = tpu.vector_load %swap3A_214[%swap3A_215, %swap3A_216] {strides = array<i32>} : memref<128x128xf32, #tpu.memory_space<vmem>>, vector<1x16xf32>,
      %swap3A_218 = vector.shape_cast %swap3A_217 : vector<1x16xf32> to vector<16xf32>
      %swap3A_219 = vector.shape_cast %broadcast_in_dim3A_1 : vector<16xf32> to vector<1x16xf32>
      tpu.vector_store %swap3A_214[%swap3A_215, %swap3A_216], %swap3A_219 {strides = array<i32>} : memref<128x128xf32, #tpu.memory_space<vmem>>, vector<1x16xf32>,
      %swap3A_220 = arith.constant 0 : i32
      %swap3A_221 = arith.constant 0 : i32
      %swap3A_222 = tpu.memref_slice %arg8[%scan3A, %swap3A_220, %swap3A_221] : memref<2x128x128xf32, #tpu.memory_space<vmem>> -> memref<1x128x128xf32, #tpu.memory_space<vmem>>
      %swap3A_223 = tpu.memref_squeeze %swap3A_222 : memref<1x128x128xf32, #tpu.memory_space<vmem>> -> memref<128x128xf32, #tpu.memory_space<vmem>>
      %swap3A_224 = arith.index_cast %scan3A_156 : i32 to index
      %swap3A_225 = arith.constant 112 : index
      %swap3A_226 = tpu.vector_load %swap3A_223[%swap3A_224, %swap3A_225] {strides = array<i32>} : memref<128x128xf32, #tpu.memory_space<vmem>>, vector<1x16xf32>,
      %swap3A_227 = vector.shape_cast %swap3A_226 : vector<1x16xf32> to vector<16xf32>
      %swap3A_228 = vector.shape_cast %broadcast_in_dim3A_1 : vector<16xf32> to vector<1x16xf32>
      tpu.vector_store %swap3A_223[%swap3A_224, %swap3A_225], %swap3A_228 {strides = array<i32>} : memref<128x128xf32, #tpu.memory_space<vmem>>, vector<1x16xf32>,
      %scan3A_229 = arith.constant 0 : i32
      scf.yield %scan3A_229 : i32
    }
    %scan3A_8 = arith.constant 128 : i32
    %mul3A_9 = arith.constant 640 : i32
    %mul3A_10 = arith.muli %arg1, %mul3A_9 : i32
    %multiple_of3A = tpu.assume_multiple %mul3A_10, 8 : i32
    %add3A_11 = arith.constant 0 : i32
    %add3A_12 = arith.addi %multiple_of3A, %add3A_11 : i32
    %run_scoped3A = arith.constant 0 : i32
    "tpu.region"() ({
      %run_scoped3A_156 = tpu.sem_alloc : memref<!tpu.dma_semaphore, #tpu.memory_space<semaphore_mem>>
      %dma_start3A_157 = arith.constant 0 : i32
      %dma_start3A_158 = arith.constant 0 : i32
      %dma_start3A_159 = tpu.memref_slice %arg8[%run_scoped3A, %dma_start3A_157, %dma_start3A_158] : memref<2x128x128xf32, #tpu.memory_space<vmem>> -> memref<1x128x128xf32, #tpu.memory_space<vmem>>
      %dma_start3A_160 = tpu.memref_squeeze %dma_start3A_159 : memref<1x128x128xf32, #tpu.memory_space<vmem>> -> memref<128x128xf32, #tpu.memory_space<vmem>>
      %dma_start3A_161 = arith.constant 0 : i32
      %dma_start3A_162 = tpu.memref_slice %arg9[%add3A_12, %dma_start3A_161] : memref<10240x128xf32, #tpu.memory_space<vmem_shared>> -> memref<128x128xf32, #tpu.memory_space<vmem_shared>>
      %dma_start3A_163 = arith.constant 0 : i32
      %dma_start3A_164 = tpu.memref_slice %arg9[%add3A_12, %dma_start3A_163] : memref<10240x128xf32, #tpu.memory_space<vmem_shared>> -> memref<128x128xf32, #tpu.memory_space<vmem_shared>>
      %dma_start3A_165 = arith.constant 0 : i32
      %dma_start3A_166 = arith.constant 0 : i32
      %dma_start3A_167 = tpu.memref_slice %arg8[%run_scoped3A, %dma_start3A_165, %dma_start3A_166] : memref<2x128x128xf32, #tpu.memory_space<vmem>> -> memref<1x128x128xf32, #tpu.memory_space<vmem>>
      %dma_start3A_168 = tpu.memref_squeeze %dma_start3A_167 : memref<1x128x128xf32, #tpu.memory_space<vmem>> -> memref<128x128xf32, #tpu.memory_space<vmem>>
      tpu.enqueue_dma source(%dma_start3A_168 : memref<128x128xf32, #tpu.memory_space<vmem>>) target(%dma_start3A_164 : memref<128x128xf32, #tpu.memory_space<vmem_shared>>) target_semaphore(%run_scoped3A_156 : memref<!tpu.dma_semaphore, #tpu.memory_space<semaphore_mem>>)
      %dma_wait3A_169 = arith.constant 0 : i32
      %dma_wait3A_170 = arith.constant 0 : i32
      %dma_wait3A_171 = tpu.memref_slice %arg8[%run_scoped3A, %dma_wait3A_169, %dma_wait3A_170] : memref<2x128x128xf32, #tpu.memory_space<vmem>> -> memref<1x128x128xf32, #tpu.memory_space<vmem>>
      %dma_wait3A_172 = tpu.memref_squeeze %dma_wait3A_171 : memref<1x128x128xf32, #tpu.memory_space<vmem>> -> memref<128x128xf32, #tpu.memory_space<vmem>>
      %dma_wait3A_173 = arith.constant 0 : i32
      %dma_wait3A_174 = tpu.memref_slice %arg9[%add3A_12, %dma_wait3A_173] : memref<10240x128xf32, #tpu.memory_space<vmem_shared>> -> memref<128x128xf32, #tpu.memory_space<vmem_shared>>
      %dma_wait3A_175 = arith.constant 0 : i32
      %dma_wait3A_176 = tpu.memref_slice %arg9[%add3A_12, %dma_wait3A_175] : memref<10240x128xf32, #tpu.memory_space<vmem_shared>> -> memref<128x128xf32, #tpu.memory_space<vmem_shared>>
      %dma_wait3A_177 = arith.constant 0 : i32
      %dma_wait3A_178 = arith.constant 0 : i32
      %dma_wait3A_179 = tpu.memref_slice %arg8[%run_scoped3A, %dma_wait3A_177, %dma_wait3A_178] : memref<2x128x128xf32, #tpu.memory_space<vmem>> -> memref<1x128x128xf32, #tpu.memory_space<vmem>>
      %dma_wait3A_180 = tpu.memref_squeeze %dma_wait3A_179 : memref<1x128x128xf32, #tpu.memory_space<vmem>> -> memref<128x128xf32, #tpu.memory_space<vmem>>
      tpu.wait_dma2 semaphore(%run_scoped3A_156 : memref<!tpu.dma_semaphore, #tpu.memory_space<semaphore_mem>>) src(%dma_wait3A_180 : memref<128x128xf32, #tpu.memory_space<vmem>>) dst(%dma_wait3A_176 : memref<128x128xf32, #tpu.memory_space<vmem_shared>>)
      tpu.yield
    }) : () -> ()
    %add3A_13 = arith.constant 128 : i32
    %add3A_14 = arith.addi %multiple_of3A, %add3A_13 : i32
    %run_scoped3A_15 = arith.constant 0 : i32
    "tpu.region"() ({
      %run_scoped3A_156 = tpu.sem_alloc : memref<!tpu.dma_semaphore, #tpu.memory_space<semaphore_mem>>
      %dma_start3A_157 = arith.constant 0 : i32
      %dma_start3A_158 = arith.constant 0 : i32
      %dma_start3A_159 = tpu.memref_slice %arg8[%run_scoped3A_15, %dma_start3A_157, %dma_start3A_158] : memref<2x128x128xf32, #tpu.memory_space<vmem>> -> memref<1x128x128xf32, #tpu.memory_space<vmem>>
      %dma_start3A_160 = tpu.memref_squeeze %dma_start3A_159 : memref<1x128x128xf32, #tpu.memory_space<vmem>> -> memref<128x128xf32, #tpu.memory_space<vmem>>
      %dma_start3A_161 = arith.constant 0 : i32
      %dma_start3A_162 = tpu.memref_slice %arg9[%add3A_14, %dma_start3A_161] : memref<10240x128xf32, #tpu.memory_space<vmem_shared>> -> memref<128x128xf32, #tpu.memory_space<vmem_shared>>
      %dma_start3A_163 = arith.constant 0 : i32
      %dma_start3A_164 = tpu.memref_slice %arg9[%add3A_14, %dma_start3A_163] : memref<10240x128xf32, #tpu.memory_space<vmem_shared>> -> memref<128x128xf32, #tpu.memory_space<vmem_shared>>
      %dma_start3A_165 = arith.constant 0 : i32
      %dma_start3A_166 = arith.constant 0 : i32
      %dma_start3A_167 = tpu.memref_slice %arg8[%run_scoped3A_15, %dma_start3A_165, %dma_start3A_166] : memref<2x128x128xf32, #tpu.memory_space<vmem>> -> memref<1x128x128xf32, #tpu.memory_space<vmem>>
      %dma_start3A_168 = tpu.memref_squeeze %dma_start3A_167 : memref<1x128x128xf32, #tpu.memory_space<vmem>> -> memref<128x128xf32, #tpu.memory_space<vmem>>
      tpu.enqueue_dma source(%dma_start3A_168 : memref<128x128xf32, #tpu.memory_space<vmem>>) target(%dma_start3A_164 : memref<128x128xf32, #tpu.memory_space<vmem_shared>>) target_semaphore(%run_scoped3A_156 : memref<!tpu.dma_semaphore, #tpu.memory_space<semaphore_mem>>)
      %dma_wait3A_169 = arith.constant 0 : i32
      %dma_wait3A_170 = arith.constant 0 : i32
      %dma_wait3A_171 = tpu.memref_slice %arg8[%run_scoped3A_15, %dma_wait3A_169, %dma_wait3A_170] : memref<2x128x128xf32, #tpu.memory_space<vmem>> -> memref<1x128x128xf32, #tpu.memory_space<vmem>>
      %dma_wait3A_172 = tpu.memref_squeeze %dma_wait3A_171 : memref<1x128x128xf32, #tpu.memory_space<vmem>> -> memref<128x128xf32, #tpu.memory_space<vmem>>
      %dma_wait3A_173 = arith.constant 0 : i32
      %dma_wait3A_174 = tpu.memref_slice %arg9[%add3A_14, %dma_wait3A_173] : memref<10240x128xf32, #tpu.memory_space<vmem_shared>> -> memref<128x128xf32, #tpu.memory_space<vmem_shared>>
      %dma_wait3A_175 = arith.constant 0 : i32
      %dma_wait3A_176 = tpu.memref_slice %arg9[%add3A_14, %dma_wait3A_175] : memref<10240x128xf32, #tpu.memory_space<vmem_shared>> -> memref<128x128xf32, #tpu.memory_space<vmem_shared>>
      %dma_wait3A_177 = arith.constant 0 : i32
      %dma_wait3A_178 = arith.constant 0 : i32
      %dma_wait3A_179 = tpu.memref_slice %arg8[%run_scoped3A_15, %dma_wait3A_177, %dma_wait3A_178] : memref<2x128x128xf32, #tpu.memory_space<vmem>> -> memref<1x128x128xf32, #tpu.memory_space<vmem>>
      %dma_wait3A_180 = tpu.memref_squeeze %dma_wait3A_179 : memref<1x128x128xf32, #tpu.memory_space<vmem>> -> memref<128x128xf32, #tpu.memory_space<vmem>>
      tpu.wait_dma2 semaphore(%run_scoped3A_156 : memref<!tpu.dma_semaphore, #tpu.memory_space<semaphore_mem>>) src(%dma_wait3A_180 : memref<128x128xf32, #tpu.memory_space<vmem>>) dst(%dma_wait3A_176 : memref<128x128xf32, #tpu.memory_space<vmem_shared>>)
      tpu.yield
    }) : () -> ()
    %add3A_16 = arith.constant 256 : i32
    %add3A_17 = arith.addi %multiple_of3A, %add3A_16 : i32
    %run_scoped3A_18 = arith.constant 0 : i32
    "tpu.region"() ({
      %run_scoped3A_156 = tpu.sem_alloc : memref<!tpu.dma_semaphore, #tpu.memory_space<semaphore_mem>>
      %dma_start3A_157 = arith.constant 0 : i32
      %dma_start3A_158 = arith.constant 0 : i32
      %dma_start3A_159 = tpu.memref_slice %arg8[%run_scoped3A_18, %dma_start3A_157, %dma_start3A_158] : memref<2x128x128xf32, #tpu.memory_space<vmem>> -> memref<1x128x128xf32, #tpu.memory_space<vmem>>
      %dma_start3A_160 = tpu.memref_squeeze %dma_start3A_159 : memref<1x128x128xf32, #tpu.memory_space<vmem>> -> memref<128x128xf32, #tpu.memory_space<vmem>>
      %dma_start3A_161 = arith.constant 0 : i32
      %dma_start3A_162 = tpu.memref_slice %arg9[%add3A_17, %dma_start3A_161] : memref<10240x128xf32, #tpu.memory_space<vmem_shared>> -> memref<128x128xf32, #tpu.memory_space<vmem_shared>>
      %dma_start3A_163 = arith.constant 0 : i32
      %dma_start3A_164 = tpu.memref_slice %arg9[%add3A_17, %dma_start3A_163] : memref<10240x128xf32, #tpu.memory_space<vmem_shared>> -> memref<128x128xf32, #tpu.memory_space<vmem_shared>>
      %dma_start3A_165 = arith.constant 0 : i32
      %dma_start3A_166 = arith.constant 0 : i32
      %dma_start3A_167 = tpu.memref_slice %arg8[%run_scoped3A_18, %dma_start3A_165, %dma_start3A_166] : memref<2x128x128xf32, #tpu.memory_space<vmem>> -> memref<1x128x128xf32, #tpu.memory_space<vmem>>
      %dma_start3A_168 = tpu.memref_squeeze %dma_start3A_167 : memref<1x128x128xf32, #tpu.memory_space<vmem>> -> memref<128x128xf32, #tpu.memory_space<vmem>>
      tpu.enqueue_dma source(%dma_start3A_168 : memref<128x128xf32, #tpu.memory_space<vmem>>) target(%dma_start3A_164 : memref<128x128xf32, #tpu.memory_space<vmem_shared>>) target_semaphore(%run_scoped3A_156 : memref<!tpu.dma_semaphore, #tpu.memory_space<semaphore_mem>>)
      %dma_wait3A_169 = arith.constant 0 : i32
      %dma_wait3A_170 = arith.constant 0 : i32
      %dma_wait3A_171 = tpu.memref_slice %arg8[%run_scoped3A_18, %dma_wait3A_169, %dma_wait3A_170] : memref<2x128x128xf32, #tpu.memory_space<vmem>> -> memref<1x128x128xf32, #tpu.memory_space<vmem>>
      %dma_wait3A_172 = tpu.memref_squeeze %dma_wait3A_171 : memref<1x128x128xf32, #tpu.memory_space<vmem>> -> memref<128x128xf32, #tpu.memory_space<vmem>>
      %dma_wait3A_173 = arith.constant 0 : i32
      %dma_wait3A_174 = tpu.memref_slice %arg9[%add3A_17, %dma_wait3A_173] : memref<10240x128xf32, #tpu.memory_space<vmem_shared>> -> memref<128x128xf32, #tpu.memory_space<vmem_shared>>
      %dma_wait3A_175 = arith.constant 0 : i32
      %dma_wait3A_176 = tpu.memref_slice %arg9[%add3A_17, %dma_wait3A_175] : memref<10240x128xf32, #tpu.memory_space<vmem_shared>> -> memref<128x128xf32, #tpu.memory_space<vmem_shared>>
      %dma_wait3A_177 = arith.constant 0 : i32
      %dma_wait3A_178 = arith.constant 0 : i32
      %dma_wait3A_179 = tpu.memref_slice %arg8[%run_scoped3A_18, %dma_wait3A_177, %dma_wait3A_178] : memref<2x128x128xf32, #tpu.memory_space<vmem>> -> memref<1x128x128xf32, #tpu.memory_space<vmem>>
      %dma_wait3A_180 = tpu.memref_squeeze %dma_wait3A_179 : memref<1x128x128xf32, #tpu.memory_space<vmem>> -> memref<128x128xf32, #tpu.memory_space<vmem>>
      tpu.wait_dma2 semaphore(%run_scoped3A_156 : memref<!tpu.dma_semaphore, #tpu.memory_space<semaphore_mem>>) src(%dma_wait3A_180 : memref<128x128xf32, #tpu.memory_space<vmem>>) dst(%dma_wait3A_176 : memref<128x128xf32, #tpu.memory_space<vmem_shared>>)
      tpu.yield
    }) : () -> ()
    %add3A_19 = arith.constant 384 : i32
    %add3A_20 = arith.addi %multiple_of3A, %add3A_19 : i32
    %run_scoped3A_21 = arith.constant 0 : i32
    "tpu.region"() ({
      %run_scoped3A_156 = tpu.sem_alloc : memref<!tpu.dma_semaphore, #tpu.memory_space<semaphore_mem>>
      %dma_start3A_157 = arith.constant 0 : i32
      %dma_start3A_158 = arith.constant 0 : i32
      %dma_start3A_159 = tpu.memref_slice %arg8[%run_scoped3A_21, %dma_start3A_157, %dma_start3A_158] : memref<2x128x128xf32, #tpu.memory_space<vmem>> -> memref<1x128x128xf32, #tpu.memory_space<vmem>>
      %dma_start3A_160 = tpu.memref_squeeze %dma_start3A_159 : memref<1x128x128xf32, #tpu.memory_space<vmem>> -> memref<128x128xf32, #tpu.memory_space<vmem>>
      %dma_start3A_161 = arith.constant 0 : i32
      %dma_start3A_162 = tpu.memref_slice %arg9[%add3A_20, %dma_start3A_161] : memref<10240x128xf32, #tpu.memory_space<vmem_shared>> -> memref<128x128xf32, #tpu.memory_space<vmem_shared>>
      %dma_start3A_163 = arith.constant 0 : i32
      %dma_start3A_164 = tpu.memref_slice %arg9[%add3A_20, %dma_start3A_163] : memref<10240x128xf32, #tpu.memory_space<vmem_shared>> -> memref<128x128xf32, #tpu.memory_space<vmem_shared>>
      %dma_start3A_165 = arith.constant 0 : i32
      %dma_start3A_166 = arith.constant 0 : i32
      %dma_start3A_167 = tpu.memref_slice %arg8[%run_scoped3A_21, %dma_start3A_165, %dma_start3A_166] : memref<2x128x128xf32, #tpu.memory_space<vmem>> -> memref<1x128x128xf32, #tpu.memory_space<vmem>>
      %dma_start3A_168 = tpu.memref_squeeze %dma_start3A_167 : memref<1x128x128xf32, #tpu.memory_space<vmem>> -> memref<128x128xf32, #tpu.memory_space<vmem>>
      tpu.enqueue_dma source(%dma_start3A_168 : memref<128x128xf32, #tpu.memory_space<vmem>>) target(%dma_start3A_164 : memref<128x128xf32, #tpu.memory_space<vmem_shared>>) target_semaphore(%run_scoped3A_156 : memref<!tpu.dma_semaphore, #tpu.memory_space<semaphore_mem>>)
      %dma_wait3A_169 = arith.constant 0 : i32
      %dma_wait3A_170 = arith.constant 0 : i32
      %dma_wait3A_171 = tpu.memref_slice %arg8[%run_scoped3A_21, %dma_wait3A_169, %dma_wait3A_170] : memref<2x128x128xf32, #tpu.memory_space<vmem>> -> memref<1x128x128xf32, #tpu.memory_space<vmem>>
      %dma_wait3A_172 = tpu.memref_squeeze %dma_wait3A_171 : memref<1x128x128xf32, #tpu.memory_space<vmem>> -> memref<128x128xf32, #tpu.memory_space<vmem>>
      %dma_wait3A_173 = arith.constant 0 : i32
      %dma_wait3A_174 = tpu.memref_slice %arg9[%add3A_20, %dma_wait3A_173] : memref<10240x128xf32, #tpu.memory_space<vmem_shared>> -> memref<128x128xf32, #tpu.memory_space<vmem_shared>>
      %dma_wait3A_175 = arith.constant 0 : i32
      %dma_wait3A_176 = tpu.memref_slice %arg9[%add3A_20, %dma_wait3A_175] : memref<10240x128xf32, #tpu.memory_space<vmem_shared>> -> memref<128x128xf32, #tpu.memory_space<vmem_shared>>
      %dma_wait3A_177 = arith.constant 0 : i32
      %dma_wait3A_178 = arith.constant 0 : i32
      %dma_wait3A_179 = tpu.memref_slice %arg8[%run_scoped3A_21, %dma_wait3A_177, %dma_wait3A_178] : memref<2x128x128xf32, #tpu.memory_space<vmem>> -> memref<1x128x128xf32, #tpu.memory_space<vmem>>
      %dma_wait3A_180 = tpu.memref_squeeze %dma_wait3A_179 : memref<1x128x128xf32, #tpu.memory_space<vmem>> -> memref<128x128xf32, #tpu.memory_space<vmem>>
      tpu.wait_dma2 semaphore(%run_scoped3A_156 : memref<!tpu.dma_semaphore, #tpu.memory_space<semaphore_mem>>) src(%dma_wait3A_180 : memref<128x128xf32, #tpu.memory_space<vmem>>) dst(%dma_wait3A_176 : memref<128x128xf32, #tpu.memory_space<vmem_shared>>)
      tpu.yield
    }) : () -> ()
    %add3A_22 = arith.constant 512 : i32
    %add3A_23 = arith.addi %multiple_of3A, %add3A_22 : i32
    %run_scoped3A_24 = arith.constant 0 : i32
    "tpu.region"() ({
      %run_scoped3A_156 = tpu.sem_alloc : memref<!tpu.dma_semaphore, #tpu.memory_space<semaphore_mem>>
      %dma_start3A_157 = arith.constant 0 : i32
      %dma_start3A_158 = arith.constant 0 : i32
      %dma_start3A_159 = tpu.memref_slice %arg8[%run_scoped3A_24, %dma_start3A_157, %dma_start3A_158] : memref<2x128x128xf32, #tpu.memory_space<vmem>> -> memref<1x128x128xf32, #tpu.memory_space<vmem>>
      %dma_start3A_160 = tpu.memref_squeeze %dma_start3A_159 : memref<1x128x128xf32, #tpu.memory_space<vmem>> -> memref<128x128xf32, #tpu.memory_space<vmem>>
      %dma_start3A_161 = arith.constant 0 : i32
      %dma_start3A_162 = tpu.memref_slice %arg9[%add3A_23, %dma_start3A_161] : memref<10240x128xf32, #tpu.memory_space<vmem_shared>> -> memref<128x128xf32, #tpu.memory_space<vmem_shared>>
      %dma_start3A_163 = arith.constant 0 : i32
      %dma_start3A_164 = tpu.memref_slice %arg9[%add3A_23, %dma_start3A_163] : memref<10240x128xf32, #tpu.memory_space<vmem_shared>> -> memref<128x128xf32, #tpu.memory_space<vmem_shared>>
      %dma_start3A_165 = arith.constant 0 : i32
      %dma_start3A_166 = arith.constant 0 : i32
      %dma_start3A_167 = tpu.memref_slice %arg8[%run_scoped3A_24, %dma_start3A_165, %dma_start3A_166] : memref<2x128x128xf32, #tpu.memory_space<vmem>> -> memref<1x128x128xf32, #tpu.memory_space<vmem>>
      %dma_start3A_168 = tpu.memref_squeeze %dma_start3A_167 : memref<1x128x128xf32, #tpu.memory_space<vmem>> -> memref<128x128xf32, #tpu.memory_space<vmem>>
      tpu.enqueue_dma source(%dma_start3A_168 : memref<128x128xf32, #tpu.memory_space<vmem>>) target(%dma_start3A_164 : memref<128x128xf32, #tpu.memory_space<vmem_shared>>) target_semaphore(%run_scoped3A_156 : memref<!tpu.dma_semaphore, #tpu.memory_space<semaphore_mem>>)
      %dma_wait3A_169 = arith.constant 0 : i32
      %dma_wait3A_170 = arith.constant 0 : i32
      %dma_wait3A_171 = tpu.memref_slice %arg8[%run_scoped3A_24, %dma_wait3A_169, %dma_wait3A_170] : memref<2x128x128xf32, #tpu.memory_space<vmem>> -> memref<1x128x128xf32, #tpu.memory_space<vmem>>
      %dma_wait3A_172 = tpu.memref_squeeze %dma_wait3A_171 : memref<1x128x128xf32, #tpu.memory_space<vmem>> -> memref<128x128xf32, #tpu.memory_space<vmem>>
      %dma_wait3A_173 = arith.constant 0 : i32
      %dma_wait3A_174 = tpu.memref_slice %arg9[%add3A_23, %dma_wait3A_173] : memref<10240x128xf32, #tpu.memory_space<vmem_shared>> -> memref<128x128xf32, #tpu.memory_space<vmem_shared>>
      %dma_wait3A_175 = arith.constant 0 : i32
      %dma_wait3A_176 = tpu.memref_slice %arg9[%add3A_23, %dma_wait3A_175] : memref<10240x128xf32, #tpu.memory_space<vmem_shared>> -> memref<128x128xf32, #tpu.memory_space<vmem_shared>>
      %dma_wait3A_177 = arith.constant 0 : i32
      %dma_wait3A_178 = arith.constant 0 : i32
      %dma_wait3A_179 = tpu.memref_slice %arg8[%run_scoped3A_24, %dma_wait3A_177, %dma_wait3A_178] : memref<2x128x128xf32, #tpu.memory_space<vmem>> -> memref<1x128x128xf32, #tpu.memory_space<vmem>>
      %dma_wait3A_180 = tpu.memref_squeeze %dma_wait3A_179 : memref<1x128x128xf32, #tpu.memory_space<vmem>> -> memref<128x128xf32, #tpu.memory_space<vmem>>
      tpu.wait_dma2 semaphore(%run_scoped3A_156 : memref<!tpu.dma_semaphore, #tpu.memory_space<semaphore_mem>>) src(%dma_wait3A_180 : memref<128x128xf32, #tpu.memory_space<vmem>>) dst(%dma_wait3A_176 : memref<128x128xf32, #tpu.memory_space<vmem_shared>>)
      tpu.yield
    }) : () -> ()
    %barrier3A = arith.constant 0 : index
    tpu.barrier barrier_id(%barrier3A)
    %mul3A_25 = arith.constant 80 : i32
    %mul3A_26 = arith.muli %add3A, %mul3A_25 : i32
    %add3A_27 = arith.constant 0 : i32
    %add3A_28 = arith.addi %mul3A_26, %add3A_27 : i32
    "tpu.region"() ({
      %run_scoped3A_156 = tpu.sem_alloc : memref<!tpu.dma_semaphore, #tpu.memory_space<semaphore_mem>>
      %dma_start3A_157 = arith.constant 0 : i32
      %dma_start3A_158 = tpu.memref_slice %arg3[%add3A_28, %dma_start3A_157] : memref<2560x128xi32, #tpu.memory_space<hbm>> -> memref<40x128xi32, #tpu.memory_space<hbm>>
      %dma_start3A_159 = arith.constant 0 : i32
      %dma_start3A_160 = tpu.memref_slice %arg3[%add3A_28, %dma_start3A_159] : memref<2560x128xi32, #tpu.memory_space<hbm>> -> memref<40x128xi32, #tpu.memory_space<hbm>>
      tpu.enqueue_dma source(%dma_start3A_160 : memref<40x128xi32, #tpu.memory_space<hbm>>) target(%arg6 : memref<40x128xi32, #tpu.memory_space<vmem>>) target_semaphore(%run_scoped3A_156 : memref<!tpu.dma_semaphore, #tpu.memory_space<semaphore_mem>>)
      %dma_wait3A_161 = arith.constant 0 : i32
      %dma_wait3A_162 = tpu.memref_slice %arg3[%add3A_28, %dma_wait3A_161] : memref<2560x128xi32, #tpu.memory_space<hbm>> -> memref<40x128xi32, #tpu.memory_space<hbm>>
      %dma_wait3A_163 = arith.constant 0 : i32
      %dma_wait3A_164 = tpu.memref_slice %arg3[%add3A_28, %dma_wait3A_163] : memref<2560x128xi32, #tpu.memory_space<hbm>> -> memref<40x128xi32, #tpu.memory_space<hbm>>
      tpu.wait_dma2 semaphore(%run_scoped3A_156 : memref<!tpu.dma_semaphore, #tpu.memory_space<semaphore_mem>>) src(%dma_wait3A_164 : memref<40x128xi32, #tpu.memory_space<hbm>>) dst(%arg6 : memref<40x128xi32, #tpu.memory_space<vmem>>)
      tpu.yield
    }) : () -> ()
    "tpu.region"() ({
      %run_scoped3A_156 = tpu.sem_alloc : memref<!tpu.dma_semaphore, #tpu.memory_space<semaphore_mem>>
      %dma_start3A_157 = arith.constant 0 : i32
      %dma_start3A_158 = tpu.memref_slice %arg4[%add3A_28, %dma_start3A_157] : memref<2560x128xi32, #tpu.memory_space<hbm>> -> memref<40x128xi32, #tpu.memory_space<hbm>>
      %dma_start3A_159 = arith.constant 0 : i32
      %dma_start3A_160 = tpu.memref_slice %arg4[%add3A_28, %dma_start3A_159] : memref<2560x128xi32, #tpu.memory_space<hbm>> -> memref<40x128xi32, #tpu.memory_space<hbm>>
      tpu.enqueue_dma source(%dma_start3A_160 : memref<40x128xi32, #tpu.memory_space<hbm>>) target(%arg7 : memref<40x128xi32, #tpu.memory_space<vmem>>) target_semaphore(%run_scoped3A_156 : memref<!tpu.dma_semaphore, #tpu.memory_space<semaphore_mem>>)
      %dma_wait3A_161 = arith.constant 0 : i32
      %dma_wait3A_162 = tpu.memref_slice %arg4[%add3A_28, %dma_wait3A_161] : memref<2560x128xi32, #tpu.memory_space<hbm>> -> memref<40x128xi32, #tpu.memory_space<hbm>>
      %dma_wait3A_163 = arith.constant 0 : i32
      %dma_wait3A_164 = tpu.memref_slice %arg4[%add3A_28, %dma_wait3A_163] : memref<2560x128xi32, #tpu.memory_space<hbm>> -> memref<40x128xi32, #tpu.memory_space<hbm>>
      tpu.wait_dma2 semaphore(%run_scoped3A_156 : memref<!tpu.dma_semaphore, #tpu.memory_space<semaphore_mem>>) src(%dma_wait3A_164 : memref<40x128xi32, #tpu.memory_space<hbm>>) dst(%arg7 : memref<40x128xi32, #tpu.memory_space<vmem>>)
      tpu.yield
    }) : () -> ()
    %dma_start3A = arith.constant 0 : i32
    %dma_start3A_29 = arith.constant 0 : i32
    %dma_start3A_30 = arith.constant 0 : i32
    %dma_start3A_31 = arith.constant 0 : i32
    %dma_start3A_32 = tpu.memref_slice %arg8[%dma_start3A_29, %dma_start3A_30, %dma_start3A_31] : memref<2x128x128xf32, #tpu.memory_space<vmem>> -> memref<1x128x128xf32, #tpu.memory_space<vmem>>
    %dma_start3A_33 = tpu.memref_squeeze %dma_start3A_32 : memref<1x128x128xf32, #tpu.memory_space<vmem>> -> memref<128x128xf32, #tpu.memory_space<vmem>>
    %dma_start3A_34 = arith.constant 0 : i32
    %dma_start3A_35 = tpu.memref_slice %arg6[%dma_start3A, %dma_start3A_34] : memref<40x128xi32, #tpu.memory_space<vmem>> -> memref<1x128xi32, #tpu.memory_space<vmem>>
    %dma_start3A_36 = tpu.memref_squeeze %dma_start3A_35 : memref<1x128xi32, #tpu.memory_space<vmem>> -> memref<128xi32, #tpu.memory_space<vmem>>
    %dma_start3A_37 = arith.constant 0 : i32
    %dma_start3A_38 = arith.constant 0 : i32
    %dma_start3A_39 = tpu.memref_slice %arg2[%dma_start3A_37, %dma_start3A_38] : memref<10240x128xf32, #tpu.memory_space<hbm>> -> memref<10240x128xf32, #tpu.memory_space<hbm>>
    tpu.enqueue_indirect_dma source(%dma_start3A_39 : memref<10240x128xf32, #tpu.memory_space<hbm>>) target(%dma_start3A_33 : memref<128x128xf32, #tpu.memory_space<vmem>>) offsets(%dma_start3A_36 : memref<128xi32, #tpu.memory_space<vmem>>) semaphore(%arg10 : memref<!tpu.dma_semaphore, #tpu.memory_space<semaphore_mem>>)
    %dma_start3A_40 = arith.constant 1 : i32
    %dma_start3A_41 = arith.constant 1 : i32
    %dma_start3A_42 = arith.constant 0 : i32
    %dma_start3A_43 = arith.constant 0 : i32
    %dma_start3A_44 = tpu.memref_slice %arg8[%dma_start3A_41, %dma_start3A_42, %dma_start3A_43] : memref<2x128x128xf32, #tpu.memory_space<vmem>> -> memref<1x128x128xf32, #tpu.memory_space<vmem>>
    %dma_start3A_45 = tpu.memref_squeeze %dma_start3A_44 : memref<1x128x128xf32, #tpu.memory_space<vmem>> -> memref<128x128xf32, #tpu.memory_space<vmem>>
    %dma_start3A_46 = arith.constant 0 : i32
    %dma_start3A_47 = tpu.memref_slice %arg6[%dma_start3A_40, %dma_start3A_46] : memref<40x128xi32, #tpu.memory_space<vmem>> -> memref<1x128xi32, #tpu.memory_space<vmem>>
    %dma_start3A_48 = tpu.memref_squeeze %dma_start3A_47 : memref<1x128xi32, #tpu.memory_space<vmem>> -> memref<128xi32, #tpu.memory_space<vmem>>
    %dma_start3A_49 = arith.constant 0 : i32
    %dma_start3A_50 = arith.constant 0 : i32
    %dma_start3A_51 = tpu.memref_slice %arg2[%dma_start3A_49, %dma_start3A_50] : memref<10240x128xf32, #tpu.memory_space<hbm>> -> memref<10240x128xf32, #tpu.memory_space<hbm>>
    tpu.enqueue_indirect_dma source(%dma_start3A_51 : memref<10240x128xf32, #tpu.memory_space<hbm>>) target(%dma_start3A_45 : memref<128x128xf32, #tpu.memory_space<vmem>>) offsets(%dma_start3A_48 : memref<128xi32, #tpu.memory_space<vmem>>) semaphore(%arg11 : memref<!tpu.dma_semaphore, #tpu.memory_space<semaphore_mem>>)
    %scan3A_52 = arith.constant 0 : i32
    %scan3A_53 = arith.constant 0 : i32
    %scan3A_54 = arith.constant 19 : i32
    %scan3A_55 = arith.addi %scan3A_53, %scan3A_54 : i32
    %scan3A_56 = arith.constant 1 : i32
    %scan3A_57 = scf.for %scan3A_156 = %scan3A_53 to %scan3A_55 step %scan3A_56 iter_args(%scan3A_157 = %scan3A_52) -> (i32)  : i32 {
      %mul3A_158 = arith.constant 2 : i32
      %mul3A_159 = arith.muli %scan3A_156, %mul3A_158 : i32
      %add3A_160 = arith.constant 0 : i32
      %add3A_161 = arith.addi %mul3A_159, %add3A_160 : i32
      %dma_wait3A_162 = arith.constant 0 : i32
      %dma_wait3A_163 = arith.constant 0 : i32
      %dma_wait3A_164 = arith.constant 0 : i32
      %dma_wait3A_165 = tpu.memref_slice %arg8[%dma_wait3A_162, %dma_wait3A_163, %dma_wait3A_164] : memref<2x128x128xf32, #tpu.memory_space<vmem>> -> memref<1x128x128xf32, #tpu.memory_space<vmem>>
      %dma_wait3A_166 = tpu.memref_squeeze %dma_wait3A_165 : memref<1x128x128xf32, #tpu.memory_space<vmem>> -> memref<128x128xf32, #tpu.memory_space<vmem>>
      %dma_wait3A_167 = arith.constant 0 : i32
      %dma_wait3A_168 = tpu.memref_slice %arg6[%add3A_161, %dma_wait3A_167] : memref<40x128xi32, #tpu.memory_space<vmem>> -> memref<1x128xi32, #tpu.memory_space<vmem>>
      %dma_wait3A_169 = tpu.memref_squeeze %dma_wait3A_168 : memref<1x128xi32, #tpu.memory_space<vmem>> -> memref<128xi32, #tpu.memory_space<vmem>>
      %dma_wait3A_170 = arith.constant 0 : i32
      %dma_wait3A_171 = arith.constant 0 : i32
      %dma_wait3A_172 = tpu.memref_slice %arg2[%dma_wait3A_170, %dma_wait3A_171] : memref<10240x128xf32, #tpu.memory_space<hbm>> -> memref<10240x128xf32, #tpu.memory_space<hbm>>
      tpu.wait_indirect_dma semaphore(%arg10 : memref<!tpu.dma_semaphore, #tpu.memory_space<semaphore_mem>>) src(%dma_wait3A_172 : memref<10240x128xf32, #tpu.memory_space<hbm>>) dst(%dma_wait3A_166 : memref<128x128xf32, #tpu.memory_space<vmem>>)
      %run_scoped3A_173 = arith.constant 0 : i32
      "tpu.region"() ({
        %run_scoped3A_217 = tpu.sem_alloc : memref<!tpu.dma_semaphore, #tpu.memory_space<semaphore_mem>>
        %dma_start3A_218 = arith.constant 0 : i32
        %dma_start3A_219 = arith.constant 0 : i32
        %dma_start3A_220 = tpu.memref_slice %arg8[%run_scoped3A_173, %dma_start3A_218, %dma_start3A_219] : memref<2x128x128xf32, #tpu.memory_space<vmem>> -> memref<1x128x128xf32, #tpu.memory_space<vmem>>
        %dma_start3A_221 = tpu.memref_squeeze %dma_start3A_220 : memref<1x128x128xf32, #tpu.memory_space<vmem>> -> memref<128x128xf32, #tpu.memory_space<vmem>>
        %dma_start3A_222 = arith.constant 0 : i32
        %dma_start3A_223 = tpu.memref_slice %arg7[%add3A_161, %dma_start3A_222] : memref<40x128xi32, #tpu.memory_space<vmem>> -> memref<1x128xi32, #tpu.memory_space<vmem>>
        %dma_start3A_224 = tpu.memref_squeeze %dma_start3A_223 : memref<1x128xi32, #tpu.memory_space<vmem>> -> memref<128xi32, #tpu.memory_space<vmem>>
        %dma_start3A_225 = arith.constant 0 : i32
        %dma_start3A_226 = arith.constant 0 : i32
        %dma_start3A_227 = tpu.memref_slice %arg9[%dma_start3A_225, %dma_start3A_226] : memref<10240x128xf32, #tpu.memory_space<vmem_shared>> -> memref<10240x128xf32, #tpu.memory_space<vmem_shared>>
        tpu.enqueue_indirect_dma source(%dma_start3A_221 : memref<128x128xf32, #tpu.memory_space<vmem>>) target(%dma_start3A_227 : memref<10240x128xf32, #tpu.memory_space<vmem_shared>>) offsets(%dma_start3A_224 : memref<128xi32, #tpu.memory_space<vmem>>) semaphore(%run_scoped3A_217 : memref<!tpu.dma_semaphore, #tpu.memory_space<semaphore_mem>>) {add = true}
        %dma_wait3A_228 = arith.constant 0 : i32
        %dma_wait3A_229 = arith.constant 0 : i32
        %dma_wait3A_230 = tpu.memref_slice %arg8[%run_scoped3A_173, %dma_wait3A_228, %dma_wait3A_229] : memref<2x128x128xf32, #tpu.memory_space<vmem>> -> memref<1x128x128xf32, #tpu.memory_space<vmem>>
        %dma_wait3A_231 = tpu.memref_squeeze %dma_wait3A_230 : memref<1x128x128xf32, #tpu.memory_space<vmem>> -> memref<128x128xf32, #tpu.memory_space<vmem>>
        %dma_wait3A_232 = arith.constant 0 : i32
        %dma_wait3A_233 = tpu.memref_slice %arg7[%add3A_161, %dma_wait3A_232] : memref<40x128xi32, #tpu.memory_space<vmem>> -> memref<1x128xi32, #tpu.memory_space<vmem>>
        %dma_wait3A_234 = tpu.memref_squeeze %dma_wait3A_233 : memref<1x128xi32, #tpu.memory_space<vmem>> -> memref<128xi32, #tpu.memory_space<vmem>>
        %dma_wait3A_235 = arith.constant 0 : i32
        %dma_wait3A_236 = arith.constant 0 : i32
        %dma_wait3A_237 = tpu.memref_slice %arg9[%dma_wait3A_235, %dma_wait3A_236] : memref<10240x128xf32, #tpu.memory_space<vmem_shared>> -> memref<10240x128xf32, #tpu.memory_space<vmem_shared>>
        tpu.wait_indirect_dma semaphore(%run_scoped3A_217 : memref<!tpu.dma_semaphore, #tpu.memory_space<semaphore_mem>>) src(%dma_wait3A_231 : memref<128x128xf32, #tpu.memory_space<vmem>>) dst(%dma_wait3A_237 : memref<10240x128xf32, #tpu.memory_space<vmem_shared>>)
        tpu.yield
      }) : () -> ()
      %add3A_174 = arith.constant 2 : i32
      %add3A_175 = arith.addi %add3A_161, %add3A_174 : i32
      %dma_start3A_176 = arith.constant 0 : i32
      %dma_start3A_177 = arith.constant 0 : i32
      %dma_start3A_178 = arith.constant 0 : i32
      %dma_start3A_179 = tpu.memref_slice %arg8[%dma_start3A_176, %dma_start3A_177, %dma_start3A_178] : memref<2x128x128xf32, #tpu.memory_space<vmem>> -> memref<1x128x128xf32, #tpu.memory_space<vmem>>
      %dma_start3A_180 = tpu.memref_squeeze %dma_start3A_179 : memref<1x128x128xf32, #tpu.memory_space<vmem>> -> memref<128x128xf32, #tpu.memory_space<vmem>>
      %dma_start3A_181 = arith.constant 0 : i32
      %dma_start3A_182 = tpu.memref_slice %arg6[%add3A_175, %dma_start3A_181] : memref<40x128xi32, #tpu.memory_space<vmem>> -> memref<1x128xi32, #tpu.memory_space<vmem>>
      %dma_start3A_183 = tpu.memref_squeeze %dma_start3A_182 : memref<1x128xi32, #tpu.memory_space<vmem>> -> memref<128xi32, #tpu.memory_space<vmem>>
      %dma_start3A_184 = arith.constant 0 : i32
      %dma_start3A_185 = arith.constant 0 : i32
      %dma_start3A_186 = tpu.memref_slice %arg2[%dma_start3A_184, %dma_start3A_185] : memref<10240x128xf32, #tpu.memory_space<hbm>> -> memref<10240x128xf32, #tpu.memory_space<hbm>>
      tpu.enqueue_indirect_dma source(%dma_start3A_186 : memref<10240x128xf32, #tpu.memory_space<hbm>>) target(%dma_start3A_180 : memref<128x128xf32, #tpu.memory_space<vmem>>) offsets(%dma_start3A_183 : memref<128xi32, #tpu.memory_space<vmem>>) semaphore(%arg10 : memref<!tpu.dma_semaphore, #tpu.memory_space<semaphore_mem>>)
      %mul3A_187 = arith.constant 2 : i32
      %mul3A_188 = arith.muli %scan3A_156, %mul3A_187 : i32
      %add3A_189 = arith.constant 1 : i32
      %add3A_190 = arith.addi %mul3A_188, %add3A_189 : i32
      %dma_wait3A_191 = arith.constant 1 : i32
      %dma_wait3A_192 = arith.constant 0 : i32
      %dma_wait3A_193 = arith.constant 0 : i32
      %dma_wait3A_194 = tpu.memref_slice %arg8[%dma_wait3A_191, %dma_wait3A_192, %dma_wait3A_193] : memref<2x128x128xf32, #tpu.memory_space<vmem>> -> memref<1x128x128xf32, #tpu.memory_space<vmem>>
      %dma_wait3A_195 = tpu.memref_squeeze %dma_wait3A_194 : memref<1x128x128xf32, #tpu.memory_space<vmem>> -> memref<128x128xf32, #tpu.memory_space<vmem>>
      %dma_wait3A_196 = arith.constant 0 : i32
      %dma_wait3A_197 = tpu.memref_slice %arg6[%add3A_190, %dma_wait3A_196] : memref<40x128xi32, #tpu.memory_space<vmem>> -> memref<1x128xi32, #tpu.memory_space<vmem>>
      %dma_wait3A_198 = tpu.memref_squeeze %dma_wait3A_197 : memref<1x128xi32, #tpu.memory_space<vmem>> -> memref<128xi32, #tpu.memory_space<vmem>>
      %dma_wait3A_199 = arith.constant 0 : i32
      %dma_wait3A_200 = arith.constant 0 : i32
      %dma_wait3A_201 = tpu.memref_slice %arg2[%dma_wait3A_199, %dma_wait3A_200] : memref<10240x128xf32, #tpu.memory_space<hbm>> -> memref<10240x128xf32, #tpu.memory_space<hbm>>
      tpu.wait_indirect_dma semaphore(%arg11 : memref<!tpu.dma_semaphore, #tpu.memory_space<semaphore_mem>>) src(%dma_wait3A_201 : memref<10240x128xf32, #tpu.memory_space<hbm>>) dst(%dma_wait3A_195 : memref<128x128xf32, #tpu.memory_space<vmem>>)
      %run_scoped3A_202 = arith.constant 1 : i32
      "tpu.region"() ({
        %run_scoped3A_217 = tpu.sem_alloc : memref<!tpu.dma_semaphore, #tpu.memory_space<semaphore_mem>>
        %dma_start3A_218 = arith.constant 0 : i32
        %dma_start3A_219 = arith.constant 0 : i32
        %dma_start3A_220 = tpu.memref_slice %arg8[%run_scoped3A_202, %dma_start3A_218, %dma_start3A_219] : memref<2x128x128xf32, #tpu.memory_space<vmem>> -> memref<1x128x128xf32, #tpu.memory_space<vmem>>
        %dma_start3A_221 = tpu.memref_squeeze %dma_start3A_220 : memref<1x128x128xf32, #tpu.memory_space<vmem>> -> memref<128x128xf32, #tpu.memory_space<vmem>>
        %dma_start3A_222 = arith.constant 0 : i32
        %dma_start3A_223 = tpu.memref_slice %arg7[%add3A_190, %dma_start3A_222] : memref<40x128xi32, #tpu.memory_space<vmem>> -> memref<1x128xi32, #tpu.memory_space<vmem>>
        %dma_start3A_224 = tpu.memref_squeeze %dma_start3A_223 : memref<1x128xi32, #tpu.memory_space<vmem>> -> memref<128xi32, #tpu.memory_space<vmem>>
        %dma_start3A_225 = arith.constant 0 : i32
        %dma_start3A_226 = arith.constant 0 : i32
        %dma_start3A_227 = tpu.memref_slice %arg9[%dma_start3A_225, %dma_start3A_226] : memref<10240x128xf32, #tpu.memory_space<vmem_shared>> -> memref<10240x128xf32, #tpu.memory_space<vmem_shared>>
        tpu.enqueue_indirect_dma source(%dma_start3A_221 : memref<128x128xf32, #tpu.memory_space<vmem>>) target(%dma_start3A_227 : memref<10240x128xf32, #tpu.memory_space<vmem_shared>>) offsets(%dma_start3A_224 : memref<128xi32, #tpu.memory_space<vmem>>) semaphore(%run_scoped3A_217 : memref<!tpu.dma_semaphore, #tpu.memory_space<semaphore_mem>>) {add = true}
        %dma_wait3A_228 = arith.constant 0 : i32
        %dma_wait3A_229 = arith.constant 0 : i32
        %dma_wait3A_230 = tpu.memref_slice %arg8[%run_scoped3A_202, %dma_wait3A_228, %dma_wait3A_229] : memref<2x128x128xf32, #tpu.memory_space<vmem>> -> memref<1x128x128xf32, #tpu.memory_space<vmem>>
        %dma_wait3A_231 = tpu.memref_squeeze %dma_wait3A_230 : memref<1x128x128xf32, #tpu.memory_space<vmem>> -> memref<128x128xf32, #tpu.memory_space<vmem>>
        %dma_wait3A_232 = arith.constant 0 : i32
        %dma_wait3A_233 = tpu.memref_slice %arg7[%add3A_190, %dma_wait3A_232] : memref<40x128xi32, #tpu.memory_space<vmem>> -> memref<1x128xi32, #tpu.memory_space<vmem>>
        %dma_wait3A_234 = tpu.memref_squeeze %dma_wait3A_233 : memref<1x128xi32, #tpu.memory_space<vmem>> -> memref<128xi32, #tpu.memory_space<vmem>>
        %dma_wait3A_235 = arith.constant 0 : i32
        %dma_wait3A_236 = arith.constant 0 : i32
        %dma_wait3A_237 = tpu.memref_slice %arg9[%dma_wait3A_235, %dma_wait3A_236] : memref<10240x128xf32, #tpu.memory_space<vmem_shared>> -> memref<10240x128xf32, #tpu.memory_space<vmem_shared>>
        tpu.wait_indirect_dma semaphore(%run_scoped3A_217 : memref<!tpu.dma_semaphore, #tpu.memory_space<semaphore_mem>>) src(%dma_wait3A_231 : memref<128x128xf32, #tpu.memory_space<vmem>>) dst(%dma_wait3A_237 : memref<10240x128xf32, #tpu.memory_space<vmem_shared>>)
        tpu.yield
      }) : () -> ()
      %add3A_203 = arith.constant 2 : i32
      %add3A_204 = arith.addi %add3A_190, %add3A_203 : i32
      %dma_start3A_205 = arith.constant 1 : i32
      %dma_start3A_206 = arith.constant 0 : i32
      %dma_start3A_207 = arith.constant 0 : i32
      %dma_start3A_208 = tpu.memref_slice %arg8[%dma_start3A_205, %dma_start3A_206, %dma_start3A_207] : memref<2x128x128xf32, #tpu.memory_space<vmem>> -> memref<1x128x128xf32, #tpu.memory_space<vmem>>
      %dma_start3A_209 = tpu.memref_squeeze %dma_start3A_208 : memref<1x128x128xf32, #tpu.memory_space<vmem>> -> memref<128x128xf32, #tpu.memory_space<vmem>>
      %dma_start3A_210 = arith.constant 0 : i32
      %dma_start3A_211 = tpu.memref_slice %arg6[%add3A_204, %dma_start3A_210] : memref<40x128xi32, #tpu.memory_space<vmem>> -> memref<1x128xi32, #tpu.memory_space<vmem>>
      %dma_start3A_212 = tpu.memref_squeeze %dma_start3A_211 : memref<1x128xi32, #tpu.memory_space<vmem>> -> memref<128xi32, #tpu.memory_space<vmem>>
      %dma_start3A_213 = arith.constant 0 : i32
      %dma_start3A_214 = arith.constant 0 : i32
      %dma_start3A_215 = tpu.memref_slice %arg2[%dma_start3A_213, %dma_start3A_214] : memref<10240x128xf32, #tpu.memory_space<hbm>> -> memref<10240x128xf32, #tpu.memory_space<hbm>>
      tpu.enqueue_indirect_dma source(%dma_start3A_215 : memref<10240x128xf32, #tpu.memory_space<hbm>>) target(%dma_start3A_209 : memref<128x128xf32, #tpu.memory_space<vmem>>) offsets(%dma_start3A_212 : memref<128xi32, #tpu.memory_space<vmem>>) semaphore(%arg11 : memref<!tpu.dma_semaphore, #tpu.memory_space<semaphore_mem>>)
      %scan3A_216 = arith.constant 0 : i32
      scf.yield %scan3A_216 : i32
    }
    %scan3A_58 = arith.constant 19 : i32
    %dma_wait3A = arith.constant 38 : i32
    %dma_wait3A_59 = arith.constant 0 : i32
    %dma_wait3A_60 = arith.constant 0 : i32
    %dma_wait3A_61 = arith.constant 0 : i32
    %dma_wait3A_62 = tpu.memref_slice %arg8[%dma_wait3A_59, %dma_wait3A_60, %dma_wait3A_61] : memref<2x128x128xf32, #tpu.memory_space<vmem>> -> memref<1x128x128xf32, #tpu.memory_space<vmem>>
    %dma_wait3A_63 = tpu.memref_squeeze %dma_wait3A_62 : memref<1x128x128xf32, #tpu.memory_space<vmem>> -> memref<128x128xf32, #tpu.memory_space<vmem>>
    %dma_wait3A_64 = arith.constant 0 : i32
    %dma_wait3A_65 = tpu.memref_slice %arg6[%dma_wait3A, %dma_wait3A_64] : memref<40x128xi32, #tpu.memory_space<vmem>> -> memref<1x128xi32, #tpu.memory_space<vmem>>
    %dma_wait3A_66 = tpu.memref_squeeze %dma_wait3A_65 : memref<1x128xi32, #tpu.memory_space<vmem>> -> memref<128xi32, #tpu.memory_space<vmem>>
    %dma_wait3A_67 = arith.constant 0 : i32
    %dma_wait3A_68 = arith.constant 0 : i32
    %dma_wait3A_69 = tpu.memref_slice %arg2[%dma_wait3A_67, %dma_wait3A_68] : memref<10240x128xf32, #tpu.memory_space<hbm>> -> memref<10240x128xf32, #tpu.memory_space<hbm>>
    tpu.wait_indirect_dma semaphore(%arg10 : memref<!tpu.dma_semaphore, #tpu.memory_space<semaphore_mem>>) src(%dma_wait3A_69 : memref<10240x128xf32, #tpu.memory_space<hbm>>) dst(%dma_wait3A_63 : memref<128x128xf32, #tpu.memory_space<vmem>>)
    %run_scoped3A_70 = arith.constant 0 : i32
    %run_scoped3A_71 = arith.constant 38 : i32
    "tpu.region"() ({
      %run_scoped3A_156 = tpu.sem_alloc : memref<!tpu.dma_semaphore, #tpu.memory_space<semaphore_mem>>
      %dma_start3A_157 = arith.constant 0 : i32
      %dma_start3A_158 = arith.constant 0 : i32
      %dma_start3A_159 = tpu.memref_slice %arg8[%run_scoped3A_70, %dma_start3A_157, %dma_start3A_158] : memref<2x128x128xf32, #tpu.memory_space<vmem>> -> memref<1x128x128xf32, #tpu.memory_space<vmem>>
      %dma_start3A_160 = tpu.memref_squeeze %dma_start3A_159 : memref<1x128x128xf32, #tpu.memory_space<vmem>> -> memref<128x128xf32, #tpu.memory_space<vmem>>
      %dma_start3A_161 = arith.constant 0 : i32
      %dma_start3A_162 = tpu.memref_slice %arg7[%run_scoped3A_71, %dma_start3A_161] : memref<40x128xi32, #tpu.memory_space<vmem>> -> memref<1x128xi32, #tpu.memory_space<vmem>>
      %dma_start3A_163 = tpu.memref_squeeze %dma_start3A_162 : memref<1x128xi32, #tpu.memory_space<vmem>> -> memref<128xi32, #tpu.memory_space<vmem>>
      %dma_start3A_164 = arith.constant 0 : i32
      %dma_start3A_165 = arith.constant 0 : i32
      %dma_start3A_166 = tpu.memref_slice %arg9[%dma_start3A_164, %dma_start3A_165] : memref<10240x128xf32, #tpu.memory_space<vmem_shared>> -> memref<10240x128xf32, #tpu.memory_space<vmem_shared>>
      tpu.enqueue_indirect_dma source(%dma_start3A_160 : memref<128x128xf32, #tpu.memory_space<vmem>>) target(%dma_start3A_166 : memref<10240x128xf32, #tpu.memory_space<vmem_shared>>) offsets(%dma_start3A_163 : memref<128xi32, #tpu.memory_space<vmem>>) semaphore(%run_scoped3A_156 : memref<!tpu.dma_semaphore, #tpu.memory_space<semaphore_mem>>) {add = true}
      %dma_wait3A_167 = arith.constant 0 : i32
      %dma_wait3A_168 = arith.constant 0 : i32
      %dma_wait3A_169 = tpu.memref_slice %arg8[%run_scoped3A_70, %dma_wait3A_167, %dma_wait3A_168] : memref<2x128x128xf32, #tpu.memory_space<vmem>> -> memref<1x128x128xf32, #tpu.memory_space<vmem>>
      %dma_wait3A_170 = tpu.memref_squeeze %dma_wait3A_169 : memref<1x128x128xf32, #tpu.memory_space<vmem>> -> memref<128x128xf32, #tpu.memory_space<vmem>>
      %dma_wait3A_171 = arith.constant 0 : i32
      %dma_wait3A_172 = tpu.memref_slice %arg7[%run_scoped3A_71, %dma_wait3A_171] : memref<40x128xi32, #tpu.memory_space<vmem>> -> memref<1x128xi32, #tpu.memory_space<vmem>>
      %dma_wait3A_173 = tpu.memref_squeeze %dma_wait3A_172 : memref<1x128xi32, #tpu.memory_space<vmem>> -> memref<128xi32, #tpu.memory_space<vmem>>
      %dma_wait3A_174 = arith.constant 0 : i32
      %dma_wait3A_175 = arith.constant 0 : i32
      %dma_wait3A_176 = tpu.memref_slice %arg9[%dma_wait3A_174, %dma_wait3A_175] : memref<10240x128xf32, #tpu.memory_space<vmem_shared>> -> memref<10240x128xf32, #tpu.memory_space<vmem_shared>>
      tpu.wait_indirect_dma semaphore(%run_scoped3A_156 : memref<!tpu.dma_semaphore, #tpu.memory_space<semaphore_mem>>) src(%dma_wait3A_170 : memref<128x128xf32, #tpu.memory_space<vmem>>) dst(%dma_wait3A_176 : memref<10240x128xf32, #tpu.memory_space<vmem_shared>>)
      tpu.yield
    }) : () -> ()
    %dma_wait3A_72 = arith.constant 39 : i32
    %dma_wait3A_73 = arith.constant 1 : i32
    %dma_wait3A_74 = arith.constant 0 : i32
    %dma_wait3A_75 = arith.constant 0 : i32
    %dma_wait3A_76 = tpu.memref_slice %arg8[%dma_wait3A_73, %dma_wait3A_74, %dma_wait3A_75] : memref<2x128x128xf32, #tpu.memory_space<vmem>> -> memref<1x128x128xf32, #tpu.memory_space<vmem>>
    %dma_wait3A_77 = tpu.memref_squeeze %dma_wait3A_76 : memref<1x128x128xf32, #tpu.memory_space<vmem>> -> memref<128x128xf32, #tpu.memory_space<vmem>>
    %dma_wait3A_78 = arith.constant 0 : i32
    %dma_wait3A_79 = tpu.memref_slice %arg6[%dma_wait3A_72, %dma_wait3A_78] : memref<40x128xi32, #tpu.memory_space<vmem>> -> memref<1x128xi32, #tpu.memory_space<vmem>>
    %dma_wait3A_80 = tpu.memref_squeeze %dma_wait3A_79 : memref<1x128xi32, #tpu.memory_space<vmem>> -> memref<128xi32, #tpu.memory_space<vmem>>
    %dma_wait3A_81 = arith.constant 0 : i32
    %dma_wait3A_82 = arith.constant 0 : i32
    %dma_wait3A_83 = tpu.memref_slice %arg2[%dma_wait3A_81, %dma_wait3A_82] : memref<10240x128xf32, #tpu.memory_space<hbm>> -> memref<10240x128xf32, #tpu.memory_space<hbm>>
    tpu.wait_indirect_dma semaphore(%arg11 : memref<!tpu.dma_semaphore, #tpu.memory_space<semaphore_mem>>) src(%dma_wait3A_83 : memref<10240x128xf32, #tpu.memory_space<hbm>>) dst(%dma_wait3A_77 : memref<128x128xf32, #tpu.memory_space<vmem>>)
    %run_scoped3A_84 = arith.constant 1 : i32
    %run_scoped3A_85 = arith.constant 39 : i32
    "tpu.region"() ({
      %run_scoped3A_156 = tpu.sem_alloc : memref<!tpu.dma_semaphore, #tpu.memory_space<semaphore_mem>>
      %dma_start3A_157 = arith.constant 0 : i32
      %dma_start3A_158 = arith.constant 0 : i32
      %dma_start3A_159 = tpu.memref_slice %arg8[%run_scoped3A_84, %dma_start3A_157, %dma_start3A_158] : memref<2x128x128xf32, #tpu.memory_space<vmem>> -> memref<1x128x128xf32, #tpu.memory_space<vmem>>
      %dma_start3A_160 = tpu.memref_squeeze %dma_start3A_159 : memref<1x128x128xf32, #tpu.memory_space<vmem>> -> memref<128x128xf32, #tpu.memory_space<vmem>>
      %dma_start3A_161 = arith.constant 0 : i32
      %dma_start3A_162 = tpu.memref_slice %arg7[%run_scoped3A_85, %dma_start3A_161] : memref<40x128xi32, #tpu.memory_space<vmem>> -> memref<1x128xi32, #tpu.memory_space<vmem>>
      %dma_start3A_163 = tpu.memref_squeeze %dma_start3A_162 : memref<1x128xi32, #tpu.memory_space<vmem>> -> memref<128xi32, #tpu.memory_space<vmem>>
      %dma_start3A_164 = arith.constant 0 : i32
      %dma_start3A_165 = arith.constant 0 : i32
      %dma_start3A_166 = tpu.memref_slice %arg9[%dma_start3A_164, %dma_start3A_165] : memref<10240x128xf32, #tpu.memory_space<vmem_shared>> -> memref<10240x128xf32, #tpu.memory_space<vmem_shared>>
      tpu.enqueue_indirect_dma source(%dma_start3A_160 : memref<128x128xf32, #tpu.memory_space<vmem>>) target(%dma_start3A_166 : memref<10240x128xf32, #tpu.memory_space<vmem_shared>>) offsets(%dma_start3A_163 : memref<128xi32, #tpu.memory_space<vmem>>) semaphore(%run_scoped3A_156 : memref<!tpu.dma_semaphore, #tpu.memory_space<semaphore_mem>>) {add = true}
      %dma_wait3A_167 = arith.constant 0 : i32
      %dma_wait3A_168 = arith.constant 0 : i32
      %dma_wait3A_169 = tpu.memref_slice %arg8[%run_scoped3A_84, %dma_wait3A_167, %dma_wait3A_168] : memref<2x128x128xf32, #tpu.memory_space<vmem>> -> memref<1x128x128xf32, #tpu.memory_space<vmem>>
      %dma_wait3A_170 = tpu.memref_squeeze %dma_wait3A_169 : memref<1x128x128xf32, #tpu.memory_space<vmem>> -> memref<128x128xf32, #tpu.memory_space<vmem>>
      %dma_wait3A_171 = arith.constant 0 : i32
      %dma_wait3A_172 = tpu.memref_slice %arg7[%run_scoped3A_85, %dma_wait3A_171] : memref<40x128xi32, #tpu.memory_space<vmem>> -> memref<1x128xi32, #tpu.memory_space<vmem>>
      %dma_wait3A_173 = tpu.memref_squeeze %dma_wait3A_172 : memref<1x128xi32, #tpu.memory_space<vmem>> -> memref<128xi32, #tpu.memory_space<vmem>>
      %dma_wait3A_174 = arith.constant 0 : i32
      %dma_wait3A_175 = arith.constant 0 : i32
      %dma_wait3A_176 = tpu.memref_slice %arg9[%dma_wait3A_174, %dma_wait3A_175] : memref<10240x128xf32, #tpu.memory_space<vmem_shared>> -> memref<10240x128xf32, #tpu.memory_space<vmem_shared>>
      tpu.wait_indirect_dma semaphore(%run_scoped3A_156 : memref<!tpu.dma_semaphore, #tpu.memory_space<semaphore_mem>>) src(%dma_wait3A_170 : memref<128x128xf32, #tpu.memory_space<vmem>>) dst(%dma_wait3A_176 : memref<10240x128xf32, #tpu.memory_space<vmem_shared>>)
      tpu.yield
    }) : () -> ()
    %mul3A_86 = arith.constant 80 : i32
    %mul3A_87 = arith.muli %add3A, %mul3A_86 : i32
    %add3A_88 = arith.constant 40 : i32
    %add3A_89 = arith.addi %mul3A_87, %add3A_88 : i32
    "tpu.region"() ({
      %run_scoped3A_156 = tpu.sem_alloc : memref<!tpu.dma_semaphore, #tpu.memory_space<semaphore_mem>>
      %dma_start3A_157 = arith.constant 0 : i32
      %dma_start3A_158 = tpu.memref_slice %arg3[%add3A_89, %dma_start3A_157] : memref<2560x128xi32, #tpu.memory_space<hbm>> -> memref<40x128xi32, #tpu.memory_space<hbm>>
      %dma_start3A_159 = arith.constant 0 : i32
      %dma_start3A_160 = tpu.memref_slice %arg3[%add3A_89, %dma_start3A_159] : memref<2560x128xi32, #tpu.memory_space<hbm>> -> memref<40x128xi32, #tpu.memory_space<hbm>>
      tpu.enqueue_dma source(%dma_start3A_160 : memref<40x128xi32, #tpu.memory_space<hbm>>) target(%arg6 : memref<40x128xi32, #tpu.memory_space<vmem>>) target_semaphore(%run_scoped3A_156 : memref<!tpu.dma_semaphore, #tpu.memory_space<semaphore_mem>>)
      %dma_wait3A_161 = arith.constant 0 : i32
      %dma_wait3A_162 = tpu.memref_slice %arg3[%add3A_89, %dma_wait3A_161] : memref<2560x128xi32, #tpu.memory_space<hbm>> -> memref<40x128xi32, #tpu.memory_space<hbm>>
      %dma_wait3A_163 = arith.constant 0 : i32
      %dma_wait3A_164 = tpu.memref_slice %arg3[%add3A_89, %dma_wait3A_163] : memref<2560x128xi32, #tpu.memory_space<hbm>> -> memref<40x128xi32, #tpu.memory_space<hbm>>
      tpu.wait_dma2 semaphore(%run_scoped3A_156 : memref<!tpu.dma_semaphore, #tpu.memory_space<semaphore_mem>>) src(%dma_wait3A_164 : memref<40x128xi32, #tpu.memory_space<hbm>>) dst(%arg6 : memref<40x128xi32, #tpu.memory_space<vmem>>)
      tpu.yield
    }) : () -> ()
    "tpu.region"() ({
      %run_scoped3A_156 = tpu.sem_alloc : memref<!tpu.dma_semaphore, #tpu.memory_space<semaphore_mem>>
      %dma_start3A_157 = arith.constant 0 : i32
      %dma_start3A_158 = tpu.memref_slice %arg4[%add3A_89, %dma_start3A_157] : memref<2560x128xi32, #tpu.memory_space<hbm>> -> memref<40x128xi32, #tpu.memory_space<hbm>>
      %dma_start3A_159 = arith.constant 0 : i32
      %dma_start3A_160 = tpu.memref_slice %arg4[%add3A_89, %dma_start3A_159] : memref<2560x128xi32, #tpu.memory_space<hbm>> -> memref<40x128xi32, #tpu.memory_space<hbm>>
      tpu.enqueue_dma source(%dma_start3A_160 : memref<40x128xi32, #tpu.memory_space<hbm>>) target(%arg7 : memref<40x128xi32, #tpu.memory_space<vmem>>) target_semaphore(%run_scoped3A_156 : memref<!tpu.dma_semaphore, #tpu.memory_space<semaphore_mem>>)
      %dma_wait3A_161 = arith.constant 0 : i32
      %dma_wait3A_162 = tpu.memref_slice %arg4[%add3A_89, %dma_wait3A_161] : memref<2560x128xi32, #tpu.memory_space<hbm>> -> memref<40x128xi32, #tpu.memory_space<hbm>>
      %dma_wait3A_163 = arith.constant 0 : i32
      %dma_wait3A_164 = tpu.memref_slice %arg4[%add3A_89, %dma_wait3A_163] : memref<2560x128xi32, #tpu.memory_space<hbm>> -> memref<40x128xi32, #tpu.memory_space<hbm>>
      tpu.wait_dma2 semaphore(%run_scoped3A_156 : memref<!tpu.dma_semaphore, #tpu.memory_space<semaphore_mem>>) src(%dma_wait3A_164 : memref<40x128xi32, #tpu.memory_space<hbm>>) dst(%arg7 : memref<40x128xi32, #tpu.memory_space<vmem>>)
      tpu.yield
    }) : () -> ()
    %dma_start3A_90 = arith.constant 0 : i32
    %dma_start3A_91 = arith.constant 0 : i32
    %dma_start3A_92 = arith.constant 0 : i32
    %dma_start3A_93 = arith.constant 0 : i32
    %dma_start3A_94 = tpu.memref_slice %arg8[%dma_start3A_91, %dma_start3A_92, %dma_start3A_93] : memref<2x128x128xf32, #tpu.memory_space<vmem>> -> memref<1x128x128xf32, #tpu.memory_space<vmem>>
    %dma_start3A_95 = tpu.memref_squeeze %dma_start3A_94 : memref<1x128x128xf32, #tpu.memory_space<vmem>> -> memref<128x128xf32, #tpu.memory_space<vmem>>
    %dma_start3A_96 = arith.constant 0 : i32
    %dma_start3A_97 = tpu.memref_slice %arg6[%dma_start3A_90, %dma_start3A_96] : memref<40x128xi32, #tpu.memory_space<vmem>> -> memref<1x128xi32, #tpu.memory_space<vmem>>
    %dma_start3A_98 = tpu.memref_squeeze %dma_start3A_97 : memref<1x128xi32, #tpu.memory_space<vmem>> -> memref<128xi32, #tpu.memory_space<vmem>>
    %dma_start3A_99 = arith.constant 0 : i32
    %dma_start3A_100 = arith.constant 0 : i32
    %dma_start3A_101 = tpu.memref_slice %arg2[%dma_start3A_99, %dma_start3A_100] : memref<10240x128xf32, #tpu.memory_space<hbm>> -> memref<10240x128xf32, #tpu.memory_space<hbm>>
    tpu.enqueue_indirect_dma source(%dma_start3A_101 : memref<10240x128xf32, #tpu.memory_space<hbm>>) target(%dma_start3A_95 : memref<128x128xf32, #tpu.memory_space<vmem>>) offsets(%dma_start3A_98 : memref<128xi32, #tpu.memory_space<vmem>>) semaphore(%arg10 : memref<!tpu.dma_semaphore, #tpu.memory_space<semaphore_mem>>)
    %dma_start3A_102 = arith.constant 1 : i32
    %dma_start3A_103 = arith.constant 1 : i32
    %dma_start3A_104 = arith.constant 0 : i32
    %dma_start3A_105 = arith.constant 0 : i32
    %dma_start3A_106 = tpu.memref_slice %arg8[%dma_start3A_103, %dma_start3A_104, %dma_start3A_105] : memref<2x128x128xf32, #tpu.memory_space<vmem>> -> memref<1x128x128xf32, #tpu.memory_space<vmem>>
    %dma_start3A_107 = tpu.memref_squeeze %dma_start3A_106 : memref<1x128x128xf32, #tpu.memory_space<vmem>> -> memref<128x128xf32, #tpu.memory_space<vmem>>
    %dma_start3A_108 = arith.constant 0 : i32
    %dma_start3A_109 = tpu.memref_slice %arg6[%dma_start3A_102, %dma_start3A_108] : memref<40x128xi32, #tpu.memory_space<vmem>> -> memref<1x128xi32, #tpu.memory_space<vmem>>
    %dma_start3A_110 = tpu.memref_squeeze %dma_start3A_109 : memref<1x128xi32, #tpu.memory_space<vmem>> -> memref<128xi32, #tpu.memory_space<vmem>>
    %dma_start3A_111 = arith.constant 0 : i32
    %dma_start3A_112 = arith.constant 0 : i32
    %dma_start3A_113 = tpu.memref_slice %arg2[%dma_start3A_111, %dma_start3A_112] : memref<10240x128xf32, #tpu.memory_space<hbm>> -> memref<10240x128xf32, #tpu.memory_space<hbm>>
    tpu.enqueue_indirect_dma source(%dma_start3A_113 : memref<10240x128xf32, #tpu.memory_space<hbm>>) target(%dma_start3A_107 : memref<128x128xf32, #tpu.memory_space<vmem>>) offsets(%dma_start3A_110 : memref<128xi32, #tpu.memory_space<vmem>>) semaphore(%arg11 : memref<!tpu.dma_semaphore, #tpu.memory_space<semaphore_mem>>)
    %scan3A_114 = arith.constant 0 : i32
    %scan3A_115 = arith.constant 0 : i32
    %scan3A_116 = arith.constant 19 : i32
    %scan3A_117 = arith.addi %scan3A_115, %scan3A_116 : i32
    %scan3A_118 = arith.constant 1 : i32
    %scan3A_119 = scf.for %scan3A_156 = %scan3A_115 to %scan3A_117 step %scan3A_118 iter_args(%scan3A_157 = %scan3A_114) -> (i32)  : i32 {
      %mul3A_158 = arith.constant 2 : i32
      %mul3A_159 = arith.muli %scan3A_156, %mul3A_158 : i32
      %add3A_160 = arith.constant 0 : i32
      %add3A_161 = arith.addi %mul3A_159, %add3A_160 : i32
      %dma_wait3A_162 = arith.constant 0 : i32
      %dma_wait3A_163 = arith.constant 0 : i32
      %dma_wait3A_164 = arith.constant 0 : i32
      %dma_wait3A_165 = tpu.memref_slice %arg8[%dma_wait3A_162, %dma_wait3A_163, %dma_wait3A_164] : memref<2x128x128xf32, #tpu.memory_space<vmem>> -> memref<1x128x128xf32, #tpu.memory_space<vmem>>
      %dma_wait3A_166 = tpu.memref_squeeze %dma_wait3A_165 : memref<1x128x128xf32, #tpu.memory_space<vmem>> -> memref<128x128xf32, #tpu.memory_space<vmem>>
      %dma_wait3A_167 = arith.constant 0 : i32
      %dma_wait3A_168 = tpu.memref_slice %arg6[%add3A_161, %dma_wait3A_167] : memref<40x128xi32, #tpu.memory_space<vmem>> -> memref<1x128xi32, #tpu.memory_space<vmem>>
      %dma_wait3A_169 = tpu.memref_squeeze %dma_wait3A_168 : memref<1x128xi32, #tpu.memory_space<vmem>> -> memref<128xi32, #tpu.memory_space<vmem>>
      %dma_wait3A_170 = arith.constant 0 : i32
      %dma_wait3A_171 = arith.constant 0 : i32
      %dma_wait3A_172 = tpu.memref_slice %arg2[%dma_wait3A_170, %dma_wait3A_171] : memref<10240x128xf32, #tpu.memory_space<hbm>> -> memref<10240x128xf32, #tpu.memory_space<hbm>>
      tpu.wait_indirect_dma semaphore(%arg10 : memref<!tpu.dma_semaphore, #tpu.memory_space<semaphore_mem>>) src(%dma_wait3A_172 : memref<10240x128xf32, #tpu.memory_space<hbm>>) dst(%dma_wait3A_166 : memref<128x128xf32, #tpu.memory_space<vmem>>)
      %run_scoped3A_173 = arith.constant 0 : i32
      "tpu.region"() ({
        %run_scoped3A_217 = tpu.sem_alloc : memref<!tpu.dma_semaphore, #tpu.memory_space<semaphore_mem>>
        %dma_start3A_218 = arith.constant 0 : i32
        %dma_start3A_219 = arith.constant 0 : i32
        %dma_start3A_220 = tpu.memref_slice %arg8[%run_scoped3A_173, %dma_start3A_218, %dma_start3A_219] : memref<2x128x128xf32, #tpu.memory_space<vmem>> -> memref<1x128x128xf32, #tpu.memory_space<vmem>>
        %dma_start3A_221 = tpu.memref_squeeze %dma_start3A_220 : memref<1x128x128xf32, #tpu.memory_space<vmem>> -> memref<128x128xf32, #tpu.memory_space<vmem>>
        %dma_start3A_222 = arith.constant 0 : i32
        %dma_start3A_223 = tpu.memref_slice %arg7[%add3A_161, %dma_start3A_222] : memref<40x128xi32, #tpu.memory_space<vmem>> -> memref<1x128xi32, #tpu.memory_space<vmem>>
        %dma_start3A_224 = tpu.memref_squeeze %dma_start3A_223 : memref<1x128xi32, #tpu.memory_space<vmem>> -> memref<128xi32, #tpu.memory_space<vmem>>
        %dma_start3A_225 = arith.constant 0 : i32
        %dma_start3A_226 = arith.constant 0 : i32
        %dma_start3A_227 = tpu.memref_slice %arg9[%dma_start3A_225, %dma_start3A_226] : memref<10240x128xf32, #tpu.memory_space<vmem_shared>> -> memref<10240x128xf32, #tpu.memory_space<vmem_shared>>
        tpu.enqueue_indirect_dma source(%dma_start3A_221 : memref<128x128xf32, #tpu.memory_space<vmem>>) target(%dma_start3A_227 : memref<10240x128xf32, #tpu.memory_space<vmem_shared>>) offsets(%dma_start3A_224 : memref<128xi32, #tpu.memory_space<vmem>>) semaphore(%run_scoped3A_217 : memref<!tpu.dma_semaphore, #tpu.memory_space<semaphore_mem>>) {add = true}
        %dma_wait3A_228 = arith.constant 0 : i32
        %dma_wait3A_229 = arith.constant 0 : i32
        %dma_wait3A_230 = tpu.memref_slice %arg8[%run_scoped3A_173, %dma_wait3A_228, %dma_wait3A_229] : memref<2x128x128xf32, #tpu.memory_space<vmem>> -> memref<1x128x128xf32, #tpu.memory_space<vmem>>
        %dma_wait3A_231 = tpu.memref_squeeze %dma_wait3A_230 : memref<1x128x128xf32, #tpu.memory_space<vmem>> -> memref<128x128xf32, #tpu.memory_space<vmem>>
        %dma_wait3A_232 = arith.constant 0 : i32
        %dma_wait3A_233 = tpu.memref_slice %arg7[%add3A_161, %dma_wait3A_232] : memref<40x128xi32, #tpu.memory_space<vmem>> -> memref<1x128xi32, #tpu.memory_space<vmem>>
        %dma_wait3A_234 = tpu.memref_squeeze %dma_wait3A_233 : memref<1x128xi32, #tpu.memory_space<vmem>> -> memref<128xi32, #tpu.memory_space<vmem>>
        %dma_wait3A_235 = arith.constant 0 : i32
        %dma_wait3A_236 = arith.constant 0 : i32
        %dma_wait3A_237 = tpu.memref_slice %arg9[%dma_wait3A_235, %dma_wait3A_236] : memref<10240x128xf32, #tpu.memory_space<vmem_shared>> -> memref<10240x128xf32, #tpu.memory_space<vmem_shared>>
        tpu.wait_indirect_dma semaphore(%run_scoped3A_217 : memref<!tpu.dma_semaphore, #tpu.memory_space<semaphore_mem>>) src(%dma_wait3A_231 : memref<128x128xf32, #tpu.memory_space<vmem>>) dst(%dma_wait3A_237 : memref<10240x128xf32, #tpu.memory_space<vmem_shared>>)
        tpu.yield
      }) : () -> ()
      %add3A_174 = arith.constant 2 : i32
      %add3A_175 = arith.addi %add3A_161, %add3A_174 : i32
      %dma_start3A_176 = arith.constant 0 : i32
      %dma_start3A_177 = arith.constant 0 : i32
      %dma_start3A_178 = arith.constant 0 : i32
      %dma_start3A_179 = tpu.memref_slice %arg8[%dma_start3A_176, %dma_start3A_177, %dma_start3A_178] : memref<2x128x128xf32, #tpu.memory_space<vmem>> -> memref<1x128x128xf32, #tpu.memory_space<vmem>>
      %dma_start3A_180 = tpu.memref_squeeze %dma_start3A_179 : memref<1x128x128xf32, #tpu.memory_space<vmem>> -> memref<128x128xf32, #tpu.memory_space<vmem>>
      %dma_start3A_181 = arith.constant 0 : i32
      %dma_start3A_182 = tpu.memref_slice %arg6[%add3A_175, %dma_start3A_181] : memref<40x128xi32, #tpu.memory_space<vmem>> -> memref<1x128xi32, #tpu.memory_space<vmem>>
      %dma_start3A_183 = tpu.memref_squeeze %dma_start3A_182 : memref<1x128xi32, #tpu.memory_space<vmem>> -> memref<128xi32, #tpu.memory_space<vmem>>
      %dma_start3A_184 = arith.constant 0 : i32
      %dma_start3A_185 = arith.constant 0 : i32
      %dma_start3A_186 = tpu.memref_slice %arg2[%dma_start3A_184, %dma_start3A_185] : memref<10240x128xf32, #tpu.memory_space<hbm>> -> memref<10240x128xf32, #tpu.memory_space<hbm>>
      tpu.enqueue_indirect_dma source(%dma_start3A_186 : memref<10240x128xf32, #tpu.memory_space<hbm>>) target(%dma_start3A_180 : memref<128x128xf32, #tpu.memory_space<vmem>>) offsets(%dma_start3A_183 : memref<128xi32, #tpu.memory_space<vmem>>) semaphore(%arg10 : memref<!tpu.dma_semaphore, #tpu.memory_space<semaphore_mem>>)
      %mul3A_187 = arith.constant 2 : i32
      %mul3A_188 = arith.muli %scan3A_156, %mul3A_187 : i32
      %add3A_189 = arith.constant 1 : i32
      %add3A_190 = arith.addi %mul3A_188, %add3A_189 : i32
      %dma_wait3A_191 = arith.constant 1 : i32
      %dma_wait3A_192 = arith.constant 0 : i32
      %dma_wait3A_193 = arith.constant 0 : i32
      %dma_wait3A_194 = tpu.memref_slice %arg8[%dma_wait3A_191, %dma_wait3A_192, %dma_wait3A_193] : memref<2x128x128xf32, #tpu.memory_space<vmem>> -> memref<1x128x128xf32, #tpu.memory_space<vmem>>
      %dma_wait3A_195 = tpu.memref_squeeze %dma_wait3A_194 : memref<1x128x128xf32, #tpu.memory_space<vmem>> -> memref<128x128xf32, #tpu.memory_space<vmem>>
      %dma_wait3A_196 = arith.constant 0 : i32
      %dma_wait3A_197 = tpu.memref_slice %arg6[%add3A_190, %dma_wait3A_196] : memref<40x128xi32, #tpu.memory_space<vmem>> -> memref<1x128xi32, #tpu.memory_space<vmem>>
      %dma_wait3A_198 = tpu.memref_squeeze %dma_wait3A_197 : memref<1x128xi32, #tpu.memory_space<vmem>> -> memref<128xi32, #tpu.memory_space<vmem>>
      %dma_wait3A_199 = arith.constant 0 : i32
      %dma_wait3A_200 = arith.constant 0 : i32
      %dma_wait3A_201 = tpu.memref_slice %arg2[%dma_wait3A_199, %dma_wait3A_200] : memref<10240x128xf32, #tpu.memory_space<hbm>> -> memref<10240x128xf32, #tpu.memory_space<hbm>>
      tpu.wait_indirect_dma semaphore(%arg11 : memref<!tpu.dma_semaphore, #tpu.memory_space<semaphore_mem>>) src(%dma_wait3A_201 : memref<10240x128xf32, #tpu.memory_space<hbm>>) dst(%dma_wait3A_195 : memref<128x128xf32, #tpu.memory_space<vmem>>)
      %run_scoped3A_202 = arith.constant 1 : i32
      "tpu.region"() ({
        %run_scoped3A_217 = tpu.sem_alloc : memref<!tpu.dma_semaphore, #tpu.memory_space<semaphore_mem>>
        %dma_start3A_218 = arith.constant 0 : i32
        %dma_start3A_219 = arith.constant 0 : i32
        %dma_start3A_220 = tpu.memref_slice %arg8[%run_scoped3A_202, %dma_start3A_218, %dma_start3A_219] : memref<2x128x128xf32, #tpu.memory_space<vmem>> -> memref<1x128x128xf32, #tpu.memory_space<vmem>>
        %dma_start3A_221 = tpu.memref_squeeze %dma_start3A_220 : memref<1x128x128xf32, #tpu.memory_space<vmem>> -> memref<128x128xf32, #tpu.memory_space<vmem>>
        %dma_start3A_222 = arith.constant 0 : i32
        %dma_start3A_223 = tpu.memref_slice %arg7[%add3A_190, %dma_start3A_222] : memref<40x128xi32, #tpu.memory_space<vmem>> -> memref<1x128xi32, #tpu.memory_space<vmem>>
        %dma_start3A_224 = tpu.memref_squeeze %dma_start3A_223 : memref<1x128xi32, #tpu.memory_space<vmem>> -> memref<128xi32, #tpu.memory_space<vmem>>
        %dma_start3A_225 = arith.constant 0 : i32
        %dma_start3A_226 = arith.constant 0 : i32
        %dma_start3A_227 = tpu.memref_slice %arg9[%dma_start3A_225, %dma_start3A_226] : memref<10240x128xf32, #tpu.memory_space<vmem_shared>> -> memref<10240x128xf32, #tpu.memory_space<vmem_shared>>
        tpu.enqueue_indirect_dma source(%dma_start3A_221 : memref<128x128xf32, #tpu.memory_space<vmem>>) target(%dma_start3A_227 : memref<10240x128xf32, #tpu.memory_space<vmem_shared>>) offsets(%dma_start3A_224 : memref<128xi32, #tpu.memory_space<vmem>>) semaphore(%run_scoped3A_217 : memref<!tpu.dma_semaphore, #tpu.memory_space<semaphore_mem>>) {add = true}
        %dma_wait3A_228 = arith.constant 0 : i32
        %dma_wait3A_229 = arith.constant 0 : i32
        %dma_wait3A_230 = tpu.memref_slice %arg8[%run_scoped3A_202, %dma_wait3A_228, %dma_wait3A_229] : memref<2x128x128xf32, #tpu.memory_space<vmem>> -> memref<1x128x128xf32, #tpu.memory_space<vmem>>
        %dma_wait3A_231 = tpu.memref_squeeze %dma_wait3A_230 : memref<1x128x128xf32, #tpu.memory_space<vmem>> -> memref<128x128xf32, #tpu.memory_space<vmem>>
        %dma_wait3A_232 = arith.constant 0 : i32
        %dma_wait3A_233 = tpu.memref_slice %arg7[%add3A_190, %dma_wait3A_232] : memref<40x128xi32, #tpu.memory_space<vmem>> -> memref<1x128xi32, #tpu.memory_space<vmem>>
        %dma_wait3A_234 = tpu.memref_squeeze %dma_wait3A_233 : memref<1x128xi32, #tpu.memory_space<vmem>> -> memref<128xi32, #tpu.memory_space<vmem>>
        %dma_wait3A_235 = arith.constant 0 : i32
        %dma_wait3A_236 = arith.constant 0 : i32
        %dma_wait3A_237 = tpu.memref_slice %arg9[%dma_wait3A_235, %dma_wait3A_236] : memref<10240x128xf32, #tpu.memory_space<vmem_shared>> -> memref<10240x128xf32, #tpu.memory_space<vmem_shared>>
        tpu.wait_indirect_dma semaphore(%run_scoped3A_217 : memref<!tpu.dma_semaphore, #tpu.memory_space<semaphore_mem>>) src(%dma_wait3A_231 : memref<128x128xf32, #tpu.memory_space<vmem>>) dst(%dma_wait3A_237 : memref<10240x128xf32, #tpu.memory_space<vmem_shared>>)
        tpu.yield
      }) : () -> ()
      %add3A_203 = arith.constant 2 : i32
      %add3A_204 = arith.addi %add3A_190, %add3A_203 : i32
      %dma_start3A_205 = arith.constant 1 : i32
      %dma_start3A_206 = arith.constant 0 : i32
      %dma_start3A_207 = arith.constant 0 : i32
      %dma_start3A_208 = tpu.memref_slice %arg8[%dma_start3A_205, %dma_start3A_206, %dma_start3A_207] : memref<2x128x128xf32, #tpu.memory_space<vmem>> -> memref<1x128x128xf32, #tpu.memory_space<vmem>>
      %dma_start3A_209 = tpu.memref_squeeze %dma_start3A_208 : memref<1x128x128xf32, #tpu.memory_space<vmem>> -> memref<128x128xf32, #tpu.memory_space<vmem>>
      %dma_start3A_210 = arith.constant 0 : i32
      %dma_start3A_211 = tpu.memref_slice %arg6[%add3A_204, %dma_start3A_210] : memref<40x128xi32, #tpu.memory_space<vmem>> -> memref<1x128xi32, #tpu.memory_space<vmem>>
      %dma_start3A_212 = tpu.memref_squeeze %dma_start3A_211 : memref<1x128xi32, #tpu.memory_space<vmem>> -> memref<128xi32, #tpu.memory_space<vmem>>
      %dma_start3A_213 = arith.constant 0 : i32
      %dma_start3A_214 = arith.constant 0 : i32
      %dma_start3A_215 = tpu.memref_slice %arg2[%dma_start3A_213, %dma_start3A_214] : memref<10240x128xf32, #tpu.memory_space<hbm>> -> memref<10240x128xf32, #tpu.memory_space<hbm>>
      tpu.enqueue_indirect_dma source(%dma_start3A_215 : memref<10240x128xf32, #tpu.memory_space<hbm>>) target(%dma_start3A_209 : memref<128x128xf32, #tpu.memory_space<vmem>>) offsets(%dma_start3A_212 : memref<128xi32, #tpu.memory_space<vmem>>) semaphore(%arg11 : memref<!tpu.dma_semaphore, #tpu.memory_space<semaphore_mem>>)
      %scan3A_216 = arith.constant 0 : i32
      scf.yield %scan3A_216 : i32
    }
    %scan3A_120 = arith.constant 19 : i32
    %dma_wait3A_121 = arith.constant 38 : i32
    %dma_wait3A_122 = arith.constant 0 : i32
    %dma_wait3A_123 = arith.constant 0 : i32
    %dma_wait3A_124 = arith.constant 0 : i32
    %dma_wait3A_125 = tpu.memref_slice %arg8[%dma_wait3A_122, %dma_wait3A_123, %dma_wait3A_124] : memref<2x128x128xf32, #tpu.memory_space<vmem>> -> memref<1x128x128xf32, #tpu.memory_space<vmem>>
    %dma_wait3A_126 = tpu.memref_squeeze %dma_wait3A_125 : memref<1x128x128xf32, #tpu.memory_space<vmem>> -> memref<128x128xf32, #tpu.memory_space<vmem>>
    %dma_wait3A_127 = arith.constant 0 : i32
    %dma_wait3A_128 = tpu.memref_slice %arg6[%dma_wait3A_121, %dma_wait3A_127] : memref<40x128xi32, #tpu.memory_space<vmem>> -> memref<1x128xi32, #tpu.memory_space<vmem>>
    %dma_wait3A_129 = tpu.memref_squeeze %dma_wait3A_128 : memref<1x128xi32, #tpu.memory_space<vmem>> -> memref<128xi32, #tpu.memory_space<vmem>>
    %dma_wait3A_130 = arith.constant 0 : i32
    %dma_wait3A_131 = arith.constant 0 : i32
    %dma_wait3A_132 = tpu.memref_slice %arg2[%dma_wait3A_130, %dma_wait3A_131] : memref<10240x128xf32, #tpu.memory_space<hbm>> -> memref<10240x128xf32, #tpu.memory_space<hbm>>
    tpu.wait_indirect_dma semaphore(%arg10 : memref<!tpu.dma_semaphore, #tpu.memory_space<semaphore_mem>>) src(%dma_wait3A_132 : memref<10240x128xf32, #tpu.memory_space<hbm>>) dst(%dma_wait3A_126 : memref<128x128xf32, #tpu.memory_space<vmem>>)
    %run_scoped3A_133 = arith.constant 0 : i32
    %run_scoped3A_134 = arith.constant 38 : i32
    "tpu.region"() ({
      %run_scoped3A_156 = tpu.sem_alloc : memref<!tpu.dma_semaphore, #tpu.memory_space<semaphore_mem>>
      %dma_start3A_157 = arith.constant 0 : i32
      %dma_start3A_158 = arith.constant 0 : i32
      %dma_start3A_159 = tpu.memref_slice %arg8[%run_scoped3A_133, %dma_start3A_157, %dma_start3A_158] : memref<2x128x128xf32, #tpu.memory_space<vmem>> -> memref<1x128x128xf32, #tpu.memory_space<vmem>>
      %dma_start3A_160 = tpu.memref_squeeze %dma_start3A_159 : memref<1x128x128xf32, #tpu.memory_space<vmem>> -> memref<128x128xf32, #tpu.memory_space<vmem>>
      %dma_start3A_161 = arith.constant 0 : i32
      %dma_start3A_162 = tpu.memref_slice %arg7[%run_scoped3A_134, %dma_start3A_161] : memref<40x128xi32, #tpu.memory_space<vmem>> -> memref<1x128xi32, #tpu.memory_space<vmem>>
      %dma_start3A_163 = tpu.memref_squeeze %dma_start3A_162 : memref<1x128xi32, #tpu.memory_space<vmem>> -> memref<128xi32, #tpu.memory_space<vmem>>
      %dma_start3A_164 = arith.constant 0 : i32
      %dma_start3A_165 = arith.constant 0 : i32
      %dma_start3A_166 = tpu.memref_slice %arg9[%dma_start3A_164, %dma_start3A_165] : memref<10240x128xf32, #tpu.memory_space<vmem_shared>> -> memref<10240x128xf32, #tpu.memory_space<vmem_shared>>
      tpu.enqueue_indirect_dma source(%dma_start3A_160 : memref<128x128xf32, #tpu.memory_space<vmem>>) target(%dma_start3A_166 : memref<10240x128xf32, #tpu.memory_space<vmem_shared>>) offsets(%dma_start3A_163 : memref<128xi32, #tpu.memory_space<vmem>>) semaphore(%run_scoped3A_156 : memref<!tpu.dma_semaphore, #tpu.memory_space<semaphore_mem>>) {add = true}
      %dma_wait3A_167 = arith.constant 0 : i32
      %dma_wait3A_168 = arith.constant 0 : i32
      %dma_wait3A_169 = tpu.memref_slice %arg8[%run_scoped3A_133, %dma_wait3A_167, %dma_wait3A_168] : memref<2x128x128xf32, #tpu.memory_space<vmem>> -> memref<1x128x128xf32, #tpu.memory_space<vmem>>
      %dma_wait3A_170 = tpu.memref_squeeze %dma_wait3A_169 : memref<1x128x128xf32, #tpu.memory_space<vmem>> -> memref<128x128xf32, #tpu.memory_space<vmem>>
      %dma_wait3A_171 = arith.constant 0 : i32
      %dma_wait3A_172 = tpu.memref_slice %arg7[%run_scoped3A_134, %dma_wait3A_171] : memref<40x128xi32, #tpu.memory_space<vmem>> -> memref<1x128xi32, #tpu.memory_space<vmem>>
      %dma_wait3A_173 = tpu.memref_squeeze %dma_wait3A_172 : memref<1x128xi32, #tpu.memory_space<vmem>> -> memref<128xi32, #tpu.memory_space<vmem>>
      %dma_wait3A_174 = arith.constant 0 : i32
      %dma_wait3A_175 = arith.constant 0 : i32
      %dma_wait3A_176 = tpu.memref_slice %arg9[%dma_wait3A_174, %dma_wait3A_175] : memref<10240x128xf32, #tpu.memory_space<vmem_shared>> -> memref<10240x128xf32, #tpu.memory_space<vmem_shared>>
      tpu.wait_indirect_dma semaphore(%run_scoped3A_156 : memref<!tpu.dma_semaphore, #tpu.memory_space<semaphore_mem>>) src(%dma_wait3A_170 : memref<128x128xf32, #tpu.memory_space<vmem>>) dst(%dma_wait3A_176 : memref<10240x128xf32, #tpu.memory_space<vmem_shared>>)
      tpu.yield
    }) : () -> ()
    %dma_wait3A_135 = arith.constant 39 : i32
    %dma_wait3A_136 = arith.constant 1 : i32
    %dma_wait3A_137 = arith.constant 0 : i32
    %dma_wait3A_138 = arith.constant 0 : i32
    %dma_wait3A_139 = tpu.memref_slice %arg8[%dma_wait3A_136, %dma_wait3A_137, %dma_wait3A_138] : memref<2x128x128xf32, #tpu.memory_space<vmem>> -> memref<1x128x128xf32, #tpu.memory_space<vmem>>
    %dma_wait3A_140 = tpu.memref_squeeze %dma_wait3A_139 : memref<1x128x128xf32, #tpu.memory_space<vmem>> -> memref<128x128xf32, #tpu.memory_space<vmem>>
    %dma_wait3A_141 = arith.constant 0 : i32
    %dma_wait3A_142 = tpu.memref_slice %arg6[%dma_wait3A_135, %dma_wait3A_141] : memref<40x128xi32, #tpu.memory_space<vmem>> -> memref<1x128xi32, #tpu.memory_space<vmem>>
    %dma_wait3A_143 = tpu.memref_squeeze %dma_wait3A_142 : memref<1x128xi32, #tpu.memory_space<vmem>> -> memref<128xi32, #tpu.memory_space<vmem>>
    %dma_wait3A_144 = arith.constant 0 : i32
    %dma_wait3A_145 = arith.constant 0 : i32
    %dma_wait3A_146 = tpu.memref_slice %arg2[%dma_wait3A_144, %dma_wait3A_145] : memref<10240x128xf32, #tpu.memory_space<hbm>> -> memref<10240x128xf32, #tpu.memory_space<hbm>>
    tpu.wait_indirect_dma semaphore(%arg11 : memref<!tpu.dma_semaphore, #tpu.memory_space<semaphore_mem>>) src(%dma_wait3A_146 : memref<10240x128xf32, #tpu.memory_space<hbm>>) dst(%dma_wait3A_140 : memref<128x128xf32, #tpu.memory_space<vmem>>)
    %run_scoped3A_147 = arith.constant 1 : i32
    %run_scoped3A_148 = arith.constant 39 : i32
    "tpu.region"() ({
      %run_scoped3A_156 = tpu.sem_alloc : memref<!tpu.dma_semaphore, #tpu.memory_space<semaphore_mem>>
      %dma_start3A_157 = arith.constant 0 : i32
      %dma_start3A_158 = arith.constant 0 : i32
      %dma_start3A_159 = tpu.memref_slice %arg8[%run_scoped3A_147, %dma_start3A_157, %dma_start3A_158] : memref<2x128x128xf32, #tpu.memory_space<vmem>> -> memref<1x128x128xf32, #tpu.memory_space<vmem>>
      %dma_start3A_160 = tpu.memref_squeeze %dma_start3A_159 : memref<1x128x128xf32, #tpu.memory_space<vmem>> -> memref<128x128xf32, #tpu.memory_space<vmem>>
      %dma_start3A_161 = arith.constant 0 : i32
      %dma_start3A_162 = tpu.memref_slice %arg7[%run_scoped3A_148, %dma_start3A_161] : memref<40x128xi32, #tpu.memory_space<vmem>> -> memref<1x128xi32, #tpu.memory_space<vmem>>
      %dma_start3A_163 = tpu.memref_squeeze %dma_start3A_162 : memref<1x128xi32, #tpu.memory_space<vmem>> -> memref<128xi32, #tpu.memory_space<vmem>>
      %dma_start3A_164 = arith.constant 0 : i32
      %dma_start3A_165 = arith.constant 0 : i32
      %dma_start3A_166 = tpu.memref_slice %arg9[%dma_start3A_164, %dma_start3A_165] : memref<10240x128xf32, #tpu.memory_space<vmem_shared>> -> memref<10240x128xf32, #tpu.memory_space<vmem_shared>>
      tpu.enqueue_indirect_dma source(%dma_start3A_160 : memref<128x128xf32, #tpu.memory_space<vmem>>) target(%dma_start3A_166 : memref<10240x128xf32, #tpu.memory_space<vmem_shared>>) offsets(%dma_start3A_163 : memref<128xi32, #tpu.memory_space<vmem>>) semaphore(%run_scoped3A_156 : memref<!tpu.dma_semaphore, #tpu.memory_space<semaphore_mem>>) {add = true}
      %dma_wait3A_167 = arith.constant 0 : i32
      %dma_wait3A_168 = arith.constant 0 : i32
      %dma_wait3A_169 = tpu.memref_slice %arg8[%run_scoped3A_147, %dma_wait3A_167, %dma_wait3A_168] : memref<2x128x128xf32, #tpu.memory_space<vmem>> -> memref<1x128x128xf32, #tpu.memory_space<vmem>>
      %dma_wait3A_170 = tpu.memref_squeeze %dma_wait3A_169 : memref<1x128x128xf32, #tpu.memory_space<vmem>> -> memref<128x128xf32, #tpu.memory_space<vmem>>
      %dma_wait3A_171 = arith.constant 0 : i32
      %dma_wait3A_172 = tpu.memref_slice %arg7[%run_scoped3A_148, %dma_wait3A_171] : memref<40x128xi32, #tpu.memory_space<vmem>> -> memref<1x128xi32, #tpu.memory_space<vmem>>
      %dma_wait3A_173 = tpu.memref_squeeze %dma_wait3A_172 : memref<1x128xi32, #tpu.memory_space<vmem>> -> memref<128xi32, #tpu.memory_space<vmem>>
      %dma_wait3A_174 = arith.constant 0 : i32
      %dma_wait3A_175 = arith.constant 0 : i32
      %dma_wait3A_176 = tpu.memref_slice %arg9[%dma_wait3A_174, %dma_wait3A_175] : memref<10240x128xf32, #tpu.memory_space<vmem_shared>> -> memref<10240x128xf32, #tpu.memory_space<vmem_shared>>
      tpu.wait_indirect_dma semaphore(%run_scoped3A_156 : memref<!tpu.dma_semaphore, #tpu.memory_space<semaphore_mem>>) src(%dma_wait3A_170 : memref<128x128xf32, #tpu.memory_space<vmem>>) dst(%dma_wait3A_176 : memref<10240x128xf32, #tpu.memory_space<vmem_shared>>)
      tpu.yield
    }) : () -> ()
    %barrier3A_149 = arith.constant 0 : index
    tpu.barrier barrier_id(%barrier3A_149)
    %mul3A_150 = arith.constant 10240 : i32
    %mul3A_151 = arith.muli %arg0, %mul3A_150 : i32
    %mul3A_152 = arith.constant 640 : i32
    %mul3A_153 = arith.muli %arg1, %mul3A_152 : i32
    %add3A_154 = arith.addi %mul3A_151, %mul3A_153 : i32
    %multiple_of3A_155 = tpu.assume_multiple %add3A_154, 8 : i32
    "tpu.region"() ({
      %run_scoped3A_156 = tpu.sem_alloc : memref<!tpu.dma_semaphore, #tpu.memory_space<semaphore_mem>>
      %dma_start3A_157 = arith.constant 0 : i32
      %dma_start3A_158 = tpu.memref_slice %arg5[%multiple_of3A_155, %dma_start3A_157] : memref<20480x128xf32, #tpu.memory_space<hbm>> -> memref<640x128xf32, #tpu.memory_space<hbm>>
      %dma_start3A_159 = arith.constant 0 : i32
      %dma_start3A_160 = tpu.memref_slice %arg9[%multiple_of3A, %dma_start3A_159] : memref<10240x128xf32, #tpu.memory_space<vmem_shared>> -> memref<640x128xf32, #tpu.memory_space<vmem_shared>>
      tpu.enqueue_dma source(%dma_start3A_160 : memref<640x128xf32, #tpu.memory_space<vmem_shared>>) target(%dma_start3A_158 : memref<640x128xf32, #tpu.memory_space<hbm>>) target_semaphore(%run_scoped3A_156 : memref<!tpu.dma_semaphore, #tpu.memory_space<semaphore_mem>>)
      %dma_wait3A_161 = arith.constant 0 : i32
      %dma_wait3A_162 = tpu.memref_slice %arg5[%multiple_of3A_155, %dma_wait3A_161] : memref<20480x128xf32, #tpu.memory_space<hbm>> -> memref<640x128xf32, #tpu.memory_space<hbm>>
      %dma_wait3A_163 = arith.constant 0 : i32
      %dma_wait3A_164 = tpu.memref_slice %arg9[%multiple_of3A, %dma_wait3A_163] : memref<10240x128xf32, #tpu.memory_space<vmem_shared>> -> memref<640x128xf32, #tpu.memory_space<vmem_shared>>
      tpu.wait_dma2 semaphore(%run_scoped3A_156 : memref<!tpu.dma_semaphore, #tpu.memory_space<semaphore_mem>>) src(%dma_wait3A_164 : memref<640x128xf32, #tpu.memory_space<vmem_shared>>) dst(%dma_wait3A_162 : memref<640x128xf32, #tpu.memory_space<hbm>>)
      tpu.yield
    }) : () -> ()
    return
  }
}

#map = affine_map<(d0, d1) -> (0, 0)>
module attributes {stable_mosaic.version = 14 : i64} {
  func.func @_deg_body(%arg0: i32, %arg1: i32, %arg2: memref<2560x128xi32, #tpu.memory_space<hbm>>, %arg3: memref<20480x128xf32, #tpu.memory_space<hbm>>, %arg4: memref<128x128xf32, #tpu.memory_space<vmem>>, %arg5: memref<80x128xi32, #tpu.memory_space<vmem>>, %arg6: memref<10240x128xf32, #tpu.memory_space<vmem_shared>>, %arg7: memref<!tpu.dma_semaphore, #tpu.memory_space<semaphore_mem>>, %arg8: memref<!tpu.dma_semaphore, #tpu.memory_space<semaphore_mem>>) attributes {dimension_semantics = [#tpu.dimension_semantics<core_parallel>, #tpu.dimension_semantics<subcore_parallel>], iteration_bounds = array<i64: 2, 16>, scalar_prefetch = 0 : i64, scratch_operands = 5 : i64, tpu.core_type = #tpu.core_type<sc_vector_subcore>, window_params = [{transform_indices = #map}, {transform_indices = #map}]} {
    %mul3A = arith.constant 2 : i32
    %mul3A_0 = arith.muli %arg1, %mul3A : i32
    %add3A = arith.addi %mul3A_0, %arg0 : i32
    %broadcast_in_dim3A = arith.constant 0.000000e+00 : f32
    %broadcast_in_dim3A_1 = vector.broadcast %broadcast_in_dim3A : f32 to vector<16xf32>
    %scan3A = arith.constant 0 : i32
    %scan3A_2 = arith.constant 0 : i32
    %scan3A_3 = arith.constant 128 : i32
    %scan3A_4 = arith.addi %scan3A_2, %scan3A_3 : i32
    %scan3A_5 = arith.constant 1 : i32
    %scan3A_6 = scf.for %scan3A_71 = %scan3A_2 to %scan3A_4 step %scan3A_5 iter_args(%scan3A_72 = %scan3A) -> (i32)  : i32 {
      %swap3A = arith.index_cast %scan3A_71 : i32 to index
      %swap3A_73 = arith.constant 0 : index
      %swap3A_74 = tpu.vector_load %arg4[%swap3A, %swap3A_73] {strides = array<i32>} : memref<128x128xf32, #tpu.memory_space<vmem>>, vector<1x16xf32>,
      %swap3A_75 = vector.shape_cast %swap3A_74 : vector<1x16xf32> to vector<16xf32>
      %swap3A_76 = vector.shape_cast %broadcast_in_dim3A_1 : vector<16xf32> to vector<1x16xf32>
      tpu.vector_store %arg4[%swap3A, %swap3A_73], %swap3A_76 {strides = array<i32>} : memref<128x128xf32, #tpu.memory_space<vmem>>, vector<1x16xf32>,
      %swap3A_77 = arith.index_cast %scan3A_71 : i32 to index
      %swap3A_78 = arith.constant 16 : index
      %swap3A_79 = tpu.vector_load %arg4[%swap3A_77, %swap3A_78] {strides = array<i32>} : memref<128x128xf32, #tpu.memory_space<vmem>>, vector<1x16xf32>,
      %swap3A_80 = vector.shape_cast %swap3A_79 : vector<1x16xf32> to vector<16xf32>
      %swap3A_81 = vector.shape_cast %broadcast_in_dim3A_1 : vector<16xf32> to vector<1x16xf32>
      tpu.vector_store %arg4[%swap3A_77, %swap3A_78], %swap3A_81 {strides = array<i32>} : memref<128x128xf32, #tpu.memory_space<vmem>>, vector<1x16xf32>,
      %swap3A_82 = arith.index_cast %scan3A_71 : i32 to index
      %swap3A_83 = arith.constant 32 : index
      %swap3A_84 = tpu.vector_load %arg4[%swap3A_82, %swap3A_83] {strides = array<i32>} : memref<128x128xf32, #tpu.memory_space<vmem>>, vector<1x16xf32>,
      %swap3A_85 = vector.shape_cast %swap3A_84 : vector<1x16xf32> to vector<16xf32>
      %swap3A_86 = vector.shape_cast %broadcast_in_dim3A_1 : vector<16xf32> to vector<1x16xf32>
      tpu.vector_store %arg4[%swap3A_82, %swap3A_83], %swap3A_86 {strides = array<i32>} : memref<128x128xf32, #tpu.memory_space<vmem>>, vector<1x16xf32>,
      %swap3A_87 = arith.index_cast %scan3A_71 : i32 to index
      %swap3A_88 = arith.constant 48 : index
      %swap3A_89 = tpu.vector_load %arg4[%swap3A_87, %swap3A_88] {strides = array<i32>} : memref<128x128xf32, #tpu.memory_space<vmem>>, vector<1x16xf32>,
      %swap3A_90 = vector.shape_cast %swap3A_89 : vector<1x16xf32> to vector<16xf32>
      %swap3A_91 = vector.shape_cast %broadcast_in_dim3A_1 : vector<16xf32> to vector<1x16xf32>
      tpu.vector_store %arg4[%swap3A_87, %swap3A_88], %swap3A_91 {strides = array<i32>} : memref<128x128xf32, #tpu.memory_space<vmem>>, vector<1x16xf32>,
      %swap3A_92 = arith.index_cast %scan3A_71 : i32 to index
      %swap3A_93 = arith.constant 64 : index
      %swap3A_94 = tpu.vector_load %arg4[%swap3A_92, %swap3A_93] {strides = array<i32>} : memref<128x128xf32, #tpu.memory_space<vmem>>, vector<1x16xf32>,
      %swap3A_95 = vector.shape_cast %swap3A_94 : vector<1x16xf32> to vector<16xf32>
      %swap3A_96 = vector.shape_cast %broadcast_in_dim3A_1 : vector<16xf32> to vector<1x16xf32>
      tpu.vector_store %arg4[%swap3A_92, %swap3A_93], %swap3A_96 {strides = array<i32>} : memref<128x128xf32, #tpu.memory_space<vmem>>, vector<1x16xf32>,
      %swap3A_97 = arith.index_cast %scan3A_71 : i32 to index
      %swap3A_98 = arith.constant 80 : index
      %swap3A_99 = tpu.vector_load %arg4[%swap3A_97, %swap3A_98] {strides = array<i32>} : memref<128x128xf32, #tpu.memory_space<vmem>>, vector<1x16xf32>,
      %swap3A_100 = vector.shape_cast %swap3A_99 : vector<1x16xf32> to vector<16xf32>
      %swap3A_101 = vector.shape_cast %broadcast_in_dim3A_1 : vector<16xf32> to vector<1x16xf32>
      tpu.vector_store %arg4[%swap3A_97, %swap3A_98], %swap3A_101 {strides = array<i32>} : memref<128x128xf32, #tpu.memory_space<vmem>>, vector<1x16xf32>,
      %swap3A_102 = arith.index_cast %scan3A_71 : i32 to index
      %swap3A_103 = arith.constant 96 : index
      %swap3A_104 = tpu.vector_load %arg4[%swap3A_102, %swap3A_103] {strides = array<i32>} : memref<128x128xf32, #tpu.memory_space<vmem>>, vector<1x16xf32>,
      %swap3A_105 = vector.shape_cast %swap3A_104 : vector<1x16xf32> to vector<16xf32>
      %swap3A_106 = vector.shape_cast %broadcast_in_dim3A_1 : vector<16xf32> to vector<1x16xf32>
      tpu.vector_store %arg4[%swap3A_102, %swap3A_103], %swap3A_106 {strides = array<i32>} : memref<128x128xf32, #tpu.memory_space<vmem>>, vector<1x16xf32>,
      %swap3A_107 = arith.index_cast %scan3A_71 : i32 to index
      %swap3A_108 = arith.constant 112 : index
      %swap3A_109 = tpu.vector_load %arg4[%swap3A_107, %swap3A_108] {strides = array<i32>} : memref<128x128xf32, #tpu.memory_space<vmem>>, vector<1x16xf32>,
      %swap3A_110 = vector.shape_cast %swap3A_109 : vector<1x16xf32> to vector<16xf32>
      %swap3A_111 = vector.shape_cast %broadcast_in_dim3A_1 : vector<16xf32> to vector<1x16xf32>
      tpu.vector_store %arg4[%swap3A_107, %swap3A_108], %swap3A_111 {strides = array<i32>} : memref<128x128xf32, #tpu.memory_space<vmem>>, vector<1x16xf32>,
      %scan3A_112 = arith.constant 0 : i32
      scf.yield %scan3A_112 : i32
    }
    %scan3A_7 = arith.constant 128 : i32
    %mul3A_8 = arith.constant 640 : i32
    %mul3A_9 = arith.muli %arg1, %mul3A_8 : i32
    %multiple_of3A = tpu.assume_multiple %mul3A_9, 8 : i32
    %add3A_10 = arith.constant 0 : i32
    %add3A_11 = arith.addi %multiple_of3A, %add3A_10 : i32
    "tpu.region"() ({
      %run_scoped3A = tpu.sem_alloc : memref<!tpu.dma_semaphore, #tpu.memory_space<semaphore_mem>>
      %dma_start3A_71 = arith.constant 0 : i32
      %dma_start3A_72 = tpu.memref_slice %arg6[%add3A_11, %dma_start3A_71] : memref<10240x128xf32, #tpu.memory_space<vmem_shared>> -> memref<128x128xf32, #tpu.memory_space<vmem_shared>>
      %dma_start3A_73 = arith.constant 0 : i32
      %dma_start3A_74 = tpu.memref_slice %arg6[%add3A_11, %dma_start3A_73] : memref<10240x128xf32, #tpu.memory_space<vmem_shared>> -> memref<128x128xf32, #tpu.memory_space<vmem_shared>>
      tpu.enqueue_dma source(%arg4 : memref<128x128xf32, #tpu.memory_space<vmem>>) target(%dma_start3A_74 : memref<128x128xf32, #tpu.memory_space<vmem_shared>>) target_semaphore(%run_scoped3A : memref<!tpu.dma_semaphore, #tpu.memory_space<semaphore_mem>>)
      %dma_wait3A_75 = arith.constant 0 : i32
      %dma_wait3A_76 = tpu.memref_slice %arg6[%add3A_11, %dma_wait3A_75] : memref<10240x128xf32, #tpu.memory_space<vmem_shared>> -> memref<128x128xf32, #tpu.memory_space<vmem_shared>>
      %dma_wait3A_77 = arith.constant 0 : i32
      %dma_wait3A_78 = tpu.memref_slice %arg6[%add3A_11, %dma_wait3A_77] : memref<10240x128xf32, #tpu.memory_space<vmem_shared>> -> memref<128x128xf32, #tpu.memory_space<vmem_shared>>
      tpu.wait_dma2 semaphore(%run_scoped3A : memref<!tpu.dma_semaphore, #tpu.memory_space<semaphore_mem>>) src(%arg4 : memref<128x128xf32, #tpu.memory_space<vmem>>) dst(%dma_wait3A_78 : memref<128x128xf32, #tpu.memory_space<vmem_shared>>)
      tpu.yield
    }) : () -> ()
    %add3A_12 = arith.constant 128 : i32
    %add3A_13 = arith.addi %multiple_of3A, %add3A_12 : i32
    "tpu.region"() ({
      %run_scoped3A = tpu.sem_alloc : memref<!tpu.dma_semaphore, #tpu.memory_space<semaphore_mem>>
      %dma_start3A_71 = arith.constant 0 : i32
      %dma_start3A_72 = tpu.memref_slice %arg6[%add3A_13, %dma_start3A_71] : memref<10240x128xf32, #tpu.memory_space<vmem_shared>> -> memref<128x128xf32, #tpu.memory_space<vmem_shared>>
      %dma_start3A_73 = arith.constant 0 : i32
      %dma_start3A_74 = tpu.memref_slice %arg6[%add3A_13, %dma_start3A_73] : memref<10240x128xf32, #tpu.memory_space<vmem_shared>> -> memref<128x128xf32, #tpu.memory_space<vmem_shared>>
      tpu.enqueue_dma source(%arg4 : memref<128x128xf32, #tpu.memory_space<vmem>>) target(%dma_start3A_74 : memref<128x128xf32, #tpu.memory_space<vmem_shared>>) target_semaphore(%run_scoped3A : memref<!tpu.dma_semaphore, #tpu.memory_space<semaphore_mem>>)
      %dma_wait3A_75 = arith.constant 0 : i32
      %dma_wait3A_76 = tpu.memref_slice %arg6[%add3A_13, %dma_wait3A_75] : memref<10240x128xf32, #tpu.memory_space<vmem_shared>> -> memref<128x128xf32, #tpu.memory_space<vmem_shared>>
      %dma_wait3A_77 = arith.constant 0 : i32
      %dma_wait3A_78 = tpu.memref_slice %arg6[%add3A_13, %dma_wait3A_77] : memref<10240x128xf32, #tpu.memory_space<vmem_shared>> -> memref<128x128xf32, #tpu.memory_space<vmem_shared>>
      tpu.wait_dma2 semaphore(%run_scoped3A : memref<!tpu.dma_semaphore, #tpu.memory_space<semaphore_mem>>) src(%arg4 : memref<128x128xf32, #tpu.memory_space<vmem>>) dst(%dma_wait3A_78 : memref<128x128xf32, #tpu.memory_space<vmem_shared>>)
      tpu.yield
    }) : () -> ()
    %add3A_14 = arith.constant 256 : i32
    %add3A_15 = arith.addi %multiple_of3A, %add3A_14 : i32
    "tpu.region"() ({
      %run_scoped3A = tpu.sem_alloc : memref<!tpu.dma_semaphore, #tpu.memory_space<semaphore_mem>>
      %dma_start3A_71 = arith.constant 0 : i32
      %dma_start3A_72 = tpu.memref_slice %arg6[%add3A_15, %dma_start3A_71] : memref<10240x128xf32, #tpu.memory_space<vmem_shared>> -> memref<128x128xf32, #tpu.memory_space<vmem_shared>>
      %dma_start3A_73 = arith.constant 0 : i32
      %dma_start3A_74 = tpu.memref_slice %arg6[%add3A_15, %dma_start3A_73] : memref<10240x128xf32, #tpu.memory_space<vmem_shared>> -> memref<128x128xf32, #tpu.memory_space<vmem_shared>>
      tpu.enqueue_dma source(%arg4 : memref<128x128xf32, #tpu.memory_space<vmem>>) target(%dma_start3A_74 : memref<128x128xf32, #tpu.memory_space<vmem_shared>>) target_semaphore(%run_scoped3A : memref<!tpu.dma_semaphore, #tpu.memory_space<semaphore_mem>>)
      %dma_wait3A_75 = arith.constant 0 : i32
      %dma_wait3A_76 = tpu.memref_slice %arg6[%add3A_15, %dma_wait3A_75] : memref<10240x128xf32, #tpu.memory_space<vmem_shared>> -> memref<128x128xf32, #tpu.memory_space<vmem_shared>>
      %dma_wait3A_77 = arith.constant 0 : i32
      %dma_wait3A_78 = tpu.memref_slice %arg6[%add3A_15, %dma_wait3A_77] : memref<10240x128xf32, #tpu.memory_space<vmem_shared>> -> memref<128x128xf32, #tpu.memory_space<vmem_shared>>
      tpu.wait_dma2 semaphore(%run_scoped3A : memref<!tpu.dma_semaphore, #tpu.memory_space<semaphore_mem>>) src(%arg4 : memref<128x128xf32, #tpu.memory_space<vmem>>) dst(%dma_wait3A_78 : memref<128x128xf32, #tpu.memory_space<vmem_shared>>)
      tpu.yield
    }) : () -> ()
    %add3A_16 = arith.constant 384 : i32
    %add3A_17 = arith.addi %multiple_of3A, %add3A_16 : i32
    "tpu.region"() ({
      %run_scoped3A = tpu.sem_alloc : memref<!tpu.dma_semaphore, #tpu.memory_space<semaphore_mem>>
      %dma_start3A_71 = arith.constant 0 : i32
      %dma_start3A_72 = tpu.memref_slice %arg6[%add3A_17, %dma_start3A_71] : memref<10240x128xf32, #tpu.memory_space<vmem_shared>> -> memref<128x128xf32, #tpu.memory_space<vmem_shared>>
      %dma_start3A_73 = arith.constant 0 : i32
      %dma_start3A_74 = tpu.memref_slice %arg6[%add3A_17, %dma_start3A_73] : memref<10240x128xf32, #tpu.memory_space<vmem_shared>> -> memref<128x128xf32, #tpu.memory_space<vmem_shared>>
      tpu.enqueue_dma source(%arg4 : memref<128x128xf32, #tpu.memory_space<vmem>>) target(%dma_start3A_74 : memref<128x128xf32, #tpu.memory_space<vmem_shared>>) target_semaphore(%run_scoped3A : memref<!tpu.dma_semaphore, #tpu.memory_space<semaphore_mem>>)
      %dma_wait3A_75 = arith.constant 0 : i32
      %dma_wait3A_76 = tpu.memref_slice %arg6[%add3A_17, %dma_wait3A_75] : memref<10240x128xf32, #tpu.memory_space<vmem_shared>> -> memref<128x128xf32, #tpu.memory_space<vmem_shared>>
      %dma_wait3A_77 = arith.constant 0 : i32
      %dma_wait3A_78 = tpu.memref_slice %arg6[%add3A_17, %dma_wait3A_77] : memref<10240x128xf32, #tpu.memory_space<vmem_shared>> -> memref<128x128xf32, #tpu.memory_space<vmem_shared>>
      tpu.wait_dma2 semaphore(%run_scoped3A : memref<!tpu.dma_semaphore, #tpu.memory_space<semaphore_mem>>) src(%arg4 : memref<128x128xf32, #tpu.memory_space<vmem>>) dst(%dma_wait3A_78 : memref<128x128xf32, #tpu.memory_space<vmem_shared>>)
      tpu.yield
    }) : () -> ()
    %add3A_18 = arith.constant 512 : i32
    %add3A_19 = arith.addi %multiple_of3A, %add3A_18 : i32
    "tpu.region"() ({
      %run_scoped3A = tpu.sem_alloc : memref<!tpu.dma_semaphore, #tpu.memory_space<semaphore_mem>>
      %dma_start3A_71 = arith.constant 0 : i32
      %dma_start3A_72 = tpu.memref_slice %arg6[%add3A_19, %dma_start3A_71] : memref<10240x128xf32, #tpu.memory_space<vmem_shared>> -> memref<128x128xf32, #tpu.memory_space<vmem_shared>>
      %dma_start3A_73 = arith.constant 0 : i32
      %dma_start3A_74 = tpu.memref_slice %arg6[%add3A_19, %dma_start3A_73] : memref<10240x128xf32, #tpu.memory_space<vmem_shared>> -> memref<128x128xf32, #tpu.memory_space<vmem_shared>>
      tpu.enqueue_dma source(%arg4 : memref<128x128xf32, #tpu.memory_space<vmem>>) target(%dma_start3A_74 : memref<128x128xf32, #tpu.memory_space<vmem_shared>>) target_semaphore(%run_scoped3A : memref<!tpu.dma_semaphore, #tpu.memory_space<semaphore_mem>>)
      %dma_wait3A_75 = arith.constant 0 : i32
      %dma_wait3A_76 = tpu.memref_slice %arg6[%add3A_19, %dma_wait3A_75] : memref<10240x128xf32, #tpu.memory_space<vmem_shared>> -> memref<128x128xf32, #tpu.memory_space<vmem_shared>>
      %dma_wait3A_77 = arith.constant 0 : i32
      %dma_wait3A_78 = tpu.memref_slice %arg6[%add3A_19, %dma_wait3A_77] : memref<10240x128xf32, #tpu.memory_space<vmem_shared>> -> memref<128x128xf32, #tpu.memory_space<vmem_shared>>
      tpu.wait_dma2 semaphore(%run_scoped3A : memref<!tpu.dma_semaphore, #tpu.memory_space<semaphore_mem>>) src(%arg4 : memref<128x128xf32, #tpu.memory_space<vmem>>) dst(%dma_wait3A_78 : memref<128x128xf32, #tpu.memory_space<vmem_shared>>)
      tpu.yield
    }) : () -> ()
    %broadcast_in_dim3A_20 = arith.constant 1.000000e+00 : f32
    %broadcast_in_dim3A_21 = vector.broadcast %broadcast_in_dim3A_20 : f32 to vector<16xf32>
    %scan3A_22 = arith.constant 0 : i32
    %scan3A_23 = arith.constant 0 : i32
    %scan3A_24 = arith.constant 128 : i32
    %scan3A_25 = arith.addi %scan3A_23, %scan3A_24 : i32
    %scan3A_26 = arith.constant 1 : i32
    %scan3A_27 = scf.for %scan3A_71 = %scan3A_23 to %scan3A_25 step %scan3A_26 iter_args(%scan3A_72 = %scan3A_22) -> (i32)  : i32 {
      %swap3A = arith.index_cast %scan3A_71 : i32 to index
      %swap3A_73 = arith.constant 0 : index
      %swap3A_74 = tpu.vector_load %arg4[%swap3A, %swap3A_73] {strides = array<i32>} : memref<128x128xf32, #tpu.memory_space<vmem>>, vector<1x16xf32>,
      %swap3A_75 = vector.shape_cast %swap3A_74 : vector<1x16xf32> to vector<16xf32>
      %swap3A_76 = vector.shape_cast %broadcast_in_dim3A_21 : vector<16xf32> to vector<1x16xf32>
      tpu.vector_store %arg4[%swap3A, %swap3A_73], %swap3A_76 {strides = array<i32>} : memref<128x128xf32, #tpu.memory_space<vmem>>, vector<1x16xf32>,
      %swap3A_77 = arith.index_cast %scan3A_71 : i32 to index
      %swap3A_78 = arith.constant 16 : index
      %swap3A_79 = tpu.vector_load %arg4[%swap3A_77, %swap3A_78] {strides = array<i32>} : memref<128x128xf32, #tpu.memory_space<vmem>>, vector<1x16xf32>,
      %swap3A_80 = vector.shape_cast %swap3A_79 : vector<1x16xf32> to vector<16xf32>
      %swap3A_81 = vector.shape_cast %broadcast_in_dim3A_21 : vector<16xf32> to vector<1x16xf32>
      tpu.vector_store %arg4[%swap3A_77, %swap3A_78], %swap3A_81 {strides = array<i32>} : memref<128x128xf32, #tpu.memory_space<vmem>>, vector<1x16xf32>,
      %swap3A_82 = arith.index_cast %scan3A_71 : i32 to index
      %swap3A_83 = arith.constant 32 : index
      %swap3A_84 = tpu.vector_load %arg4[%swap3A_82, %swap3A_83] {strides = array<i32>} : memref<128x128xf32, #tpu.memory_space<vmem>>, vector<1x16xf32>,
      %swap3A_85 = vector.shape_cast %swap3A_84 : vector<1x16xf32> to vector<16xf32>
      %swap3A_86 = vector.shape_cast %broadcast_in_dim3A_21 : vector<16xf32> to vector<1x16xf32>
      tpu.vector_store %arg4[%swap3A_82, %swap3A_83], %swap3A_86 {strides = array<i32>} : memref<128x128xf32, #tpu.memory_space<vmem>>, vector<1x16xf32>,
      %swap3A_87 = arith.index_cast %scan3A_71 : i32 to index
      %swap3A_88 = arith.constant 48 : index
      %swap3A_89 = tpu.vector_load %arg4[%swap3A_87, %swap3A_88] {strides = array<i32>} : memref<128x128xf32, #tpu.memory_space<vmem>>, vector<1x16xf32>,
      %swap3A_90 = vector.shape_cast %swap3A_89 : vector<1x16xf32> to vector<16xf32>
      %swap3A_91 = vector.shape_cast %broadcast_in_dim3A_21 : vector<16xf32> to vector<1x16xf32>
      tpu.vector_store %arg4[%swap3A_87, %swap3A_88], %swap3A_91 {strides = array<i32>} : memref<128x128xf32, #tpu.memory_space<vmem>>, vector<1x16xf32>,
      %swap3A_92 = arith.index_cast %scan3A_71 : i32 to index
      %swap3A_93 = arith.constant 64 : index
      %swap3A_94 = tpu.vector_load %arg4[%swap3A_92, %swap3A_93] {strides = array<i32>} : memref<128x128xf32, #tpu.memory_space<vmem>>, vector<1x16xf32>,
      %swap3A_95 = vector.shape_cast %swap3A_94 : vector<1x16xf32> to vector<16xf32>
      %swap3A_96 = vector.shape_cast %broadcast_in_dim3A_21 : vector<16xf32> to vector<1x16xf32>
      tpu.vector_store %arg4[%swap3A_92, %swap3A_93], %swap3A_96 {strides = array<i32>} : memref<128x128xf32, #tpu.memory_space<vmem>>, vector<1x16xf32>,
      %swap3A_97 = arith.index_cast %scan3A_71 : i32 to index
      %swap3A_98 = arith.constant 80 : index
      %swap3A_99 = tpu.vector_load %arg4[%swap3A_97, %swap3A_98] {strides = array<i32>} : memref<128x128xf32, #tpu.memory_space<vmem>>, vector<1x16xf32>,
      %swap3A_100 = vector.shape_cast %swap3A_99 : vector<1x16xf32> to vector<16xf32>
      %swap3A_101 = vector.shape_cast %broadcast_in_dim3A_21 : vector<16xf32> to vector<1x16xf32>
      tpu.vector_store %arg4[%swap3A_97, %swap3A_98], %swap3A_101 {strides = array<i32>} : memref<128x128xf32, #tpu.memory_space<vmem>>, vector<1x16xf32>,
      %swap3A_102 = arith.index_cast %scan3A_71 : i32 to index
      %swap3A_103 = arith.constant 96 : index
      %swap3A_104 = tpu.vector_load %arg4[%swap3A_102, %swap3A_103] {strides = array<i32>} : memref<128x128xf32, #tpu.memory_space<vmem>>, vector<1x16xf32>,
      %swap3A_105 = vector.shape_cast %swap3A_104 : vector<1x16xf32> to vector<16xf32>
      %swap3A_106 = vector.shape_cast %broadcast_in_dim3A_21 : vector<16xf32> to vector<1x16xf32>
      tpu.vector_store %arg4[%swap3A_102, %swap3A_103], %swap3A_106 {strides = array<i32>} : memref<128x128xf32, #tpu.memory_space<vmem>>, vector<1x16xf32>,
      %swap3A_107 = arith.index_cast %scan3A_71 : i32 to index
      %swap3A_108 = arith.constant 112 : index
      %swap3A_109 = tpu.vector_load %arg4[%swap3A_107, %swap3A_108] {strides = array<i32>} : memref<128x128xf32, #tpu.memory_space<vmem>>, vector<1x16xf32>,
      %swap3A_110 = vector.shape_cast %swap3A_109 : vector<1x16xf32> to vector<16xf32>
      %swap3A_111 = vector.shape_cast %broadcast_in_dim3A_21 : vector<16xf32> to vector<1x16xf32>
      tpu.vector_store %arg4[%swap3A_107, %swap3A_108], %swap3A_111 {strides = array<i32>} : memref<128x128xf32, #tpu.memory_space<vmem>>, vector<1x16xf32>,
      %scan3A_112 = arith.constant 0 : i32
      scf.yield %scan3A_112 : i32
    }
    %scan3A_28 = arith.constant 128 : i32
    %mul3A_29 = arith.constant 80 : i32
    %mul3A_30 = arith.muli %add3A, %mul3A_29 : i32
    "tpu.region"() ({
      %run_scoped3A = tpu.sem_alloc : memref<!tpu.dma_semaphore, #tpu.memory_space<semaphore_mem>>
      %dma_start3A_71 = arith.constant 0 : i32
      %dma_start3A_72 = tpu.memref_slice %arg2[%mul3A_30, %dma_start3A_71] : memref<2560x128xi32, #tpu.memory_space<hbm>> -> memref<80x128xi32, #tpu.memory_space<hbm>>
      %dma_start3A_73 = arith.constant 0 : i32
      %dma_start3A_74 = tpu.memref_slice %arg2[%mul3A_30, %dma_start3A_73] : memref<2560x128xi32, #tpu.memory_space<hbm>> -> memref<80x128xi32, #tpu.memory_space<hbm>>
      tpu.enqueue_dma source(%dma_start3A_74 : memref<80x128xi32, #tpu.memory_space<hbm>>) target(%arg5 : memref<80x128xi32, #tpu.memory_space<vmem>>) target_semaphore(%run_scoped3A : memref<!tpu.dma_semaphore, #tpu.memory_space<semaphore_mem>>)
      %dma_wait3A_75 = arith.constant 0 : i32
      %dma_wait3A_76 = tpu.memref_slice %arg2[%mul3A_30, %dma_wait3A_75] : memref<2560x128xi32, #tpu.memory_space<hbm>> -> memref<80x128xi32, #tpu.memory_space<hbm>>
      %dma_wait3A_77 = arith.constant 0 : i32
      %dma_wait3A_78 = tpu.memref_slice %arg2[%mul3A_30, %dma_wait3A_77] : memref<2560x128xi32, #tpu.memory_space<hbm>> -> memref<80x128xi32, #tpu.memory_space<hbm>>
      tpu.wait_dma2 semaphore(%run_scoped3A : memref<!tpu.dma_semaphore, #tpu.memory_space<semaphore_mem>>) src(%dma_wait3A_78 : memref<80x128xi32, #tpu.memory_space<hbm>>) dst(%arg5 : memref<80x128xi32, #tpu.memory_space<vmem>>)
      tpu.yield
    }) : () -> ()
    %barrier3A = arith.constant 0 : index
    tpu.barrier barrier_id(%barrier3A)
    %dma_start3A = arith.constant 0 : i32
    %dma_start3A_31 = arith.constant 0 : i32
    %dma_start3A_32 = tpu.memref_slice %arg5[%dma_start3A, %dma_start3A_31] : memref<80x128xi32, #tpu.memory_space<vmem>> -> memref<1x128xi32, #tpu.memory_space<vmem>>
    %dma_start3A_33 = tpu.memref_squeeze %dma_start3A_32 : memref<1x128xi32, #tpu.memory_space<vmem>> -> memref<128xi32, #tpu.memory_space<vmem>>
    %dma_start3A_34 = arith.constant 0 : i32
    %dma_start3A_35 = arith.constant 0 : i32
    %dma_start3A_36 = tpu.memref_slice %arg6[%dma_start3A_34, %dma_start3A_35] : memref<10240x128xf32, #tpu.memory_space<vmem_shared>> -> memref<10240x128xf32, #tpu.memory_space<vmem_shared>>
    tpu.enqueue_indirect_dma source(%arg4 : memref<128x128xf32, #tpu.memory_space<vmem>>) target(%dma_start3A_36 : memref<10240x128xf32, #tpu.memory_space<vmem_shared>>) offsets(%dma_start3A_33 : memref<128xi32, #tpu.memory_space<vmem>>) semaphore(%arg7 : memref<!tpu.dma_semaphore, #tpu.memory_space<semaphore_mem>>) {add = true}
    %dma_start3A_37 = arith.constant 1 : i32
    %dma_start3A_38 = arith.constant 0 : i32
    %dma_start3A_39 = tpu.memref_slice %arg5[%dma_start3A_37, %dma_start3A_38] : memref<80x128xi32, #tpu.memory_space<vmem>> -> memref<1x128xi32, #tpu.memory_space<vmem>>
    %dma_start3A_40 = tpu.memref_squeeze %dma_start3A_39 : memref<1x128xi32, #tpu.memory_space<vmem>> -> memref<128xi32, #tpu.memory_space<vmem>>
    %dma_start3A_41 = arith.constant 0 : i32
    %dma_start3A_42 = arith.constant 0 : i32
    %dma_start3A_43 = tpu.memref_slice %arg6[%dma_start3A_41, %dma_start3A_42] : memref<10240x128xf32, #tpu.memory_space<vmem_shared>> -> memref<10240x128xf32, #tpu.memory_space<vmem_shared>>
    tpu.enqueue_indirect_dma source(%arg4 : memref<128x128xf32, #tpu.memory_space<vmem>>) target(%dma_start3A_43 : memref<10240x128xf32, #tpu.memory_space<vmem_shared>>) offsets(%dma_start3A_40 : memref<128xi32, #tpu.memory_space<vmem>>) semaphore(%arg8 : memref<!tpu.dma_semaphore, #tpu.memory_space<semaphore_mem>>) {add = true}
    %scan3A_44 = arith.constant 0 : i32
    %scan3A_45 = arith.constant 0 : i32
    %scan3A_46 = arith.constant 39 : i32
    %scan3A_47 = arith.addi %scan3A_45, %scan3A_46 : i32
    %scan3A_48 = arith.constant 1 : i32
    %scan3A_49 = scf.for %scan3A_71 = %scan3A_45 to %scan3A_47 step %scan3A_48 iter_args(%scan3A_72 = %scan3A_44) -> (i32)  : i32 {
      %mul3A_73 = arith.constant 2 : i32
      %mul3A_74 = arith.muli %scan3A_71, %mul3A_73 : i32
      %add3A_75 = arith.constant 0 : i32
      %add3A_76 = arith.addi %mul3A_74, %add3A_75 : i32
      %dma_wait3A_77 = arith.constant 0 : i32
      %dma_wait3A_78 = tpu.memref_slice %arg5[%add3A_76, %dma_wait3A_77] : memref<80x128xi32, #tpu.memory_space<vmem>> -> memref<1x128xi32, #tpu.memory_space<vmem>>
      %dma_wait3A_79 = tpu.memref_squeeze %dma_wait3A_78 : memref<1x128xi32, #tpu.memory_space<vmem>> -> memref<128xi32, #tpu.memory_space<vmem>>
      %dma_wait3A_80 = arith.constant 0 : i32
      %dma_wait3A_81 = arith.constant 0 : i32
      %dma_wait3A_82 = tpu.memref_slice %arg6[%dma_wait3A_80, %dma_wait3A_81] : memref<10240x128xf32, #tpu.memory_space<vmem_shared>> -> memref<10240x128xf32, #tpu.memory_space<vmem_shared>>
      tpu.wait_indirect_dma semaphore(%arg7 : memref<!tpu.dma_semaphore, #tpu.memory_space<semaphore_mem>>) src(%arg4 : memref<128x128xf32, #tpu.memory_space<vmem>>) dst(%dma_wait3A_82 : memref<10240x128xf32, #tpu.memory_space<vmem_shared>>)
      %add3A_83 = arith.constant 2 : i32
      %add3A_84 = arith.addi %add3A_76, %add3A_83 : i32
      %dma_start3A_85 = arith.constant 0 : i32
      %dma_start3A_86 = tpu.memref_slice %arg5[%add3A_84, %dma_start3A_85] : memref<80x128xi32, #tpu.memory_space<vmem>> -> memref<1x128xi32, #tpu.memory_space<vmem>>
      %dma_start3A_87 = tpu.memref_squeeze %dma_start3A_86 : memref<1x128xi32, #tpu.memory_space<vmem>> -> memref<128xi32, #tpu.memory_space<vmem>>
      %dma_start3A_88 = arith.constant 0 : i32
      %dma_start3A_89 = arith.constant 0 : i32
      %dma_start3A_90 = tpu.memref_slice %arg6[%dma_start3A_88, %dma_start3A_89] : memref<10240x128xf32, #tpu.memory_space<vmem_shared>> -> memref<10240x128xf32, #tpu.memory_space<vmem_shared>>
      tpu.enqueue_indirect_dma source(%arg4 : memref<128x128xf32, #tpu.memory_space<vmem>>) target(%dma_start3A_90 : memref<10240x128xf32, #tpu.memory_space<vmem_shared>>) offsets(%dma_start3A_87 : memref<128xi32, #tpu.memory_space<vmem>>) semaphore(%arg7 : memref<!tpu.dma_semaphore, #tpu.memory_space<semaphore_mem>>) {add = true}
      %mul3A_91 = arith.constant 2 : i32
      %mul3A_92 = arith.muli %scan3A_71, %mul3A_91 : i32
      %add3A_93 = arith.constant 1 : i32
      %add3A_94 = arith.addi %mul3A_92, %add3A_93 : i32
      %dma_wait3A_95 = arith.constant 0 : i32
      %dma_wait3A_96 = tpu.memref_slice %arg5[%add3A_94, %dma_wait3A_95] : memref<80x128xi32, #tpu.memory_space<vmem>> -> memref<1x128xi32, #tpu.memory_space<vmem>>
      %dma_wait3A_97 = tpu.memref_squeeze %dma_wait3A_96 : memref<1x128xi32, #tpu.memory_space<vmem>> -> memref<128xi32, #tpu.memory_space<vmem>>
      %dma_wait3A_98 = arith.constant 0 : i32
      %dma_wait3A_99 = arith.constant 0 : i32
      %dma_wait3A_100 = tpu.memref_slice %arg6[%dma_wait3A_98, %dma_wait3A_99] : memref<10240x128xf32, #tpu.memory_space<vmem_shared>> -> memref<10240x128xf32, #tpu.memory_space<vmem_shared>>
      tpu.wait_indirect_dma semaphore(%arg8 : memref<!tpu.dma_semaphore, #tpu.memory_space<semaphore_mem>>) src(%arg4 : memref<128x128xf32, #tpu.memory_space<vmem>>) dst(%dma_wait3A_100 : memref<10240x128xf32, #tpu.memory_space<vmem_shared>>)
      %add3A_101 = arith.constant 2 : i32
      %add3A_102 = arith.addi %add3A_94, %add3A_101 : i32
      %dma_start3A_103 = arith.constant 0 : i32
      %dma_start3A_104 = tpu.memref_slice %arg5[%add3A_102, %dma_start3A_103] : memref<80x128xi32, #tpu.memory_space<vmem>> -> memref<1x128xi32, #tpu.memory_space<vmem>>
      %dma_start3A_105 = tpu.memref_squeeze %dma_start3A_104 : memref<1x128xi32, #tpu.memory_space<vmem>> -> memref<128xi32, #tpu.memory_space<vmem>>
      %dma_start3A_106 = arith.constant 0 : i32
      %dma_start3A_107 = arith.constant 0 : i32
      %dma_start3A_108 = tpu.memref_slice %arg6[%dma_start3A_106, %dma_start3A_107] : memref<10240x128xf32, #tpu.memory_space<vmem_shared>> -> memref<10240x128xf32, #tpu.memory_space<vmem_shared>>
      tpu.enqueue_indirect_dma source(%arg4 : memref<128x128xf32, #tpu.memory_space<vmem>>) target(%dma_start3A_108 : memref<10240x128xf32, #tpu.memory_space<vmem_shared>>) offsets(%dma_start3A_105 : memref<128xi32, #tpu.memory_space<vmem>>) semaphore(%arg8 : memref<!tpu.dma_semaphore, #tpu.memory_space<semaphore_mem>>) {add = true}
      %scan3A_109 = arith.constant 0 : i32
      scf.yield %scan3A_109 : i32
    }
    %scan3A_50 = arith.constant 39 : i32
    %dma_wait3A = arith.constant 78 : i32
    %dma_wait3A_51 = arith.constant 0 : i32
    %dma_wait3A_52 = tpu.memref_slice %arg5[%dma_wait3A, %dma_wait3A_51] : memref<80x128xi32, #tpu.memory_space<vmem>> -> memref<1x128xi32, #tpu.memory_space<vmem>>
    %dma_wait3A_53 = tpu.memref_squeeze %dma_wait3A_52 : memref<1x128xi32, #tpu.memory_space<vmem>> -> memref<128xi32, #tpu.memory_space<vmem>>
    %dma_wait3A_54 = arith.constant 0 : i32
    %dma_wait3A_55 = arith.constant 0 : i32
    %dma_wait3A_56 = tpu.memref_slice %arg6[%dma_wait3A_54, %dma_wait3A_55] : memref<10240x128xf32, #tpu.memory_space<vmem_shared>> -> memref<10240x128xf32, #tpu.memory_space<vmem_shared>>
    tpu.wait_indirect_dma semaphore(%arg7 : memref<!tpu.dma_semaphore, #tpu.memory_space<semaphore_mem>>) src(%arg4 : memref<128x128xf32, #tpu.memory_space<vmem>>) dst(%dma_wait3A_56 : memref<10240x128xf32, #tpu.memory_space<vmem_shared>>)
    %dma_wait3A_57 = arith.constant 79 : i32
    %dma_wait3A_58 = arith.constant 0 : i32
    %dma_wait3A_59 = tpu.memref_slice %arg5[%dma_wait3A_57, %dma_wait3A_58] : memref<80x128xi32, #tpu.memory_space<vmem>> -> memref<1x128xi32, #tpu.memory_space<vmem>>
    %dma_wait3A_60 = tpu.memref_squeeze %dma_wait3A_59 : memref<1x128xi32, #tpu.memory_space<vmem>> -> memref<128xi32, #tpu.memory_space<vmem>>
    %dma_wait3A_61 = arith.constant 0 : i32
    %dma_wait3A_62 = arith.constant 0 : i32
    %dma_wait3A_63 = tpu.memref_slice %arg6[%dma_wait3A_61, %dma_wait3A_62] : memref<10240x128xf32, #tpu.memory_space<vmem_shared>> -> memref<10240x128xf32, #tpu.memory_space<vmem_shared>>
    tpu.wait_indirect_dma semaphore(%arg8 : memref<!tpu.dma_semaphore, #tpu.memory_space<semaphore_mem>>) src(%arg4 : memref<128x128xf32, #tpu.memory_space<vmem>>) dst(%dma_wait3A_63 : memref<10240x128xf32, #tpu.memory_space<vmem_shared>>)
    %barrier3A_64 = arith.constant 0 : index
    tpu.barrier barrier_id(%barrier3A_64)
    %mul3A_65 = arith.constant 10240 : i32
    %mul3A_66 = arith.muli %arg0, %mul3A_65 : i32
    %mul3A_67 = arith.constant 640 : i32
    %mul3A_68 = arith.muli %arg1, %mul3A_67 : i32
    %add3A_69 = arith.addi %mul3A_66, %mul3A_68 : i32
    %multiple_of3A_70 = tpu.assume_multiple %add3A_69, 8 : i32
    "tpu.region"() ({
      %run_scoped3A = tpu.sem_alloc : memref<!tpu.dma_semaphore, #tpu.memory_space<semaphore_mem>>
      %dma_start3A_71 = arith.constant 0 : i32
      %dma_start3A_72 = tpu.memref_slice %arg3[%multiple_of3A_70, %dma_start3A_71] : memref<20480x128xf32, #tpu.memory_space<hbm>> -> memref<640x128xf32, #tpu.memory_space<hbm>>
      %dma_start3A_73 = arith.constant 0 : i32
      %dma_start3A_74 = tpu.memref_slice %arg6[%multiple_of3A, %dma_start3A_73] : memref<10240x128xf32, #tpu.memory_space<vmem_shared>> -> memref<640x128xf32, #tpu.memory_space<vmem_shared>>
      tpu.enqueue_dma source(%dma_start3A_74 : memref<640x128xf32, #tpu.memory_space<vmem_shared>>) target(%dma_start3A_72 : memref<640x128xf32, #tpu.memory_space<hbm>>) target_semaphore(%run_scoped3A : memref<!tpu.dma_semaphore, #tpu.memory_space<semaphore_mem>>)
      %dma_wait3A_75 = arith.constant 0 : i32
      %dma_wait3A_76 = tpu.memref_slice %arg3[%multiple_of3A_70, %dma_wait3A_75] : memref<20480x128xf32, #tpu.memory_space<hbm>> -> memref<640x128xf32, #tpu.memory_space<hbm>>
      %dma_wait3A_77 = arith.constant 0 : i32
      %dma_wait3A_78 = tpu.memref_slice %arg6[%multiple_of3A, %dma_wait3A_77] : memref<10240x128xf32, #tpu.memory_space<vmem_shared>> -> memref<640x128xf32, #tpu.memory_space<vmem_shared>>
      tpu.wait_dma2 semaphore(%run_scoped3A : memref<!tpu.dma_semaphore, #tpu.memory_space<semaphore_mem>>) src(%dma_wait3A_78 : memref<640x128xf32, #tpu.memory_space<vmem_shared>>) dst(%dma_wait3A_76 : memref<640x128xf32, #tpu.memory_space<hbm>>)
      tpu.yield
    }) : () -> ()
    return
  }
}

#map = affine_map<(d0, d1) -> (0, 0)>
module attributes {stable_mosaic.version = 14 : i64} {
  func.func @_agg_body(%arg0: i32, %arg1: i32, %arg2: memref<10240x128xf32, #tpu.memory_space<hbm>>, %arg3: memref<2560x128xi32, #tpu.memory_space<hbm>>, %arg4: memref<2560x128xi32, #tpu.memory_space<hbm>>, %arg5: memref<20480x128xf32, #tpu.memory_space<hbm>>, %arg6: memref<40x128xi32, #tpu.memory_space<vmem>>, %arg7: memref<40x128xi32, #tpu.memory_space<vmem>>, %arg8: memref<2x128x128xf32, #tpu.memory_space<vmem>>, %arg9: memref<10240x128xf32, #tpu.memory_space<vmem_shared>>, %arg10: memref<!tpu.dma_semaphore, #tpu.memory_space<semaphore_mem>>, %arg11: memref<!tpu.dma_semaphore, #tpu.memory_space<semaphore_mem>>) attributes {dimension_semantics = [#tpu.dimension_semantics<core_parallel>, #tpu.dimension_semantics<subcore_parallel>], iteration_bounds = array<i64: 2, 16>, scalar_prefetch = 0 : i64, scratch_operands = 6 : i64, tpu.core_type = #tpu.core_type<sc_vector_subcore>, window_params = [{transform_indices = #map}, {transform_indices = #map}, {transform_indices = #map}, {transform_indices = #map}]} {
    %mul3A = arith.constant 2 : i32
    %mul3A_0 = arith.muli %arg1, %mul3A : i32
    %add3A = arith.addi %mul3A_0, %arg0 : i32
    %broadcast_in_dim3A = arith.constant 0.000000e+00 : f32
    %broadcast_in_dim3A_1 = vector.broadcast %broadcast_in_dim3A : f32 to vector<16xf32>
    %scan3A = arith.constant 0 : i32
    %scan3A_2 = arith.constant 0 : i32
    %scan3A_3 = arith.constant 0 : i32
    %scan3A_4 = arith.constant 128 : i32
    %scan3A_5 = arith.addi %scan3A_3, %scan3A_4 : i32
    %scan3A_6 = arith.constant 1 : i32
    %scan3A_7 = scf.for %scan3A_156 = %scan3A_3 to %scan3A_5 step %scan3A_6 iter_args(%scan3A_157 = %scan3A_2) -> (i32)  : i32 {
      %swap3A = arith.constant 0 : i32
      %swap3A_158 = arith.constant 0 : i32
      %swap3A_159 = tpu.memref_slice %arg8[%scan3A, %swap3A, %swap3A_158] : memref<2x128x128xf32, #tpu.memory_space<vmem>> -> memref<1x128x128xf32, #tpu.memory_space<vmem>>
      %swap3A_160 = tpu.memref_squeeze %swap3A_159 : memref<1x128x128xf32, #tpu.memory_space<vmem>> -> memref<128x128xf32, #tpu.memory_space<vmem>>
      %swap3A_161 = arith.index_cast %scan3A_156 : i32 to index
      %swap3A_162 = arith.constant 0 : index
      %swap3A_163 = tpu.vector_load %swap3A_160[%swap3A_161, %swap3A_162] {strides = array<i32>} : memref<128x128xf32, #tpu.memory_space<vmem>>, vector<1x16xf32>,
      %swap3A_164 = vector.shape_cast %swap3A_163 : vector<1x16xf32> to vector<16xf32>
      %swap3A_165 = vector.shape_cast %broadcast_in_dim3A_1 : vector<16xf32> to vector<1x16xf32>
      tpu.vector_store %swap3A_160[%swap3A_161, %swap3A_162], %swap3A_165 {strides = array<i32>} : memref<128x128xf32, #tpu.memory_space<vmem>>, vector<1x16xf32>,
      %swap3A_166 = arith.constant 0 : i32
      %swap3A_167 = arith.constant 0 : i32
      %swap3A_168 = tpu.memref_slice %arg8[%scan3A, %swap3A_166, %swap3A_167] : memref<2x128x128xf32, #tpu.memory_space<vmem>> -> memref<1x128x128xf32, #tpu.memory_space<vmem>>
      %swap3A_169 = tpu.memref_squeeze %swap3A_168 : memref<1x128x128xf32, #tpu.memory_space<vmem>> -> memref<128x128xf32, #tpu.memory_space<vmem>>
      %swap3A_170 = arith.index_cast %scan3A_156 : i32 to index
      %swap3A_171 = arith.constant 16 : index
      %swap3A_172 = tpu.vector_load %swap3A_169[%swap3A_170, %swap3A_171] {strides = array<i32>} : memref<128x128xf32, #tpu.memory_space<vmem>>, vector<1x16xf32>,
      %swap3A_173 = vector.shape_cast %swap3A_172 : vector<1x16xf32> to vector<16xf32>
      %swap3A_174 = vector.shape_cast %broadcast_in_dim3A_1 : vector<16xf32> to vector<1x16xf32>
      tpu.vector_store %swap3A_169[%swap3A_170, %swap3A_171], %swap3A_174 {strides = array<i32>} : memref<128x128xf32, #tpu.memory_space<vmem>>, vector<1x16xf32>,
      %swap3A_175 = arith.constant 0 : i32
      %swap3A_176 = arith.constant 0 : i32
      %swap3A_177 = tpu.memref_slice %arg8[%scan3A, %swap3A_175, %swap3A_176] : memref<2x128x128xf32, #tpu.memory_space<vmem>> -> memref<1x128x128xf32, #tpu.memory_space<vmem>>
      %swap3A_178 = tpu.memref_squeeze %swap3A_177 : memref<1x128x128xf32, #tpu.memory_space<vmem>> -> memref<128x128xf32, #tpu.memory_space<vmem>>
      %swap3A_179 = arith.index_cast %scan3A_156 : i32 to index
      %swap3A_180 = arith.constant 32 : index
      %swap3A_181 = tpu.vector_load %swap3A_178[%swap3A_179, %swap3A_180] {strides = array<i32>} : memref<128x128xf32, #tpu.memory_space<vmem>>, vector<1x16xf32>,
      %swap3A_182 = vector.shape_cast %swap3A_181 : vector<1x16xf32> to vector<16xf32>
      %swap3A_183 = vector.shape_cast %broadcast_in_dim3A_1 : vector<16xf32> to vector<1x16xf32>
      tpu.vector_store %swap3A_178[%swap3A_179, %swap3A_180], %swap3A_183 {strides = array<i32>} : memref<128x128xf32, #tpu.memory_space<vmem>>, vector<1x16xf32>,
      %swap3A_184 = arith.constant 0 : i32
      %swap3A_185 = arith.constant 0 : i32
      %swap3A_186 = tpu.memref_slice %arg8[%scan3A, %swap3A_184, %swap3A_185] : memref<2x128x128xf32, #tpu.memory_space<vmem>> -> memref<1x128x128xf32, #tpu.memory_space<vmem>>
      %swap3A_187 = tpu.memref_squeeze %swap3A_186 : memref<1x128x128xf32, #tpu.memory_space<vmem>> -> memref<128x128xf32, #tpu.memory_space<vmem>>
      %swap3A_188 = arith.index_cast %scan3A_156 : i32 to index
      %swap3A_189 = arith.constant 48 : index
      %swap3A_190 = tpu.vector_load %swap3A_187[%swap3A_188, %swap3A_189] {strides = array<i32>} : memref<128x128xf32, #tpu.memory_space<vmem>>, vector<1x16xf32>,
      %swap3A_191 = vector.shape_cast %swap3A_190 : vector<1x16xf32> to vector<16xf32>
      %swap3A_192 = vector.shape_cast %broadcast_in_dim3A_1 : vector<16xf32> to vector<1x16xf32>
      tpu.vector_store %swap3A_187[%swap3A_188, %swap3A_189], %swap3A_192 {strides = array<i32>} : memref<128x128xf32, #tpu.memory_space<vmem>>, vector<1x16xf32>,
      %swap3A_193 = arith.constant 0 : i32
      %swap3A_194 = arith.constant 0 : i32
      %swap3A_195 = tpu.memref_slice %arg8[%scan3A, %swap3A_193, %swap3A_194] : memref<2x128x128xf32, #tpu.memory_space<vmem>> -> memref<1x128x128xf32, #tpu.memory_space<vmem>>
      %swap3A_196 = tpu.memref_squeeze %swap3A_195 : memref<1x128x128xf32, #tpu.memory_space<vmem>> -> memref<128x128xf32, #tpu.memory_space<vmem>>
      %swap3A_197 = arith.index_cast %scan3A_156 : i32 to index
      %swap3A_198 = arith.constant 64 : index
      %swap3A_199 = tpu.vector_load %swap3A_196[%swap3A_197, %swap3A_198] {strides = array<i32>} : memref<128x128xf32, #tpu.memory_space<vmem>>, vector<1x16xf32>,
      %swap3A_200 = vector.shape_cast %swap3A_199 : vector<1x16xf32> to vector<16xf32>
      %swap3A_201 = vector.shape_cast %broadcast_in_dim3A_1 : vector<16xf32> to vector<1x16xf32>
      tpu.vector_store %swap3A_196[%swap3A_197, %swap3A_198], %swap3A_201 {strides = array<i32>} : memref<128x128xf32, #tpu.memory_space<vmem>>, vector<1x16xf32>,
      %swap3A_202 = arith.constant 0 : i32
      %swap3A_203 = arith.constant 0 : i32
      %swap3A_204 = tpu.memref_slice %arg8[%scan3A, %swap3A_202, %swap3A_203] : memref<2x128x128xf32, #tpu.memory_space<vmem>> -> memref<1x128x128xf32, #tpu.memory_space<vmem>>
      %swap3A_205 = tpu.memref_squeeze %swap3A_204 : memref<1x128x128xf32, #tpu.memory_space<vmem>> -> memref<128x128xf32, #tpu.memory_space<vmem>>
      %swap3A_206 = arith.index_cast %scan3A_156 : i32 to index
      %swap3A_207 = arith.constant 80 : index
      %swap3A_208 = tpu.vector_load %swap3A_205[%swap3A_206, %swap3A_207] {strides = array<i32>} : memref<128x128xf32, #tpu.memory_space<vmem>>, vector<1x16xf32>,
      %swap3A_209 = vector.shape_cast %swap3A_208 : vector<1x16xf32> to vector<16xf32>
      %swap3A_210 = vector.shape_cast %broadcast_in_dim3A_1 : vector<16xf32> to vector<1x16xf32>
      tpu.vector_store %swap3A_205[%swap3A_206, %swap3A_207], %swap3A_210 {strides = array<i32>} : memref<128x128xf32, #tpu.memory_space<vmem>>, vector<1x16xf32>,
      %swap3A_211 = arith.constant 0 : i32
      %swap3A_212 = arith.constant 0 : i32
      %swap3A_213 = tpu.memref_slice %arg8[%scan3A, %swap3A_211, %swap3A_212] : memref<2x128x128xf32, #tpu.memory_space<vmem>> -> memref<1x128x128xf32, #tpu.memory_space<vmem>>
      %swap3A_214 = tpu.memref_squeeze %swap3A_213 : memref<1x128x128xf32, #tpu.memory_space<vmem>> -> memref<128x128xf32, #tpu.memory_space<vmem>>
      %swap3A_215 = arith.index_cast %scan3A_156 : i32 to index
      %swap3A_216 = arith.constant 96 : index
      %swap3A_217 = tpu.vector_load %swap3A_214[%swap3A_215, %swap3A_216] {strides = array<i32>} : memref<128x128xf32, #tpu.memory_space<vmem>>, vector<1x16xf32>,
      %swap3A_218 = vector.shape_cast %swap3A_217 : vector<1x16xf32> to vector<16xf32>
      %swap3A_219 = vector.shape_cast %broadcast_in_dim3A_1 : vector<16xf32> to vector<1x16xf32>
      tpu.vector_store %swap3A_214[%swap3A_215, %swap3A_216], %swap3A_219 {strides = array<i32>} : memref<128x128xf32, #tpu.memory_space<vmem>>, vector<1x16xf32>,
      %swap3A_220 = arith.constant 0 : i32
      %swap3A_221 = arith.constant 0 : i32
      %swap3A_222 = tpu.memref_slice %arg8[%scan3A, %swap3A_220, %swap3A_221] : memref<2x128x128xf32, #tpu.memory_space<vmem>> -> memref<1x128x128xf32, #tpu.memory_space<vmem>>
      %swap3A_223 = tpu.memref_squeeze %swap3A_222 : memref<1x128x128xf32, #tpu.memory_space<vmem>> -> memref<128x128xf32, #tpu.memory_space<vmem>>
      %swap3A_224 = arith.index_cast %scan3A_156 : i32 to index
      %swap3A_225 = arith.constant 112 : index
      %swap3A_226 = tpu.vector_load %swap3A_223[%swap3A_224, %swap3A_225] {strides = array<i32>} : memref<128x128xf32, #tpu.memory_space<vmem>>, vector<1x16xf32>,
      %swap3A_227 = vector.shape_cast %swap3A_226 : vector<1x16xf32> to vector<16xf32>
      %swap3A_228 = vector.shape_cast %broadcast_in_dim3A_1 : vector<16xf32> to vector<1x16xf32>
      tpu.vector_store %swap3A_223[%swap3A_224, %swap3A_225], %swap3A_228 {strides = array<i32>} : memref<128x128xf32, #tpu.memory_space<vmem>>, vector<1x16xf32>,
      %scan3A_229 = arith.constant 0 : i32
      scf.yield %scan3A_229 : i32
    }
    %scan3A_8 = arith.constant 128 : i32
    %mul3A_9 = arith.constant 640 : i32
    %mul3A_10 = arith.muli %arg1, %mul3A_9 : i32
    %multiple_of3A = tpu.assume_multiple %mul3A_10, 8 : i32
    %add3A_11 = arith.constant 0 : i32
    %add3A_12 = arith.addi %multiple_of3A, %add3A_11 : i32
    %run_scoped3A = arith.constant 0 : i32
    "tpu.region"() ({
      %run_scoped3A_156 = tpu.sem_alloc : memref<!tpu.dma_semaphore, #tpu.memory_space<semaphore_mem>>
      %dma_start3A_157 = arith.constant 0 : i32
      %dma_start3A_158 = arith.constant 0 : i32
      %dma_start3A_159 = tpu.memref_slice %arg8[%run_scoped3A, %dma_start3A_157, %dma_start3A_158] : memref<2x128x128xf32, #tpu.memory_space<vmem>> -> memref<1x128x128xf32, #tpu.memory_space<vmem>>
      %dma_start3A_160 = tpu.memref_squeeze %dma_start3A_159 : memref<1x128x128xf32, #tpu.memory_space<vmem>> -> memref<128x128xf32, #tpu.memory_space<vmem>>
      %dma_start3A_161 = arith.constant 0 : i32
      %dma_start3A_162 = tpu.memref_slice %arg9[%add3A_12, %dma_start3A_161] : memref<10240x128xf32, #tpu.memory_space<vmem_shared>> -> memref<128x128xf32, #tpu.memory_space<vmem_shared>>
      %dma_start3A_163 = arith.constant 0 : i32
      %dma_start3A_164 = tpu.memref_slice %arg9[%add3A_12, %dma_start3A_163] : memref<10240x128xf32, #tpu.memory_space<vmem_shared>> -> memref<128x128xf32, #tpu.memory_space<vmem_shared>>
      %dma_start3A_165 = arith.constant 0 : i32
      %dma_start3A_166 = arith.constant 0 : i32
      %dma_start3A_167 = tpu.memref_slice %arg8[%run_scoped3A, %dma_start3A_165, %dma_start3A_166] : memref<2x128x128xf32, #tpu.memory_space<vmem>> -> memref<1x128x128xf32, #tpu.memory_space<vmem>>
      %dma_start3A_168 = tpu.memref_squeeze %dma_start3A_167 : memref<1x128x128xf32, #tpu.memory_space<vmem>> -> memref<128x128xf32, #tpu.memory_space<vmem>>
      tpu.enqueue_dma source(%dma_start3A_168 : memref<128x128xf32, #tpu.memory_space<vmem>>) target(%dma_start3A_164 : memref<128x128xf32, #tpu.memory_space<vmem_shared>>) target_semaphore(%run_scoped3A_156 : memref<!tpu.dma_semaphore, #tpu.memory_space<semaphore_mem>>)
      %dma_wait3A_169 = arith.constant 0 : i32
      %dma_wait3A_170 = arith.constant 0 : i32
      %dma_wait3A_171 = tpu.memref_slice %arg8[%run_scoped3A, %dma_wait3A_169, %dma_wait3A_170] : memref<2x128x128xf32, #tpu.memory_space<vmem>> -> memref<1x128x128xf32, #tpu.memory_space<vmem>>
      %dma_wait3A_172 = tpu.memref_squeeze %dma_wait3A_171 : memref<1x128x128xf32, #tpu.memory_space<vmem>> -> memref<128x128xf32, #tpu.memory_space<vmem>>
      %dma_wait3A_173 = arith.constant 0 : i32
      %dma_wait3A_174 = tpu.memref_slice %arg9[%add3A_12, %dma_wait3A_173] : memref<10240x128xf32, #tpu.memory_space<vmem_shared>> -> memref<128x128xf32, #tpu.memory_space<vmem_shared>>
      %dma_wait3A_175 = arith.constant 0 : i32
      %dma_wait3A_176 = tpu.memref_slice %arg9[%add3A_12, %dma_wait3A_175] : memref<10240x128xf32, #tpu.memory_space<vmem_shared>> -> memref<128x128xf32, #tpu.memory_space<vmem_shared>>
      %dma_wait3A_177 = arith.constant 0 : i32
      %dma_wait3A_178 = arith.constant 0 : i32
      %dma_wait3A_179 = tpu.memref_slice %arg8[%run_scoped3A, %dma_wait3A_177, %dma_wait3A_178] : memref<2x128x128xf32, #tpu.memory_space<vmem>> -> memref<1x128x128xf32, #tpu.memory_space<vmem>>
      %dma_wait3A_180 = tpu.memref_squeeze %dma_wait3A_179 : memref<1x128x128xf32, #tpu.memory_space<vmem>> -> memref<128x128xf32, #tpu.memory_space<vmem>>
      tpu.wait_dma2 semaphore(%run_scoped3A_156 : memref<!tpu.dma_semaphore, #tpu.memory_space<semaphore_mem>>) src(%dma_wait3A_180 : memref<128x128xf32, #tpu.memory_space<vmem>>) dst(%dma_wait3A_176 : memref<128x128xf32, #tpu.memory_space<vmem_shared>>)
      tpu.yield
    }) : () -> ()
    %add3A_13 = arith.constant 128 : i32
    %add3A_14 = arith.addi %multiple_of3A, %add3A_13 : i32
    %run_scoped3A_15 = arith.constant 0 : i32
    "tpu.region"() ({
      %run_scoped3A_156 = tpu.sem_alloc : memref<!tpu.dma_semaphore, #tpu.memory_space<semaphore_mem>>
      %dma_start3A_157 = arith.constant 0 : i32
      %dma_start3A_158 = arith.constant 0 : i32
      %dma_start3A_159 = tpu.memref_slice %arg8[%run_scoped3A_15, %dma_start3A_157, %dma_start3A_158] : memref<2x128x128xf32, #tpu.memory_space<vmem>> -> memref<1x128x128xf32, #tpu.memory_space<vmem>>
      %dma_start3A_160 = tpu.memref_squeeze %dma_start3A_159 : memref<1x128x128xf32, #tpu.memory_space<vmem>> -> memref<128x128xf32, #tpu.memory_space<vmem>>
      %dma_start3A_161 = arith.constant 0 : i32
      %dma_start3A_162 = tpu.memref_slice %arg9[%add3A_14, %dma_start3A_161] : memref<10240x128xf32, #tpu.memory_space<vmem_shared>> -> memref<128x128xf32, #tpu.memory_space<vmem_shared>>
      %dma_start3A_163 = arith.constant 0 : i32
      %dma_start3A_164 = tpu.memref_slice %arg9[%add3A_14, %dma_start3A_163] : memref<10240x128xf32, #tpu.memory_space<vmem_shared>> -> memref<128x128xf32, #tpu.memory_space<vmem_shared>>
      %dma_start3A_165 = arith.constant 0 : i32
      %dma_start3A_166 = arith.constant 0 : i32
      %dma_start3A_167 = tpu.memref_slice %arg8[%run_scoped3A_15, %dma_start3A_165, %dma_start3A_166] : memref<2x128x128xf32, #tpu.memory_space<vmem>> -> memref<1x128x128xf32, #tpu.memory_space<vmem>>
      %dma_start3A_168 = tpu.memref_squeeze %dma_start3A_167 : memref<1x128x128xf32, #tpu.memory_space<vmem>> -> memref<128x128xf32, #tpu.memory_space<vmem>>
      tpu.enqueue_dma source(%dma_start3A_168 : memref<128x128xf32, #tpu.memory_space<vmem>>) target(%dma_start3A_164 : memref<128x128xf32, #tpu.memory_space<vmem_shared>>) target_semaphore(%run_scoped3A_156 : memref<!tpu.dma_semaphore, #tpu.memory_space<semaphore_mem>>)
      %dma_wait3A_169 = arith.constant 0 : i32
      %dma_wait3A_170 = arith.constant 0 : i32
      %dma_wait3A_171 = tpu.memref_slice %arg8[%run_scoped3A_15, %dma_wait3A_169, %dma_wait3A_170] : memref<2x128x128xf32, #tpu.memory_space<vmem>> -> memref<1x128x128xf32, #tpu.memory_space<vmem>>
      %dma_wait3A_172 = tpu.memref_squeeze %dma_wait3A_171 : memref<1x128x128xf32, #tpu.memory_space<vmem>> -> memref<128x128xf32, #tpu.memory_space<vmem>>
      %dma_wait3A_173 = arith.constant 0 : i32
      %dma_wait3A_174 = tpu.memref_slice %arg9[%add3A_14, %dma_wait3A_173] : memref<10240x128xf32, #tpu.memory_space<vmem_shared>> -> memref<128x128xf32, #tpu.memory_space<vmem_shared>>
      %dma_wait3A_175 = arith.constant 0 : i32
      %dma_wait3A_176 = tpu.memref_slice %arg9[%add3A_14, %dma_wait3A_175] : memref<10240x128xf32, #tpu.memory_space<vmem_shared>> -> memref<128x128xf32, #tpu.memory_space<vmem_shared>>
      %dma_wait3A_177 = arith.constant 0 : i32
      %dma_wait3A_178 = arith.constant 0 : i32
      %dma_wait3A_179 = tpu.memref_slice %arg8[%run_scoped3A_15, %dma_wait3A_177, %dma_wait3A_178] : memref<2x128x128xf32, #tpu.memory_space<vmem>> -> memref<1x128x128xf32, #tpu.memory_space<vmem>>
      %dma_wait3A_180 = tpu.memref_squeeze %dma_wait3A_179 : memref<1x128x128xf32, #tpu.memory_space<vmem>> -> memref<128x128xf32, #tpu.memory_space<vmem>>
      tpu.wait_dma2 semaphore(%run_scoped3A_156 : memref<!tpu.dma_semaphore, #tpu.memory_space<semaphore_mem>>) src(%dma_wait3A_180 : memref<128x128xf32, #tpu.memory_space<vmem>>) dst(%dma_wait3A_176 : memref<128x128xf32, #tpu.memory_space<vmem_shared>>)
      tpu.yield
    }) : () -> ()
    %add3A_16 = arith.constant 256 : i32
    %add3A_17 = arith.addi %multiple_of3A, %add3A_16 : i32
    %run_scoped3A_18 = arith.constant 0 : i32
    "tpu.region"() ({
      %run_scoped3A_156 = tpu.sem_alloc : memref<!tpu.dma_semaphore, #tpu.memory_space<semaphore_mem>>
      %dma_start3A_157 = arith.constant 0 : i32
      %dma_start3A_158 = arith.constant 0 : i32
      %dma_start3A_159 = tpu.memref_slice %arg8[%run_scoped3A_18, %dma_start3A_157, %dma_start3A_158] : memref<2x128x128xf32, #tpu.memory_space<vmem>> -> memref<1x128x128xf32, #tpu.memory_space<vmem>>
      %dma_start3A_160 = tpu.memref_squeeze %dma_start3A_159 : memref<1x128x128xf32, #tpu.memory_space<vmem>> -> memref<128x128xf32, #tpu.memory_space<vmem>>
      %dma_start3A_161 = arith.constant 0 : i32
      %dma_start3A_162 = tpu.memref_slice %arg9[%add3A_17, %dma_start3A_161] : memref<10240x128xf32, #tpu.memory_space<vmem_shared>> -> memref<128x128xf32, #tpu.memory_space<vmem_shared>>
      %dma_start3A_163 = arith.constant 0 : i32
      %dma_start3A_164 = tpu.memref_slice %arg9[%add3A_17, %dma_start3A_163] : memref<10240x128xf32, #tpu.memory_space<vmem_shared>> -> memref<128x128xf32, #tpu.memory_space<vmem_shared>>
      %dma_start3A_165 = arith.constant 0 : i32
      %dma_start3A_166 = arith.constant 0 : i32
      %dma_start3A_167 = tpu.memref_slice %arg8[%run_scoped3A_18, %dma_start3A_165, %dma_start3A_166] : memref<2x128x128xf32, #tpu.memory_space<vmem>> -> memref<1x128x128xf32, #tpu.memory_space<vmem>>
      %dma_start3A_168 = tpu.memref_squeeze %dma_start3A_167 : memref<1x128x128xf32, #tpu.memory_space<vmem>> -> memref<128x128xf32, #tpu.memory_space<vmem>>
      tpu.enqueue_dma source(%dma_start3A_168 : memref<128x128xf32, #tpu.memory_space<vmem>>) target(%dma_start3A_164 : memref<128x128xf32, #tpu.memory_space<vmem_shared>>) target_semaphore(%run_scoped3A_156 : memref<!tpu.dma_semaphore, #tpu.memory_space<semaphore_mem>>)
      %dma_wait3A_169 = arith.constant 0 : i32
      %dma_wait3A_170 = arith.constant 0 : i32
      %dma_wait3A_171 = tpu.memref_slice %arg8[%run_scoped3A_18, %dma_wait3A_169, %dma_wait3A_170] : memref<2x128x128xf32, #tpu.memory_space<vmem>> -> memref<1x128x128xf32, #tpu.memory_space<vmem>>
      %dma_wait3A_172 = tpu.memref_squeeze %dma_wait3A_171 : memref<1x128x128xf32, #tpu.memory_space<vmem>> -> memref<128x128xf32, #tpu.memory_space<vmem>>
      %dma_wait3A_173 = arith.constant 0 : i32
      %dma_wait3A_174 = tpu.memref_slice %arg9[%add3A_17, %dma_wait3A_173] : memref<10240x128xf32, #tpu.memory_space<vmem_shared>> -> memref<128x128xf32, #tpu.memory_space<vmem_shared>>
      %dma_wait3A_175 = arith.constant 0 : i32
      %dma_wait3A_176 = tpu.memref_slice %arg9[%add3A_17, %dma_wait3A_175] : memref<10240x128xf32, #tpu.memory_space<vmem_shared>> -> memref<128x128xf32, #tpu.memory_space<vmem_shared>>
      %dma_wait3A_177 = arith.constant 0 : i32
      %dma_wait3A_178 = arith.constant 0 : i32
      %dma_wait3A_179 = tpu.memref_slice %arg8[%run_scoped3A_18, %dma_wait3A_177, %dma_wait3A_178] : memref<2x128x128xf32, #tpu.memory_space<vmem>> -> memref<1x128x128xf32, #tpu.memory_space<vmem>>
      %dma_wait3A_180 = tpu.memref_squeeze %dma_wait3A_179 : memref<1x128x128xf32, #tpu.memory_space<vmem>> -> memref<128x128xf32, #tpu.memory_space<vmem>>
      tpu.wait_dma2 semaphore(%run_scoped3A_156 : memref<!tpu.dma_semaphore, #tpu.memory_space<semaphore_mem>>) src(%dma_wait3A_180 : memref<128x128xf32, #tpu.memory_space<vmem>>) dst(%dma_wait3A_176 : memref<128x128xf32, #tpu.memory_space<vmem_shared>>)
      tpu.yield
    }) : () -> ()
    %add3A_19 = arith.constant 384 : i32
    %add3A_20 = arith.addi %multiple_of3A, %add3A_19 : i32
    %run_scoped3A_21 = arith.constant 0 : i32
    "tpu.region"() ({
      %run_scoped3A_156 = tpu.sem_alloc : memref<!tpu.dma_semaphore, #tpu.memory_space<semaphore_mem>>
      %dma_start3A_157 = arith.constant 0 : i32
      %dma_start3A_158 = arith.constant 0 : i32
      %dma_start3A_159 = tpu.memref_slice %arg8[%run_scoped3A_21, %dma_start3A_157, %dma_start3A_158] : memref<2x128x128xf32, #tpu.memory_space<vmem>> -> memref<1x128x128xf32, #tpu.memory_space<vmem>>
      %dma_start3A_160 = tpu.memref_squeeze %dma_start3A_159 : memref<1x128x128xf32, #tpu.memory_space<vmem>> -> memref<128x128xf32, #tpu.memory_space<vmem>>
      %dma_start3A_161 = arith.constant 0 : i32
      %dma_start3A_162 = tpu.memref_slice %arg9[%add3A_20, %dma_start3A_161] : memref<10240x128xf32, #tpu.memory_space<vmem_shared>> -> memref<128x128xf32, #tpu.memory_space<vmem_shared>>
      %dma_start3A_163 = arith.constant 0 : i32
      %dma_start3A_164 = tpu.memref_slice %arg9[%add3A_20, %dma_start3A_163] : memref<10240x128xf32, #tpu.memory_space<vmem_shared>> -> memref<128x128xf32, #tpu.memory_space<vmem_shared>>
      %dma_start3A_165 = arith.constant 0 : i32
      %dma_start3A_166 = arith.constant 0 : i32
      %dma_start3A_167 = tpu.memref_slice %arg8[%run_scoped3A_21, %dma_start3A_165, %dma_start3A_166] : memref<2x128x128xf32, #tpu.memory_space<vmem>> -> memref<1x128x128xf32, #tpu.memory_space<vmem>>
      %dma_start3A_168 = tpu.memref_squeeze %dma_start3A_167 : memref<1x128x128xf32, #tpu.memory_space<vmem>> -> memref<128x128xf32, #tpu.memory_space<vmem>>
      tpu.enqueue_dma source(%dma_start3A_168 : memref<128x128xf32, #tpu.memory_space<vmem>>) target(%dma_start3A_164 : memref<128x128xf32, #tpu.memory_space<vmem_shared>>) target_semaphore(%run_scoped3A_156 : memref<!tpu.dma_semaphore, #tpu.memory_space<semaphore_mem>>)
      %dma_wait3A_169 = arith.constant 0 : i32
      %dma_wait3A_170 = arith.constant 0 : i32
      %dma_wait3A_171 = tpu.memref_slice %arg8[%run_scoped3A_21, %dma_wait3A_169, %dma_wait3A_170] : memref<2x128x128xf32, #tpu.memory_space<vmem>> -> memref<1x128x128xf32, #tpu.memory_space<vmem>>
      %dma_wait3A_172 = tpu.memref_squeeze %dma_wait3A_171 : memref<1x128x128xf32, #tpu.memory_space<vmem>> -> memref<128x128xf32, #tpu.memory_space<vmem>>
      %dma_wait3A_173 = arith.constant 0 : i32
      %dma_wait3A_174 = tpu.memref_slice %arg9[%add3A_20, %dma_wait3A_173] : memref<10240x128xf32, #tpu.memory_space<vmem_shared>> -> memref<128x128xf32, #tpu.memory_space<vmem_shared>>
      %dma_wait3A_175 = arith.constant 0 : i32
      %dma_wait3A_176 = tpu.memref_slice %arg9[%add3A_20, %dma_wait3A_175] : memref<10240x128xf32, #tpu.memory_space<vmem_shared>> -> memref<128x128xf32, #tpu.memory_space<vmem_shared>>
      %dma_wait3A_177 = arith.constant 0 : i32
      %dma_wait3A_178 = arith.constant 0 : i32
      %dma_wait3A_179 = tpu.memref_slice %arg8[%run_scoped3A_21, %dma_wait3A_177, %dma_wait3A_178] : memref<2x128x128xf32, #tpu.memory_space<vmem>> -> memref<1x128x128xf32, #tpu.memory_space<vmem>>
      %dma_wait3A_180 = tpu.memref_squeeze %dma_wait3A_179 : memref<1x128x128xf32, #tpu.memory_space<vmem>> -> memref<128x128xf32, #tpu.memory_space<vmem>>
      tpu.wait_dma2 semaphore(%run_scoped3A_156 : memref<!tpu.dma_semaphore, #tpu.memory_space<semaphore_mem>>) src(%dma_wait3A_180 : memref<128x128xf32, #tpu.memory_space<vmem>>) dst(%dma_wait3A_176 : memref<128x128xf32, #tpu.memory_space<vmem_shared>>)
      tpu.yield
    }) : () -> ()
    %add3A_22 = arith.constant 512 : i32
    %add3A_23 = arith.addi %multiple_of3A, %add3A_22 : i32
    %run_scoped3A_24 = arith.constant 0 : i32
    "tpu.region"() ({
      %run_scoped3A_156 = tpu.sem_alloc : memref<!tpu.dma_semaphore, #tpu.memory_space<semaphore_mem>>
      %dma_start3A_157 = arith.constant 0 : i32
      %dma_start3A_158 = arith.constant 0 : i32
      %dma_start3A_159 = tpu.memref_slice %arg8[%run_scoped3A_24, %dma_start3A_157, %dma_start3A_158] : memref<2x128x128xf32, #tpu.memory_space<vmem>> -> memref<1x128x128xf32, #tpu.memory_space<vmem>>
      %dma_start3A_160 = tpu.memref_squeeze %dma_start3A_159 : memref<1x128x128xf32, #tpu.memory_space<vmem>> -> memref<128x128xf32, #tpu.memory_space<vmem>>
      %dma_start3A_161 = arith.constant 0 : i32
      %dma_start3A_162 = tpu.memref_slice %arg9[%add3A_23, %dma_start3A_161] : memref<10240x128xf32, #tpu.memory_space<vmem_shared>> -> memref<128x128xf32, #tpu.memory_space<vmem_shared>>
      %dma_start3A_163 = arith.constant 0 : i32
      %dma_start3A_164 = tpu.memref_slice %arg9[%add3A_23, %dma_start3A_163] : memref<10240x128xf32, #tpu.memory_space<vmem_shared>> -> memref<128x128xf32, #tpu.memory_space<vmem_shared>>
      %dma_start3A_165 = arith.constant 0 : i32
      %dma_start3A_166 = arith.constant 0 : i32
      %dma_start3A_167 = tpu.memref_slice %arg8[%run_scoped3A_24, %dma_start3A_165, %dma_start3A_166] : memref<2x128x128xf32, #tpu.memory_space<vmem>> -> memref<1x128x128xf32, #tpu.memory_space<vmem>>
      %dma_start3A_168 = tpu.memref_squeeze %dma_start3A_167 : memref<1x128x128xf32, #tpu.memory_space<vmem>> -> memref<128x128xf32, #tpu.memory_space<vmem>>
      tpu.enqueue_dma source(%dma_start3A_168 : memref<128x128xf32, #tpu.memory_space<vmem>>) target(%dma_start3A_164 : memref<128x128xf32, #tpu.memory_space<vmem_shared>>) target_semaphore(%run_scoped3A_156 : memref<!tpu.dma_semaphore, #tpu.memory_space<semaphore_mem>>)
      %dma_wait3A_169 = arith.constant 0 : i32
      %dma_wait3A_170 = arith.constant 0 : i32
      %dma_wait3A_171 = tpu.memref_slice %arg8[%run_scoped3A_24, %dma_wait3A_169, %dma_wait3A_170] : memref<2x128x128xf32, #tpu.memory_space<vmem>> -> memref<1x128x128xf32, #tpu.memory_space<vmem>>
      %dma_wait3A_172 = tpu.memref_squeeze %dma_wait3A_171 : memref<1x128x128xf32, #tpu.memory_space<vmem>> -> memref<128x128xf32, #tpu.memory_space<vmem>>
      %dma_wait3A_173 = arith.constant 0 : i32
      %dma_wait3A_174 = tpu.memref_slice %arg9[%add3A_23, %dma_wait3A_173] : memref<10240x128xf32, #tpu.memory_space<vmem_shared>> -> memref<128x128xf32, #tpu.memory_space<vmem_shared>>
      %dma_wait3A_175 = arith.constant 0 : i32
      %dma_wait3A_176 = tpu.memref_slice %arg9[%add3A_23, %dma_wait3A_175] : memref<10240x128xf32, #tpu.memory_space<vmem_shared>> -> memref<128x128xf32, #tpu.memory_space<vmem_shared>>
      %dma_wait3A_177 = arith.constant 0 : i32
      %dma_wait3A_178 = arith.constant 0 : i32
      %dma_wait3A_179 = tpu.memref_slice %arg8[%run_scoped3A_24, %dma_wait3A_177, %dma_wait3A_178] : memref<2x128x128xf32, #tpu.memory_space<vmem>> -> memref<1x128x128xf32, #tpu.memory_space<vmem>>
      %dma_wait3A_180 = tpu.memref_squeeze %dma_wait3A_179 : memref<1x128x128xf32, #tpu.memory_space<vmem>> -> memref<128x128xf32, #tpu.memory_space<vmem>>
      tpu.wait_dma2 semaphore(%run_scoped3A_156 : memref<!tpu.dma_semaphore, #tpu.memory_space<semaphore_mem>>) src(%dma_wait3A_180 : memref<128x128xf32, #tpu.memory_space<vmem>>) dst(%dma_wait3A_176 : memref<128x128xf32, #tpu.memory_space<vmem_shared>>)
      tpu.yield
    }) : () -> ()
    %barrier3A = arith.constant 0 : index
    tpu.barrier barrier_id(%barrier3A)
    %mul3A_25 = arith.constant 80 : i32
    %mul3A_26 = arith.muli %add3A, %mul3A_25 : i32
    %add3A_27 = arith.constant 0 : i32
    %add3A_28 = arith.addi %mul3A_26, %add3A_27 : i32
    "tpu.region"() ({
      %run_scoped3A_156 = tpu.sem_alloc : memref<!tpu.dma_semaphore, #tpu.memory_space<semaphore_mem>>
      %dma_start3A_157 = arith.constant 0 : i32
      %dma_start3A_158 = tpu.memref_slice %arg3[%add3A_28, %dma_start3A_157] : memref<2560x128xi32, #tpu.memory_space<hbm>> -> memref<40x128xi32, #tpu.memory_space<hbm>>
      %dma_start3A_159 = arith.constant 0 : i32
      %dma_start3A_160 = tpu.memref_slice %arg3[%add3A_28, %dma_start3A_159] : memref<2560x128xi32, #tpu.memory_space<hbm>> -> memref<40x128xi32, #tpu.memory_space<hbm>>
      tpu.enqueue_dma source(%dma_start3A_160 : memref<40x128xi32, #tpu.memory_space<hbm>>) target(%arg6 : memref<40x128xi32, #tpu.memory_space<vmem>>) target_semaphore(%run_scoped3A_156 : memref<!tpu.dma_semaphore, #tpu.memory_space<semaphore_mem>>)
      %dma_wait3A_161 = arith.constant 0 : i32
      %dma_wait3A_162 = tpu.memref_slice %arg3[%add3A_28, %dma_wait3A_161] : memref<2560x128xi32, #tpu.memory_space<hbm>> -> memref<40x128xi32, #tpu.memory_space<hbm>>
      %dma_wait3A_163 = arith.constant 0 : i32
      %dma_wait3A_164 = tpu.memref_slice %arg3[%add3A_28, %dma_wait3A_163] : memref<2560x128xi32, #tpu.memory_space<hbm>> -> memref<40x128xi32, #tpu.memory_space<hbm>>
      tpu.wait_dma2 semaphore(%run_scoped3A_156 : memref<!tpu.dma_semaphore, #tpu.memory_space<semaphore_mem>>) src(%dma_wait3A_164 : memref<40x128xi32, #tpu.memory_space<hbm>>) dst(%arg6 : memref<40x128xi32, #tpu.memory_space<vmem>>)
      tpu.yield
    }) : () -> ()
    "tpu.region"() ({
      %run_scoped3A_156 = tpu.sem_alloc : memref<!tpu.dma_semaphore, #tpu.memory_space<semaphore_mem>>
      %dma_start3A_157 = arith.constant 0 : i32
      %dma_start3A_158 = tpu.memref_slice %arg4[%add3A_28, %dma_start3A_157] : memref<2560x128xi32, #tpu.memory_space<hbm>> -> memref<40x128xi32, #tpu.memory_space<hbm>>
      %dma_start3A_159 = arith.constant 0 : i32
      %dma_start3A_160 = tpu.memref_slice %arg4[%add3A_28, %dma_start3A_159] : memref<2560x128xi32, #tpu.memory_space<hbm>> -> memref<40x128xi32, #tpu.memory_space<hbm>>
      tpu.enqueue_dma source(%dma_start3A_160 : memref<40x128xi32, #tpu.memory_space<hbm>>) target(%arg7 : memref<40x128xi32, #tpu.memory_space<vmem>>) target_semaphore(%run_scoped3A_156 : memref<!tpu.dma_semaphore, #tpu.memory_space<semaphore_mem>>)
      %dma_wait3A_161 = arith.constant 0 : i32
      %dma_wait3A_162 = tpu.memref_slice %arg4[%add3A_28, %dma_wait3A_161] : memref<2560x128xi32, #tpu.memory_space<hbm>> -> memref<40x128xi32, #tpu.memory_space<hbm>>
      %dma_wait3A_163 = arith.constant 0 : i32
      %dma_wait3A_164 = tpu.memref_slice %arg4[%add3A_28, %dma_wait3A_163] : memref<2560x128xi32, #tpu.memory_space<hbm>> -> memref<40x128xi32, #tpu.memory_space<hbm>>
      tpu.wait_dma2 semaphore(%run_scoped3A_156 : memref<!tpu.dma_semaphore, #tpu.memory_space<semaphore_mem>>) src(%dma_wait3A_164 : memref<40x128xi32, #tpu.memory_space<hbm>>) dst(%arg7 : memref<40x128xi32, #tpu.memory_space<vmem>>)
      tpu.yield
    }) : () -> ()
    %dma_start3A = arith.constant 0 : i32
    %dma_start3A_29 = arith.constant 0 : i32
    %dma_start3A_30 = arith.constant 0 : i32
    %dma_start3A_31 = arith.constant 0 : i32
    %dma_start3A_32 = tpu.memref_slice %arg8[%dma_start3A_29, %dma_start3A_30, %dma_start3A_31] : memref<2x128x128xf32, #tpu.memory_space<vmem>> -> memref<1x128x128xf32, #tpu.memory_space<vmem>>
    %dma_start3A_33 = tpu.memref_squeeze %dma_start3A_32 : memref<1x128x128xf32, #tpu.memory_space<vmem>> -> memref<128x128xf32, #tpu.memory_space<vmem>>
    %dma_start3A_34 = arith.constant 0 : i32
    %dma_start3A_35 = tpu.memref_slice %arg6[%dma_start3A, %dma_start3A_34] : memref<40x128xi32, #tpu.memory_space<vmem>> -> memref<1x128xi32, #tpu.memory_space<vmem>>
    %dma_start3A_36 = tpu.memref_squeeze %dma_start3A_35 : memref<1x128xi32, #tpu.memory_space<vmem>> -> memref<128xi32, #tpu.memory_space<vmem>>
    %dma_start3A_37 = arith.constant 0 : i32
    %dma_start3A_38 = arith.constant 0 : i32
    %dma_start3A_39 = tpu.memref_slice %arg2[%dma_start3A_37, %dma_start3A_38] : memref<10240x128xf32, #tpu.memory_space<hbm>> -> memref<10240x128xf32, #tpu.memory_space<hbm>>
    tpu.enqueue_indirect_dma source(%dma_start3A_39 : memref<10240x128xf32, #tpu.memory_space<hbm>>) target(%dma_start3A_33 : memref<128x128xf32, #tpu.memory_space<vmem>>) offsets(%dma_start3A_36 : memref<128xi32, #tpu.memory_space<vmem>>) semaphore(%arg10 : memref<!tpu.dma_semaphore, #tpu.memory_space<semaphore_mem>>)
    %dma_start3A_40 = arith.constant 1 : i32
    %dma_start3A_41 = arith.constant 1 : i32
    %dma_start3A_42 = arith.constant 0 : i32
    %dma_start3A_43 = arith.constant 0 : i32
    %dma_start3A_44 = tpu.memref_slice %arg8[%dma_start3A_41, %dma_start3A_42, %dma_start3A_43] : memref<2x128x128xf32, #tpu.memory_space<vmem>> -> memref<1x128x128xf32, #tpu.memory_space<vmem>>
    %dma_start3A_45 = tpu.memref_squeeze %dma_start3A_44 : memref<1x128x128xf32, #tpu.memory_space<vmem>> -> memref<128x128xf32, #tpu.memory_space<vmem>>
    %dma_start3A_46 = arith.constant 0 : i32
    %dma_start3A_47 = tpu.memref_slice %arg6[%dma_start3A_40, %dma_start3A_46] : memref<40x128xi32, #tpu.memory_space<vmem>> -> memref<1x128xi32, #tpu.memory_space<vmem>>
    %dma_start3A_48 = tpu.memref_squeeze %dma_start3A_47 : memref<1x128xi32, #tpu.memory_space<vmem>> -> memref<128xi32, #tpu.memory_space<vmem>>
    %dma_start3A_49 = arith.constant 0 : i32
    %dma_start3A_50 = arith.constant 0 : i32
    %dma_start3A_51 = tpu.memref_slice %arg2[%dma_start3A_49, %dma_start3A_50] : memref<10240x128xf32, #tpu.memory_space<hbm>> -> memref<10240x128xf32, #tpu.memory_space<hbm>>
    tpu.enqueue_indirect_dma source(%dma_start3A_51 : memref<10240x128xf32, #tpu.memory_space<hbm>>) target(%dma_start3A_45 : memref<128x128xf32, #tpu.memory_space<vmem>>) offsets(%dma_start3A_48 : memref<128xi32, #tpu.memory_space<vmem>>) semaphore(%arg11 : memref<!tpu.dma_semaphore, #tpu.memory_space<semaphore_mem>>)
    %scan3A_52 = arith.constant 0 : i32
    %scan3A_53 = arith.constant 0 : i32
    %scan3A_54 = arith.constant 19 : i32
    %scan3A_55 = arith.addi %scan3A_53, %scan3A_54 : i32
    %scan3A_56 = arith.constant 1 : i32
    %scan3A_57 = scf.for %scan3A_156 = %scan3A_53 to %scan3A_55 step %scan3A_56 iter_args(%scan3A_157 = %scan3A_52) -> (i32)  : i32 {
      %mul3A_158 = arith.constant 2 : i32
      %mul3A_159 = arith.muli %scan3A_156, %mul3A_158 : i32
      %add3A_160 = arith.constant 0 : i32
      %add3A_161 = arith.addi %mul3A_159, %add3A_160 : i32
      %dma_wait3A_162 = arith.constant 0 : i32
      %dma_wait3A_163 = arith.constant 0 : i32
      %dma_wait3A_164 = arith.constant 0 : i32
      %dma_wait3A_165 = tpu.memref_slice %arg8[%dma_wait3A_162, %dma_wait3A_163, %dma_wait3A_164] : memref<2x128x128xf32, #tpu.memory_space<vmem>> -> memref<1x128x128xf32, #tpu.memory_space<vmem>>
      %dma_wait3A_166 = tpu.memref_squeeze %dma_wait3A_165 : memref<1x128x128xf32, #tpu.memory_space<vmem>> -> memref<128x128xf32, #tpu.memory_space<vmem>>
      %dma_wait3A_167 = arith.constant 0 : i32
      %dma_wait3A_168 = tpu.memref_slice %arg6[%add3A_161, %dma_wait3A_167] : memref<40x128xi32, #tpu.memory_space<vmem>> -> memref<1x128xi32, #tpu.memory_space<vmem>>
      %dma_wait3A_169 = tpu.memref_squeeze %dma_wait3A_168 : memref<1x128xi32, #tpu.memory_space<vmem>> -> memref<128xi32, #tpu.memory_space<vmem>>
      %dma_wait3A_170 = arith.constant 0 : i32
      %dma_wait3A_171 = arith.constant 0 : i32
      %dma_wait3A_172 = tpu.memref_slice %arg2[%dma_wait3A_170, %dma_wait3A_171] : memref<10240x128xf32, #tpu.memory_space<hbm>> -> memref<10240x128xf32, #tpu.memory_space<hbm>>
      tpu.wait_indirect_dma semaphore(%arg10 : memref<!tpu.dma_semaphore, #tpu.memory_space<semaphore_mem>>) src(%dma_wait3A_172 : memref<10240x128xf32, #tpu.memory_space<hbm>>) dst(%dma_wait3A_166 : memref<128x128xf32, #tpu.memory_space<vmem>>)
      %run_scoped3A_173 = arith.constant 0 : i32
      "tpu.region"() ({
        %run_scoped3A_217 = tpu.sem_alloc : memref<!tpu.dma_semaphore, #tpu.memory_space<semaphore_mem>>
        %dma_start3A_218 = arith.constant 0 : i32
        %dma_start3A_219 = arith.constant 0 : i32
        %dma_start3A_220 = tpu.memref_slice %arg8[%run_scoped3A_173, %dma_start3A_218, %dma_start3A_219] : memref<2x128x128xf32, #tpu.memory_space<vmem>> -> memref<1x128x128xf32, #tpu.memory_space<vmem>>
        %dma_start3A_221 = tpu.memref_squeeze %dma_start3A_220 : memref<1x128x128xf32, #tpu.memory_space<vmem>> -> memref<128x128xf32, #tpu.memory_space<vmem>>
        %dma_start3A_222 = arith.constant 0 : i32
        %dma_start3A_223 = tpu.memref_slice %arg7[%add3A_161, %dma_start3A_222] : memref<40x128xi32, #tpu.memory_space<vmem>> -> memref<1x128xi32, #tpu.memory_space<vmem>>
        %dma_start3A_224 = tpu.memref_squeeze %dma_start3A_223 : memref<1x128xi32, #tpu.memory_space<vmem>> -> memref<128xi32, #tpu.memory_space<vmem>>
        %dma_start3A_225 = arith.constant 0 : i32
        %dma_start3A_226 = arith.constant 0 : i32
        %dma_start3A_227 = tpu.memref_slice %arg9[%dma_start3A_225, %dma_start3A_226] : memref<10240x128xf32, #tpu.memory_space<vmem_shared>> -> memref<10240x128xf32, #tpu.memory_space<vmem_shared>>
        tpu.enqueue_indirect_dma source(%dma_start3A_221 : memref<128x128xf32, #tpu.memory_space<vmem>>) target(%dma_start3A_227 : memref<10240x128xf32, #tpu.memory_space<vmem_shared>>) offsets(%dma_start3A_224 : memref<128xi32, #tpu.memory_space<vmem>>) semaphore(%run_scoped3A_217 : memref<!tpu.dma_semaphore, #tpu.memory_space<semaphore_mem>>) {add = true}
        %dma_wait3A_228 = arith.constant 0 : i32
        %dma_wait3A_229 = arith.constant 0 : i32
        %dma_wait3A_230 = tpu.memref_slice %arg8[%run_scoped3A_173, %dma_wait3A_228, %dma_wait3A_229] : memref<2x128x128xf32, #tpu.memory_space<vmem>> -> memref<1x128x128xf32, #tpu.memory_space<vmem>>
        %dma_wait3A_231 = tpu.memref_squeeze %dma_wait3A_230 : memref<1x128x128xf32, #tpu.memory_space<vmem>> -> memref<128x128xf32, #tpu.memory_space<vmem>>
        %dma_wait3A_232 = arith.constant 0 : i32
        %dma_wait3A_233 = tpu.memref_slice %arg7[%add3A_161, %dma_wait3A_232] : memref<40x128xi32, #tpu.memory_space<vmem>> -> memref<1x128xi32, #tpu.memory_space<vmem>>
        %dma_wait3A_234 = tpu.memref_squeeze %dma_wait3A_233 : memref<1x128xi32, #tpu.memory_space<vmem>> -> memref<128xi32, #tpu.memory_space<vmem>>
        %dma_wait3A_235 = arith.constant 0 : i32
        %dma_wait3A_236 = arith.constant 0 : i32
        %dma_wait3A_237 = tpu.memref_slice %arg9[%dma_wait3A_235, %dma_wait3A_236] : memref<10240x128xf32, #tpu.memory_space<vmem_shared>> -> memref<10240x128xf32, #tpu.memory_space<vmem_shared>>
        tpu.wait_indirect_dma semaphore(%run_scoped3A_217 : memref<!tpu.dma_semaphore, #tpu.memory_space<semaphore_mem>>) src(%dma_wait3A_231 : memref<128x128xf32, #tpu.memory_space<vmem>>) dst(%dma_wait3A_237 : memref<10240x128xf32, #tpu.memory_space<vmem_shared>>)
        tpu.yield
      }) : () -> ()
      %add3A_174 = arith.constant 2 : i32
      %add3A_175 = arith.addi %add3A_161, %add3A_174 : i32
      %dma_start3A_176 = arith.constant 0 : i32
      %dma_start3A_177 = arith.constant 0 : i32
      %dma_start3A_178 = arith.constant 0 : i32
      %dma_start3A_179 = tpu.memref_slice %arg8[%dma_start3A_176, %dma_start3A_177, %dma_start3A_178] : memref<2x128x128xf32, #tpu.memory_space<vmem>> -> memref<1x128x128xf32, #tpu.memory_space<vmem>>
      %dma_start3A_180 = tpu.memref_squeeze %dma_start3A_179 : memref<1x128x128xf32, #tpu.memory_space<vmem>> -> memref<128x128xf32, #tpu.memory_space<vmem>>
      %dma_start3A_181 = arith.constant 0 : i32
      %dma_start3A_182 = tpu.memref_slice %arg6[%add3A_175, %dma_start3A_181] : memref<40x128xi32, #tpu.memory_space<vmem>> -> memref<1x128xi32, #tpu.memory_space<vmem>>
      %dma_start3A_183 = tpu.memref_squeeze %dma_start3A_182 : memref<1x128xi32, #tpu.memory_space<vmem>> -> memref<128xi32, #tpu.memory_space<vmem>>
      %dma_start3A_184 = arith.constant 0 : i32
      %dma_start3A_185 = arith.constant 0 : i32
      %dma_start3A_186 = tpu.memref_slice %arg2[%dma_start3A_184, %dma_start3A_185] : memref<10240x128xf32, #tpu.memory_space<hbm>> -> memref<10240x128xf32, #tpu.memory_space<hbm>>
      tpu.enqueue_indirect_dma source(%dma_start3A_186 : memref<10240x128xf32, #tpu.memory_space<hbm>>) target(%dma_start3A_180 : memref<128x128xf32, #tpu.memory_space<vmem>>) offsets(%dma_start3A_183 : memref<128xi32, #tpu.memory_space<vmem>>) semaphore(%arg10 : memref<!tpu.dma_semaphore, #tpu.memory_space<semaphore_mem>>)
      %mul3A_187 = arith.constant 2 : i32
      %mul3A_188 = arith.muli %scan3A_156, %mul3A_187 : i32
      %add3A_189 = arith.constant 1 : i32
      %add3A_190 = arith.addi %mul3A_188, %add3A_189 : i32
      %dma_wait3A_191 = arith.constant 1 : i32
      %dma_wait3A_192 = arith.constant 0 : i32
      %dma_wait3A_193 = arith.constant 0 : i32
      %dma_wait3A_194 = tpu.memref_slice %arg8[%dma_wait3A_191, %dma_wait3A_192, %dma_wait3A_193] : memref<2x128x128xf32, #tpu.memory_space<vmem>> -> memref<1x128x128xf32, #tpu.memory_space<vmem>>
      %dma_wait3A_195 = tpu.memref_squeeze %dma_wait3A_194 : memref<1x128x128xf32, #tpu.memory_space<vmem>> -> memref<128x128xf32, #tpu.memory_space<vmem>>
      %dma_wait3A_196 = arith.constant 0 : i32
      %dma_wait3A_197 = tpu.memref_slice %arg6[%add3A_190, %dma_wait3A_196] : memref<40x128xi32, #tpu.memory_space<vmem>> -> memref<1x128xi32, #tpu.memory_space<vmem>>
      %dma_wait3A_198 = tpu.memref_squeeze %dma_wait3A_197 : memref<1x128xi32, #tpu.memory_space<vmem>> -> memref<128xi32, #tpu.memory_space<vmem>>
      %dma_wait3A_199 = arith.constant 0 : i32
      %dma_wait3A_200 = arith.constant 0 : i32
      %dma_wait3A_201 = tpu.memref_slice %arg2[%dma_wait3A_199, %dma_wait3A_200] : memref<10240x128xf32, #tpu.memory_space<hbm>> -> memref<10240x128xf32, #tpu.memory_space<hbm>>
      tpu.wait_indirect_dma semaphore(%arg11 : memref<!tpu.dma_semaphore, #tpu.memory_space<semaphore_mem>>) src(%dma_wait3A_201 : memref<10240x128xf32, #tpu.memory_space<hbm>>) dst(%dma_wait3A_195 : memref<128x128xf32, #tpu.memory_space<vmem>>)
      %run_scoped3A_202 = arith.constant 1 : i32
      "tpu.region"() ({
        %run_scoped3A_217 = tpu.sem_alloc : memref<!tpu.dma_semaphore, #tpu.memory_space<semaphore_mem>>
        %dma_start3A_218 = arith.constant 0 : i32
        %dma_start3A_219 = arith.constant 0 : i32
        %dma_start3A_220 = tpu.memref_slice %arg8[%run_scoped3A_202, %dma_start3A_218, %dma_start3A_219] : memref<2x128x128xf32, #tpu.memory_space<vmem>> -> memref<1x128x128xf32, #tpu.memory_space<vmem>>
        %dma_start3A_221 = tpu.memref_squeeze %dma_start3A_220 : memref<1x128x128xf32, #tpu.memory_space<vmem>> -> memref<128x128xf32, #tpu.memory_space<vmem>>
        %dma_start3A_222 = arith.constant 0 : i32
        %dma_start3A_223 = tpu.memref_slice %arg7[%add3A_190, %dma_start3A_222] : memref<40x128xi32, #tpu.memory_space<vmem>> -> memref<1x128xi32, #tpu.memory_space<vmem>>
        %dma_start3A_224 = tpu.memref_squeeze %dma_start3A_223 : memref<1x128xi32, #tpu.memory_space<vmem>> -> memref<128xi32, #tpu.memory_space<vmem>>
        %dma_start3A_225 = arith.constant 0 : i32
        %dma_start3A_226 = arith.constant 0 : i32
        %dma_start3A_227 = tpu.memref_slice %arg9[%dma_start3A_225, %dma_start3A_226] : memref<10240x128xf32, #tpu.memory_space<vmem_shared>> -> memref<10240x128xf32, #tpu.memory_space<vmem_shared>>
        tpu.enqueue_indirect_dma source(%dma_start3A_221 : memref<128x128xf32, #tpu.memory_space<vmem>>) target(%dma_start3A_227 : memref<10240x128xf32, #tpu.memory_space<vmem_shared>>) offsets(%dma_start3A_224 : memref<128xi32, #tpu.memory_space<vmem>>) semaphore(%run_scoped3A_217 : memref<!tpu.dma_semaphore, #tpu.memory_space<semaphore_mem>>) {add = true}
        %dma_wait3A_228 = arith.constant 0 : i32
        %dma_wait3A_229 = arith.constant 0 : i32
        %dma_wait3A_230 = tpu.memref_slice %arg8[%run_scoped3A_202, %dma_wait3A_228, %dma_wait3A_229] : memref<2x128x128xf32, #tpu.memory_space<vmem>> -> memref<1x128x128xf32, #tpu.memory_space<vmem>>
        %dma_wait3A_231 = tpu.memref_squeeze %dma_wait3A_230 : memref<1x128x128xf32, #tpu.memory_space<vmem>> -> memref<128x128xf32, #tpu.memory_space<vmem>>
        %dma_wait3A_232 = arith.constant 0 : i32
        %dma_wait3A_233 = tpu.memref_slice %arg7[%add3A_190, %dma_wait3A_232] : memref<40x128xi32, #tpu.memory_space<vmem>> -> memref<1x128xi32, #tpu.memory_space<vmem>>
        %dma_wait3A_234 = tpu.memref_squeeze %dma_wait3A_233 : memref<1x128xi32, #tpu.memory_space<vmem>> -> memref<128xi32, #tpu.memory_space<vmem>>
        %dma_wait3A_235 = arith.constant 0 : i32
        %dma_wait3A_236 = arith.constant 0 : i32
        %dma_wait3A_237 = tpu.memref_slice %arg9[%dma_wait3A_235, %dma_wait3A_236] : memref<10240x128xf32, #tpu.memory_space<vmem_shared>> -> memref<10240x128xf32, #tpu.memory_space<vmem_shared>>
        tpu.wait_indirect_dma semaphore(%run_scoped3A_217 : memref<!tpu.dma_semaphore, #tpu.memory_space<semaphore_mem>>) src(%dma_wait3A_231 : memref<128x128xf32, #tpu.memory_space<vmem>>) dst(%dma_wait3A_237 : memref<10240x128xf32, #tpu.memory_space<vmem_shared>>)
        tpu.yield
      }) : () -> ()
      %add3A_203 = arith.constant 2 : i32
      %add3A_204 = arith.addi %add3A_190, %add3A_203 : i32
      %dma_start3A_205 = arith.constant 1 : i32
      %dma_start3A_206 = arith.constant 0 : i32
      %dma_start3A_207 = arith.constant 0 : i32
      %dma_start3A_208 = tpu.memref_slice %arg8[%dma_start3A_205, %dma_start3A_206, %dma_start3A_207] : memref<2x128x128xf32, #tpu.memory_space<vmem>> -> memref<1x128x128xf32, #tpu.memory_space<vmem>>
      %dma_start3A_209 = tpu.memref_squeeze %dma_start3A_208 : memref<1x128x128xf32, #tpu.memory_space<vmem>> -> memref<128x128xf32, #tpu.memory_space<vmem>>
      %dma_start3A_210 = arith.constant 0 : i32
      %dma_start3A_211 = tpu.memref_slice %arg6[%add3A_204, %dma_start3A_210] : memref<40x128xi32, #tpu.memory_space<vmem>> -> memref<1x128xi32, #tpu.memory_space<vmem>>
      %dma_start3A_212 = tpu.memref_squeeze %dma_start3A_211 : memref<1x128xi32, #tpu.memory_space<vmem>> -> memref<128xi32, #tpu.memory_space<vmem>>
      %dma_start3A_213 = arith.constant 0 : i32
      %dma_start3A_214 = arith.constant 0 : i32
      %dma_start3A_215 = tpu.memref_slice %arg2[%dma_start3A_213, %dma_start3A_214] : memref<10240x128xf32, #tpu.memory_space<hbm>> -> memref<10240x128xf32, #tpu.memory_space<hbm>>
      tpu.enqueue_indirect_dma source(%dma_start3A_215 : memref<10240x128xf32, #tpu.memory_space<hbm>>) target(%dma_start3A_209 : memref<128x128xf32, #tpu.memory_space<vmem>>) offsets(%dma_start3A_212 : memref<128xi32, #tpu.memory_space<vmem>>) semaphore(%arg11 : memref<!tpu.dma_semaphore, #tpu.memory_space<semaphore_mem>>)
      %scan3A_216 = arith.constant 0 : i32
      scf.yield %scan3A_216 : i32
    }
    %scan3A_58 = arith.constant 19 : i32
    %dma_wait3A = arith.constant 38 : i32
    %dma_wait3A_59 = arith.constant 0 : i32
    %dma_wait3A_60 = arith.constant 0 : i32
    %dma_wait3A_61 = arith.constant 0 : i32
    %dma_wait3A_62 = tpu.memref_slice %arg8[%dma_wait3A_59, %dma_wait3A_60, %dma_wait3A_61] : memref<2x128x128xf32, #tpu.memory_space<vmem>> -> memref<1x128x128xf32, #tpu.memory_space<vmem>>
    %dma_wait3A_63 = tpu.memref_squeeze %dma_wait3A_62 : memref<1x128x128xf32, #tpu.memory_space<vmem>> -> memref<128x128xf32, #tpu.memory_space<vmem>>
    %dma_wait3A_64 = arith.constant 0 : i32
    %dma_wait3A_65 = tpu.memref_slice %arg6[%dma_wait3A, %dma_wait3A_64] : memref<40x128xi32, #tpu.memory_space<vmem>> -> memref<1x128xi32, #tpu.memory_space<vmem>>
    %dma_wait3A_66 = tpu.memref_squeeze %dma_wait3A_65 : memref<1x128xi32, #tpu.memory_space<vmem>> -> memref<128xi32, #tpu.memory_space<vmem>>
    %dma_wait3A_67 = arith.constant 0 : i32
    %dma_wait3A_68 = arith.constant 0 : i32
    %dma_wait3A_69 = tpu.memref_slice %arg2[%dma_wait3A_67, %dma_wait3A_68] : memref<10240x128xf32, #tpu.memory_space<hbm>> -> memref<10240x128xf32, #tpu.memory_space<hbm>>
    tpu.wait_indirect_dma semaphore(%arg10 : memref<!tpu.dma_semaphore, #tpu.memory_space<semaphore_mem>>) src(%dma_wait3A_69 : memref<10240x128xf32, #tpu.memory_space<hbm>>) dst(%dma_wait3A_63 : memref<128x128xf32, #tpu.memory_space<vmem>>)
    %run_scoped3A_70 = arith.constant 0 : i32
    %run_scoped3A_71 = arith.constant 38 : i32
    "tpu.region"() ({
      %run_scoped3A_156 = tpu.sem_alloc : memref<!tpu.dma_semaphore, #tpu.memory_space<semaphore_mem>>
      %dma_start3A_157 = arith.constant 0 : i32
      %dma_start3A_158 = arith.constant 0 : i32
      %dma_start3A_159 = tpu.memref_slice %arg8[%run_scoped3A_70, %dma_start3A_157, %dma_start3A_158] : memref<2x128x128xf32, #tpu.memory_space<vmem>> -> memref<1x128x128xf32, #tpu.memory_space<vmem>>
      %dma_start3A_160 = tpu.memref_squeeze %dma_start3A_159 : memref<1x128x128xf32, #tpu.memory_space<vmem>> -> memref<128x128xf32, #tpu.memory_space<vmem>>
      %dma_start3A_161 = arith.constant 0 : i32
      %dma_start3A_162 = tpu.memref_slice %arg7[%run_scoped3A_71, %dma_start3A_161] : memref<40x128xi32, #tpu.memory_space<vmem>> -> memref<1x128xi32, #tpu.memory_space<vmem>>
      %dma_start3A_163 = tpu.memref_squeeze %dma_start3A_162 : memref<1x128xi32, #tpu.memory_space<vmem>> -> memref<128xi32, #tpu.memory_space<vmem>>
      %dma_start3A_164 = arith.constant 0 : i32
      %dma_start3A_165 = arith.constant 0 : i32
      %dma_start3A_166 = tpu.memref_slice %arg9[%dma_start3A_164, %dma_start3A_165] : memref<10240x128xf32, #tpu.memory_space<vmem_shared>> -> memref<10240x128xf32, #tpu.memory_space<vmem_shared>>
      tpu.enqueue_indirect_dma source(%dma_start3A_160 : memref<128x128xf32, #tpu.memory_space<vmem>>) target(%dma_start3A_166 : memref<10240x128xf32, #tpu.memory_space<vmem_shared>>) offsets(%dma_start3A_163 : memref<128xi32, #tpu.memory_space<vmem>>) semaphore(%run_scoped3A_156 : memref<!tpu.dma_semaphore, #tpu.memory_space<semaphore_mem>>) {add = true}
      %dma_wait3A_167 = arith.constant 0 : i32
      %dma_wait3A_168 = arith.constant 0 : i32
      %dma_wait3A_169 = tpu.memref_slice %arg8[%run_scoped3A_70, %dma_wait3A_167, %dma_wait3A_168] : memref<2x128x128xf32, #tpu.memory_space<vmem>> -> memref<1x128x128xf32, #tpu.memory_space<vmem>>
      %dma_wait3A_170 = tpu.memref_squeeze %dma_wait3A_169 : memref<1x128x128xf32, #tpu.memory_space<vmem>> -> memref<128x128xf32, #tpu.memory_space<vmem>>
      %dma_wait3A_171 = arith.constant 0 : i32
      %dma_wait3A_172 = tpu.memref_slice %arg7[%run_scoped3A_71, %dma_wait3A_171] : memref<40x128xi32, #tpu.memory_space<vmem>> -> memref<1x128xi32, #tpu.memory_space<vmem>>
      %dma_wait3A_173 = tpu.memref_squeeze %dma_wait3A_172 : memref<1x128xi32, #tpu.memory_space<vmem>> -> memref<128xi32, #tpu.memory_space<vmem>>
      %dma_wait3A_174 = arith.constant 0 : i32
      %dma_wait3A_175 = arith.constant 0 : i32
      %dma_wait3A_176 = tpu.memref_slice %arg9[%dma_wait3A_174, %dma_wait3A_175] : memref<10240x128xf32, #tpu.memory_space<vmem_shared>> -> memref<10240x128xf32, #tpu.memory_space<vmem_shared>>
      tpu.wait_indirect_dma semaphore(%run_scoped3A_156 : memref<!tpu.dma_semaphore, #tpu.memory_space<semaphore_mem>>) src(%dma_wait3A_170 : memref<128x128xf32, #tpu.memory_space<vmem>>) dst(%dma_wait3A_176 : memref<10240x128xf32, #tpu.memory_space<vmem_shared>>)
      tpu.yield
    }) : () -> ()
    %dma_wait3A_72 = arith.constant 39 : i32
    %dma_wait3A_73 = arith.constant 1 : i32
    %dma_wait3A_74 = arith.constant 0 : i32
    %dma_wait3A_75 = arith.constant 0 : i32
    %dma_wait3A_76 = tpu.memref_slice %arg8[%dma_wait3A_73, %dma_wait3A_74, %dma_wait3A_75] : memref<2x128x128xf32, #tpu.memory_space<vmem>> -> memref<1x128x128xf32, #tpu.memory_space<vmem>>
    %dma_wait3A_77 = tpu.memref_squeeze %dma_wait3A_76 : memref<1x128x128xf32, #tpu.memory_space<vmem>> -> memref<128x128xf32, #tpu.memory_space<vmem>>
    %dma_wait3A_78 = arith.constant 0 : i32
    %dma_wait3A_79 = tpu.memref_slice %arg6[%dma_wait3A_72, %dma_wait3A_78] : memref<40x128xi32, #tpu.memory_space<vmem>> -> memref<1x128xi32, #tpu.memory_space<vmem>>
    %dma_wait3A_80 = tpu.memref_squeeze %dma_wait3A_79 : memref<1x128xi32, #tpu.memory_space<vmem>> -> memref<128xi32, #tpu.memory_space<vmem>>
    %dma_wait3A_81 = arith.constant 0 : i32
    %dma_wait3A_82 = arith.constant 0 : i32
    %dma_wait3A_83 = tpu.memref_slice %arg2[%dma_wait3A_81, %dma_wait3A_82] : memref<10240x128xf32, #tpu.memory_space<hbm>> -> memref<10240x128xf32, #tpu.memory_space<hbm>>
    tpu.wait_indirect_dma semaphore(%arg11 : memref<!tpu.dma_semaphore, #tpu.memory_space<semaphore_mem>>) src(%dma_wait3A_83 : memref<10240x128xf32, #tpu.memory_space<hbm>>) dst(%dma_wait3A_77 : memref<128x128xf32, #tpu.memory_space<vmem>>)
    %run_scoped3A_84 = arith.constant 1 : i32
    %run_scoped3A_85 = arith.constant 39 : i32
    "tpu.region"() ({
      %run_scoped3A_156 = tpu.sem_alloc : memref<!tpu.dma_semaphore, #tpu.memory_space<semaphore_mem>>
      %dma_start3A_157 = arith.constant 0 : i32
      %dma_start3A_158 = arith.constant 0 : i32
      %dma_start3A_159 = tpu.memref_slice %arg8[%run_scoped3A_84, %dma_start3A_157, %dma_start3A_158] : memref<2x128x128xf32, #tpu.memory_space<vmem>> -> memref<1x128x128xf32, #tpu.memory_space<vmem>>
      %dma_start3A_160 = tpu.memref_squeeze %dma_start3A_159 : memref<1x128x128xf32, #tpu.memory_space<vmem>> -> memref<128x128xf32, #tpu.memory_space<vmem>>
      %dma_start3A_161 = arith.constant 0 : i32
      %dma_start3A_162 = tpu.memref_slice %arg7[%run_scoped3A_85, %dma_start3A_161] : memref<40x128xi32, #tpu.memory_space<vmem>> -> memref<1x128xi32, #tpu.memory_space<vmem>>
      %dma_start3A_163 = tpu.memref_squeeze %dma_start3A_162 : memref<1x128xi32, #tpu.memory_space<vmem>> -> memref<128xi32, #tpu.memory_space<vmem>>
      %dma_start3A_164 = arith.constant 0 : i32
      %dma_start3A_165 = arith.constant 0 : i32
      %dma_start3A_166 = tpu.memref_slice %arg9[%dma_start3A_164, %dma_start3A_165] : memref<10240x128xf32, #tpu.memory_space<vmem_shared>> -> memref<10240x128xf32, #tpu.memory_space<vmem_shared>>
      tpu.enqueue_indirect_dma source(%dma_start3A_160 : memref<128x128xf32, #tpu.memory_space<vmem>>) target(%dma_start3A_166 : memref<10240x128xf32, #tpu.memory_space<vmem_shared>>) offsets(%dma_start3A_163 : memref<128xi32, #tpu.memory_space<vmem>>) semaphore(%run_scoped3A_156 : memref<!tpu.dma_semaphore, #tpu.memory_space<semaphore_mem>>) {add = true}
      %dma_wait3A_167 = arith.constant 0 : i32
      %dma_wait3A_168 = arith.constant 0 : i32
      %dma_wait3A_169 = tpu.memref_slice %arg8[%run_scoped3A_84, %dma_wait3A_167, %dma_wait3A_168] : memref<2x128x128xf32, #tpu.memory_space<vmem>> -> memref<1x128x128xf32, #tpu.memory_space<vmem>>
      %dma_wait3A_170 = tpu.memref_squeeze %dma_wait3A_169 : memref<1x128x128xf32, #tpu.memory_space<vmem>> -> memref<128x128xf32, #tpu.memory_space<vmem>>
      %dma_wait3A_171 = arith.constant 0 : i32
      %dma_wait3A_172 = tpu.memref_slice %arg7[%run_scoped3A_85, %dma_wait3A_171] : memref<40x128xi32, #tpu.memory_space<vmem>> -> memref<1x128xi32, #tpu.memory_space<vmem>>
      %dma_wait3A_173 = tpu.memref_squeeze %dma_wait3A_172 : memref<1x128xi32, #tpu.memory_space<vmem>> -> memref<128xi32, #tpu.memory_space<vmem>>
      %dma_wait3A_174 = arith.constant 0 : i32
      %dma_wait3A_175 = arith.constant 0 : i32
      %dma_wait3A_176 = tpu.memref_slice %arg9[%dma_wait3A_174, %dma_wait3A_175] : memref<10240x128xf32, #tpu.memory_space<vmem_shared>> -> memref<10240x128xf32, #tpu.memory_space<vmem_shared>>
      tpu.wait_indirect_dma semaphore(%run_scoped3A_156 : memref<!tpu.dma_semaphore, #tpu.memory_space<semaphore_mem>>) src(%dma_wait3A_170 : memref<128x128xf32, #tpu.memory_space<vmem>>) dst(%dma_wait3A_176 : memref<10240x128xf32, #tpu.memory_space<vmem_shared>>)
      tpu.yield
    }) : () -> ()
    %mul3A_86 = arith.constant 80 : i32
    %mul3A_87 = arith.muli %add3A, %mul3A_86 : i32
    %add3A_88 = arith.constant 40 : i32
    %add3A_89 = arith.addi %mul3A_87, %add3A_88 : i32
    "tpu.region"() ({
      %run_scoped3A_156 = tpu.sem_alloc : memref<!tpu.dma_semaphore, #tpu.memory_space<semaphore_mem>>
      %dma_start3A_157 = arith.constant 0 : i32
      %dma_start3A_158 = tpu.memref_slice %arg3[%add3A_89, %dma_start3A_157] : memref<2560x128xi32, #tpu.memory_space<hbm>> -> memref<40x128xi32, #tpu.memory_space<hbm>>
      %dma_start3A_159 = arith.constant 0 : i32
      %dma_start3A_160 = tpu.memref_slice %arg3[%add3A_89, %dma_start3A_159] : memref<2560x128xi32, #tpu.memory_space<hbm>> -> memref<40x128xi32, #tpu.memory_space<hbm>>
      tpu.enqueue_dma source(%dma_start3A_160 : memref<40x128xi32, #tpu.memory_space<hbm>>) target(%arg6 : memref<40x128xi32, #tpu.memory_space<vmem>>) target_semaphore(%run_scoped3A_156 : memref<!tpu.dma_semaphore, #tpu.memory_space<semaphore_mem>>)
      %dma_wait3A_161 = arith.constant 0 : i32
      %dma_wait3A_162 = tpu.memref_slice %arg3[%add3A_89, %dma_wait3A_161] : memref<2560x128xi32, #tpu.memory_space<hbm>> -> memref<40x128xi32, #tpu.memory_space<hbm>>
      %dma_wait3A_163 = arith.constant 0 : i32
      %dma_wait3A_164 = tpu.memref_slice %arg3[%add3A_89, %dma_wait3A_163] : memref<2560x128xi32, #tpu.memory_space<hbm>> -> memref<40x128xi32, #tpu.memory_space<hbm>>
      tpu.wait_dma2 semaphore(%run_scoped3A_156 : memref<!tpu.dma_semaphore, #tpu.memory_space<semaphore_mem>>) src(%dma_wait3A_164 : memref<40x128xi32, #tpu.memory_space<hbm>>) dst(%arg6 : memref<40x128xi32, #tpu.memory_space<vmem>>)
      tpu.yield
    }) : () -> ()
    "tpu.region"() ({
      %run_scoped3A_156 = tpu.sem_alloc : memref<!tpu.dma_semaphore, #tpu.memory_space<semaphore_mem>>
      %dma_start3A_157 = arith.constant 0 : i32
      %dma_start3A_158 = tpu.memref_slice %arg4[%add3A_89, %dma_start3A_157] : memref<2560x128xi32, #tpu.memory_space<hbm>> -> memref<40x128xi32, #tpu.memory_space<hbm>>
      %dma_start3A_159 = arith.constant 0 : i32
      %dma_start3A_160 = tpu.memref_slice %arg4[%add3A_89, %dma_start3A_159] : memref<2560x128xi32, #tpu.memory_space<hbm>> -> memref<40x128xi32, #tpu.memory_space<hbm>>
      tpu.enqueue_dma source(%dma_start3A_160 : memref<40x128xi32, #tpu.memory_space<hbm>>) target(%arg7 : memref<40x128xi32, #tpu.memory_space<vmem>>) target_semaphore(%run_scoped3A_156 : memref<!tpu.dma_semaphore, #tpu.memory_space<semaphore_mem>>)
      %dma_wait3A_161 = arith.constant 0 : i32
      %dma_wait3A_162 = tpu.memref_slice %arg4[%add3A_89, %dma_wait3A_161] : memref<2560x128xi32, #tpu.memory_space<hbm>> -> memref<40x128xi32, #tpu.memory_space<hbm>>
      %dma_wait3A_163 = arith.constant 0 : i32
      %dma_wait3A_164 = tpu.memref_slice %arg4[%add3A_89, %dma_wait3A_163] : memref<2560x128xi32, #tpu.memory_space<hbm>> -> memref<40x128xi32, #tpu.memory_space<hbm>>
      tpu.wait_dma2 semaphore(%run_scoped3A_156 : memref<!tpu.dma_semaphore, #tpu.memory_space<semaphore_mem>>) src(%dma_wait3A_164 : memref<40x128xi32, #tpu.memory_space<hbm>>) dst(%arg7 : memref<40x128xi32, #tpu.memory_space<vmem>>)
      tpu.yield
    }) : () -> ()
    %dma_start3A_90 = arith.constant 0 : i32
    %dma_start3A_91 = arith.constant 0 : i32
    %dma_start3A_92 = arith.constant 0 : i32
    %dma_start3A_93 = arith.constant 0 : i32
    %dma_start3A_94 = tpu.memref_slice %arg8[%dma_start3A_91, %dma_start3A_92, %dma_start3A_93] : memref<2x128x128xf32, #tpu.memory_space<vmem>> -> memref<1x128x128xf32, #tpu.memory_space<vmem>>
    %dma_start3A_95 = tpu.memref_squeeze %dma_start3A_94 : memref<1x128x128xf32, #tpu.memory_space<vmem>> -> memref<128x128xf32, #tpu.memory_space<vmem>>
    %dma_start3A_96 = arith.constant 0 : i32
    %dma_start3A_97 = tpu.memref_slice %arg6[%dma_start3A_90, %dma_start3A_96] : memref<40x128xi32, #tpu.memory_space<vmem>> -> memref<1x128xi32, #tpu.memory_space<vmem>>
    %dma_start3A_98 = tpu.memref_squeeze %dma_start3A_97 : memref<1x128xi32, #tpu.memory_space<vmem>> -> memref<128xi32, #tpu.memory_space<vmem>>
    %dma_start3A_99 = arith.constant 0 : i32
    %dma_start3A_100 = arith.constant 0 : i32
    %dma_start3A_101 = tpu.memref_slice %arg2[%dma_start3A_99, %dma_start3A_100] : memref<10240x128xf32, #tpu.memory_space<hbm>> -> memref<10240x128xf32, #tpu.memory_space<hbm>>
    tpu.enqueue_indirect_dma source(%dma_start3A_101 : memref<10240x128xf32, #tpu.memory_space<hbm>>) target(%dma_start3A_95 : memref<128x128xf32, #tpu.memory_space<vmem>>) offsets(%dma_start3A_98 : memref<128xi32, #tpu.memory_space<vmem>>) semaphore(%arg10 : memref<!tpu.dma_semaphore, #tpu.memory_space<semaphore_mem>>)
    %dma_start3A_102 = arith.constant 1 : i32
    %dma_start3A_103 = arith.constant 1 : i32
    %dma_start3A_104 = arith.constant 0 : i32
    %dma_start3A_105 = arith.constant 0 : i32
    %dma_start3A_106 = tpu.memref_slice %arg8[%dma_start3A_103, %dma_start3A_104, %dma_start3A_105] : memref<2x128x128xf32, #tpu.memory_space<vmem>> -> memref<1x128x128xf32, #tpu.memory_space<vmem>>
    %dma_start3A_107 = tpu.memref_squeeze %dma_start3A_106 : memref<1x128x128xf32, #tpu.memory_space<vmem>> -> memref<128x128xf32, #tpu.memory_space<vmem>>
    %dma_start3A_108 = arith.constant 0 : i32
    %dma_start3A_109 = tpu.memref_slice %arg6[%dma_start3A_102, %dma_start3A_108] : memref<40x128xi32, #tpu.memory_space<vmem>> -> memref<1x128xi32, #tpu.memory_space<vmem>>
    %dma_start3A_110 = tpu.memref_squeeze %dma_start3A_109 : memref<1x128xi32, #tpu.memory_space<vmem>> -> memref<128xi32, #tpu.memory_space<vmem>>
    %dma_start3A_111 = arith.constant 0 : i32
    %dma_start3A_112 = arith.constant 0 : i32
    %dma_start3A_113 = tpu.memref_slice %arg2[%dma_start3A_111, %dma_start3A_112] : memref<10240x128xf32, #tpu.memory_space<hbm>> -> memref<10240x128xf32, #tpu.memory_space<hbm>>
    tpu.enqueue_indirect_dma source(%dma_start3A_113 : memref<10240x128xf32, #tpu.memory_space<hbm>>) target(%dma_start3A_107 : memref<128x128xf32, #tpu.memory_space<vmem>>) offsets(%dma_start3A_110 : memref<128xi32, #tpu.memory_space<vmem>>) semaphore(%arg11 : memref<!tpu.dma_semaphore, #tpu.memory_space<semaphore_mem>>)
    %scan3A_114 = arith.constant 0 : i32
    %scan3A_115 = arith.constant 0 : i32
    %scan3A_116 = arith.constant 19 : i32
    %scan3A_117 = arith.addi %scan3A_115, %scan3A_116 : i32
    %scan3A_118 = arith.constant 1 : i32
    %scan3A_119 = scf.for %scan3A_156 = %scan3A_115 to %scan3A_117 step %scan3A_118 iter_args(%scan3A_157 = %scan3A_114) -> (i32)  : i32 {
      %mul3A_158 = arith.constant 2 : i32
      %mul3A_159 = arith.muli %scan3A_156, %mul3A_158 : i32
      %add3A_160 = arith.constant 0 : i32
      %add3A_161 = arith.addi %mul3A_159, %add3A_160 : i32
      %dma_wait3A_162 = arith.constant 0 : i32
      %dma_wait3A_163 = arith.constant 0 : i32
      %dma_wait3A_164 = arith.constant 0 : i32
      %dma_wait3A_165 = tpu.memref_slice %arg8[%dma_wait3A_162, %dma_wait3A_163, %dma_wait3A_164] : memref<2x128x128xf32, #tpu.memory_space<vmem>> -> memref<1x128x128xf32, #tpu.memory_space<vmem>>
      %dma_wait3A_166 = tpu.memref_squeeze %dma_wait3A_165 : memref<1x128x128xf32, #tpu.memory_space<vmem>> -> memref<128x128xf32, #tpu.memory_space<vmem>>
      %dma_wait3A_167 = arith.constant 0 : i32
      %dma_wait3A_168 = tpu.memref_slice %arg6[%add3A_161, %dma_wait3A_167] : memref<40x128xi32, #tpu.memory_space<vmem>> -> memref<1x128xi32, #tpu.memory_space<vmem>>
      %dma_wait3A_169 = tpu.memref_squeeze %dma_wait3A_168 : memref<1x128xi32, #tpu.memory_space<vmem>> -> memref<128xi32, #tpu.memory_space<vmem>>
      %dma_wait3A_170 = arith.constant 0 : i32
      %dma_wait3A_171 = arith.constant 0 : i32
      %dma_wait3A_172 = tpu.memref_slice %arg2[%dma_wait3A_170, %dma_wait3A_171] : memref<10240x128xf32, #tpu.memory_space<hbm>> -> memref<10240x128xf32, #tpu.memory_space<hbm>>
      tpu.wait_indirect_dma semaphore(%arg10 : memref<!tpu.dma_semaphore, #tpu.memory_space<semaphore_mem>>) src(%dma_wait3A_172 : memref<10240x128xf32, #tpu.memory_space<hbm>>) dst(%dma_wait3A_166 : memref<128x128xf32, #tpu.memory_space<vmem>>)
      %run_scoped3A_173 = arith.constant 0 : i32
      "tpu.region"() ({
        %run_scoped3A_217 = tpu.sem_alloc : memref<!tpu.dma_semaphore, #tpu.memory_space<semaphore_mem>>
        %dma_start3A_218 = arith.constant 0 : i32
        %dma_start3A_219 = arith.constant 0 : i32
        %dma_start3A_220 = tpu.memref_slice %arg8[%run_scoped3A_173, %dma_start3A_218, %dma_start3A_219] : memref<2x128x128xf32, #tpu.memory_space<vmem>> -> memref<1x128x128xf32, #tpu.memory_space<vmem>>
        %dma_start3A_221 = tpu.memref_squeeze %dma_start3A_220 : memref<1x128x128xf32, #tpu.memory_space<vmem>> -> memref<128x128xf32, #tpu.memory_space<vmem>>
        %dma_start3A_222 = arith.constant 0 : i32
        %dma_start3A_223 = tpu.memref_slice %arg7[%add3A_161, %dma_start3A_222] : memref<40x128xi32, #tpu.memory_space<vmem>> -> memref<1x128xi32, #tpu.memory_space<vmem>>
        %dma_start3A_224 = tpu.memref_squeeze %dma_start3A_223 : memref<1x128xi32, #tpu.memory_space<vmem>> -> memref<128xi32, #tpu.memory_space<vmem>>
        %dma_start3A_225 = arith.constant 0 : i32
        %dma_start3A_226 = arith.constant 0 : i32
        %dma_start3A_227 = tpu.memref_slice %arg9[%dma_start3A_225, %dma_start3A_226] : memref<10240x128xf32, #tpu.memory_space<vmem_shared>> -> memref<10240x128xf32, #tpu.memory_space<vmem_shared>>
        tpu.enqueue_indirect_dma source(%dma_start3A_221 : memref<128x128xf32, #tpu.memory_space<vmem>>) target(%dma_start3A_227 : memref<10240x128xf32, #tpu.memory_space<vmem_shared>>) offsets(%dma_start3A_224 : memref<128xi32, #tpu.memory_space<vmem>>) semaphore(%run_scoped3A_217 : memref<!tpu.dma_semaphore, #tpu.memory_space<semaphore_mem>>) {add = true}
        %dma_wait3A_228 = arith.constant 0 : i32
        %dma_wait3A_229 = arith.constant 0 : i32
        %dma_wait3A_230 = tpu.memref_slice %arg8[%run_scoped3A_173, %dma_wait3A_228, %dma_wait3A_229] : memref<2x128x128xf32, #tpu.memory_space<vmem>> -> memref<1x128x128xf32, #tpu.memory_space<vmem>>
        %dma_wait3A_231 = tpu.memref_squeeze %dma_wait3A_230 : memref<1x128x128xf32, #tpu.memory_space<vmem>> -> memref<128x128xf32, #tpu.memory_space<vmem>>
        %dma_wait3A_232 = arith.constant 0 : i32
        %dma_wait3A_233 = tpu.memref_slice %arg7[%add3A_161, %dma_wait3A_232] : memref<40x128xi32, #tpu.memory_space<vmem>> -> memref<1x128xi32, #tpu.memory_space<vmem>>
        %dma_wait3A_234 = tpu.memref_squeeze %dma_wait3A_233 : memref<1x128xi32, #tpu.memory_space<vmem>> -> memref<128xi32, #tpu.memory_space<vmem>>
        %dma_wait3A_235 = arith.constant 0 : i32
        %dma_wait3A_236 = arith.constant 0 : i32
        %dma_wait3A_237 = tpu.memref_slice %arg9[%dma_wait3A_235, %dma_wait3A_236] : memref<10240x128xf32, #tpu.memory_space<vmem_shared>> -> memref<10240x128xf32, #tpu.memory_space<vmem_shared>>
        tpu.wait_indirect_dma semaphore(%run_scoped3A_217 : memref<!tpu.dma_semaphore, #tpu.memory_space<semaphore_mem>>) src(%dma_wait3A_231 : memref<128x128xf32, #tpu.memory_space<vmem>>) dst(%dma_wait3A_237 : memref<10240x128xf32, #tpu.memory_space<vmem_shared>>)
        tpu.yield
      }) : () -> ()
      %add3A_174 = arith.constant 2 : i32
      %add3A_175 = arith.addi %add3A_161, %add3A_174 : i32
      %dma_start3A_176 = arith.constant 0 : i32
      %dma_start3A_177 = arith.constant 0 : i32
      %dma_start3A_178 = arith.constant 0 : i32
      %dma_start3A_179 = tpu.memref_slice %arg8[%dma_start3A_176, %dma_start3A_177, %dma_start3A_178] : memref<2x128x128xf32, #tpu.memory_space<vmem>> -> memref<1x128x128xf32, #tpu.memory_space<vmem>>
      %dma_start3A_180 = tpu.memref_squeeze %dma_start3A_179 : memref<1x128x128xf32, #tpu.memory_space<vmem>> -> memref<128x128xf32, #tpu.memory_space<vmem>>
      %dma_start3A_181 = arith.constant 0 : i32
      %dma_start3A_182 = tpu.memref_slice %arg6[%add3A_175, %dma_start3A_181] : memref<40x128xi32, #tpu.memory_space<vmem>> -> memref<1x128xi32, #tpu.memory_space<vmem>>
      %dma_start3A_183 = tpu.memref_squeeze %dma_start3A_182 : memref<1x128xi32, #tpu.memory_space<vmem>> -> memref<128xi32, #tpu.memory_space<vmem>>
      %dma_start3A_184 = arith.constant 0 : i32
      %dma_start3A_185 = arith.constant 0 : i32
      %dma_start3A_186 = tpu.memref_slice %arg2[%dma_start3A_184, %dma_start3A_185] : memref<10240x128xf32, #tpu.memory_space<hbm>> -> memref<10240x128xf32, #tpu.memory_space<hbm>>
      tpu.enqueue_indirect_dma source(%dma_start3A_186 : memref<10240x128xf32, #tpu.memory_space<hbm>>) target(%dma_start3A_180 : memref<128x128xf32, #tpu.memory_space<vmem>>) offsets(%dma_start3A_183 : memref<128xi32, #tpu.memory_space<vmem>>) semaphore(%arg10 : memref<!tpu.dma_semaphore, #tpu.memory_space<semaphore_mem>>)
      %mul3A_187 = arith.constant 2 : i32
      %mul3A_188 = arith.muli %scan3A_156, %mul3A_187 : i32
      %add3A_189 = arith.constant 1 : i32
      %add3A_190 = arith.addi %mul3A_188, %add3A_189 : i32
      %dma_wait3A_191 = arith.constant 1 : i32
      %dma_wait3A_192 = arith.constant 0 : i32
      %dma_wait3A_193 = arith.constant 0 : i32
      %dma_wait3A_194 = tpu.memref_slice %arg8[%dma_wait3A_191, %dma_wait3A_192, %dma_wait3A_193] : memref<2x128x128xf32, #tpu.memory_space<vmem>> -> memref<1x128x128xf32, #tpu.memory_space<vmem>>
      %dma_wait3A_195 = tpu.memref_squeeze %dma_wait3A_194 : memref<1x128x128xf32, #tpu.memory_space<vmem>> -> memref<128x128xf32, #tpu.memory_space<vmem>>
      %dma_wait3A_196 = arith.constant 0 : i32
      %dma_wait3A_197 = tpu.memref_slice %arg6[%add3A_190, %dma_wait3A_196] : memref<40x128xi32, #tpu.memory_space<vmem>> -> memref<1x128xi32, #tpu.memory_space<vmem>>
      %dma_wait3A_198 = tpu.memref_squeeze %dma_wait3A_197 : memref<1x128xi32, #tpu.memory_space<vmem>> -> memref<128xi32, #tpu.memory_space<vmem>>
      %dma_wait3A_199 = arith.constant 0 : i32
      %dma_wait3A_200 = arith.constant 0 : i32
      %dma_wait3A_201 = tpu.memref_slice %arg2[%dma_wait3A_199, %dma_wait3A_200] : memref<10240x128xf32, #tpu.memory_space<hbm>> -> memref<10240x128xf32, #tpu.memory_space<hbm>>
      tpu.wait_indirect_dma semaphore(%arg11 : memref<!tpu.dma_semaphore, #tpu.memory_space<semaphore_mem>>) src(%dma_wait3A_201 : memref<10240x128xf32, #tpu.memory_space<hbm>>) dst(%dma_wait3A_195 : memref<128x128xf32, #tpu.memory_space<vmem>>)
      %run_scoped3A_202 = arith.constant 1 : i32
      "tpu.region"() ({
        %run_scoped3A_217 = tpu.sem_alloc : memref<!tpu.dma_semaphore, #tpu.memory_space<semaphore_mem>>
        %dma_start3A_218 = arith.constant 0 : i32
        %dma_start3A_219 = arith.constant 0 : i32
        %dma_start3A_220 = tpu.memref_slice %arg8[%run_scoped3A_202, %dma_start3A_218, %dma_start3A_219] : memref<2x128x128xf32, #tpu.memory_space<vmem>> -> memref<1x128x128xf32, #tpu.memory_space<vmem>>
        %dma_start3A_221 = tpu.memref_squeeze %dma_start3A_220 : memref<1x128x128xf32, #tpu.memory_space<vmem>> -> memref<128x128xf32, #tpu.memory_space<vmem>>
        %dma_start3A_222 = arith.constant 0 : i32
        %dma_start3A_223 = tpu.memref_slice %arg7[%add3A_190, %dma_start3A_222] : memref<40x128xi32, #tpu.memory_space<vmem>> -> memref<1x128xi32, #tpu.memory_space<vmem>>
        %dma_start3A_224 = tpu.memref_squeeze %dma_start3A_223 : memref<1x128xi32, #tpu.memory_space<vmem>> -> memref<128xi32, #tpu.memory_space<vmem>>
        %dma_start3A_225 = arith.constant 0 : i32
        %dma_start3A_226 = arith.constant 0 : i32
        %dma_start3A_227 = tpu.memref_slice %arg9[%dma_start3A_225, %dma_start3A_226] : memref<10240x128xf32, #tpu.memory_space<vmem_shared>> -> memref<10240x128xf32, #tpu.memory_space<vmem_shared>>
        tpu.enqueue_indirect_dma source(%dma_start3A_221 : memref<128x128xf32, #tpu.memory_space<vmem>>) target(%dma_start3A_227 : memref<10240x128xf32, #tpu.memory_space<vmem_shared>>) offsets(%dma_start3A_224 : memref<128xi32, #tpu.memory_space<vmem>>) semaphore(%run_scoped3A_217 : memref<!tpu.dma_semaphore, #tpu.memory_space<semaphore_mem>>) {add = true}
        %dma_wait3A_228 = arith.constant 0 : i32
        %dma_wait3A_229 = arith.constant 0 : i32
        %dma_wait3A_230 = tpu.memref_slice %arg8[%run_scoped3A_202, %dma_wait3A_228, %dma_wait3A_229] : memref<2x128x128xf32, #tpu.memory_space<vmem>> -> memref<1x128x128xf32, #tpu.memory_space<vmem>>
        %dma_wait3A_231 = tpu.memref_squeeze %dma_wait3A_230 : memref<1x128x128xf32, #tpu.memory_space<vmem>> -> memref<128x128xf32, #tpu.memory_space<vmem>>
        %dma_wait3A_232 = arith.constant 0 : i32
        %dma_wait3A_233 = tpu.memref_slice %arg7[%add3A_190, %dma_wait3A_232] : memref<40x128xi32, #tpu.memory_space<vmem>> -> memref<1x128xi32, #tpu.memory_space<vmem>>
        %dma_wait3A_234 = tpu.memref_squeeze %dma_wait3A_233 : memref<1x128xi32, #tpu.memory_space<vmem>> -> memref<128xi32, #tpu.memory_space<vmem>>
        %dma_wait3A_235 = arith.constant 0 : i32
        %dma_wait3A_236 = arith.constant 0 : i32
        %dma_wait3A_237 = tpu.memref_slice %arg9[%dma_wait3A_235, %dma_wait3A_236] : memref<10240x128xf32, #tpu.memory_space<vmem_shared>> -> memref<10240x128xf32, #tpu.memory_space<vmem_shared>>
        tpu.wait_indirect_dma semaphore(%run_scoped3A_217 : memref<!tpu.dma_semaphore, #tpu.memory_space<semaphore_mem>>) src(%dma_wait3A_231 : memref<128x128xf32, #tpu.memory_space<vmem>>) dst(%dma_wait3A_237 : memref<10240x128xf32, #tpu.memory_space<vmem_shared>>)
        tpu.yield
      }) : () -> ()
      %add3A_203 = arith.constant 2 : i32
      %add3A_204 = arith.addi %add3A_190, %add3A_203 : i32
      %dma_start3A_205 = arith.constant 1 : i32
      %dma_start3A_206 = arith.constant 0 : i32
      %dma_start3A_207 = arith.constant 0 : i32
      %dma_start3A_208 = tpu.memref_slice %arg8[%dma_start3A_205, %dma_start3A_206, %dma_start3A_207] : memref<2x128x128xf32, #tpu.memory_space<vmem>> -> memref<1x128x128xf32, #tpu.memory_space<vmem>>
      %dma_start3A_209 = tpu.memref_squeeze %dma_start3A_208 : memref<1x128x128xf32, #tpu.memory_space<vmem>> -> memref<128x128xf32, #tpu.memory_space<vmem>>
      %dma_start3A_210 = arith.constant 0 : i32
      %dma_start3A_211 = tpu.memref_slice %arg6[%add3A_204, %dma_start3A_210] : memref<40x128xi32, #tpu.memory_space<vmem>> -> memref<1x128xi32, #tpu.memory_space<vmem>>
      %dma_start3A_212 = tpu.memref_squeeze %dma_start3A_211 : memref<1x128xi32, #tpu.memory_space<vmem>> -> memref<128xi32, #tpu.memory_space<vmem>>
      %dma_start3A_213 = arith.constant 0 : i32
      %dma_start3A_214 = arith.constant 0 : i32
      %dma_start3A_215 = tpu.memref_slice %arg2[%dma_start3A_213, %dma_start3A_214] : memref<10240x128xf32, #tpu.memory_space<hbm>> -> memref<10240x128xf32, #tpu.memory_space<hbm>>
      tpu.enqueue_indirect_dma source(%dma_start3A_215 : memref<10240x128xf32, #tpu.memory_space<hbm>>) target(%dma_start3A_209 : memref<128x128xf32, #tpu.memory_space<vmem>>) offsets(%dma_start3A_212 : memref<128xi32, #tpu.memory_space<vmem>>) semaphore(%arg11 : memref<!tpu.dma_semaphore, #tpu.memory_space<semaphore_mem>>)
      %scan3A_216 = arith.constant 0 : i32
      scf.yield %scan3A_216 : i32
    }
    %scan3A_120 = arith.constant 19 : i32
    %dma_wait3A_121 = arith.constant 38 : i32
    %dma_wait3A_122 = arith.constant 0 : i32
    %dma_wait3A_123 = arith.constant 0 : i32
    %dma_wait3A_124 = arith.constant 0 : i32
    %dma_wait3A_125 = tpu.memref_slice %arg8[%dma_wait3A_122, %dma_wait3A_123, %dma_wait3A_124] : memref<2x128x128xf32, #tpu.memory_space<vmem>> -> memref<1x128x128xf32, #tpu.memory_space<vmem>>
    %dma_wait3A_126 = tpu.memref_squeeze %dma_wait3A_125 : memref<1x128x128xf32, #tpu.memory_space<vmem>> -> memref<128x128xf32, #tpu.memory_space<vmem>>
    %dma_wait3A_127 = arith.constant 0 : i32
    %dma_wait3A_128 = tpu.memref_slice %arg6[%dma_wait3A_121, %dma_wait3A_127] : memref<40x128xi32, #tpu.memory_space<vmem>> -> memref<1x128xi32, #tpu.memory_space<vmem>>
    %dma_wait3A_129 = tpu.memref_squeeze %dma_wait3A_128 : memref<1x128xi32, #tpu.memory_space<vmem>> -> memref<128xi32, #tpu.memory_space<vmem>>
    %dma_wait3A_130 = arith.constant 0 : i32
    %dma_wait3A_131 = arith.constant 0 : i32
    %dma_wait3A_132 = tpu.memref_slice %arg2[%dma_wait3A_130, %dma_wait3A_131] : memref<10240x128xf32, #tpu.memory_space<hbm>> -> memref<10240x128xf32, #tpu.memory_space<hbm>>
    tpu.wait_indirect_dma semaphore(%arg10 : memref<!tpu.dma_semaphore, #tpu.memory_space<semaphore_mem>>) src(%dma_wait3A_132 : memref<10240x128xf32, #tpu.memory_space<hbm>>) dst(%dma_wait3A_126 : memref<128x128xf32, #tpu.memory_space<vmem>>)
    %run_scoped3A_133 = arith.constant 0 : i32
    %run_scoped3A_134 = arith.constant 38 : i32
    "tpu.region"() ({
      %run_scoped3A_156 = tpu.sem_alloc : memref<!tpu.dma_semaphore, #tpu.memory_space<semaphore_mem>>
      %dma_start3A_157 = arith.constant 0 : i32
      %dma_start3A_158 = arith.constant 0 : i32
      %dma_start3A_159 = tpu.memref_slice %arg8[%run_scoped3A_133, %dma_start3A_157, %dma_start3A_158] : memref<2x128x128xf32, #tpu.memory_space<vmem>> -> memref<1x128x128xf32, #tpu.memory_space<vmem>>
      %dma_start3A_160 = tpu.memref_squeeze %dma_start3A_159 : memref<1x128x128xf32, #tpu.memory_space<vmem>> -> memref<128x128xf32, #tpu.memory_space<vmem>>
      %dma_start3A_161 = arith.constant 0 : i32
      %dma_start3A_162 = tpu.memref_slice %arg7[%run_scoped3A_134, %dma_start3A_161] : memref<40x128xi32, #tpu.memory_space<vmem>> -> memref<1x128xi32, #tpu.memory_space<vmem>>
      %dma_start3A_163 = tpu.memref_squeeze %dma_start3A_162 : memref<1x128xi32, #tpu.memory_space<vmem>> -> memref<128xi32, #tpu.memory_space<vmem>>
      %dma_start3A_164 = arith.constant 0 : i32
      %dma_start3A_165 = arith.constant 0 : i32
      %dma_start3A_166 = tpu.memref_slice %arg9[%dma_start3A_164, %dma_start3A_165] : memref<10240x128xf32, #tpu.memory_space<vmem_shared>> -> memref<10240x128xf32, #tpu.memory_space<vmem_shared>>
      tpu.enqueue_indirect_dma source(%dma_start3A_160 : memref<128x128xf32, #tpu.memory_space<vmem>>) target(%dma_start3A_166 : memref<10240x128xf32, #tpu.memory_space<vmem_shared>>) offsets(%dma_start3A_163 : memref<128xi32, #tpu.memory_space<vmem>>) semaphore(%run_scoped3A_156 : memref<!tpu.dma_semaphore, #tpu.memory_space<semaphore_mem>>) {add = true}
      %dma_wait3A_167 = arith.constant 0 : i32
      %dma_wait3A_168 = arith.constant 0 : i32
      %dma_wait3A_169 = tpu.memref_slice %arg8[%run_scoped3A_133, %dma_wait3A_167, %dma_wait3A_168] : memref<2x128x128xf32, #tpu.memory_space<vmem>> -> memref<1x128x128xf32, #tpu.memory_space<vmem>>
      %dma_wait3A_170 = tpu.memref_squeeze %dma_wait3A_169 : memref<1x128x128xf32, #tpu.memory_space<vmem>> -> memref<128x128xf32, #tpu.memory_space<vmem>>
      %dma_wait3A_171 = arith.constant 0 : i32
      %dma_wait3A_172 = tpu.memref_slice %arg7[%run_scoped3A_134, %dma_wait3A_171] : memref<40x128xi32, #tpu.memory_space<vmem>> -> memref<1x128xi32, #tpu.memory_space<vmem>>
      %dma_wait3A_173 = tpu.memref_squeeze %dma_wait3A_172 : memref<1x128xi32, #tpu.memory_space<vmem>> -> memref<128xi32, #tpu.memory_space<vmem>>
      %dma_wait3A_174 = arith.constant 0 : i32
      %dma_wait3A_175 = arith.constant 0 : i32
      %dma_wait3A_176 = tpu.memref_slice %arg9[%dma_wait3A_174, %dma_wait3A_175] : memref<10240x128xf32, #tpu.memory_space<vmem_shared>> -> memref<10240x128xf32, #tpu.memory_space<vmem_shared>>
      tpu.wait_indirect_dma semaphore(%run_scoped3A_156 : memref<!tpu.dma_semaphore, #tpu.memory_space<semaphore_mem>>) src(%dma_wait3A_170 : memref<128x128xf32, #tpu.memory_space<vmem>>) dst(%dma_wait3A_176 : memref<10240x128xf32, #tpu.memory_space<vmem_shared>>)
      tpu.yield
    }) : () -> ()
    %dma_wait3A_135 = arith.constant 39 : i32
    %dma_wait3A_136 = arith.constant 1 : i32
    %dma_wait3A_137 = arith.constant 0 : i32
    %dma_wait3A_138 = arith.constant 0 : i32
    %dma_wait3A_139 = tpu.memref_slice %arg8[%dma_wait3A_136, %dma_wait3A_137, %dma_wait3A_138] : memref<2x128x128xf32, #tpu.memory_space<vmem>> -> memref<1x128x128xf32, #tpu.memory_space<vmem>>
    %dma_wait3A_140 = tpu.memref_squeeze %dma_wait3A_139 : memref<1x128x128xf32, #tpu.memory_space<vmem>> -> memref<128x128xf32, #tpu.memory_space<vmem>>
    %dma_wait3A_141 = arith.constant 0 : i32
    %dma_wait3A_142 = tpu.memref_slice %arg6[%dma_wait3A_135, %dma_wait3A_141] : memref<40x128xi32, #tpu.memory_space<vmem>> -> memref<1x128xi32, #tpu.memory_space<vmem>>
    %dma_wait3A_143 = tpu.memref_squeeze %dma_wait3A_142 : memref<1x128xi32, #tpu.memory_space<vmem>> -> memref<128xi32, #tpu.memory_space<vmem>>
    %dma_wait3A_144 = arith.constant 0 : i32
    %dma_wait3A_145 = arith.constant 0 : i32
    %dma_wait3A_146 = tpu.memref_slice %arg2[%dma_wait3A_144, %dma_wait3A_145] : memref<10240x128xf32, #tpu.memory_space<hbm>> -> memref<10240x128xf32, #tpu.memory_space<hbm>>
    tpu.wait_indirect_dma semaphore(%arg11 : memref<!tpu.dma_semaphore, #tpu.memory_space<semaphore_mem>>) src(%dma_wait3A_146 : memref<10240x128xf32, #tpu.memory_space<hbm>>) dst(%dma_wait3A_140 : memref<128x128xf32, #tpu.memory_space<vmem>>)
    %run_scoped3A_147 = arith.constant 1 : i32
    %run_scoped3A_148 = arith.constant 39 : i32
    "tpu.region"() ({
      %run_scoped3A_156 = tpu.sem_alloc : memref<!tpu.dma_semaphore, #tpu.memory_space<semaphore_mem>>
      %dma_start3A_157 = arith.constant 0 : i32
      %dma_start3A_158 = arith.constant 0 : i32
      %dma_start3A_159 = tpu.memref_slice %arg8[%run_scoped3A_147, %dma_start3A_157, %dma_start3A_158] : memref<2x128x128xf32, #tpu.memory_space<vmem>> -> memref<1x128x128xf32, #tpu.memory_space<vmem>>
      %dma_start3A_160 = tpu.memref_squeeze %dma_start3A_159 : memref<1x128x128xf32, #tpu.memory_space<vmem>> -> memref<128x128xf32, #tpu.memory_space<vmem>>
      %dma_start3A_161 = arith.constant 0 : i32
      %dma_start3A_162 = tpu.memref_slice %arg7[%run_scoped3A_148, %dma_start3A_161] : memref<40x128xi32, #tpu.memory_space<vmem>> -> memref<1x128xi32, #tpu.memory_space<vmem>>
      %dma_start3A_163 = tpu.memref_squeeze %dma_start3A_162 : memref<1x128xi32, #tpu.memory_space<vmem>> -> memref<128xi32, #tpu.memory_space<vmem>>
      %dma_start3A_164 = arith.constant 0 : i32
      %dma_start3A_165 = arith.constant 0 : i32
      %dma_start3A_166 = tpu.memref_slice %arg9[%dma_start3A_164, %dma_start3A_165] : memref<10240x128xf32, #tpu.memory_space<vmem_shared>> -> memref<10240x128xf32, #tpu.memory_space<vmem_shared>>
      tpu.enqueue_indirect_dma source(%dma_start3A_160 : memref<128x128xf32, #tpu.memory_space<vmem>>) target(%dma_start3A_166 : memref<10240x128xf32, #tpu.memory_space<vmem_shared>>) offsets(%dma_start3A_163 : memref<128xi32, #tpu.memory_space<vmem>>) semaphore(%run_scoped3A_156 : memref<!tpu.dma_semaphore, #tpu.memory_space<semaphore_mem>>) {add = true}
      %dma_wait3A_167 = arith.constant 0 : i32
      %dma_wait3A_168 = arith.constant 0 : i32
      %dma_wait3A_169 = tpu.memref_slice %arg8[%run_scoped3A_147, %dma_wait3A_167, %dma_wait3A_168] : memref<2x128x128xf32, #tpu.memory_space<vmem>> -> memref<1x128x128xf32, #tpu.memory_space<vmem>>
      %dma_wait3A_170 = tpu.memref_squeeze %dma_wait3A_169 : memref<1x128x128xf32, #tpu.memory_space<vmem>> -> memref<128x128xf32, #tpu.memory_space<vmem>>
      %dma_wait3A_171 = arith.constant 0 : i32
      %dma_wait3A_172 = tpu.memref_slice %arg7[%run_scoped3A_148, %dma_wait3A_171] : memref<40x128xi32, #tpu.memory_space<vmem>> -> memref<1x128xi32, #tpu.memory_space<vmem>>
      %dma_wait3A_173 = tpu.memref_squeeze %dma_wait3A_172 : memref<1x128xi32, #tpu.memory_space<vmem>> -> memref<128xi32, #tpu.memory_space<vmem>>
      %dma_wait3A_174 = arith.constant 0 : i32
      %dma_wait3A_175 = arith.constant 0 : i32
      %dma_wait3A_176 = tpu.memref_slice %arg9[%dma_wait3A_174, %dma_wait3A_175] : memref<10240x128xf32, #tpu.memory_space<vmem_shared>> -> memref<10240x128xf32, #tpu.memory_space<vmem_shared>>
      tpu.wait_indirect_dma semaphore(%run_scoped3A_156 : memref<!tpu.dma_semaphore, #tpu.memory_space<semaphore_mem>>) src(%dma_wait3A_170 : memref<128x128xf32, #tpu.memory_space<vmem>>) dst(%dma_wait3A_176 : memref<10240x128xf32, #tpu.memory_space<vmem_shared>>)
      tpu.yield
    }) : () -> ()
    %barrier3A_149 = arith.constant 0 : index
    tpu.barrier barrier_id(%barrier3A_149)
    %mul3A_150 = arith.constant 10240 : i32
    %mul3A_151 = arith.muli %arg0, %mul3A_150 : i32
    %mul3A_152 = arith.constant 640 : i32
    %mul3A_153 = arith.muli %arg1, %mul3A_152 : i32
    %add3A_154 = arith.addi %mul3A_151, %mul3A_153 : i32
    %multiple_of3A_155 = tpu.assume_multiple %add3A_154, 8 : i32
    "tpu.region"() ({
      %run_scoped3A_156 = tpu.sem_alloc : memref<!tpu.dma_semaphore, #tpu.memory_space<semaphore_mem>>
      %dma_start3A_157 = arith.constant 0 : i32
      %dma_start3A_158 = tpu.memref_slice %arg5[%multiple_of3A_155, %dma_start3A_157] : memref<20480x128xf32, #tpu.memory_space<hbm>> -> memref<640x128xf32, #tpu.memory_space<hbm>>
      %dma_start3A_159 = arith.constant 0 : i32
      %dma_start3A_160 = tpu.memref_slice %arg9[%multiple_of3A, %dma_start3A_159] : memref<10240x128xf32, #tpu.memory_space<vmem_shared>> -> memref<640x128xf32, #tpu.memory_space<vmem_shared>>
      tpu.enqueue_dma source(%dma_start3A_160 : memref<640x128xf32, #tpu.memory_space<vmem_shared>>) target(%dma_start3A_158 : memref<640x128xf32, #tpu.memory_space<hbm>>) target_semaphore(%run_scoped3A_156 : memref<!tpu.dma_semaphore, #tpu.memory_space<semaphore_mem>>)
      %dma_wait3A_161 = arith.constant 0 : i32
      %dma_wait3A_162 = tpu.memref_slice %arg5[%multiple_of3A_155, %dma_wait3A_161] : memref<20480x128xf32, #tpu.memory_space<hbm>> -> memref<640x128xf32, #tpu.memory_space<hbm>>
      %dma_wait3A_163 = arith.constant 0 : i32
      %dma_wait3A_164 = tpu.memref_slice %arg9[%multiple_of3A, %dma_wait3A_163] : memref<10240x128xf32, #tpu.memory_space<vmem_shared>> -> memref<640x128xf32, #tpu.memory_space<vmem_shared>>
      tpu.wait_dma2 semaphore(%run_scoped3A_156 : memref<!tpu.dma_semaphore, #tpu.memory_space<semaphore_mem>>) src(%dma_wait3A_164 : memref<640x128xf32, #tpu.memory_space<vmem_shared>>) dst(%dma_wait3A_162 : memref<640x128xf32, #tpu.memory_space<hbm>>)
      tpu.yield
    }) : () -> ()
    return
  }
}

#map = affine_map<(d0, d1) -> (0, 0)>
module attributes {stable_mosaic.version = 14 : i64} {
  func.func @_agg_body(%arg0: i32, %arg1: i32, %arg2: memref<10240x128xf32, #tpu.memory_space<hbm>>, %arg3: memref<2560x128xi32, #tpu.memory_space<hbm>>, %arg4: memref<2560x128xi32, #tpu.memory_space<hbm>>, %arg5: memref<20480x128xf32, #tpu.memory_space<hbm>>, %arg6: memref<40x128xi32, #tpu.memory_space<vmem>>, %arg7: memref<40x128xi32, #tpu.memory_space<vmem>>, %arg8: memref<2x128x128xf32, #tpu.memory_space<vmem>>, %arg9: memref<10240x128xf32, #tpu.memory_space<vmem_shared>>, %arg10: memref<!tpu.dma_semaphore, #tpu.memory_space<semaphore_mem>>, %arg11: memref<!tpu.dma_semaphore, #tpu.memory_space<semaphore_mem>>) attributes {dimension_semantics = [#tpu.dimension_semantics<core_parallel>, #tpu.dimension_semantics<subcore_parallel>], iteration_bounds = array<i64: 2, 16>, scalar_prefetch = 0 : i64, scratch_operands = 6 : i64, tpu.core_type = #tpu.core_type<sc_vector_subcore>, window_params = [{transform_indices = #map}, {transform_indices = #map}, {transform_indices = #map}, {transform_indices = #map}]} {
    %mul3A = arith.constant 2 : i32
    %mul3A_0 = arith.muli %arg1, %mul3A : i32
    %add3A = arith.addi %mul3A_0, %arg0 : i32
    %broadcast_in_dim3A = arith.constant 0.000000e+00 : f32
    %broadcast_in_dim3A_1 = vector.broadcast %broadcast_in_dim3A : f32 to vector<16xf32>
    %scan3A = arith.constant 0 : i32
    %scan3A_2 = arith.constant 0 : i32
    %scan3A_3 = arith.constant 0 : i32
    %scan3A_4 = arith.constant 128 : i32
    %scan3A_5 = arith.addi %scan3A_3, %scan3A_4 : i32
    %scan3A_6 = arith.constant 1 : i32
    %scan3A_7 = scf.for %scan3A_156 = %scan3A_3 to %scan3A_5 step %scan3A_6 iter_args(%scan3A_157 = %scan3A_2) -> (i32)  : i32 {
      %swap3A = arith.constant 0 : i32
      %swap3A_158 = arith.constant 0 : i32
      %swap3A_159 = tpu.memref_slice %arg8[%scan3A, %swap3A, %swap3A_158] : memref<2x128x128xf32, #tpu.memory_space<vmem>> -> memref<1x128x128xf32, #tpu.memory_space<vmem>>
      %swap3A_160 = tpu.memref_squeeze %swap3A_159 : memref<1x128x128xf32, #tpu.memory_space<vmem>> -> memref<128x128xf32, #tpu.memory_space<vmem>>
      %swap3A_161 = arith.index_cast %scan3A_156 : i32 to index
      %swap3A_162 = arith.constant 0 : index
      %swap3A_163 = tpu.vector_load %swap3A_160[%swap3A_161, %swap3A_162] {strides = array<i32>} : memref<128x128xf32, #tpu.memory_space<vmem>>, vector<1x16xf32>,
      %swap3A_164 = vector.shape_cast %swap3A_163 : vector<1x16xf32> to vector<16xf32>
      %swap3A_165 = vector.shape_cast %broadcast_in_dim3A_1 : vector<16xf32> to vector<1x16xf32>
      tpu.vector_store %swap3A_160[%swap3A_161, %swap3A_162], %swap3A_165 {strides = array<i32>} : memref<128x128xf32, #tpu.memory_space<vmem>>, vector<1x16xf32>,
      %swap3A_166 = arith.constant 0 : i32
      %swap3A_167 = arith.constant 0 : i32
      %swap3A_168 = tpu.memref_slice %arg8[%scan3A, %swap3A_166, %swap3A_167] : memref<2x128x128xf32, #tpu.memory_space<vmem>> -> memref<1x128x128xf32, #tpu.memory_space<vmem>>
      %swap3A_169 = tpu.memref_squeeze %swap3A_168 : memref<1x128x128xf32, #tpu.memory_space<vmem>> -> memref<128x128xf32, #tpu.memory_space<vmem>>
      %swap3A_170 = arith.index_cast %scan3A_156 : i32 to index
      %swap3A_171 = arith.constant 16 : index
      %swap3A_172 = tpu.vector_load %swap3A_169[%swap3A_170, %swap3A_171] {strides = array<i32>} : memref<128x128xf32, #tpu.memory_space<vmem>>, vector<1x16xf32>,
      %swap3A_173 = vector.shape_cast %swap3A_172 : vector<1x16xf32> to vector<16xf32>
      %swap3A_174 = vector.shape_cast %broadcast_in_dim3A_1 : vector<16xf32> to vector<1x16xf32>
      tpu.vector_store %swap3A_169[%swap3A_170, %swap3A_171], %swap3A_174 {strides = array<i32>} : memref<128x128xf32, #tpu.memory_space<vmem>>, vector<1x16xf32>,
      %swap3A_175 = arith.constant 0 : i32
      %swap3A_176 = arith.constant 0 : i32
      %swap3A_177 = tpu.memref_slice %arg8[%scan3A, %swap3A_175, %swap3A_176] : memref<2x128x128xf32, #tpu.memory_space<vmem>> -> memref<1x128x128xf32, #tpu.memory_space<vmem>>
      %swap3A_178 = tpu.memref_squeeze %swap3A_177 : memref<1x128x128xf32, #tpu.memory_space<vmem>> -> memref<128x128xf32, #tpu.memory_space<vmem>>
      %swap3A_179 = arith.index_cast %scan3A_156 : i32 to index
      %swap3A_180 = arith.constant 32 : index
      %swap3A_181 = tpu.vector_load %swap3A_178[%swap3A_179, %swap3A_180] {strides = array<i32>} : memref<128x128xf32, #tpu.memory_space<vmem>>, vector<1x16xf32>,
      %swap3A_182 = vector.shape_cast %swap3A_181 : vector<1x16xf32> to vector<16xf32>
      %swap3A_183 = vector.shape_cast %broadcast_in_dim3A_1 : vector<16xf32> to vector<1x16xf32>
      tpu.vector_store %swap3A_178[%swap3A_179, %swap3A_180], %swap3A_183 {strides = array<i32>} : memref<128x128xf32, #tpu.memory_space<vmem>>, vector<1x16xf32>,
      %swap3A_184 = arith.constant 0 : i32
      %swap3A_185 = arith.constant 0 : i32
      %swap3A_186 = tpu.memref_slice %arg8[%scan3A, %swap3A_184, %swap3A_185] : memref<2x128x128xf32, #tpu.memory_space<vmem>> -> memref<1x128x128xf32, #tpu.memory_space<vmem>>
      %swap3A_187 = tpu.memref_squeeze %swap3A_186 : memref<1x128x128xf32, #tpu.memory_space<vmem>> -> memref<128x128xf32, #tpu.memory_space<vmem>>
      %swap3A_188 = arith.index_cast %scan3A_156 : i32 to index
      %swap3A_189 = arith.constant 48 : index
      %swap3A_190 = tpu.vector_load %swap3A_187[%swap3A_188, %swap3A_189] {strides = array<i32>} : memref<128x128xf32, #tpu.memory_space<vmem>>, vector<1x16xf32>,
      %swap3A_191 = vector.shape_cast %swap3A_190 : vector<1x16xf32> to vector<16xf32>
      %swap3A_192 = vector.shape_cast %broadcast_in_dim3A_1 : vector<16xf32> to vector<1x16xf32>
      tpu.vector_store %swap3A_187[%swap3A_188, %swap3A_189], %swap3A_192 {strides = array<i32>} : memref<128x128xf32, #tpu.memory_space<vmem>>, vector<1x16xf32>,
      %swap3A_193 = arith.constant 0 : i32
      %swap3A_194 = arith.constant 0 : i32
      %swap3A_195 = tpu.memref_slice %arg8[%scan3A, %swap3A_193, %swap3A_194] : memref<2x128x128xf32, #tpu.memory_space<vmem>> -> memref<1x128x128xf32, #tpu.memory_space<vmem>>
      %swap3A_196 = tpu.memref_squeeze %swap3A_195 : memref<1x128x128xf32, #tpu.memory_space<vmem>> -> memref<128x128xf32, #tpu.memory_space<vmem>>
      %swap3A_197 = arith.index_cast %scan3A_156 : i32 to index
      %swap3A_198 = arith.constant 64 : index
      %swap3A_199 = tpu.vector_load %swap3A_196[%swap3A_197, %swap3A_198] {strides = array<i32>} : memref<128x128xf32, #tpu.memory_space<vmem>>, vector<1x16xf32>,
      %swap3A_200 = vector.shape_cast %swap3A_199 : vector<1x16xf32> to vector<16xf32>
      %swap3A_201 = vector.shape_cast %broadcast_in_dim3A_1 : vector<16xf32> to vector<1x16xf32>
      tpu.vector_store %swap3A_196[%swap3A_197, %swap3A_198], %swap3A_201 {strides = array<i32>} : memref<128x128xf32, #tpu.memory_space<vmem>>, vector<1x16xf32>,
      %swap3A_202 = arith.constant 0 : i32
      %swap3A_203 = arith.constant 0 : i32
      %swap3A_204 = tpu.memref_slice %arg8[%scan3A, %swap3A_202, %swap3A_203] : memref<2x128x128xf32, #tpu.memory_space<vmem>> -> memref<1x128x128xf32, #tpu.memory_space<vmem>>
      %swap3A_205 = tpu.memref_squeeze %swap3A_204 : memref<1x128x128xf32, #tpu.memory_space<vmem>> -> memref<128x128xf32, #tpu.memory_space<vmem>>
      %swap3A_206 = arith.index_cast %scan3A_156 : i32 to index
      %swap3A_207 = arith.constant 80 : index
      %swap3A_208 = tpu.vector_load %swap3A_205[%swap3A_206, %swap3A_207] {strides = array<i32>} : memref<128x128xf32, #tpu.memory_space<vmem>>, vector<1x16xf32>,
      %swap3A_209 = vector.shape_cast %swap3A_208 : vector<1x16xf32> to vector<16xf32>
      %swap3A_210 = vector.shape_cast %broadcast_in_dim3A_1 : vector<16xf32> to vector<1x16xf32>
      tpu.vector_store %swap3A_205[%swap3A_206, %swap3A_207], %swap3A_210 {strides = array<i32>} : memref<128x128xf32, #tpu.memory_space<vmem>>, vector<1x16xf32>,
      %swap3A_211 = arith.constant 0 : i32
      %swap3A_212 = arith.constant 0 : i32
      %swap3A_213 = tpu.memref_slice %arg8[%scan3A, %swap3A_211, %swap3A_212] : memref<2x128x128xf32, #tpu.memory_space<vmem>> -> memref<1x128x128xf32, #tpu.memory_space<vmem>>
      %swap3A_214 = tpu.memref_squeeze %swap3A_213 : memref<1x128x128xf32, #tpu.memory_space<vmem>> -> memref<128x128xf32, #tpu.memory_space<vmem>>
      %swap3A_215 = arith.index_cast %scan3A_156 : i32 to index
      %swap3A_216 = arith.constant 96 : index
      %swap3A_217 = tpu.vector_load %swap3A_214[%swap3A_215, %swap3A_216] {strides = array<i32>} : memref<128x128xf32, #tpu.memory_space<vmem>>, vector<1x16xf32>,
      %swap3A_218 = vector.shape_cast %swap3A_217 : vector<1x16xf32> to vector<16xf32>
      %swap3A_219 = vector.shape_cast %broadcast_in_dim3A_1 : vector<16xf32> to vector<1x16xf32>
      tpu.vector_store %swap3A_214[%swap3A_215, %swap3A_216], %swap3A_219 {strides = array<i32>} : memref<128x128xf32, #tpu.memory_space<vmem>>, vector<1x16xf32>,
      %swap3A_220 = arith.constant 0 : i32
      %swap3A_221 = arith.constant 0 : i32
      %swap3A_222 = tpu.memref_slice %arg8[%scan3A, %swap3A_220, %swap3A_221] : memref<2x128x128xf32, #tpu.memory_space<vmem>> -> memref<1x128x128xf32, #tpu.memory_space<vmem>>
      %swap3A_223 = tpu.memref_squeeze %swap3A_222 : memref<1x128x128xf32, #tpu.memory_space<vmem>> -> memref<128x128xf32, #tpu.memory_space<vmem>>
      %swap3A_224 = arith.index_cast %scan3A_156 : i32 to index
      %swap3A_225 = arith.constant 112 : index
      %swap3A_226 = tpu.vector_load %swap3A_223[%swap3A_224, %swap3A_225] {strides = array<i32>} : memref<128x128xf32, #tpu.memory_space<vmem>>, vector<1x16xf32>,
      %swap3A_227 = vector.shape_cast %swap3A_226 : vector<1x16xf32> to vector<16xf32>
      %swap3A_228 = vector.shape_cast %broadcast_in_dim3A_1 : vector<16xf32> to vector<1x16xf32>
      tpu.vector_store %swap3A_223[%swap3A_224, %swap3A_225], %swap3A_228 {strides = array<i32>} : memref<128x128xf32, #tpu.memory_space<vmem>>, vector<1x16xf32>,
      %scan3A_229 = arith.constant 0 : i32
      scf.yield %scan3A_229 : i32
    }
    %scan3A_8 = arith.constant 128 : i32
    %mul3A_9 = arith.constant 640 : i32
    %mul3A_10 = arith.muli %arg1, %mul3A_9 : i32
    %multiple_of3A = tpu.assume_multiple %mul3A_10, 8 : i32
    %add3A_11 = arith.constant 0 : i32
    %add3A_12 = arith.addi %multiple_of3A, %add3A_11 : i32
    %run_scoped3A = arith.constant 0 : i32
    "tpu.region"() ({
      %run_scoped3A_156 = tpu.sem_alloc : memref<!tpu.dma_semaphore, #tpu.memory_space<semaphore_mem>>
      %dma_start3A_157 = arith.constant 0 : i32
      %dma_start3A_158 = arith.constant 0 : i32
      %dma_start3A_159 = tpu.memref_slice %arg8[%run_scoped3A, %dma_start3A_157, %dma_start3A_158] : memref<2x128x128xf32, #tpu.memory_space<vmem>> -> memref<1x128x128xf32, #tpu.memory_space<vmem>>
      %dma_start3A_160 = tpu.memref_squeeze %dma_start3A_159 : memref<1x128x128xf32, #tpu.memory_space<vmem>> -> memref<128x128xf32, #tpu.memory_space<vmem>>
      %dma_start3A_161 = arith.constant 0 : i32
      %dma_start3A_162 = tpu.memref_slice %arg9[%add3A_12, %dma_start3A_161] : memref<10240x128xf32, #tpu.memory_space<vmem_shared>> -> memref<128x128xf32, #tpu.memory_space<vmem_shared>>
      %dma_start3A_163 = arith.constant 0 : i32
      %dma_start3A_164 = tpu.memref_slice %arg9[%add3A_12, %dma_start3A_163] : memref<10240x128xf32, #tpu.memory_space<vmem_shared>> -> memref<128x128xf32, #tpu.memory_space<vmem_shared>>
      %dma_start3A_165 = arith.constant 0 : i32
      %dma_start3A_166 = arith.constant 0 : i32
      %dma_start3A_167 = tpu.memref_slice %arg8[%run_scoped3A, %dma_start3A_165, %dma_start3A_166] : memref<2x128x128xf32, #tpu.memory_space<vmem>> -> memref<1x128x128xf32, #tpu.memory_space<vmem>>
      %dma_start3A_168 = tpu.memref_squeeze %dma_start3A_167 : memref<1x128x128xf32, #tpu.memory_space<vmem>> -> memref<128x128xf32, #tpu.memory_space<vmem>>
      tpu.enqueue_dma source(%dma_start3A_168 : memref<128x128xf32, #tpu.memory_space<vmem>>) target(%dma_start3A_164 : memref<128x128xf32, #tpu.memory_space<vmem_shared>>) target_semaphore(%run_scoped3A_156 : memref<!tpu.dma_semaphore, #tpu.memory_space<semaphore_mem>>)
      %dma_wait3A_169 = arith.constant 0 : i32
      %dma_wait3A_170 = arith.constant 0 : i32
      %dma_wait3A_171 = tpu.memref_slice %arg8[%run_scoped3A, %dma_wait3A_169, %dma_wait3A_170] : memref<2x128x128xf32, #tpu.memory_space<vmem>> -> memref<1x128x128xf32, #tpu.memory_space<vmem>>
      %dma_wait3A_172 = tpu.memref_squeeze %dma_wait3A_171 : memref<1x128x128xf32, #tpu.memory_space<vmem>> -> memref<128x128xf32, #tpu.memory_space<vmem>>
      %dma_wait3A_173 = arith.constant 0 : i32
      %dma_wait3A_174 = tpu.memref_slice %arg9[%add3A_12, %dma_wait3A_173] : memref<10240x128xf32, #tpu.memory_space<vmem_shared>> -> memref<128x128xf32, #tpu.memory_space<vmem_shared>>
      %dma_wait3A_175 = arith.constant 0 : i32
      %dma_wait3A_176 = tpu.memref_slice %arg9[%add3A_12, %dma_wait3A_175] : memref<10240x128xf32, #tpu.memory_space<vmem_shared>> -> memref<128x128xf32, #tpu.memory_space<vmem_shared>>
      %dma_wait3A_177 = arith.constant 0 : i32
      %dma_wait3A_178 = arith.constant 0 : i32
      %dma_wait3A_179 = tpu.memref_slice %arg8[%run_scoped3A, %dma_wait3A_177, %dma_wait3A_178] : memref<2x128x128xf32, #tpu.memory_space<vmem>> -> memref<1x128x128xf32, #tpu.memory_space<vmem>>
      %dma_wait3A_180 = tpu.memref_squeeze %dma_wait3A_179 : memref<1x128x128xf32, #tpu.memory_space<vmem>> -> memref<128x128xf32, #tpu.memory_space<vmem>>
      tpu.wait_dma2 semaphore(%run_scoped3A_156 : memref<!tpu.dma_semaphore, #tpu.memory_space<semaphore_mem>>) src(%dma_wait3A_180 : memref<128x128xf32, #tpu.memory_space<vmem>>) dst(%dma_wait3A_176 : memref<128x128xf32, #tpu.memory_space<vmem_shared>>)
      tpu.yield
    }) : () -> ()
    %add3A_13 = arith.constant 128 : i32
    %add3A_14 = arith.addi %multiple_of3A, %add3A_13 : i32
    %run_scoped3A_15 = arith.constant 0 : i32
    "tpu.region"() ({
      %run_scoped3A_156 = tpu.sem_alloc : memref<!tpu.dma_semaphore, #tpu.memory_space<semaphore_mem>>
      %dma_start3A_157 = arith.constant 0 : i32
      %dma_start3A_158 = arith.constant 0 : i32
      %dma_start3A_159 = tpu.memref_slice %arg8[%run_scoped3A_15, %dma_start3A_157, %dma_start3A_158] : memref<2x128x128xf32, #tpu.memory_space<vmem>> -> memref<1x128x128xf32, #tpu.memory_space<vmem>>
      %dma_start3A_160 = tpu.memref_squeeze %dma_start3A_159 : memref<1x128x128xf32, #tpu.memory_space<vmem>> -> memref<128x128xf32, #tpu.memory_space<vmem>>
      %dma_start3A_161 = arith.constant 0 : i32
      %dma_start3A_162 = tpu.memref_slice %arg9[%add3A_14, %dma_start3A_161] : memref<10240x128xf32, #tpu.memory_space<vmem_shared>> -> memref<128x128xf32, #tpu.memory_space<vmem_shared>>
      %dma_start3A_163 = arith.constant 0 : i32
      %dma_start3A_164 = tpu.memref_slice %arg9[%add3A_14, %dma_start3A_163] : memref<10240x128xf32, #tpu.memory_space<vmem_shared>> -> memref<128x128xf32, #tpu.memory_space<vmem_shared>>
      %dma_start3A_165 = arith.constant 0 : i32
      %dma_start3A_166 = arith.constant 0 : i32
      %dma_start3A_167 = tpu.memref_slice %arg8[%run_scoped3A_15, %dma_start3A_165, %dma_start3A_166] : memref<2x128x128xf32, #tpu.memory_space<vmem>> -> memref<1x128x128xf32, #tpu.memory_space<vmem>>
      %dma_start3A_168 = tpu.memref_squeeze %dma_start3A_167 : memref<1x128x128xf32, #tpu.memory_space<vmem>> -> memref<128x128xf32, #tpu.memory_space<vmem>>
      tpu.enqueue_dma source(%dma_start3A_168 : memref<128x128xf32, #tpu.memory_space<vmem>>) target(%dma_start3A_164 : memref<128x128xf32, #tpu.memory_space<vmem_shared>>) target_semaphore(%run_scoped3A_156 : memref<!tpu.dma_semaphore, #tpu.memory_space<semaphore_mem>>)
      %dma_wait3A_169 = arith.constant 0 : i32
      %dma_wait3A_170 = arith.constant 0 : i32
      %dma_wait3A_171 = tpu.memref_slice %arg8[%run_scoped3A_15, %dma_wait3A_169, %dma_wait3A_170] : memref<2x128x128xf32, #tpu.memory_space<vmem>> -> memref<1x128x128xf32, #tpu.memory_space<vmem>>
      %dma_wait3A_172 = tpu.memref_squeeze %dma_wait3A_171 : memref<1x128x128xf32, #tpu.memory_space<vmem>> -> memref<128x128xf32, #tpu.memory_space<vmem>>
      %dma_wait3A_173 = arith.constant 0 : i32
      %dma_wait3A_174 = tpu.memref_slice %arg9[%add3A_14, %dma_wait3A_173] : memref<10240x128xf32, #tpu.memory_space<vmem_shared>> -> memref<128x128xf32, #tpu.memory_space<vmem_shared>>
      %dma_wait3A_175 = arith.constant 0 : i32
      %dma_wait3A_176 = tpu.memref_slice %arg9[%add3A_14, %dma_wait3A_175] : memref<10240x128xf32, #tpu.memory_space<vmem_shared>> -> memref<128x128xf32, #tpu.memory_space<vmem_shared>>
      %dma_wait3A_177 = arith.constant 0 : i32
      %dma_wait3A_178 = arith.constant 0 : i32
      %dma_wait3A_179 = tpu.memref_slice %arg8[%run_scoped3A_15, %dma_wait3A_177, %dma_wait3A_178] : memref<2x128x128xf32, #tpu.memory_space<vmem>> -> memref<1x128x128xf32, #tpu.memory_space<vmem>>
      %dma_wait3A_180 = tpu.memref_squeeze %dma_wait3A_179 : memref<1x128x128xf32, #tpu.memory_space<vmem>> -> memref<128x128xf32, #tpu.memory_space<vmem>>
      tpu.wait_dma2 semaphore(%run_scoped3A_156 : memref<!tpu.dma_semaphore, #tpu.memory_space<semaphore_mem>>) src(%dma_wait3A_180 : memref<128x128xf32, #tpu.memory_space<vmem>>) dst(%dma_wait3A_176 : memref<128x128xf32, #tpu.memory_space<vmem_shared>>)
      tpu.yield
    }) : () -> ()
    %add3A_16 = arith.constant 256 : i32
    %add3A_17 = arith.addi %multiple_of3A, %add3A_16 : i32
    %run_scoped3A_18 = arith.constant 0 : i32
    "tpu.region"() ({
      %run_scoped3A_156 = tpu.sem_alloc : memref<!tpu.dma_semaphore, #tpu.memory_space<semaphore_mem>>
      %dma_start3A_157 = arith.constant 0 : i32
      %dma_start3A_158 = arith.constant 0 : i32
      %dma_start3A_159 = tpu.memref_slice %arg8[%run_scoped3A_18, %dma_start3A_157, %dma_start3A_158] : memref<2x128x128xf32, #tpu.memory_space<vmem>> -> memref<1x128x128xf32, #tpu.memory_space<vmem>>
      %dma_start3A_160 = tpu.memref_squeeze %dma_start3A_159 : memref<1x128x128xf32, #tpu.memory_space<vmem>> -> memref<128x128xf32, #tpu.memory_space<vmem>>
      %dma_start3A_161 = arith.constant 0 : i32
      %dma_start3A_162 = tpu.memref_slice %arg9[%add3A_17, %dma_start3A_161] : memref<10240x128xf32, #tpu.memory_space<vmem_shared>> -> memref<128x128xf32, #tpu.memory_space<vmem_shared>>
      %dma_start3A_163 = arith.constant 0 : i32
      %dma_start3A_164 = tpu.memref_slice %arg9[%add3A_17, %dma_start3A_163] : memref<10240x128xf32, #tpu.memory_space<vmem_shared>> -> memref<128x128xf32, #tpu.memory_space<vmem_shared>>
      %dma_start3A_165 = arith.constant 0 : i32
      %dma_start3A_166 = arith.constant 0 : i32
      %dma_start3A_167 = tpu.memref_slice %arg8[%run_scoped3A_18, %dma_start3A_165, %dma_start3A_166] : memref<2x128x128xf32, #tpu.memory_space<vmem>> -> memref<1x128x128xf32, #tpu.memory_space<vmem>>
      %dma_start3A_168 = tpu.memref_squeeze %dma_start3A_167 : memref<1x128x128xf32, #tpu.memory_space<vmem>> -> memref<128x128xf32, #tpu.memory_space<vmem>>
      tpu.enqueue_dma source(%dma_start3A_168 : memref<128x128xf32, #tpu.memory_space<vmem>>) target(%dma_start3A_164 : memref<128x128xf32, #tpu.memory_space<vmem_shared>>) target_semaphore(%run_scoped3A_156 : memref<!tpu.dma_semaphore, #tpu.memory_space<semaphore_mem>>)
      %dma_wait3A_169 = arith.constant 0 : i32
      %dma_wait3A_170 = arith.constant 0 : i32
      %dma_wait3A_171 = tpu.memref_slice %arg8[%run_scoped3A_18, %dma_wait3A_169, %dma_wait3A_170] : memref<2x128x128xf32, #tpu.memory_space<vmem>> -> memref<1x128x128xf32, #tpu.memory_space<vmem>>
      %dma_wait3A_172 = tpu.memref_squeeze %dma_wait3A_171 : memref<1x128x128xf32, #tpu.memory_space<vmem>> -> memref<128x128xf32, #tpu.memory_space<vmem>>
      %dma_wait3A_173 = arith.constant 0 : i32
      %dma_wait3A_174 = tpu.memref_slice %arg9[%add3A_17, %dma_wait3A_173] : memref<10240x128xf32, #tpu.memory_space<vmem_shared>> -> memref<128x128xf32, #tpu.memory_space<vmem_shared>>
      %dma_wait3A_175 = arith.constant 0 : i32
      %dma_wait3A_176 = tpu.memref_slice %arg9[%add3A_17, %dma_wait3A_175] : memref<10240x128xf32, #tpu.memory_space<vmem_shared>> -> memref<128x128xf32, #tpu.memory_space<vmem_shared>>
      %dma_wait3A_177 = arith.constant 0 : i32
      %dma_wait3A_178 = arith.constant 0 : i32
      %dma_wait3A_179 = tpu.memref_slice %arg8[%run_scoped3A_18, %dma_wait3A_177, %dma_wait3A_178] : memref<2x128x128xf32, #tpu.memory_space<vmem>> -> memref<1x128x128xf32, #tpu.memory_space<vmem>>
      %dma_wait3A_180 = tpu.memref_squeeze %dma_wait3A_179 : memref<1x128x128xf32, #tpu.memory_space<vmem>> -> memref<128x128xf32, #tpu.memory_space<vmem>>
      tpu.wait_dma2 semaphore(%run_scoped3A_156 : memref<!tpu.dma_semaphore, #tpu.memory_space<semaphore_mem>>) src(%dma_wait3A_180 : memref<128x128xf32, #tpu.memory_space<vmem>>) dst(%dma_wait3A_176 : memref<128x128xf32, #tpu.memory_space<vmem_shared>>)
      tpu.yield
    }) : () -> ()
    %add3A_19 = arith.constant 384 : i32
    %add3A_20 = arith.addi %multiple_of3A, %add3A_19 : i32
    %run_scoped3A_21 = arith.constant 0 : i32
    "tpu.region"() ({
      %run_scoped3A_156 = tpu.sem_alloc : memref<!tpu.dma_semaphore, #tpu.memory_space<semaphore_mem>>
      %dma_start3A_157 = arith.constant 0 : i32
      %dma_start3A_158 = arith.constant 0 : i32
      %dma_start3A_159 = tpu.memref_slice %arg8[%run_scoped3A_21, %dma_start3A_157, %dma_start3A_158] : memref<2x128x128xf32, #tpu.memory_space<vmem>> -> memref<1x128x128xf32, #tpu.memory_space<vmem>>
      %dma_start3A_160 = tpu.memref_squeeze %dma_start3A_159 : memref<1x128x128xf32, #tpu.memory_space<vmem>> -> memref<128x128xf32, #tpu.memory_space<vmem>>
      %dma_start3A_161 = arith.constant 0 : i32
      %dma_start3A_162 = tpu.memref_slice %arg9[%add3A_20, %dma_start3A_161] : memref<10240x128xf32, #tpu.memory_space<vmem_shared>> -> memref<128x128xf32, #tpu.memory_space<vmem_shared>>
      %dma_start3A_163 = arith.constant 0 : i32
      %dma_start3A_164 = tpu.memref_slice %arg9[%add3A_20, %dma_start3A_163] : memref<10240x128xf32, #tpu.memory_space<vmem_shared>> -> memref<128x128xf32, #tpu.memory_space<vmem_shared>>
      %dma_start3A_165 = arith.constant 0 : i32
      %dma_start3A_166 = arith.constant 0 : i32
      %dma_start3A_167 = tpu.memref_slice %arg8[%run_scoped3A_21, %dma_start3A_165, %dma_start3A_166] : memref<2x128x128xf32, #tpu.memory_space<vmem>> -> memref<1x128x128xf32, #tpu.memory_space<vmem>>
      %dma_start3A_168 = tpu.memref_squeeze %dma_start3A_167 : memref<1x128x128xf32, #tpu.memory_space<vmem>> -> memref<128x128xf32, #tpu.memory_space<vmem>>
      tpu.enqueue_dma source(%dma_start3A_168 : memref<128x128xf32, #tpu.memory_space<vmem>>) target(%dma_start3A_164 : memref<128x128xf32, #tpu.memory_space<vmem_shared>>) target_semaphore(%run_scoped3A_156 : memref<!tpu.dma_semaphore, #tpu.memory_space<semaphore_mem>>)
      %dma_wait3A_169 = arith.constant 0 : i32
      %dma_wait3A_170 = arith.constant 0 : i32
      %dma_wait3A_171 = tpu.memref_slice %arg8[%run_scoped3A_21, %dma_wait3A_169, %dma_wait3A_170] : memref<2x128x128xf32, #tpu.memory_space<vmem>> -> memref<1x128x128xf32, #tpu.memory_space<vmem>>
      %dma_wait3A_172 = tpu.memref_squeeze %dma_wait3A_171 : memref<1x128x128xf32, #tpu.memory_space<vmem>> -> memref<128x128xf32, #tpu.memory_space<vmem>>
      %dma_wait3A_173 = arith.constant 0 : i32
      %dma_wait3A_174 = tpu.memref_slice %arg9[%add3A_20, %dma_wait3A_173] : memref<10240x128xf32, #tpu.memory_space<vmem_shared>> -> memref<128x128xf32, #tpu.memory_space<vmem_shared>>
      %dma_wait3A_175 = arith.constant 0 : i32
      %dma_wait3A_176 = tpu.memref_slice %arg9[%add3A_20, %dma_wait3A_175] : memref<10240x128xf32, #tpu.memory_space<vmem_shared>> -> memref<128x128xf32, #tpu.memory_space<vmem_shared>>
      %dma_wait3A_177 = arith.constant 0 : i32
      %dma_wait3A_178 = arith.constant 0 : i32
      %dma_wait3A_179 = tpu.memref_slice %arg8[%run_scoped3A_21, %dma_wait3A_177, %dma_wait3A_178] : memref<2x128x128xf32, #tpu.memory_space<vmem>> -> memref<1x128x128xf32, #tpu.memory_space<vmem>>
      %dma_wait3A_180 = tpu.memref_squeeze %dma_wait3A_179 : memref<1x128x128xf32, #tpu.memory_space<vmem>> -> memref<128x128xf32, #tpu.memory_space<vmem>>
      tpu.wait_dma2 semaphore(%run_scoped3A_156 : memref<!tpu.dma_semaphore, #tpu.memory_space<semaphore_mem>>) src(%dma_wait3A_180 : memref<128x128xf32, #tpu.memory_space<vmem>>) dst(%dma_wait3A_176 : memref<128x128xf32, #tpu.memory_space<vmem_shared>>)
      tpu.yield
    }) : () -> ()
    %add3A_22 = arith.constant 512 : i32
    %add3A_23 = arith.addi %multiple_of3A, %add3A_22 : i32
    %run_scoped3A_24 = arith.constant 0 : i32
    "tpu.region"() ({
      %run_scoped3A_156 = tpu.sem_alloc : memref<!tpu.dma_semaphore, #tpu.memory_space<semaphore_mem>>
      %dma_start3A_157 = arith.constant 0 : i32
      %dma_start3A_158 = arith.constant 0 : i32
      %dma_start3A_159 = tpu.memref_slice %arg8[%run_scoped3A_24, %dma_start3A_157, %dma_start3A_158] : memref<2x128x128xf32, #tpu.memory_space<vmem>> -> memref<1x128x128xf32, #tpu.memory_space<vmem>>
      %dma_start3A_160 = tpu.memref_squeeze %dma_start3A_159 : memref<1x128x128xf32, #tpu.memory_space<vmem>> -> memref<128x128xf32, #tpu.memory_space<vmem>>
      %dma_start3A_161 = arith.constant 0 : i32
      %dma_start3A_162 = tpu.memref_slice %arg9[%add3A_23, %dma_start3A_161] : memref<10240x128xf32, #tpu.memory_space<vmem_shared>> -> memref<128x128xf32, #tpu.memory_space<vmem_shared>>
      %dma_start3A_163 = arith.constant 0 : i32
      %dma_start3A_164 = tpu.memref_slice %arg9[%add3A_23, %dma_start3A_163] : memref<10240x128xf32, #tpu.memory_space<vmem_shared>> -> memref<128x128xf32, #tpu.memory_space<vmem_shared>>
      %dma_start3A_165 = arith.constant 0 : i32
      %dma_start3A_166 = arith.constant 0 : i32
      %dma_start3A_167 = tpu.memref_slice %arg8[%run_scoped3A_24, %dma_start3A_165, %dma_start3A_166] : memref<2x128x128xf32, #tpu.memory_space<vmem>> -> memref<1x128x128xf32, #tpu.memory_space<vmem>>
      %dma_start3A_168 = tpu.memref_squeeze %dma_start3A_167 : memref<1x128x128xf32, #tpu.memory_space<vmem>> -> memref<128x128xf32, #tpu.memory_space<vmem>>
      tpu.enqueue_dma source(%dma_start3A_168 : memref<128x128xf32, #tpu.memory_space<vmem>>) target(%dma_start3A_164 : memref<128x128xf32, #tpu.memory_space<vmem_shared>>) target_semaphore(%run_scoped3A_156 : memref<!tpu.dma_semaphore, #tpu.memory_space<semaphore_mem>>)
      %dma_wait3A_169 = arith.constant 0 : i32
      %dma_wait3A_170 = arith.constant 0 : i32
      %dma_wait3A_171 = tpu.memref_slice %arg8[%run_scoped3A_24, %dma_wait3A_169, %dma_wait3A_170] : memref<2x128x128xf32, #tpu.memory_space<vmem>> -> memref<1x128x128xf32, #tpu.memory_space<vmem>>
      %dma_wait3A_172 = tpu.memref_squeeze %dma_wait3A_171 : memref<1x128x128xf32, #tpu.memory_space<vmem>> -> memref<128x128xf32, #tpu.memory_space<vmem>>
      %dma_wait3A_173 = arith.constant 0 : i32
      %dma_wait3A_174 = tpu.memref_slice %arg9[%add3A_23, %dma_wait3A_173] : memref<10240x128xf32, #tpu.memory_space<vmem_shared>> -> memref<128x128xf32, #tpu.memory_space<vmem_shared>>
      %dma_wait3A_175 = arith.constant 0 : i32
      %dma_wait3A_176 = tpu.memref_slice %arg9[%add3A_23, %dma_wait3A_175] : memref<10240x128xf32, #tpu.memory_space<vmem_shared>> -> memref<128x128xf32, #tpu.memory_space<vmem_shared>>
      %dma_wait3A_177 = arith.constant 0 : i32
      %dma_wait3A_178 = arith.constant 0 : i32
      %dma_wait3A_179 = tpu.memref_slice %arg8[%run_scoped3A_24, %dma_wait3A_177, %dma_wait3A_178] : memref<2x128x128xf32, #tpu.memory_space<vmem>> -> memref<1x128x128xf32, #tpu.memory_space<vmem>>
      %dma_wait3A_180 = tpu.memref_squeeze %dma_wait3A_179 : memref<1x128x128xf32, #tpu.memory_space<vmem>> -> memref<128x128xf32, #tpu.memory_space<vmem>>
      tpu.wait_dma2 semaphore(%run_scoped3A_156 : memref<!tpu.dma_semaphore, #tpu.memory_space<semaphore_mem>>) src(%dma_wait3A_180 : memref<128x128xf32, #tpu.memory_space<vmem>>) dst(%dma_wait3A_176 : memref<128x128xf32, #tpu.memory_space<vmem_shared>>)
      tpu.yield
    }) : () -> ()
    %barrier3A = arith.constant 0 : index
    tpu.barrier barrier_id(%barrier3A)
    %mul3A_25 = arith.constant 80 : i32
    %mul3A_26 = arith.muli %add3A, %mul3A_25 : i32
    %add3A_27 = arith.constant 0 : i32
    %add3A_28 = arith.addi %mul3A_26, %add3A_27 : i32
    "tpu.region"() ({
      %run_scoped3A_156 = tpu.sem_alloc : memref<!tpu.dma_semaphore, #tpu.memory_space<semaphore_mem>>
      %dma_start3A_157 = arith.constant 0 : i32
      %dma_start3A_158 = tpu.memref_slice %arg3[%add3A_28, %dma_start3A_157] : memref<2560x128xi32, #tpu.memory_space<hbm>> -> memref<40x128xi32, #tpu.memory_space<hbm>>
      %dma_start3A_159 = arith.constant 0 : i32
      %dma_start3A_160 = tpu.memref_slice %arg3[%add3A_28, %dma_start3A_159] : memref<2560x128xi32, #tpu.memory_space<hbm>> -> memref<40x128xi32, #tpu.memory_space<hbm>>
      tpu.enqueue_dma source(%dma_start3A_160 : memref<40x128xi32, #tpu.memory_space<hbm>>) target(%arg6 : memref<40x128xi32, #tpu.memory_space<vmem>>) target_semaphore(%run_scoped3A_156 : memref<!tpu.dma_semaphore, #tpu.memory_space<semaphore_mem>>)
      %dma_wait3A_161 = arith.constant 0 : i32
      %dma_wait3A_162 = tpu.memref_slice %arg3[%add3A_28, %dma_wait3A_161] : memref<2560x128xi32, #tpu.memory_space<hbm>> -> memref<40x128xi32, #tpu.memory_space<hbm>>
      %dma_wait3A_163 = arith.constant 0 : i32
      %dma_wait3A_164 = tpu.memref_slice %arg3[%add3A_28, %dma_wait3A_163] : memref<2560x128xi32, #tpu.memory_space<hbm>> -> memref<40x128xi32, #tpu.memory_space<hbm>>
      tpu.wait_dma2 semaphore(%run_scoped3A_156 : memref<!tpu.dma_semaphore, #tpu.memory_space<semaphore_mem>>) src(%dma_wait3A_164 : memref<40x128xi32, #tpu.memory_space<hbm>>) dst(%arg6 : memref<40x128xi32, #tpu.memory_space<vmem>>)
      tpu.yield
    }) : () -> ()
    "tpu.region"() ({
      %run_scoped3A_156 = tpu.sem_alloc : memref<!tpu.dma_semaphore, #tpu.memory_space<semaphore_mem>>
      %dma_start3A_157 = arith.constant 0 : i32
      %dma_start3A_158 = tpu.memref_slice %arg4[%add3A_28, %dma_start3A_157] : memref<2560x128xi32, #tpu.memory_space<hbm>> -> memref<40x128xi32, #tpu.memory_space<hbm>>
      %dma_start3A_159 = arith.constant 0 : i32
      %dma_start3A_160 = tpu.memref_slice %arg4[%add3A_28, %dma_start3A_159] : memref<2560x128xi32, #tpu.memory_space<hbm>> -> memref<40x128xi32, #tpu.memory_space<hbm>>
      tpu.enqueue_dma source(%dma_start3A_160 : memref<40x128xi32, #tpu.memory_space<hbm>>) target(%arg7 : memref<40x128xi32, #tpu.memory_space<vmem>>) target_semaphore(%run_scoped3A_156 : memref<!tpu.dma_semaphore, #tpu.memory_space<semaphore_mem>>)
      %dma_wait3A_161 = arith.constant 0 : i32
      %dma_wait3A_162 = tpu.memref_slice %arg4[%add3A_28, %dma_wait3A_161] : memref<2560x128xi32, #tpu.memory_space<hbm>> -> memref<40x128xi32, #tpu.memory_space<hbm>>
      %dma_wait3A_163 = arith.constant 0 : i32
      %dma_wait3A_164 = tpu.memref_slice %arg4[%add3A_28, %dma_wait3A_163] : memref<2560x128xi32, #tpu.memory_space<hbm>> -> memref<40x128xi32, #tpu.memory_space<hbm>>
      tpu.wait_dma2 semaphore(%run_scoped3A_156 : memref<!tpu.dma_semaphore, #tpu.memory_space<semaphore_mem>>) src(%dma_wait3A_164 : memref<40x128xi32, #tpu.memory_space<hbm>>) dst(%arg7 : memref<40x128xi32, #tpu.memory_space<vmem>>)
      tpu.yield
    }) : () -> ()
    %dma_start3A = arith.constant 0 : i32
    %dma_start3A_29 = arith.constant 0 : i32
    %dma_start3A_30 = arith.constant 0 : i32
    %dma_start3A_31 = arith.constant 0 : i32
    %dma_start3A_32 = tpu.memref_slice %arg8[%dma_start3A_29, %dma_start3A_30, %dma_start3A_31] : memref<2x128x128xf32, #tpu.memory_space<vmem>> -> memref<1x128x128xf32, #tpu.memory_space<vmem>>
    %dma_start3A_33 = tpu.memref_squeeze %dma_start3A_32 : memref<1x128x128xf32, #tpu.memory_space<vmem>> -> memref<128x128xf32, #tpu.memory_space<vmem>>
    %dma_start3A_34 = arith.constant 0 : i32
    %dma_start3A_35 = tpu.memref_slice %arg6[%dma_start3A, %dma_start3A_34] : memref<40x128xi32, #tpu.memory_space<vmem>> -> memref<1x128xi32, #tpu.memory_space<vmem>>
    %dma_start3A_36 = tpu.memref_squeeze %dma_start3A_35 : memref<1x128xi32, #tpu.memory_space<vmem>> -> memref<128xi32, #tpu.memory_space<vmem>>
    %dma_start3A_37 = arith.constant 0 : i32
    %dma_start3A_38 = arith.constant 0 : i32
    %dma_start3A_39 = tpu.memref_slice %arg2[%dma_start3A_37, %dma_start3A_38] : memref<10240x128xf32, #tpu.memory_space<hbm>> -> memref<10240x128xf32, #tpu.memory_space<hbm>>
    tpu.enqueue_indirect_dma source(%dma_start3A_39 : memref<10240x128xf32, #tpu.memory_space<hbm>>) target(%dma_start3A_33 : memref<128x128xf32, #tpu.memory_space<vmem>>) offsets(%dma_start3A_36 : memref<128xi32, #tpu.memory_space<vmem>>) semaphore(%arg10 : memref<!tpu.dma_semaphore, #tpu.memory_space<semaphore_mem>>)
    %dma_start3A_40 = arith.constant 1 : i32
    %dma_start3A_41 = arith.constant 1 : i32
    %dma_start3A_42 = arith.constant 0 : i32
    %dma_start3A_43 = arith.constant 0 : i32
    %dma_start3A_44 = tpu.memref_slice %arg8[%dma_start3A_41, %dma_start3A_42, %dma_start3A_43] : memref<2x128x128xf32, #tpu.memory_space<vmem>> -> memref<1x128x128xf32, #tpu.memory_space<vmem>>
    %dma_start3A_45 = tpu.memref_squeeze %dma_start3A_44 : memref<1x128x128xf32, #tpu.memory_space<vmem>> -> memref<128x128xf32, #tpu.memory_space<vmem>>
    %dma_start3A_46 = arith.constant 0 : i32
    %dma_start3A_47 = tpu.memref_slice %arg6[%dma_start3A_40, %dma_start3A_46] : memref<40x128xi32, #tpu.memory_space<vmem>> -> memref<1x128xi32, #tpu.memory_space<vmem>>
    %dma_start3A_48 = tpu.memref_squeeze %dma_start3A_47 : memref<1x128xi32, #tpu.memory_space<vmem>> -> memref<128xi32, #tpu.memory_space<vmem>>
    %dma_start3A_49 = arith.constant 0 : i32
    %dma_start3A_50 = arith.constant 0 : i32
    %dma_start3A_51 = tpu.memref_slice %arg2[%dma_start3A_49, %dma_start3A_50] : memref<10240x128xf32, #tpu.memory_space<hbm>> -> memref<10240x128xf32, #tpu.memory_space<hbm>>
    tpu.enqueue_indirect_dma source(%dma_start3A_51 : memref<10240x128xf32, #tpu.memory_space<hbm>>) target(%dma_start3A_45 : memref<128x128xf32, #tpu.memory_space<vmem>>) offsets(%dma_start3A_48 : memref<128xi32, #tpu.memory_space<vmem>>) semaphore(%arg11 : memref<!tpu.dma_semaphore, #tpu.memory_space<semaphore_mem>>)
    %scan3A_52 = arith.constant 0 : i32
    %scan3A_53 = arith.constant 0 : i32
    %scan3A_54 = arith.constant 19 : i32
    %scan3A_55 = arith.addi %scan3A_53, %scan3A_54 : i32
    %scan3A_56 = arith.constant 1 : i32
    %scan3A_57 = scf.for %scan3A_156 = %scan3A_53 to %scan3A_55 step %scan3A_56 iter_args(%scan3A_157 = %scan3A_52) -> (i32)  : i32 {
      %mul3A_158 = arith.constant 2 : i32
      %mul3A_159 = arith.muli %scan3A_156, %mul3A_158 : i32
      %add3A_160 = arith.constant 0 : i32
      %add3A_161 = arith.addi %mul3A_159, %add3A_160 : i32
      %dma_wait3A_162 = arith.constant 0 : i32
      %dma_wait3A_163 = arith.constant 0 : i32
      %dma_wait3A_164 = arith.constant 0 : i32
      %dma_wait3A_165 = tpu.memref_slice %arg8[%dma_wait3A_162, %dma_wait3A_163, %dma_wait3A_164] : memref<2x128x128xf32, #tpu.memory_space<vmem>> -> memref<1x128x128xf32, #tpu.memory_space<vmem>>
      %dma_wait3A_166 = tpu.memref_squeeze %dma_wait3A_165 : memref<1x128x128xf32, #tpu.memory_space<vmem>> -> memref<128x128xf32, #tpu.memory_space<vmem>>
      %dma_wait3A_167 = arith.constant 0 : i32
      %dma_wait3A_168 = tpu.memref_slice %arg6[%add3A_161, %dma_wait3A_167] : memref<40x128xi32, #tpu.memory_space<vmem>> -> memref<1x128xi32, #tpu.memory_space<vmem>>
      %dma_wait3A_169 = tpu.memref_squeeze %dma_wait3A_168 : memref<1x128xi32, #tpu.memory_space<vmem>> -> memref<128xi32, #tpu.memory_space<vmem>>
      %dma_wait3A_170 = arith.constant 0 : i32
      %dma_wait3A_171 = arith.constant 0 : i32
      %dma_wait3A_172 = tpu.memref_slice %arg2[%dma_wait3A_170, %dma_wait3A_171] : memref<10240x128xf32, #tpu.memory_space<hbm>> -> memref<10240x128xf32, #tpu.memory_space<hbm>>
      tpu.wait_indirect_dma semaphore(%arg10 : memref<!tpu.dma_semaphore, #tpu.memory_space<semaphore_mem>>) src(%dma_wait3A_172 : memref<10240x128xf32, #tpu.memory_space<hbm>>) dst(%dma_wait3A_166 : memref<128x128xf32, #tpu.memory_space<vmem>>)
      %run_scoped3A_173 = arith.constant 0 : i32
      "tpu.region"() ({
        %run_scoped3A_217 = tpu.sem_alloc : memref<!tpu.dma_semaphore, #tpu.memory_space<semaphore_mem>>
        %dma_start3A_218 = arith.constant 0 : i32
        %dma_start3A_219 = arith.constant 0 : i32
        %dma_start3A_220 = tpu.memref_slice %arg8[%run_scoped3A_173, %dma_start3A_218, %dma_start3A_219] : memref<2x128x128xf32, #tpu.memory_space<vmem>> -> memref<1x128x128xf32, #tpu.memory_space<vmem>>
        %dma_start3A_221 = tpu.memref_squeeze %dma_start3A_220 : memref<1x128x128xf32, #tpu.memory_space<vmem>> -> memref<128x128xf32, #tpu.memory_space<vmem>>
        %dma_start3A_222 = arith.constant 0 : i32
        %dma_start3A_223 = tpu.memref_slice %arg7[%add3A_161, %dma_start3A_222] : memref<40x128xi32, #tpu.memory_space<vmem>> -> memref<1x128xi32, #tpu.memory_space<vmem>>
        %dma_start3A_224 = tpu.memref_squeeze %dma_start3A_223 : memref<1x128xi32, #tpu.memory_space<vmem>> -> memref<128xi32, #tpu.memory_space<vmem>>
        %dma_start3A_225 = arith.constant 0 : i32
        %dma_start3A_226 = arith.constant 0 : i32
        %dma_start3A_227 = tpu.memref_slice %arg9[%dma_start3A_225, %dma_start3A_226] : memref<10240x128xf32, #tpu.memory_space<vmem_shared>> -> memref<10240x128xf32, #tpu.memory_space<vmem_shared>>
        tpu.enqueue_indirect_dma source(%dma_start3A_221 : memref<128x128xf32, #tpu.memory_space<vmem>>) target(%dma_start3A_227 : memref<10240x128xf32, #tpu.memory_space<vmem_shared>>) offsets(%dma_start3A_224 : memref<128xi32, #tpu.memory_space<vmem>>) semaphore(%run_scoped3A_217 : memref<!tpu.dma_semaphore, #tpu.memory_space<semaphore_mem>>) {add = true}
        %dma_wait3A_228 = arith.constant 0 : i32
        %dma_wait3A_229 = arith.constant 0 : i32
        %dma_wait3A_230 = tpu.memref_slice %arg8[%run_scoped3A_173, %dma_wait3A_228, %dma_wait3A_229] : memref<2x128x128xf32, #tpu.memory_space<vmem>> -> memref<1x128x128xf32, #tpu.memory_space<vmem>>
        %dma_wait3A_231 = tpu.memref_squeeze %dma_wait3A_230 : memref<1x128x128xf32, #tpu.memory_space<vmem>> -> memref<128x128xf32, #tpu.memory_space<vmem>>
        %dma_wait3A_232 = arith.constant 0 : i32
        %dma_wait3A_233 = tpu.memref_slice %arg7[%add3A_161, %dma_wait3A_232] : memref<40x128xi32, #tpu.memory_space<vmem>> -> memref<1x128xi32, #tpu.memory_space<vmem>>
        %dma_wait3A_234 = tpu.memref_squeeze %dma_wait3A_233 : memref<1x128xi32, #tpu.memory_space<vmem>> -> memref<128xi32, #tpu.memory_space<vmem>>
        %dma_wait3A_235 = arith.constant 0 : i32
        %dma_wait3A_236 = arith.constant 0 : i32
        %dma_wait3A_237 = tpu.memref_slice %arg9[%dma_wait3A_235, %dma_wait3A_236] : memref<10240x128xf32, #tpu.memory_space<vmem_shared>> -> memref<10240x128xf32, #tpu.memory_space<vmem_shared>>
        tpu.wait_indirect_dma semaphore(%run_scoped3A_217 : memref<!tpu.dma_semaphore, #tpu.memory_space<semaphore_mem>>) src(%dma_wait3A_231 : memref<128x128xf32, #tpu.memory_space<vmem>>) dst(%dma_wait3A_237 : memref<10240x128xf32, #tpu.memory_space<vmem_shared>>)
        tpu.yield
      }) : () -> ()
      %add3A_174 = arith.constant 2 : i32
      %add3A_175 = arith.addi %add3A_161, %add3A_174 : i32
      %dma_start3A_176 = arith.constant 0 : i32
      %dma_start3A_177 = arith.constant 0 : i32
      %dma_start3A_178 = arith.constant 0 : i32
      %dma_start3A_179 = tpu.memref_slice %arg8[%dma_start3A_176, %dma_start3A_177, %dma_start3A_178] : memref<2x128x128xf32, #tpu.memory_space<vmem>> -> memref<1x128x128xf32, #tpu.memory_space<vmem>>
      %dma_start3A_180 = tpu.memref_squeeze %dma_start3A_179 : memref<1x128x128xf32, #tpu.memory_space<vmem>> -> memref<128x128xf32, #tpu.memory_space<vmem>>
      %dma_start3A_181 = arith.constant 0 : i32
      %dma_start3A_182 = tpu.memref_slice %arg6[%add3A_175, %dma_start3A_181] : memref<40x128xi32, #tpu.memory_space<vmem>> -> memref<1x128xi32, #tpu.memory_space<vmem>>
      %dma_start3A_183 = tpu.memref_squeeze %dma_start3A_182 : memref<1x128xi32, #tpu.memory_space<vmem>> -> memref<128xi32, #tpu.memory_space<vmem>>
      %dma_start3A_184 = arith.constant 0 : i32
      %dma_start3A_185 = arith.constant 0 : i32
      %dma_start3A_186 = tpu.memref_slice %arg2[%dma_start3A_184, %dma_start3A_185] : memref<10240x128xf32, #tpu.memory_space<hbm>> -> memref<10240x128xf32, #tpu.memory_space<hbm>>
      tpu.enqueue_indirect_dma source(%dma_start3A_186 : memref<10240x128xf32, #tpu.memory_space<hbm>>) target(%dma_start3A_180 : memref<128x128xf32, #tpu.memory_space<vmem>>) offsets(%dma_start3A_183 : memref<128xi32, #tpu.memory_space<vmem>>) semaphore(%arg10 : memref<!tpu.dma_semaphore, #tpu.memory_space<semaphore_mem>>)
      %mul3A_187 = arith.constant 2 : i32
      %mul3A_188 = arith.muli %scan3A_156, %mul3A_187 : i32
      %add3A_189 = arith.constant 1 : i32
      %add3A_190 = arith.addi %mul3A_188, %add3A_189 : i32
      %dma_wait3A_191 = arith.constant 1 : i32
      %dma_wait3A_192 = arith.constant 0 : i32
      %dma_wait3A_193 = arith.constant 0 : i32
      %dma_wait3A_194 = tpu.memref_slice %arg8[%dma_wait3A_191, %dma_wait3A_192, %dma_wait3A_193] : memref<2x128x128xf32, #tpu.memory_space<vmem>> -> memref<1x128x128xf32, #tpu.memory_space<vmem>>
      %dma_wait3A_195 = tpu.memref_squeeze %dma_wait3A_194 : memref<1x128x128xf32, #tpu.memory_space<vmem>> -> memref<128x128xf32, #tpu.memory_space<vmem>>
      %dma_wait3A_196 = arith.constant 0 : i32
      %dma_wait3A_197 = tpu.memref_slice %arg6[%add3A_190, %dma_wait3A_196] : memref<40x128xi32, #tpu.memory_space<vmem>> -> memref<1x128xi32, #tpu.memory_space<vmem>>
      %dma_wait3A_198 = tpu.memref_squeeze %dma_wait3A_197 : memref<1x128xi32, #tpu.memory_space<vmem>> -> memref<128xi32, #tpu.memory_space<vmem>>
      %dma_wait3A_199 = arith.constant 0 : i32
      %dma_wait3A_200 = arith.constant 0 : i32
      %dma_wait3A_201 = tpu.memref_slice %arg2[%dma_wait3A_199, %dma_wait3A_200] : memref<10240x128xf32, #tpu.memory_space<hbm>> -> memref<10240x128xf32, #tpu.memory_space<hbm>>
      tpu.wait_indirect_dma semaphore(%arg11 : memref<!tpu.dma_semaphore, #tpu.memory_space<semaphore_mem>>) src(%dma_wait3A_201 : memref<10240x128xf32, #tpu.memory_space<hbm>>) dst(%dma_wait3A_195 : memref<128x128xf32, #tpu.memory_space<vmem>>)
      %run_scoped3A_202 = arith.constant 1 : i32
      "tpu.region"() ({
        %run_scoped3A_217 = tpu.sem_alloc : memref<!tpu.dma_semaphore, #tpu.memory_space<semaphore_mem>>
        %dma_start3A_218 = arith.constant 0 : i32
        %dma_start3A_219 = arith.constant 0 : i32
        %dma_start3A_220 = tpu.memref_slice %arg8[%run_scoped3A_202, %dma_start3A_218, %dma_start3A_219] : memref<2x128x128xf32, #tpu.memory_space<vmem>> -> memref<1x128x128xf32, #tpu.memory_space<vmem>>
        %dma_start3A_221 = tpu.memref_squeeze %dma_start3A_220 : memref<1x128x128xf32, #tpu.memory_space<vmem>> -> memref<128x128xf32, #tpu.memory_space<vmem>>
        %dma_start3A_222 = arith.constant 0 : i32
        %dma_start3A_223 = tpu.memref_slice %arg7[%add3A_190, %dma_start3A_222] : memref<40x128xi32, #tpu.memory_space<vmem>> -> memref<1x128xi32, #tpu.memory_space<vmem>>
        %dma_start3A_224 = tpu.memref_squeeze %dma_start3A_223 : memref<1x128xi32, #tpu.memory_space<vmem>> -> memref<128xi32, #tpu.memory_space<vmem>>
        %dma_start3A_225 = arith.constant 0 : i32
        %dma_start3A_226 = arith.constant 0 : i32
        %dma_start3A_227 = tpu.memref_slice %arg9[%dma_start3A_225, %dma_start3A_226] : memref<10240x128xf32, #tpu.memory_space<vmem_shared>> -> memref<10240x128xf32, #tpu.memory_space<vmem_shared>>
        tpu.enqueue_indirect_dma source(%dma_start3A_221 : memref<128x128xf32, #tpu.memory_space<vmem>>) target(%dma_start3A_227 : memref<10240x128xf32, #tpu.memory_space<vmem_shared>>) offsets(%dma_start3A_224 : memref<128xi32, #tpu.memory_space<vmem>>) semaphore(%run_scoped3A_217 : memref<!tpu.dma_semaphore, #tpu.memory_space<semaphore_mem>>) {add = true}
        %dma_wait3A_228 = arith.constant 0 : i32
        %dma_wait3A_229 = arith.constant 0 : i32
        %dma_wait3A_230 = tpu.memref_slice %arg8[%run_scoped3A_202, %dma_wait3A_228, %dma_wait3A_229] : memref<2x128x128xf32, #tpu.memory_space<vmem>> -> memref<1x128x128xf32, #tpu.memory_space<vmem>>
        %dma_wait3A_231 = tpu.memref_squeeze %dma_wait3A_230 : memref<1x128x128xf32, #tpu.memory_space<vmem>> -> memref<128x128xf32, #tpu.memory_space<vmem>>
        %dma_wait3A_232 = arith.constant 0 : i32
        %dma_wait3A_233 = tpu.memref_slice %arg7[%add3A_190, %dma_wait3A_232] : memref<40x128xi32, #tpu.memory_space<vmem>> -> memref<1x128xi32, #tpu.memory_space<vmem>>
        %dma_wait3A_234 = tpu.memref_squeeze %dma_wait3A_233 : memref<1x128xi32, #tpu.memory_space<vmem>> -> memref<128xi32, #tpu.memory_space<vmem>>
        %dma_wait3A_235 = arith.constant 0 : i32
        %dma_wait3A_236 = arith.constant 0 : i32
        %dma_wait3A_237 = tpu.memref_slice %arg9[%dma_wait3A_235, %dma_wait3A_236] : memref<10240x128xf32, #tpu.memory_space<vmem_shared>> -> memref<10240x128xf32, #tpu.memory_space<vmem_shared>>
        tpu.wait_indirect_dma semaphore(%run_scoped3A_217 : memref<!tpu.dma_semaphore, #tpu.memory_space<semaphore_mem>>) src(%dma_wait3A_231 : memref<128x128xf32, #tpu.memory_space<vmem>>) dst(%dma_wait3A_237 : memref<10240x128xf32, #tpu.memory_space<vmem_shared>>)
        tpu.yield
      }) : () -> ()
      %add3A_203 = arith.constant 2 : i32
      %add3A_204 = arith.addi %add3A_190, %add3A_203 : i32
      %dma_start3A_205 = arith.constant 1 : i32
      %dma_start3A_206 = arith.constant 0 : i32
      %dma_start3A_207 = arith.constant 0 : i32
      %dma_start3A_208 = tpu.memref_slice %arg8[%dma_start3A_205, %dma_start3A_206, %dma_start3A_207] : memref<2x128x128xf32, #tpu.memory_space<vmem>> -> memref<1x128x128xf32, #tpu.memory_space<vmem>>
      %dma_start3A_209 = tpu.memref_squeeze %dma_start3A_208 : memref<1x128x128xf32, #tpu.memory_space<vmem>> -> memref<128x128xf32, #tpu.memory_space<vmem>>
      %dma_start3A_210 = arith.constant 0 : i32
      %dma_start3A_211 = tpu.memref_slice %arg6[%add3A_204, %dma_start3A_210] : memref<40x128xi32, #tpu.memory_space<vmem>> -> memref<1x128xi32, #tpu.memory_space<vmem>>
      %dma_start3A_212 = tpu.memref_squeeze %dma_start3A_211 : memref<1x128xi32, #tpu.memory_space<vmem>> -> memref<128xi32, #tpu.memory_space<vmem>>
      %dma_start3A_213 = arith.constant 0 : i32
      %dma_start3A_214 = arith.constant 0 : i32
      %dma_start3A_215 = tpu.memref_slice %arg2[%dma_start3A_213, %dma_start3A_214] : memref<10240x128xf32, #tpu.memory_space<hbm>> -> memref<10240x128xf32, #tpu.memory_space<hbm>>
      tpu.enqueue_indirect_dma source(%dma_start3A_215 : memref<10240x128xf32, #tpu.memory_space<hbm>>) target(%dma_start3A_209 : memref<128x128xf32, #tpu.memory_space<vmem>>) offsets(%dma_start3A_212 : memref<128xi32, #tpu.memory_space<vmem>>) semaphore(%arg11 : memref<!tpu.dma_semaphore, #tpu.memory_space<semaphore_mem>>)
      %scan3A_216 = arith.constant 0 : i32
      scf.yield %scan3A_216 : i32
    }
    %scan3A_58 = arith.constant 19 : i32
    %dma_wait3A = arith.constant 38 : i32
    %dma_wait3A_59 = arith.constant 0 : i32
    %dma_wait3A_60 = arith.constant 0 : i32
    %dma_wait3A_61 = arith.constant 0 : i32
    %dma_wait3A_62 = tpu.memref_slice %arg8[%dma_wait3A_59, %dma_wait3A_60, %dma_wait3A_61] : memref<2x128x128xf32, #tpu.memory_space<vmem>> -> memref<1x128x128xf32, #tpu.memory_space<vmem>>
    %dma_wait3A_63 = tpu.memref_squeeze %dma_wait3A_62 : memref<1x128x128xf32, #tpu.memory_space<vmem>> -> memref<128x128xf32, #tpu.memory_space<vmem>>
    %dma_wait3A_64 = arith.constant 0 : i32
    %dma_wait3A_65 = tpu.memref_slice %arg6[%dma_wait3A, %dma_wait3A_64] : memref<40x128xi32, #tpu.memory_space<vmem>> -> memref<1x128xi32, #tpu.memory_space<vmem>>
    %dma_wait3A_66 = tpu.memref_squeeze %dma_wait3A_65 : memref<1x128xi32, #tpu.memory_space<vmem>> -> memref<128xi32, #tpu.memory_space<vmem>>
    %dma_wait3A_67 = arith.constant 0 : i32
    %dma_wait3A_68 = arith.constant 0 : i32
    %dma_wait3A_69 = tpu.memref_slice %arg2[%dma_wait3A_67, %dma_wait3A_68] : memref<10240x128xf32, #tpu.memory_space<hbm>> -> memref<10240x128xf32, #tpu.memory_space<hbm>>
    tpu.wait_indirect_dma semaphore(%arg10 : memref<!tpu.dma_semaphore, #tpu.memory_space<semaphore_mem>>) src(%dma_wait3A_69 : memref<10240x128xf32, #tpu.memory_space<hbm>>) dst(%dma_wait3A_63 : memref<128x128xf32, #tpu.memory_space<vmem>>)
    %run_scoped3A_70 = arith.constant 0 : i32
    %run_scoped3A_71 = arith.constant 38 : i32
    "tpu.region"() ({
      %run_scoped3A_156 = tpu.sem_alloc : memref<!tpu.dma_semaphore, #tpu.memory_space<semaphore_mem>>
      %dma_start3A_157 = arith.constant 0 : i32
      %dma_start3A_158 = arith.constant 0 : i32
      %dma_start3A_159 = tpu.memref_slice %arg8[%run_scoped3A_70, %dma_start3A_157, %dma_start3A_158] : memref<2x128x128xf32, #tpu.memory_space<vmem>> -> memref<1x128x128xf32, #tpu.memory_space<vmem>>
      %dma_start3A_160 = tpu.memref_squeeze %dma_start3A_159 : memref<1x128x128xf32, #tpu.memory_space<vmem>> -> memref<128x128xf32, #tpu.memory_space<vmem>>
      %dma_start3A_161 = arith.constant 0 : i32
      %dma_start3A_162 = tpu.memref_slice %arg7[%run_scoped3A_71, %dma_start3A_161] : memref<40x128xi32, #tpu.memory_space<vmem>> -> memref<1x128xi32, #tpu.memory_space<vmem>>
      %dma_start3A_163 = tpu.memref_squeeze %dma_start3A_162 : memref<1x128xi32, #tpu.memory_space<vmem>> -> memref<128xi32, #tpu.memory_space<vmem>>
      %dma_start3A_164 = arith.constant 0 : i32
      %dma_start3A_165 = arith.constant 0 : i32
      %dma_start3A_166 = tpu.memref_slice %arg9[%dma_start3A_164, %dma_start3A_165] : memref<10240x128xf32, #tpu.memory_space<vmem_shared>> -> memref<10240x128xf32, #tpu.memory_space<vmem_shared>>
      tpu.enqueue_indirect_dma source(%dma_start3A_160 : memref<128x128xf32, #tpu.memory_space<vmem>>) target(%dma_start3A_166 : memref<10240x128xf32, #tpu.memory_space<vmem_shared>>) offsets(%dma_start3A_163 : memref<128xi32, #tpu.memory_space<vmem>>) semaphore(%run_scoped3A_156 : memref<!tpu.dma_semaphore, #tpu.memory_space<semaphore_mem>>) {add = true}
      %dma_wait3A_167 = arith.constant 0 : i32
      %dma_wait3A_168 = arith.constant 0 : i32
      %dma_wait3A_169 = tpu.memref_slice %arg8[%run_scoped3A_70, %dma_wait3A_167, %dma_wait3A_168] : memref<2x128x128xf32, #tpu.memory_space<vmem>> -> memref<1x128x128xf32, #tpu.memory_space<vmem>>
      %dma_wait3A_170 = tpu.memref_squeeze %dma_wait3A_169 : memref<1x128x128xf32, #tpu.memory_space<vmem>> -> memref<128x128xf32, #tpu.memory_space<vmem>>
      %dma_wait3A_171 = arith.constant 0 : i32
      %dma_wait3A_172 = tpu.memref_slice %arg7[%run_scoped3A_71, %dma_wait3A_171] : memref<40x128xi32, #tpu.memory_space<vmem>> -> memref<1x128xi32, #tpu.memory_space<vmem>>
      %dma_wait3A_173 = tpu.memref_squeeze %dma_wait3A_172 : memref<1x128xi32, #tpu.memory_space<vmem>> -> memref<128xi32, #tpu.memory_space<vmem>>
      %dma_wait3A_174 = arith.constant 0 : i32
      %dma_wait3A_175 = arith.constant 0 : i32
      %dma_wait3A_176 = tpu.memref_slice %arg9[%dma_wait3A_174, %dma_wait3A_175] : memref<10240x128xf32, #tpu.memory_space<vmem_shared>> -> memref<10240x128xf32, #tpu.memory_space<vmem_shared>>
      tpu.wait_indirect_dma semaphore(%run_scoped3A_156 : memref<!tpu.dma_semaphore, #tpu.memory_space<semaphore_mem>>) src(%dma_wait3A_170 : memref<128x128xf32, #tpu.memory_space<vmem>>) dst(%dma_wait3A_176 : memref<10240x128xf32, #tpu.memory_space<vmem_shared>>)
      tpu.yield
    }) : () -> ()
    %dma_wait3A_72 = arith.constant 39 : i32
    %dma_wait3A_73 = arith.constant 1 : i32
    %dma_wait3A_74 = arith.constant 0 : i32
    %dma_wait3A_75 = arith.constant 0 : i32
    %dma_wait3A_76 = tpu.memref_slice %arg8[%dma_wait3A_73, %dma_wait3A_74, %dma_wait3A_75] : memref<2x128x128xf32, #tpu.memory_space<vmem>> -> memref<1x128x128xf32, #tpu.memory_space<vmem>>
    %dma_wait3A_77 = tpu.memref_squeeze %dma_wait3A_76 : memref<1x128x128xf32, #tpu.memory_space<vmem>> -> memref<128x128xf32, #tpu.memory_space<vmem>>
    %dma_wait3A_78 = arith.constant 0 : i32
    %dma_wait3A_79 = tpu.memref_slice %arg6[%dma_wait3A_72, %dma_wait3A_78] : memref<40x128xi32, #tpu.memory_space<vmem>> -> memref<1x128xi32, #tpu.memory_space<vmem>>
    %dma_wait3A_80 = tpu.memref_squeeze %dma_wait3A_79 : memref<1x128xi32, #tpu.memory_space<vmem>> -> memref<128xi32, #tpu.memory_space<vmem>>
    %dma_wait3A_81 = arith.constant 0 : i32
    %dma_wait3A_82 = arith.constant 0 : i32
    %dma_wait3A_83 = tpu.memref_slice %arg2[%dma_wait3A_81, %dma_wait3A_82] : memref<10240x128xf32, #tpu.memory_space<hbm>> -> memref<10240x128xf32, #tpu.memory_space<hbm>>
    tpu.wait_indirect_dma semaphore(%arg11 : memref<!tpu.dma_semaphore, #tpu.memory_space<semaphore_mem>>) src(%dma_wait3A_83 : memref<10240x128xf32, #tpu.memory_space<hbm>>) dst(%dma_wait3A_77 : memref<128x128xf32, #tpu.memory_space<vmem>>)
    %run_scoped3A_84 = arith.constant 1 : i32
    %run_scoped3A_85 = arith.constant 39 : i32
    "tpu.region"() ({
      %run_scoped3A_156 = tpu.sem_alloc : memref<!tpu.dma_semaphore, #tpu.memory_space<semaphore_mem>>
      %dma_start3A_157 = arith.constant 0 : i32
      %dma_start3A_158 = arith.constant 0 : i32
      %dma_start3A_159 = tpu.memref_slice %arg8[%run_scoped3A_84, %dma_start3A_157, %dma_start3A_158] : memref<2x128x128xf32, #tpu.memory_space<vmem>> -> memref<1x128x128xf32, #tpu.memory_space<vmem>>
      %dma_start3A_160 = tpu.memref_squeeze %dma_start3A_159 : memref<1x128x128xf32, #tpu.memory_space<vmem>> -> memref<128x128xf32, #tpu.memory_space<vmem>>
      %dma_start3A_161 = arith.constant 0 : i32
      %dma_start3A_162 = tpu.memref_slice %arg7[%run_scoped3A_85, %dma_start3A_161] : memref<40x128xi32, #tpu.memory_space<vmem>> -> memref<1x128xi32, #tpu.memory_space<vmem>>
      %dma_start3A_163 = tpu.memref_squeeze %dma_start3A_162 : memref<1x128xi32, #tpu.memory_space<vmem>> -> memref<128xi32, #tpu.memory_space<vmem>>
      %dma_start3A_164 = arith.constant 0 : i32
      %dma_start3A_165 = arith.constant 0 : i32
      %dma_start3A_166 = tpu.memref_slice %arg9[%dma_start3A_164, %dma_start3A_165] : memref<10240x128xf32, #tpu.memory_space<vmem_shared>> -> memref<10240x128xf32, #tpu.memory_space<vmem_shared>>
      tpu.enqueue_indirect_dma source(%dma_start3A_160 : memref<128x128xf32, #tpu.memory_space<vmem>>) target(%dma_start3A_166 : memref<10240x128xf32, #tpu.memory_space<vmem_shared>>) offsets(%dma_start3A_163 : memref<128xi32, #tpu.memory_space<vmem>>) semaphore(%run_scoped3A_156 : memref<!tpu.dma_semaphore, #tpu.memory_space<semaphore_mem>>) {add = true}
      %dma_wait3A_167 = arith.constant 0 : i32
      %dma_wait3A_168 = arith.constant 0 : i32
      %dma_wait3A_169 = tpu.memref_slice %arg8[%run_scoped3A_84, %dma_wait3A_167, %dma_wait3A_168] : memref<2x128x128xf32, #tpu.memory_space<vmem>> -> memref<1x128x128xf32, #tpu.memory_space<vmem>>
      %dma_wait3A_170 = tpu.memref_squeeze %dma_wait3A_169 : memref<1x128x128xf32, #tpu.memory_space<vmem>> -> memref<128x128xf32, #tpu.memory_space<vmem>>
      %dma_wait3A_171 = arith.constant 0 : i32
      %dma_wait3A_172 = tpu.memref_slice %arg7[%run_scoped3A_85, %dma_wait3A_171] : memref<40x128xi32, #tpu.memory_space<vmem>> -> memref<1x128xi32, #tpu.memory_space<vmem>>
      %dma_wait3A_173 = tpu.memref_squeeze %dma_wait3A_172 : memref<1x128xi32, #tpu.memory_space<vmem>> -> memref<128xi32, #tpu.memory_space<vmem>>
      %dma_wait3A_174 = arith.constant 0 : i32
      %dma_wait3A_175 = arith.constant 0 : i32
      %dma_wait3A_176 = tpu.memref_slice %arg9[%dma_wait3A_174, %dma_wait3A_175] : memref<10240x128xf32, #tpu.memory_space<vmem_shared>> -> memref<10240x128xf32, #tpu.memory_space<vmem_shared>>
      tpu.wait_indirect_dma semaphore(%run_scoped3A_156 : memref<!tpu.dma_semaphore, #tpu.memory_space<semaphore_mem>>) src(%dma_wait3A_170 : memref<128x128xf32, #tpu.memory_space<vmem>>) dst(%dma_wait3A_176 : memref<10240x128xf32, #tpu.memory_space<vmem_shared>>)
      tpu.yield
    }) : () -> ()
    %mul3A_86 = arith.constant 80 : i32
    %mul3A_87 = arith.muli %add3A, %mul3A_86 : i32
    %add3A_88 = arith.constant 40 : i32
    %add3A_89 = arith.addi %mul3A_87, %add3A_88 : i32
    "tpu.region"() ({
      %run_scoped3A_156 = tpu.sem_alloc : memref<!tpu.dma_semaphore, #tpu.memory_space<semaphore_mem>>
      %dma_start3A_157 = arith.constant 0 : i32
      %dma_start3A_158 = tpu.memref_slice %arg3[%add3A_89, %dma_start3A_157] : memref<2560x128xi32, #tpu.memory_space<hbm>> -> memref<40x128xi32, #tpu.memory_space<hbm>>
      %dma_start3A_159 = arith.constant 0 : i32
      %dma_start3A_160 = tpu.memref_slice %arg3[%add3A_89, %dma_start3A_159] : memref<2560x128xi32, #tpu.memory_space<hbm>> -> memref<40x128xi32, #tpu.memory_space<hbm>>
      tpu.enqueue_dma source(%dma_start3A_160 : memref<40x128xi32, #tpu.memory_space<hbm>>) target(%arg6 : memref<40x128xi32, #tpu.memory_space<vmem>>) target_semaphore(%run_scoped3A_156 : memref<!tpu.dma_semaphore, #tpu.memory_space<semaphore_mem>>)
      %dma_wait3A_161 = arith.constant 0 : i32
      %dma_wait3A_162 = tpu.memref_slice %arg3[%add3A_89, %dma_wait3A_161] : memref<2560x128xi32, #tpu.memory_space<hbm>> -> memref<40x128xi32, #tpu.memory_space<hbm>>
      %dma_wait3A_163 = arith.constant 0 : i32
      %dma_wait3A_164 = tpu.memref_slice %arg3[%add3A_89, %dma_wait3A_163] : memref<2560x128xi32, #tpu.memory_space<hbm>> -> memref<40x128xi32, #tpu.memory_space<hbm>>
      tpu.wait_dma2 semaphore(%run_scoped3A_156 : memref<!tpu.dma_semaphore, #tpu.memory_space<semaphore_mem>>) src(%dma_wait3A_164 : memref<40x128xi32, #tpu.memory_space<hbm>>) dst(%arg6 : memref<40x128xi32, #tpu.memory_space<vmem>>)
      tpu.yield
    }) : () -> ()
    "tpu.region"() ({
      %run_scoped3A_156 = tpu.sem_alloc : memref<!tpu.dma_semaphore, #tpu.memory_space<semaphore_mem>>
      %dma_start3A_157 = arith.constant 0 : i32
      %dma_start3A_158 = tpu.memref_slice %arg4[%add3A_89, %dma_start3A_157] : memref<2560x128xi32, #tpu.memory_space<hbm>> -> memref<40x128xi32, #tpu.memory_space<hbm>>
      %dma_start3A_159 = arith.constant 0 : i32
      %dma_start3A_160 = tpu.memref_slice %arg4[%add3A_89, %dma_start3A_159] : memref<2560x128xi32, #tpu.memory_space<hbm>> -> memref<40x128xi32, #tpu.memory_space<hbm>>
      tpu.enqueue_dma source(%dma_start3A_160 : memref<40x128xi32, #tpu.memory_space<hbm>>) target(%arg7 : memref<40x128xi32, #tpu.memory_space<vmem>>) target_semaphore(%run_scoped3A_156 : memref<!tpu.dma_semaphore, #tpu.memory_space<semaphore_mem>>)
      %dma_wait3A_161 = arith.constant 0 : i32
      %dma_wait3A_162 = tpu.memref_slice %arg4[%add3A_89, %dma_wait3A_161] : memref<2560x128xi32, #tpu.memory_space<hbm>> -> memref<40x128xi32, #tpu.memory_space<hbm>>
      %dma_wait3A_163 = arith.constant 0 : i32
      %dma_wait3A_164 = tpu.memref_slice %arg4[%add3A_89, %dma_wait3A_163] : memref<2560x128xi32, #tpu.memory_space<hbm>> -> memref<40x128xi32, #tpu.memory_space<hbm>>
      tpu.wait_dma2 semaphore(%run_scoped3A_156 : memref<!tpu.dma_semaphore, #tpu.memory_space<semaphore_mem>>) src(%dma_wait3A_164 : memref<40x128xi32, #tpu.memory_space<hbm>>) dst(%arg7 : memref<40x128xi32, #tpu.memory_space<vmem>>)
      tpu.yield
    }) : () -> ()
    %dma_start3A_90 = arith.constant 0 : i32
    %dma_start3A_91 = arith.constant 0 : i32
    %dma_start3A_92 = arith.constant 0 : i32
    %dma_start3A_93 = arith.constant 0 : i32
    %dma_start3A_94 = tpu.memref_slice %arg8[%dma_start3A_91, %dma_start3A_92, %dma_start3A_93] : memref<2x128x128xf32, #tpu.memory_space<vmem>> -> memref<1x128x128xf32, #tpu.memory_space<vmem>>
    %dma_start3A_95 = tpu.memref_squeeze %dma_start3A_94 : memref<1x128x128xf32, #tpu.memory_space<vmem>> -> memref<128x128xf32, #tpu.memory_space<vmem>>
    %dma_start3A_96 = arith.constant 0 : i32
    %dma_start3A_97 = tpu.memref_slice %arg6[%dma_start3A_90, %dma_start3A_96] : memref<40x128xi32, #tpu.memory_space<vmem>> -> memref<1x128xi32, #tpu.memory_space<vmem>>
    %dma_start3A_98 = tpu.memref_squeeze %dma_start3A_97 : memref<1x128xi32, #tpu.memory_space<vmem>> -> memref<128xi32, #tpu.memory_space<vmem>>
    %dma_start3A_99 = arith.constant 0 : i32
    %dma_start3A_100 = arith.constant 0 : i32
    %dma_start3A_101 = tpu.memref_slice %arg2[%dma_start3A_99, %dma_start3A_100] : memref<10240x128xf32, #tpu.memory_space<hbm>> -> memref<10240x128xf32, #tpu.memory_space<hbm>>
    tpu.enqueue_indirect_dma source(%dma_start3A_101 : memref<10240x128xf32, #tpu.memory_space<hbm>>) target(%dma_start3A_95 : memref<128x128xf32, #tpu.memory_space<vmem>>) offsets(%dma_start3A_98 : memref<128xi32, #tpu.memory_space<vmem>>) semaphore(%arg10 : memref<!tpu.dma_semaphore, #tpu.memory_space<semaphore_mem>>)
    %dma_start3A_102 = arith.constant 1 : i32
    %dma_start3A_103 = arith.constant 1 : i32
    %dma_start3A_104 = arith.constant 0 : i32
    %dma_start3A_105 = arith.constant 0 : i32
    %dma_start3A_106 = tpu.memref_slice %arg8[%dma_start3A_103, %dma_start3A_104, %dma_start3A_105] : memref<2x128x128xf32, #tpu.memory_space<vmem>> -> memref<1x128x128xf32, #tpu.memory_space<vmem>>
    %dma_start3A_107 = tpu.memref_squeeze %dma_start3A_106 : memref<1x128x128xf32, #tpu.memory_space<vmem>> -> memref<128x128xf32, #tpu.memory_space<vmem>>
    %dma_start3A_108 = arith.constant 0 : i32
    %dma_start3A_109 = tpu.memref_slice %arg6[%dma_start3A_102, %dma_start3A_108] : memref<40x128xi32, #tpu.memory_space<vmem>> -> memref<1x128xi32, #tpu.memory_space<vmem>>
    %dma_start3A_110 = tpu.memref_squeeze %dma_start3A_109 : memref<1x128xi32, #tpu.memory_space<vmem>> -> memref<128xi32, #tpu.memory_space<vmem>>
    %dma_start3A_111 = arith.constant 0 : i32
    %dma_start3A_112 = arith.constant 0 : i32
    %dma_start3A_113 = tpu.memref_slice %arg2[%dma_start3A_111, %dma_start3A_112] : memref<10240x128xf32, #tpu.memory_space<hbm>> -> memref<10240x128xf32, #tpu.memory_space<hbm>>
    tpu.enqueue_indirect_dma source(%dma_start3A_113 : memref<10240x128xf32, #tpu.memory_space<hbm>>) target(%dma_start3A_107 : memref<128x128xf32, #tpu.memory_space<vmem>>) offsets(%dma_start3A_110 : memref<128xi32, #tpu.memory_space<vmem>>) semaphore(%arg11 : memref<!tpu.dma_semaphore, #tpu.memory_space<semaphore_mem>>)
    %scan3A_114 = arith.constant 0 : i32
    %scan3A_115 = arith.constant 0 : i32
    %scan3A_116 = arith.constant 19 : i32
    %scan3A_117 = arith.addi %scan3A_115, %scan3A_116 : i32
    %scan3A_118 = arith.constant 1 : i32
    %scan3A_119 = scf.for %scan3A_156 = %scan3A_115 to %scan3A_117 step %scan3A_118 iter_args(%scan3A_157 = %scan3A_114) -> (i32)  : i32 {
      %mul3A_158 = arith.constant 2 : i32
      %mul3A_159 = arith.muli %scan3A_156, %mul3A_158 : i32
      %add3A_160 = arith.constant 0 : i32
      %add3A_161 = arith.addi %mul3A_159, %add3A_160 : i32
      %dma_wait3A_162 = arith.constant 0 : i32
      %dma_wait3A_163 = arith.constant 0 : i32
      %dma_wait3A_164 = arith.constant 0 : i32
      %dma_wait3A_165 = tpu.memref_slice %arg8[%dma_wait3A_162, %dma_wait3A_163, %dma_wait3A_164] : memref<2x128x128xf32, #tpu.memory_space<vmem>> -> memref<1x128x128xf32, #tpu.memory_space<vmem>>
      %dma_wait3A_166 = tpu.memref_squeeze %dma_wait3A_165 : memref<1x128x128xf32, #tpu.memory_space<vmem>> -> memref<128x128xf32, #tpu.memory_space<vmem>>
      %dma_wait3A_167 = arith.constant 0 : i32
      %dma_wait3A_168 = tpu.memref_slice %arg6[%add3A_161, %dma_wait3A_167] : memref<40x128xi32, #tpu.memory_space<vmem>> -> memref<1x128xi32, #tpu.memory_space<vmem>>
      %dma_wait3A_169 = tpu.memref_squeeze %dma_wait3A_168 : memref<1x128xi32, #tpu.memory_space<vmem>> -> memref<128xi32, #tpu.memory_space<vmem>>
      %dma_wait3A_170 = arith.constant 0 : i32
      %dma_wait3A_171 = arith.constant 0 : i32
      %dma_wait3A_172 = tpu.memref_slice %arg2[%dma_wait3A_170, %dma_wait3A_171] : memref<10240x128xf32, #tpu.memory_space<hbm>> -> memref<10240x128xf32, #tpu.memory_space<hbm>>
      tpu.wait_indirect_dma semaphore(%arg10 : memref<!tpu.dma_semaphore, #tpu.memory_space<semaphore_mem>>) src(%dma_wait3A_172 : memref<10240x128xf32, #tpu.memory_space<hbm>>) dst(%dma_wait3A_166 : memref<128x128xf32, #tpu.memory_space<vmem>>)
      %run_scoped3A_173 = arith.constant 0 : i32
      "tpu.region"() ({
        %run_scoped3A_217 = tpu.sem_alloc : memref<!tpu.dma_semaphore, #tpu.memory_space<semaphore_mem>>
        %dma_start3A_218 = arith.constant 0 : i32
        %dma_start3A_219 = arith.constant 0 : i32
        %dma_start3A_220 = tpu.memref_slice %arg8[%run_scoped3A_173, %dma_start3A_218, %dma_start3A_219] : memref<2x128x128xf32, #tpu.memory_space<vmem>> -> memref<1x128x128xf32, #tpu.memory_space<vmem>>
        %dma_start3A_221 = tpu.memref_squeeze %dma_start3A_220 : memref<1x128x128xf32, #tpu.memory_space<vmem>> -> memref<128x128xf32, #tpu.memory_space<vmem>>
        %dma_start3A_222 = arith.constant 0 : i32
        %dma_start3A_223 = tpu.memref_slice %arg7[%add3A_161, %dma_start3A_222] : memref<40x128xi32, #tpu.memory_space<vmem>> -> memref<1x128xi32, #tpu.memory_space<vmem>>
        %dma_start3A_224 = tpu.memref_squeeze %dma_start3A_223 : memref<1x128xi32, #tpu.memory_space<vmem>> -> memref<128xi32, #tpu.memory_space<vmem>>
        %dma_start3A_225 = arith.constant 0 : i32
        %dma_start3A_226 = arith.constant 0 : i32
        %dma_start3A_227 = tpu.memref_slice %arg9[%dma_start3A_225, %dma_start3A_226] : memref<10240x128xf32, #tpu.memory_space<vmem_shared>> -> memref<10240x128xf32, #tpu.memory_space<vmem_shared>>
        tpu.enqueue_indirect_dma source(%dma_start3A_221 : memref<128x128xf32, #tpu.memory_space<vmem>>) target(%dma_start3A_227 : memref<10240x128xf32, #tpu.memory_space<vmem_shared>>) offsets(%dma_start3A_224 : memref<128xi32, #tpu.memory_space<vmem>>) semaphore(%run_scoped3A_217 : memref<!tpu.dma_semaphore, #tpu.memory_space<semaphore_mem>>) {add = true}
        %dma_wait3A_228 = arith.constant 0 : i32
        %dma_wait3A_229 = arith.constant 0 : i32
        %dma_wait3A_230 = tpu.memref_slice %arg8[%run_scoped3A_173, %dma_wait3A_228, %dma_wait3A_229] : memref<2x128x128xf32, #tpu.memory_space<vmem>> -> memref<1x128x128xf32, #tpu.memory_space<vmem>>
        %dma_wait3A_231 = tpu.memref_squeeze %dma_wait3A_230 : memref<1x128x128xf32, #tpu.memory_space<vmem>> -> memref<128x128xf32, #tpu.memory_space<vmem>>
        %dma_wait3A_232 = arith.constant 0 : i32
        %dma_wait3A_233 = tpu.memref_slice %arg7[%add3A_161, %dma_wait3A_232] : memref<40x128xi32, #tpu.memory_space<vmem>> -> memref<1x128xi32, #tpu.memory_space<vmem>>
        %dma_wait3A_234 = tpu.memref_squeeze %dma_wait3A_233 : memref<1x128xi32, #tpu.memory_space<vmem>> -> memref<128xi32, #tpu.memory_space<vmem>>
        %dma_wait3A_235 = arith.constant 0 : i32
        %dma_wait3A_236 = arith.constant 0 : i32
        %dma_wait3A_237 = tpu.memref_slice %arg9[%dma_wait3A_235, %dma_wait3A_236] : memref<10240x128xf32, #tpu.memory_space<vmem_shared>> -> memref<10240x128xf32, #tpu.memory_space<vmem_shared>>
        tpu.wait_indirect_dma semaphore(%run_scoped3A_217 : memref<!tpu.dma_semaphore, #tpu.memory_space<semaphore_mem>>) src(%dma_wait3A_231 : memref<128x128xf32, #tpu.memory_space<vmem>>) dst(%dma_wait3A_237 : memref<10240x128xf32, #tpu.memory_space<vmem_shared>>)
        tpu.yield
      }) : () -> ()
      %add3A_174 = arith.constant 2 : i32
      %add3A_175 = arith.addi %add3A_161, %add3A_174 : i32
      %dma_start3A_176 = arith.constant 0 : i32
      %dma_start3A_177 = arith.constant 0 : i32
      %dma_start3A_178 = arith.constant 0 : i32
      %dma_start3A_179 = tpu.memref_slice %arg8[%dma_start3A_176, %dma_start3A_177, %dma_start3A_178] : memref<2x128x128xf32, #tpu.memory_space<vmem>> -> memref<1x128x128xf32, #tpu.memory_space<vmem>>
      %dma_start3A_180 = tpu.memref_squeeze %dma_start3A_179 : memref<1x128x128xf32, #tpu.memory_space<vmem>> -> memref<128x128xf32, #tpu.memory_space<vmem>>
      %dma_start3A_181 = arith.constant 0 : i32
      %dma_start3A_182 = tpu.memref_slice %arg6[%add3A_175, %dma_start3A_181] : memref<40x128xi32, #tpu.memory_space<vmem>> -> memref<1x128xi32, #tpu.memory_space<vmem>>
      %dma_start3A_183 = tpu.memref_squeeze %dma_start3A_182 : memref<1x128xi32, #tpu.memory_space<vmem>> -> memref<128xi32, #tpu.memory_space<vmem>>
      %dma_start3A_184 = arith.constant 0 : i32
      %dma_start3A_185 = arith.constant 0 : i32
      %dma_start3A_186 = tpu.memref_slice %arg2[%dma_start3A_184, %dma_start3A_185] : memref<10240x128xf32, #tpu.memory_space<hbm>> -> memref<10240x128xf32, #tpu.memory_space<hbm>>
      tpu.enqueue_indirect_dma source(%dma_start3A_186 : memref<10240x128xf32, #tpu.memory_space<hbm>>) target(%dma_start3A_180 : memref<128x128xf32, #tpu.memory_space<vmem>>) offsets(%dma_start3A_183 : memref<128xi32, #tpu.memory_space<vmem>>) semaphore(%arg10 : memref<!tpu.dma_semaphore, #tpu.memory_space<semaphore_mem>>)
      %mul3A_187 = arith.constant 2 : i32
      %mul3A_188 = arith.muli %scan3A_156, %mul3A_187 : i32
      %add3A_189 = arith.constant 1 : i32
      %add3A_190 = arith.addi %mul3A_188, %add3A_189 : i32
      %dma_wait3A_191 = arith.constant 1 : i32
      %dma_wait3A_192 = arith.constant 0 : i32
      %dma_wait3A_193 = arith.constant 0 : i32
      %dma_wait3A_194 = tpu.memref_slice %arg8[%dma_wait3A_191, %dma_wait3A_192, %dma_wait3A_193] : memref<2x128x128xf32, #tpu.memory_space<vmem>> -> memref<1x128x128xf32, #tpu.memory_space<vmem>>
      %dma_wait3A_195 = tpu.memref_squeeze %dma_wait3A_194 : memref<1x128x128xf32, #tpu.memory_space<vmem>> -> memref<128x128xf32, #tpu.memory_space<vmem>>
      %dma_wait3A_196 = arith.constant 0 : i32
      %dma_wait3A_197 = tpu.memref_slice %arg6[%add3A_190, %dma_wait3A_196] : memref<40x128xi32, #tpu.memory_space<vmem>> -> memref<1x128xi32, #tpu.memory_space<vmem>>
      %dma_wait3A_198 = tpu.memref_squeeze %dma_wait3A_197 : memref<1x128xi32, #tpu.memory_space<vmem>> -> memref<128xi32, #tpu.memory_space<vmem>>
      %dma_wait3A_199 = arith.constant 0 : i32
      %dma_wait3A_200 = arith.constant 0 : i32
      %dma_wait3A_201 = tpu.memref_slice %arg2[%dma_wait3A_199, %dma_wait3A_200] : memref<10240x128xf32, #tpu.memory_space<hbm>> -> memref<10240x128xf32, #tpu.memory_space<hbm>>
      tpu.wait_indirect_dma semaphore(%arg11 : memref<!tpu.dma_semaphore, #tpu.memory_space<semaphore_mem>>) src(%dma_wait3A_201 : memref<10240x128xf32, #tpu.memory_space<hbm>>) dst(%dma_wait3A_195 : memref<128x128xf32, #tpu.memory_space<vmem>>)
      %run_scoped3A_202 = arith.constant 1 : i32
      "tpu.region"() ({
        %run_scoped3A_217 = tpu.sem_alloc : memref<!tpu.dma_semaphore, #tpu.memory_space<semaphore_mem>>
        %dma_start3A_218 = arith.constant 0 : i32
        %dma_start3A_219 = arith.constant 0 : i32
        %dma_start3A_220 = tpu.memref_slice %arg8[%run_scoped3A_202, %dma_start3A_218, %dma_start3A_219] : memref<2x128x128xf32, #tpu.memory_space<vmem>> -> memref<1x128x128xf32, #tpu.memory_space<vmem>>
        %dma_start3A_221 = tpu.memref_squeeze %dma_start3A_220 : memref<1x128x128xf32, #tpu.memory_space<vmem>> -> memref<128x128xf32, #tpu.memory_space<vmem>>
        %dma_start3A_222 = arith.constant 0 : i32
        %dma_start3A_223 = tpu.memref_slice %arg7[%add3A_190, %dma_start3A_222] : memref<40x128xi32, #tpu.memory_space<vmem>> -> memref<1x128xi32, #tpu.memory_space<vmem>>
        %dma_start3A_224 = tpu.memref_squeeze %dma_start3A_223 : memref<1x128xi32, #tpu.memory_space<vmem>> -> memref<128xi32, #tpu.memory_space<vmem>>
        %dma_start3A_225 = arith.constant 0 : i32
        %dma_start3A_226 = arith.constant 0 : i32
        %dma_start3A_227 = tpu.memref_slice %arg9[%dma_start3A_225, %dma_start3A_226] : memref<10240x128xf32, #tpu.memory_space<vmem_shared>> -> memref<10240x128xf32, #tpu.memory_space<vmem_shared>>
        tpu.enqueue_indirect_dma source(%dma_start3A_221 : memref<128x128xf32, #tpu.memory_space<vmem>>) target(%dma_start3A_227 : memref<10240x128xf32, #tpu.memory_space<vmem_shared>>) offsets(%dma_start3A_224 : memref<128xi32, #tpu.memory_space<vmem>>) semaphore(%run_scoped3A_217 : memref<!tpu.dma_semaphore, #tpu.memory_space<semaphore_mem>>) {add = true}
        %dma_wait3A_228 = arith.constant 0 : i32
        %dma_wait3A_229 = arith.constant 0 : i32
        %dma_wait3A_230 = tpu.memref_slice %arg8[%run_scoped3A_202, %dma_wait3A_228, %dma_wait3A_229] : memref<2x128x128xf32, #tpu.memory_space<vmem>> -> memref<1x128x128xf32, #tpu.memory_space<vmem>>
        %dma_wait3A_231 = tpu.memref_squeeze %dma_wait3A_230 : memref<1x128x128xf32, #tpu.memory_space<vmem>> -> memref<128x128xf32, #tpu.memory_space<vmem>>
        %dma_wait3A_232 = arith.constant 0 : i32
        %dma_wait3A_233 = tpu.memref_slice %arg7[%add3A_190, %dma_wait3A_232] : memref<40x128xi32, #tpu.memory_space<vmem>> -> memref<1x128xi32, #tpu.memory_space<vmem>>
        %dma_wait3A_234 = tpu.memref_squeeze %dma_wait3A_233 : memref<1x128xi32, #tpu.memory_space<vmem>> -> memref<128xi32, #tpu.memory_space<vmem>>
        %dma_wait3A_235 = arith.constant 0 : i32
        %dma_wait3A_236 = arith.constant 0 : i32
        %dma_wait3A_237 = tpu.memref_slice %arg9[%dma_wait3A_235, %dma_wait3A_236] : memref<10240x128xf32, #tpu.memory_space<vmem_shared>> -> memref<10240x128xf32, #tpu.memory_space<vmem_shared>>
        tpu.wait_indirect_dma semaphore(%run_scoped3A_217 : memref<!tpu.dma_semaphore, #tpu.memory_space<semaphore_mem>>) src(%dma_wait3A_231 : memref<128x128xf32, #tpu.memory_space<vmem>>) dst(%dma_wait3A_237 : memref<10240x128xf32, #tpu.memory_space<vmem_shared>>)
        tpu.yield
      }) : () -> ()
      %add3A_203 = arith.constant 2 : i32
      %add3A_204 = arith.addi %add3A_190, %add3A_203 : i32
      %dma_start3A_205 = arith.constant 1 : i32
      %dma_start3A_206 = arith.constant 0 : i32
      %dma_start3A_207 = arith.constant 0 : i32
      %dma_start3A_208 = tpu.memref_slice %arg8[%dma_start3A_205, %dma_start3A_206, %dma_start3A_207] : memref<2x128x128xf32, #tpu.memory_space<vmem>> -> memref<1x128x128xf32, #tpu.memory_space<vmem>>
      %dma_start3A_209 = tpu.memref_squeeze %dma_start3A_208 : memref<1x128x128xf32, #tpu.memory_space<vmem>> -> memref<128x128xf32, #tpu.memory_space<vmem>>
      %dma_start3A_210 = arith.constant 0 : i32
      %dma_start3A_211 = tpu.memref_slice %arg6[%add3A_204, %dma_start3A_210] : memref<40x128xi32, #tpu.memory_space<vmem>> -> memref<1x128xi32, #tpu.memory_space<vmem>>
      %dma_start3A_212 = tpu.memref_squeeze %dma_start3A_211 : memref<1x128xi32, #tpu.memory_space<vmem>> -> memref<128xi32, #tpu.memory_space<vmem>>
      %dma_start3A_213 = arith.constant 0 : i32
      %dma_start3A_214 = arith.constant 0 : i32
      %dma_start3A_215 = tpu.memref_slice %arg2[%dma_start3A_213, %dma_start3A_214] : memref<10240x128xf32, #tpu.memory_space<hbm>> -> memref<10240x128xf32, #tpu.memory_space<hbm>>
      tpu.enqueue_indirect_dma source(%dma_start3A_215 : memref<10240x128xf32, #tpu.memory_space<hbm>>) target(%dma_start3A_209 : memref<128x128xf32, #tpu.memory_space<vmem>>) offsets(%dma_start3A_212 : memref<128xi32, #tpu.memory_space<vmem>>) semaphore(%arg11 : memref<!tpu.dma_semaphore, #tpu.memory_space<semaphore_mem>>)
      %scan3A_216 = arith.constant 0 : i32
      scf.yield %scan3A_216 : i32
    }
    %scan3A_120 = arith.constant 19 : i32
    %dma_wait3A_121 = arith.constant 38 : i32
    %dma_wait3A_122 = arith.constant 0 : i32
    %dma_wait3A_123 = arith.constant 0 : i32
    %dma_wait3A_124 = arith.constant 0 : i32
    %dma_wait3A_125 = tpu.memref_slice %arg8[%dma_wait3A_122, %dma_wait3A_123, %dma_wait3A_124] : memref<2x128x128xf32, #tpu.memory_space<vmem>> -> memref<1x128x128xf32, #tpu.memory_space<vmem>>
    %dma_wait3A_126 = tpu.memref_squeeze %dma_wait3A_125 : memref<1x128x128xf32, #tpu.memory_space<vmem>> -> memref<128x128xf32, #tpu.memory_space<vmem>>
    %dma_wait3A_127 = arith.constant 0 : i32
    %dma_wait3A_128 = tpu.memref_slice %arg6[%dma_wait3A_121, %dma_wait3A_127] : memref<40x128xi32, #tpu.memory_space<vmem>> -> memref<1x128xi32, #tpu.memory_space<vmem>>
    %dma_wait3A_129 = tpu.memref_squeeze %dma_wait3A_128 : memref<1x128xi32, #tpu.memory_space<vmem>> -> memref<128xi32, #tpu.memory_space<vmem>>
    %dma_wait3A_130 = arith.constant 0 : i32
    %dma_wait3A_131 = arith.constant 0 : i32
    %dma_wait3A_132 = tpu.memref_slice %arg2[%dma_wait3A_130, %dma_wait3A_131] : memref<10240x128xf32, #tpu.memory_space<hbm>> -> memref<10240x128xf32, #tpu.memory_space<hbm>>
    tpu.wait_indirect_dma semaphore(%arg10 : memref<!tpu.dma_semaphore, #tpu.memory_space<semaphore_mem>>) src(%dma_wait3A_132 : memref<10240x128xf32, #tpu.memory_space<hbm>>) dst(%dma_wait3A_126 : memref<128x128xf32, #tpu.memory_space<vmem>>)
    %run_scoped3A_133 = arith.constant 0 : i32
    %run_scoped3A_134 = arith.constant 38 : i32
    "tpu.region"() ({
      %run_scoped3A_156 = tpu.sem_alloc : memref<!tpu.dma_semaphore, #tpu.memory_space<semaphore_mem>>
      %dma_start3A_157 = arith.constant 0 : i32
      %dma_start3A_158 = arith.constant 0 : i32
      %dma_start3A_159 = tpu.memref_slice %arg8[%run_scoped3A_133, %dma_start3A_157, %dma_start3A_158] : memref<2x128x128xf32, #tpu.memory_space<vmem>> -> memref<1x128x128xf32, #tpu.memory_space<vmem>>
      %dma_start3A_160 = tpu.memref_squeeze %dma_start3A_159 : memref<1x128x128xf32, #tpu.memory_space<vmem>> -> memref<128x128xf32, #tpu.memory_space<vmem>>
      %dma_start3A_161 = arith.constant 0 : i32
      %dma_start3A_162 = tpu.memref_slice %arg7[%run_scoped3A_134, %dma_start3A_161] : memref<40x128xi32, #tpu.memory_space<vmem>> -> memref<1x128xi32, #tpu.memory_space<vmem>>
      %dma_start3A_163 = tpu.memref_squeeze %dma_start3A_162 : memref<1x128xi32, #tpu.memory_space<vmem>> -> memref<128xi32, #tpu.memory_space<vmem>>
      %dma_start3A_164 = arith.constant 0 : i32
      %dma_start3A_165 = arith.constant 0 : i32
      %dma_start3A_166 = tpu.memref_slice %arg9[%dma_start3A_164, %dma_start3A_165] : memref<10240x128xf32, #tpu.memory_space<vmem_shared>> -> memref<10240x128xf32, #tpu.memory_space<vmem_shared>>
      tpu.enqueue_indirect_dma source(%dma_start3A_160 : memref<128x128xf32, #tpu.memory_space<vmem>>) target(%dma_start3A_166 : memref<10240x128xf32, #tpu.memory_space<vmem_shared>>) offsets(%dma_start3A_163 : memref<128xi32, #tpu.memory_space<vmem>>) semaphore(%run_scoped3A_156 : memref<!tpu.dma_semaphore, #tpu.memory_space<semaphore_mem>>) {add = true}
      %dma_wait3A_167 = arith.constant 0 : i32
      %dma_wait3A_168 = arith.constant 0 : i32
      %dma_wait3A_169 = tpu.memref_slice %arg8[%run_scoped3A_133, %dma_wait3A_167, %dma_wait3A_168] : memref<2x128x128xf32, #tpu.memory_space<vmem>> -> memref<1x128x128xf32, #tpu.memory_space<vmem>>
      %dma_wait3A_170 = tpu.memref_squeeze %dma_wait3A_169 : memref<1x128x128xf32, #tpu.memory_space<vmem>> -> memref<128x128xf32, #tpu.memory_space<vmem>>
      %dma_wait3A_171 = arith.constant 0 : i32
      %dma_wait3A_172 = tpu.memref_slice %arg7[%run_scoped3A_134, %dma_wait3A_171] : memref<40x128xi32, #tpu.memory_space<vmem>> -> memref<1x128xi32, #tpu.memory_space<vmem>>
      %dma_wait3A_173 = tpu.memref_squeeze %dma_wait3A_172 : memref<1x128xi32, #tpu.memory_space<vmem>> -> memref<128xi32, #tpu.memory_space<vmem>>
      %dma_wait3A_174 = arith.constant 0 : i32
      %dma_wait3A_175 = arith.constant 0 : i32
      %dma_wait3A_176 = tpu.memref_slice %arg9[%dma_wait3A_174, %dma_wait3A_175] : memref<10240x128xf32, #tpu.memory_space<vmem_shared>> -> memref<10240x128xf32, #tpu.memory_space<vmem_shared>>
      tpu.wait_indirect_dma semaphore(%run_scoped3A_156 : memref<!tpu.dma_semaphore, #tpu.memory_space<semaphore_mem>>) src(%dma_wait3A_170 : memref<128x128xf32, #tpu.memory_space<vmem>>) dst(%dma_wait3A_176 : memref<10240x128xf32, #tpu.memory_space<vmem_shared>>)
      tpu.yield
    }) : () -> ()
    %dma_wait3A_135 = arith.constant 39 : i32
    %dma_wait3A_136 = arith.constant 1 : i32
    %dma_wait3A_137 = arith.constant 0 : i32
    %dma_wait3A_138 = arith.constant 0 : i32
    %dma_wait3A_139 = tpu.memref_slice %arg8[%dma_wait3A_136, %dma_wait3A_137, %dma_wait3A_138] : memref<2x128x128xf32, #tpu.memory_space<vmem>> -> memref<1x128x128xf32, #tpu.memory_space<vmem>>
    %dma_wait3A_140 = tpu.memref_squeeze %dma_wait3A_139 : memref<1x128x128xf32, #tpu.memory_space<vmem>> -> memref<128x128xf32, #tpu.memory_space<vmem>>
    %dma_wait3A_141 = arith.constant 0 : i32
    %dma_wait3A_142 = tpu.memref_slice %arg6[%dma_wait3A_135, %dma_wait3A_141] : memref<40x128xi32, #tpu.memory_space<vmem>> -> memref<1x128xi32, #tpu.memory_space<vmem>>
    %dma_wait3A_143 = tpu.memref_squeeze %dma_wait3A_142 : memref<1x128xi32, #tpu.memory_space<vmem>> -> memref<128xi32, #tpu.memory_space<vmem>>
    %dma_wait3A_144 = arith.constant 0 : i32
    %dma_wait3A_145 = arith.constant 0 : i32
    %dma_wait3A_146 = tpu.memref_slice %arg2[%dma_wait3A_144, %dma_wait3A_145] : memref<10240x128xf32, #tpu.memory_space<hbm>> -> memref<10240x128xf32, #tpu.memory_space<hbm>>
    tpu.wait_indirect_dma semaphore(%arg11 : memref<!tpu.dma_semaphore, #tpu.memory_space<semaphore_mem>>) src(%dma_wait3A_146 : memref<10240x128xf32, #tpu.memory_space<hbm>>) dst(%dma_wait3A_140 : memref<128x128xf32, #tpu.memory_space<vmem>>)
    %run_scoped3A_147 = arith.constant 1 : i32
    %run_scoped3A_148 = arith.constant 39 : i32
    "tpu.region"() ({
      %run_scoped3A_156 = tpu.sem_alloc : memref<!tpu.dma_semaphore, #tpu.memory_space<semaphore_mem>>
      %dma_start3A_157 = arith.constant 0 : i32
      %dma_start3A_158 = arith.constant 0 : i32
      %dma_start3A_159 = tpu.memref_slice %arg8[%run_scoped3A_147, %dma_start3A_157, %dma_start3A_158] : memref<2x128x128xf32, #tpu.memory_space<vmem>> -> memref<1x128x128xf32, #tpu.memory_space<vmem>>
      %dma_start3A_160 = tpu.memref_squeeze %dma_start3A_159 : memref<1x128x128xf32, #tpu.memory_space<vmem>> -> memref<128x128xf32, #tpu.memory_space<vmem>>
      %dma_start3A_161 = arith.constant 0 : i32
      %dma_start3A_162 = tpu.memref_slice %arg7[%run_scoped3A_148, %dma_start3A_161] : memref<40x128xi32, #tpu.memory_space<vmem>> -> memref<1x128xi32, #tpu.memory_space<vmem>>
      %dma_start3A_163 = tpu.memref_squeeze %dma_start3A_162 : memref<1x128xi32, #tpu.memory_space<vmem>> -> memref<128xi32, #tpu.memory_space<vmem>>
      %dma_start3A_164 = arith.constant 0 : i32
      %dma_start3A_165 = arith.constant 0 : i32
      %dma_start3A_166 = tpu.memref_slice %arg9[%dma_start3A_164, %dma_start3A_165] : memref<10240x128xf32, #tpu.memory_space<vmem_shared>> -> memref<10240x128xf32, #tpu.memory_space<vmem_shared>>
      tpu.enqueue_indirect_dma source(%dma_start3A_160 : memref<128x128xf32, #tpu.memory_space<vmem>>) target(%dma_start3A_166 : memref<10240x128xf32, #tpu.memory_space<vmem_shared>>) offsets(%dma_start3A_163 : memref<128xi32, #tpu.memory_space<vmem>>) semaphore(%run_scoped3A_156 : memref<!tpu.dma_semaphore, #tpu.memory_space<semaphore_mem>>) {add = true}
      %dma_wait3A_167 = arith.constant 0 : i32
      %dma_wait3A_168 = arith.constant 0 : i32
      %dma_wait3A_169 = tpu.memref_slice %arg8[%run_scoped3A_147, %dma_wait3A_167, %dma_wait3A_168] : memref<2x128x128xf32, #tpu.memory_space<vmem>> -> memref<1x128x128xf32, #tpu.memory_space<vmem>>
      %dma_wait3A_170 = tpu.memref_squeeze %dma_wait3A_169 : memref<1x128x128xf32, #tpu.memory_space<vmem>> -> memref<128x128xf32, #tpu.memory_space<vmem>>
      %dma_wait3A_171 = arith.constant 0 : i32
      %dma_wait3A_172 = tpu.memref_slice %arg7[%run_scoped3A_148, %dma_wait3A_171] : memref<40x128xi32, #tpu.memory_space<vmem>> -> memref<1x128xi32, #tpu.memory_space<vmem>>
      %dma_wait3A_173 = tpu.memref_squeeze %dma_wait3A_172 : memref<1x128xi32, #tpu.memory_space<vmem>> -> memref<128xi32, #tpu.memory_space<vmem>>
      %dma_wait3A_174 = arith.constant 0 : i32
      %dma_wait3A_175 = arith.constant 0 : i32
      %dma_wait3A_176 = tpu.memref_slice %arg9[%dma_wait3A_174, %dma_wait3A_175] : memref<10240x128xf32, #tpu.memory_space<vmem_shared>> -> memref<10240x128xf32, #tpu.memory_space<vmem_shared>>
      tpu.wait_indirect_dma semaphore(%run_scoped3A_156 : memref<!tpu.dma_semaphore, #tpu.memory_space<semaphore_mem>>) src(%dma_wait3A_170 : memref<128x128xf32, #tpu.memory_space<vmem>>) dst(%dma_wait3A_176 : memref<10240x128xf32, #tpu.memory_space<vmem_shared>>)
      tpu.yield
    }) : () -> ()
    %barrier3A_149 = arith.constant 0 : index
    tpu.barrier barrier_id(%barrier3A_149)
    %mul3A_150 = arith.constant 10240 : i32
    %mul3A_151 = arith.muli %arg0, %mul3A_150 : i32
    %mul3A_152 = arith.constant 640 : i32
    %mul3A_153 = arith.muli %arg1, %mul3A_152 : i32
    %add3A_154 = arith.addi %mul3A_151, %mul3A_153 : i32
    %multiple_of3A_155 = tpu.assume_multiple %add3A_154, 8 : i32
    "tpu.region"() ({
      %run_scoped3A_156 = tpu.sem_alloc : memref<!tpu.dma_semaphore, #tpu.memory_space<semaphore_mem>>
      %dma_start3A_157 = arith.constant 0 : i32
      %dma_start3A_158 = tpu.memref_slice %arg5[%multiple_of3A_155, %dma_start3A_157] : memref<20480x128xf32, #tpu.memory_space<hbm>> -> memref<640x128xf32, #tpu.memory_space<hbm>>
      %dma_start3A_159 = arith.constant 0 : i32
      %dma_start3A_160 = tpu.memref_slice %arg9[%multiple_of3A, %dma_start3A_159] : memref<10240x128xf32, #tpu.memory_space<vmem_shared>> -> memref<640x128xf32, #tpu.memory_space<vmem_shared>>
      tpu.enqueue_dma source(%dma_start3A_160 : memref<640x128xf32, #tpu.memory_space<vmem_shared>>) target(%dma_start3A_158 : memref<640x128xf32, #tpu.memory_space<hbm>>) target_semaphore(%run_scoped3A_156 : memref<!tpu.dma_semaphore, #tpu.memory_space<semaphore_mem>>)
      %dma_wait3A_161 = arith.constant 0 : i32
      %dma_wait3A_162 = tpu.memref_slice %arg5[%multiple_of3A_155, %dma_wait3A_161] : memref<20480x128xf32, #tpu.memory_space<hbm>> -> memref<640x128xf32, #tpu.memory_space<hbm>>
      %dma_wait3A_163 = arith.constant 0 : i32
      %dma_wait3A_164 = tpu.memref_slice %arg9[%multiple_of3A, %dma_wait3A_163] : memref<10240x128xf32, #tpu.memory_space<vmem_shared>> -> memref<640x128xf32, #tpu.memory_space<vmem_shared>>
      tpu.wait_dma2 semaphore(%run_scoped3A_156 : memref<!tpu.dma_semaphore, #tpu.memory_space<semaphore_mem>>) src(%dma_wait3A_164 : memref<640x128xf32, #tpu.memory_space<vmem_shared>>) dst(%dma_wait3A_162 : memref<640x128xf32, #tpu.memory_space<hbm>>)
      tpu.yield
    }) : () -> ()
    return
  }
}

#map = affine_map<(d0, d1) -> (0, 0)>
module attributes {stable_mosaic.version = 14 : i64} {
  func.func @_agg_body(%arg0: i32, %arg1: i32, %arg2: memref<10240x128xf32, #tpu.memory_space<hbm>>, %arg3: memref<2560x128xi32, #tpu.memory_space<hbm>>, %arg4: memref<2560x128xi32, #tpu.memory_space<hbm>>, %arg5: memref<20480x128xf32, #tpu.memory_space<hbm>>, %arg6: memref<40x128xi32, #tpu.memory_space<vmem>>, %arg7: memref<40x128xi32, #tpu.memory_space<vmem>>, %arg8: memref<2x128x128xf32, #tpu.memory_space<vmem>>, %arg9: memref<10240x128xf32, #tpu.memory_space<vmem_shared>>, %arg10: memref<!tpu.dma_semaphore, #tpu.memory_space<semaphore_mem>>, %arg11: memref<!tpu.dma_semaphore, #tpu.memory_space<semaphore_mem>>) attributes {dimension_semantics = [#tpu.dimension_semantics<core_parallel>, #tpu.dimension_semantics<subcore_parallel>], iteration_bounds = array<i64: 2, 16>, scalar_prefetch = 0 : i64, scratch_operands = 6 : i64, tpu.core_type = #tpu.core_type<sc_vector_subcore>, window_params = [{transform_indices = #map}, {transform_indices = #map}, {transform_indices = #map}, {transform_indices = #map}]} {
    %mul3A = arith.constant 2 : i32
    %mul3A_0 = arith.muli %arg1, %mul3A : i32
    %add3A = arith.addi %mul3A_0, %arg0 : i32
    %broadcast_in_dim3A = arith.constant 0.000000e+00 : f32
    %broadcast_in_dim3A_1 = vector.broadcast %broadcast_in_dim3A : f32 to vector<16xf32>
    %scan3A = arith.constant 0 : i32
    %scan3A_2 = arith.constant 0 : i32
    %scan3A_3 = arith.constant 0 : i32
    %scan3A_4 = arith.constant 128 : i32
    %scan3A_5 = arith.addi %scan3A_3, %scan3A_4 : i32
    %scan3A_6 = arith.constant 1 : i32
    %scan3A_7 = scf.for %scan3A_156 = %scan3A_3 to %scan3A_5 step %scan3A_6 iter_args(%scan3A_157 = %scan3A_2) -> (i32)  : i32 {
      %swap3A = arith.constant 0 : i32
      %swap3A_158 = arith.constant 0 : i32
      %swap3A_159 = tpu.memref_slice %arg8[%scan3A, %swap3A, %swap3A_158] : memref<2x128x128xf32, #tpu.memory_space<vmem>> -> memref<1x128x128xf32, #tpu.memory_space<vmem>>
      %swap3A_160 = tpu.memref_squeeze %swap3A_159 : memref<1x128x128xf32, #tpu.memory_space<vmem>> -> memref<128x128xf32, #tpu.memory_space<vmem>>
      %swap3A_161 = arith.index_cast %scan3A_156 : i32 to index
      %swap3A_162 = arith.constant 0 : index
      %swap3A_163 = tpu.vector_load %swap3A_160[%swap3A_161, %swap3A_162] {strides = array<i32>} : memref<128x128xf32, #tpu.memory_space<vmem>>, vector<1x16xf32>,
      %swap3A_164 = vector.shape_cast %swap3A_163 : vector<1x16xf32> to vector<16xf32>
      %swap3A_165 = vector.shape_cast %broadcast_in_dim3A_1 : vector<16xf32> to vector<1x16xf32>
      tpu.vector_store %swap3A_160[%swap3A_161, %swap3A_162], %swap3A_165 {strides = array<i32>} : memref<128x128xf32, #tpu.memory_space<vmem>>, vector<1x16xf32>,
      %swap3A_166 = arith.constant 0 : i32
      %swap3A_167 = arith.constant 0 : i32
      %swap3A_168 = tpu.memref_slice %arg8[%scan3A, %swap3A_166, %swap3A_167] : memref<2x128x128xf32, #tpu.memory_space<vmem>> -> memref<1x128x128xf32, #tpu.memory_space<vmem>>
      %swap3A_169 = tpu.memref_squeeze %swap3A_168 : memref<1x128x128xf32, #tpu.memory_space<vmem>> -> memref<128x128xf32, #tpu.memory_space<vmem>>
      %swap3A_170 = arith.index_cast %scan3A_156 : i32 to index
      %swap3A_171 = arith.constant 16 : index
      %swap3A_172 = tpu.vector_load %swap3A_169[%swap3A_170, %swap3A_171] {strides = array<i32>} : memref<128x128xf32, #tpu.memory_space<vmem>>, vector<1x16xf32>,
      %swap3A_173 = vector.shape_cast %swap3A_172 : vector<1x16xf32> to vector<16xf32>
      %swap3A_174 = vector.shape_cast %broadcast_in_dim3A_1 : vector<16xf32> to vector<1x16xf32>
      tpu.vector_store %swap3A_169[%swap3A_170, %swap3A_171], %swap3A_174 {strides = array<i32>} : memref<128x128xf32, #tpu.memory_space<vmem>>, vector<1x16xf32>,
      %swap3A_175 = arith.constant 0 : i32
      %swap3A_176 = arith.constant 0 : i32
      %swap3A_177 = tpu.memref_slice %arg8[%scan3A, %swap3A_175, %swap3A_176] : memref<2x128x128xf32, #tpu.memory_space<vmem>> -> memref<1x128x128xf32, #tpu.memory_space<vmem>>
      %swap3A_178 = tpu.memref_squeeze %swap3A_177 : memref<1x128x128xf32, #tpu.memory_space<vmem>> -> memref<128x128xf32, #tpu.memory_space<vmem>>
      %swap3A_179 = arith.index_cast %scan3A_156 : i32 to index
      %swap3A_180 = arith.constant 32 : index
      %swap3A_181 = tpu.vector_load %swap3A_178[%swap3A_179, %swap3A_180] {strides = array<i32>} : memref<128x128xf32, #tpu.memory_space<vmem>>, vector<1x16xf32>,
      %swap3A_182 = vector.shape_cast %swap3A_181 : vector<1x16xf32> to vector<16xf32>
      %swap3A_183 = vector.shape_cast %broadcast_in_dim3A_1 : vector<16xf32> to vector<1x16xf32>
      tpu.vector_store %swap3A_178[%swap3A_179, %swap3A_180], %swap3A_183 {strides = array<i32>} : memref<128x128xf32, #tpu.memory_space<vmem>>, vector<1x16xf32>,
      %swap3A_184 = arith.constant 0 : i32
      %swap3A_185 = arith.constant 0 : i32
      %swap3A_186 = tpu.memref_slice %arg8[%scan3A, %swap3A_184, %swap3A_185] : memref<2x128x128xf32, #tpu.memory_space<vmem>> -> memref<1x128x128xf32, #tpu.memory_space<vmem>>
      %swap3A_187 = tpu.memref_squeeze %swap3A_186 : memref<1x128x128xf32, #tpu.memory_space<vmem>> -> memref<128x128xf32, #tpu.memory_space<vmem>>
      %swap3A_188 = arith.index_cast %scan3A_156 : i32 to index
      %swap3A_189 = arith.constant 48 : index
      %swap3A_190 = tpu.vector_load %swap3A_187[%swap3A_188, %swap3A_189] {strides = array<i32>} : memref<128x128xf32, #tpu.memory_space<vmem>>, vector<1x16xf32>,
      %swap3A_191 = vector.shape_cast %swap3A_190 : vector<1x16xf32> to vector<16xf32>
      %swap3A_192 = vector.shape_cast %broadcast_in_dim3A_1 : vector<16xf32> to vector<1x16xf32>
      tpu.vector_store %swap3A_187[%swap3A_188, %swap3A_189], %swap3A_192 {strides = array<i32>} : memref<128x128xf32, #tpu.memory_space<vmem>>, vector<1x16xf32>,
      %swap3A_193 = arith.constant 0 : i32
      %swap3A_194 = arith.constant 0 : i32
      %swap3A_195 = tpu.memref_slice %arg8[%scan3A, %swap3A_193, %swap3A_194] : memref<2x128x128xf32, #tpu.memory_space<vmem>> -> memref<1x128x128xf32, #tpu.memory_space<vmem>>
      %swap3A_196 = tpu.memref_squeeze %swap3A_195 : memref<1x128x128xf32, #tpu.memory_space<vmem>> -> memref<128x128xf32, #tpu.memory_space<vmem>>
      %swap3A_197 = arith.index_cast %scan3A_156 : i32 to index
      %swap3A_198 = arith.constant 64 : index
      %swap3A_199 = tpu.vector_load %swap3A_196[%swap3A_197, %swap3A_198] {strides = array<i32>} : memref<128x128xf32, #tpu.memory_space<vmem>>, vector<1x16xf32>,
      %swap3A_200 = vector.shape_cast %swap3A_199 : vector<1x16xf32> to vector<16xf32>
      %swap3A_201 = vector.shape_cast %broadcast_in_dim3A_1 : vector<16xf32> to vector<1x16xf32>
      tpu.vector_store %swap3A_196[%swap3A_197, %swap3A_198], %swap3A_201 {strides = array<i32>} : memref<128x128xf32, #tpu.memory_space<vmem>>, vector<1x16xf32>,
      %swap3A_202 = arith.constant 0 : i32
      %swap3A_203 = arith.constant 0 : i32
      %swap3A_204 = tpu.memref_slice %arg8[%scan3A, %swap3A_202, %swap3A_203] : memref<2x128x128xf32, #tpu.memory_space<vmem>> -> memref<1x128x128xf32, #tpu.memory_space<vmem>>
      %swap3A_205 = tpu.memref_squeeze %swap3A_204 : memref<1x128x128xf32, #tpu.memory_space<vmem>> -> memref<128x128xf32, #tpu.memory_space<vmem>>
      %swap3A_206 = arith.index_cast %scan3A_156 : i32 to index
      %swap3A_207 = arith.constant 80 : index
      %swap3A_208 = tpu.vector_load %swap3A_205[%swap3A_206, %swap3A_207] {strides = array<i32>} : memref<128x128xf32, #tpu.memory_space<vmem>>, vector<1x16xf32>,
      %swap3A_209 = vector.shape_cast %swap3A_208 : vector<1x16xf32> to vector<16xf32>
      %swap3A_210 = vector.shape_cast %broadcast_in_dim3A_1 : vector<16xf32> to vector<1x16xf32>
      tpu.vector_store %swap3A_205[%swap3A_206, %swap3A_207], %swap3A_210 {strides = array<i32>} : memref<128x128xf32, #tpu.memory_space<vmem>>, vector<1x16xf32>,
      %swap3A_211 = arith.constant 0 : i32
      %swap3A_212 = arith.constant 0 : i32
      %swap3A_213 = tpu.memref_slice %arg8[%scan3A, %swap3A_211, %swap3A_212] : memref<2x128x128xf32, #tpu.memory_space<vmem>> -> memref<1x128x128xf32, #tpu.memory_space<vmem>>
      %swap3A_214 = tpu.memref_squeeze %swap3A_213 : memref<1x128x128xf32, #tpu.memory_space<vmem>> -> memref<128x128xf32, #tpu.memory_space<vmem>>
      %swap3A_215 = arith.index_cast %scan3A_156 : i32 to index
      %swap3A_216 = arith.constant 96 : index
      %swap3A_217 = tpu.vector_load %swap3A_214[%swap3A_215, %swap3A_216] {strides = array<i32>} : memref<128x128xf32, #tpu.memory_space<vmem>>, vector<1x16xf32>,
      %swap3A_218 = vector.shape_cast %swap3A_217 : vector<1x16xf32> to vector<16xf32>
      %swap3A_219 = vector.shape_cast %broadcast_in_dim3A_1 : vector<16xf32> to vector<1x16xf32>
      tpu.vector_store %swap3A_214[%swap3A_215, %swap3A_216], %swap3A_219 {strides = array<i32>} : memref<128x128xf32, #tpu.memory_space<vmem>>, vector<1x16xf32>,
      %swap3A_220 = arith.constant 0 : i32
      %swap3A_221 = arith.constant 0 : i32
      %swap3A_222 = tpu.memref_slice %arg8[%scan3A, %swap3A_220, %swap3A_221] : memref<2x128x128xf32, #tpu.memory_space<vmem>> -> memref<1x128x128xf32, #tpu.memory_space<vmem>>
      %swap3A_223 = tpu.memref_squeeze %swap3A_222 : memref<1x128x128xf32, #tpu.memory_space<vmem>> -> memref<128x128xf32, #tpu.memory_space<vmem>>
      %swap3A_224 = arith.index_cast %scan3A_156 : i32 to index
      %swap3A_225 = arith.constant 112 : index
      %swap3A_226 = tpu.vector_load %swap3A_223[%swap3A_224, %swap3A_225] {strides = array<i32>} : memref<128x128xf32, #tpu.memory_space<vmem>>, vector<1x16xf32>,
      %swap3A_227 = vector.shape_cast %swap3A_226 : vector<1x16xf32> to vector<16xf32>
      %swap3A_228 = vector.shape_cast %broadcast_in_dim3A_1 : vector<16xf32> to vector<1x16xf32>
      tpu.vector_store %swap3A_223[%swap3A_224, %swap3A_225], %swap3A_228 {strides = array<i32>} : memref<128x128xf32, #tpu.memory_space<vmem>>, vector<1x16xf32>,
      %scan3A_229 = arith.constant 0 : i32
      scf.yield %scan3A_229 : i32
    }
    %scan3A_8 = arith.constant 128 : i32
    %mul3A_9 = arith.constant 640 : i32
    %mul3A_10 = arith.muli %arg1, %mul3A_9 : i32
    %multiple_of3A = tpu.assume_multiple %mul3A_10, 8 : i32
    %add3A_11 = arith.constant 0 : i32
    %add3A_12 = arith.addi %multiple_of3A, %add3A_11 : i32
    %run_scoped3A = arith.constant 0 : i32
    "tpu.region"() ({
      %run_scoped3A_156 = tpu.sem_alloc : memref<!tpu.dma_semaphore, #tpu.memory_space<semaphore_mem>>
      %dma_start3A_157 = arith.constant 0 : i32
      %dma_start3A_158 = arith.constant 0 : i32
      %dma_start3A_159 = tpu.memref_slice %arg8[%run_scoped3A, %dma_start3A_157, %dma_start3A_158] : memref<2x128x128xf32, #tpu.memory_space<vmem>> -> memref<1x128x128xf32, #tpu.memory_space<vmem>>
      %dma_start3A_160 = tpu.memref_squeeze %dma_start3A_159 : memref<1x128x128xf32, #tpu.memory_space<vmem>> -> memref<128x128xf32, #tpu.memory_space<vmem>>
      %dma_start3A_161 = arith.constant 0 : i32
      %dma_start3A_162 = tpu.memref_slice %arg9[%add3A_12, %dma_start3A_161] : memref<10240x128xf32, #tpu.memory_space<vmem_shared>> -> memref<128x128xf32, #tpu.memory_space<vmem_shared>>
      %dma_start3A_163 = arith.constant 0 : i32
      %dma_start3A_164 = tpu.memref_slice %arg9[%add3A_12, %dma_start3A_163] : memref<10240x128xf32, #tpu.memory_space<vmem_shared>> -> memref<128x128xf32, #tpu.memory_space<vmem_shared>>
      %dma_start3A_165 = arith.constant 0 : i32
      %dma_start3A_166 = arith.constant 0 : i32
      %dma_start3A_167 = tpu.memref_slice %arg8[%run_scoped3A, %dma_start3A_165, %dma_start3A_166] : memref<2x128x128xf32, #tpu.memory_space<vmem>> -> memref<1x128x128xf32, #tpu.memory_space<vmem>>
      %dma_start3A_168 = tpu.memref_squeeze %dma_start3A_167 : memref<1x128x128xf32, #tpu.memory_space<vmem>> -> memref<128x128xf32, #tpu.memory_space<vmem>>
      tpu.enqueue_dma source(%dma_start3A_168 : memref<128x128xf32, #tpu.memory_space<vmem>>) target(%dma_start3A_164 : memref<128x128xf32, #tpu.memory_space<vmem_shared>>) target_semaphore(%run_scoped3A_156 : memref<!tpu.dma_semaphore, #tpu.memory_space<semaphore_mem>>)
      %dma_wait3A_169 = arith.constant 0 : i32
      %dma_wait3A_170 = arith.constant 0 : i32
      %dma_wait3A_171 = tpu.memref_slice %arg8[%run_scoped3A, %dma_wait3A_169, %dma_wait3A_170] : memref<2x128x128xf32, #tpu.memory_space<vmem>> -> memref<1x128x128xf32, #tpu.memory_space<vmem>>
      %dma_wait3A_172 = tpu.memref_squeeze %dma_wait3A_171 : memref<1x128x128xf32, #tpu.memory_space<vmem>> -> memref<128x128xf32, #tpu.memory_space<vmem>>
      %dma_wait3A_173 = arith.constant 0 : i32
      %dma_wait3A_174 = tpu.memref_slice %arg9[%add3A_12, %dma_wait3A_173] : memref<10240x128xf32, #tpu.memory_space<vmem_shared>> -> memref<128x128xf32, #tpu.memory_space<vmem_shared>>
      %dma_wait3A_175 = arith.constant 0 : i32
      %dma_wait3A_176 = tpu.memref_slice %arg9[%add3A_12, %dma_wait3A_175] : memref<10240x128xf32, #tpu.memory_space<vmem_shared>> -> memref<128x128xf32, #tpu.memory_space<vmem_shared>>
      %dma_wait3A_177 = arith.constant 0 : i32
      %dma_wait3A_178 = arith.constant 0 : i32
      %dma_wait3A_179 = tpu.memref_slice %arg8[%run_scoped3A, %dma_wait3A_177, %dma_wait3A_178] : memref<2x128x128xf32, #tpu.memory_space<vmem>> -> memref<1x128x128xf32, #tpu.memory_space<vmem>>
      %dma_wait3A_180 = tpu.memref_squeeze %dma_wait3A_179 : memref<1x128x128xf32, #tpu.memory_space<vmem>> -> memref<128x128xf32, #tpu.memory_space<vmem>>
      tpu.wait_dma2 semaphore(%run_scoped3A_156 : memref<!tpu.dma_semaphore, #tpu.memory_space<semaphore_mem>>) src(%dma_wait3A_180 : memref<128x128xf32, #tpu.memory_space<vmem>>) dst(%dma_wait3A_176 : memref<128x128xf32, #tpu.memory_space<vmem_shared>>)
      tpu.yield
    }) : () -> ()
    %add3A_13 = arith.constant 128 : i32
    %add3A_14 = arith.addi %multiple_of3A, %add3A_13 : i32
    %run_scoped3A_15 = arith.constant 0 : i32
    "tpu.region"() ({
      %run_scoped3A_156 = tpu.sem_alloc : memref<!tpu.dma_semaphore, #tpu.memory_space<semaphore_mem>>
      %dma_start3A_157 = arith.constant 0 : i32
      %dma_start3A_158 = arith.constant 0 : i32
      %dma_start3A_159 = tpu.memref_slice %arg8[%run_scoped3A_15, %dma_start3A_157, %dma_start3A_158] : memref<2x128x128xf32, #tpu.memory_space<vmem>> -> memref<1x128x128xf32, #tpu.memory_space<vmem>>
      %dma_start3A_160 = tpu.memref_squeeze %dma_start3A_159 : memref<1x128x128xf32, #tpu.memory_space<vmem>> -> memref<128x128xf32, #tpu.memory_space<vmem>>
      %dma_start3A_161 = arith.constant 0 : i32
      %dma_start3A_162 = tpu.memref_slice %arg9[%add3A_14, %dma_start3A_161] : memref<10240x128xf32, #tpu.memory_space<vmem_shared>> -> memref<128x128xf32, #tpu.memory_space<vmem_shared>>
      %dma_start3A_163 = arith.constant 0 : i32
      %dma_start3A_164 = tpu.memref_slice %arg9[%add3A_14, %dma_start3A_163] : memref<10240x128xf32, #tpu.memory_space<vmem_shared>> -> memref<128x128xf32, #tpu.memory_space<vmem_shared>>
      %dma_start3A_165 = arith.constant 0 : i32
      %dma_start3A_166 = arith.constant 0 : i32
      %dma_start3A_167 = tpu.memref_slice %arg8[%run_scoped3A_15, %dma_start3A_165, %dma_start3A_166] : memref<2x128x128xf32, #tpu.memory_space<vmem>> -> memref<1x128x128xf32, #tpu.memory_space<vmem>>
      %dma_start3A_168 = tpu.memref_squeeze %dma_start3A_167 : memref<1x128x128xf32, #tpu.memory_space<vmem>> -> memref<128x128xf32, #tpu.memory_space<vmem>>
      tpu.enqueue_dma source(%dma_start3A_168 : memref<128x128xf32, #tpu.memory_space<vmem>>) target(%dma_start3A_164 : memref<128x128xf32, #tpu.memory_space<vmem_shared>>) target_semaphore(%run_scoped3A_156 : memref<!tpu.dma_semaphore, #tpu.memory_space<semaphore_mem>>)
      %dma_wait3A_169 = arith.constant 0 : i32
      %dma_wait3A_170 = arith.constant 0 : i32
      %dma_wait3A_171 = tpu.memref_slice %arg8[%run_scoped3A_15, %dma_wait3A_169, %dma_wait3A_170] : memref<2x128x128xf32, #tpu.memory_space<vmem>> -> memref<1x128x128xf32, #tpu.memory_space<vmem>>
      %dma_wait3A_172 = tpu.memref_squeeze %dma_wait3A_171 : memref<1x128x128xf32, #tpu.memory_space<vmem>> -> memref<128x128xf32, #tpu.memory_space<vmem>>
      %dma_wait3A_173 = arith.constant 0 : i32
      %dma_wait3A_174 = tpu.memref_slice %arg9[%add3A_14, %dma_wait3A_173] : memref<10240x128xf32, #tpu.memory_space<vmem_shared>> -> memref<128x128xf32, #tpu.memory_space<vmem_shared>>
      %dma_wait3A_175 = arith.constant 0 : i32
      %dma_wait3A_176 = tpu.memref_slice %arg9[%add3A_14, %dma_wait3A_175] : memref<10240x128xf32, #tpu.memory_space<vmem_shared>> -> memref<128x128xf32, #tpu.memory_space<vmem_shared>>
      %dma_wait3A_177 = arith.constant 0 : i32
      %dma_wait3A_178 = arith.constant 0 : i32
      %dma_wait3A_179 = tpu.memref_slice %arg8[%run_scoped3A_15, %dma_wait3A_177, %dma_wait3A_178] : memref<2x128x128xf32, #tpu.memory_space<vmem>> -> memref<1x128x128xf32, #tpu.memory_space<vmem>>
      %dma_wait3A_180 = tpu.memref_squeeze %dma_wait3A_179 : memref<1x128x128xf32, #tpu.memory_space<vmem>> -> memref<128x128xf32, #tpu.memory_space<vmem>>
      tpu.wait_dma2 semaphore(%run_scoped3A_156 : memref<!tpu.dma_semaphore, #tpu.memory_space<semaphore_mem>>) src(%dma_wait3A_180 : memref<128x128xf32, #tpu.memory_space<vmem>>) dst(%dma_wait3A_176 : memref<128x128xf32, #tpu.memory_space<vmem_shared>>)
      tpu.yield
    }) : () -> ()
    %add3A_16 = arith.constant 256 : i32
    %add3A_17 = arith.addi %multiple_of3A, %add3A_16 : i32
    %run_scoped3A_18 = arith.constant 0 : i32
    "tpu.region"() ({
      %run_scoped3A_156 = tpu.sem_alloc : memref<!tpu.dma_semaphore, #tpu.memory_space<semaphore_mem>>
      %dma_start3A_157 = arith.constant 0 : i32
      %dma_start3A_158 = arith.constant 0 : i32
      %dma_start3A_159 = tpu.memref_slice %arg8[%run_scoped3A_18, %dma_start3A_157, %dma_start3A_158] : memref<2x128x128xf32, #tpu.memory_space<vmem>> -> memref<1x128x128xf32, #tpu.memory_space<vmem>>
      %dma_start3A_160 = tpu.memref_squeeze %dma_start3A_159 : memref<1x128x128xf32, #tpu.memory_space<vmem>> -> memref<128x128xf32, #tpu.memory_space<vmem>>
      %dma_start3A_161 = arith.constant 0 : i32
      %dma_start3A_162 = tpu.memref_slice %arg9[%add3A_17, %dma_start3A_161] : memref<10240x128xf32, #tpu.memory_space<vmem_shared>> -> memref<128x128xf32, #tpu.memory_space<vmem_shared>>
      %dma_start3A_163 = arith.constant 0 : i32
      %dma_start3A_164 = tpu.memref_slice %arg9[%add3A_17, %dma_start3A_163] : memref<10240x128xf32, #tpu.memory_space<vmem_shared>> -> memref<128x128xf32, #tpu.memory_space<vmem_shared>>
      %dma_start3A_165 = arith.constant 0 : i32
      %dma_start3A_166 = arith.constant 0 : i32
      %dma_start3A_167 = tpu.memref_slice %arg8[%run_scoped3A_18, %dma_start3A_165, %dma_start3A_166] : memref<2x128x128xf32, #tpu.memory_space<vmem>> -> memref<1x128x128xf32, #tpu.memory_space<vmem>>
      %dma_start3A_168 = tpu.memref_squeeze %dma_start3A_167 : memref<1x128x128xf32, #tpu.memory_space<vmem>> -> memref<128x128xf32, #tpu.memory_space<vmem>>
      tpu.enqueue_dma source(%dma_start3A_168 : memref<128x128xf32, #tpu.memory_space<vmem>>) target(%dma_start3A_164 : memref<128x128xf32, #tpu.memory_space<vmem_shared>>) target_semaphore(%run_scoped3A_156 : memref<!tpu.dma_semaphore, #tpu.memory_space<semaphore_mem>>)
      %dma_wait3A_169 = arith.constant 0 : i32
      %dma_wait3A_170 = arith.constant 0 : i32
      %dma_wait3A_171 = tpu.memref_slice %arg8[%run_scoped3A_18, %dma_wait3A_169, %dma_wait3A_170] : memref<2x128x128xf32, #tpu.memory_space<vmem>> -> memref<1x128x128xf32, #tpu.memory_space<vmem>>
      %dma_wait3A_172 = tpu.memref_squeeze %dma_wait3A_171 : memref<1x128x128xf32, #tpu.memory_space<vmem>> -> memref<128x128xf32, #tpu.memory_space<vmem>>
      %dma_wait3A_173 = arith.constant 0 : i32
      %dma_wait3A_174 = tpu.memref_slice %arg9[%add3A_17, %dma_wait3A_173] : memref<10240x128xf32, #tpu.memory_space<vmem_shared>> -> memref<128x128xf32, #tpu.memory_space<vmem_shared>>
      %dma_wait3A_175 = arith.constant 0 : i32
      %dma_wait3A_176 = tpu.memref_slice %arg9[%add3A_17, %dma_wait3A_175] : memref<10240x128xf32, #tpu.memory_space<vmem_shared>> -> memref<128x128xf32, #tpu.memory_space<vmem_shared>>
      %dma_wait3A_177 = arith.constant 0 : i32
      %dma_wait3A_178 = arith.constant 0 : i32
      %dma_wait3A_179 = tpu.memref_slice %arg8[%run_scoped3A_18, %dma_wait3A_177, %dma_wait3A_178] : memref<2x128x128xf32, #tpu.memory_space<vmem>> -> memref<1x128x128xf32, #tpu.memory_space<vmem>>
      %dma_wait3A_180 = tpu.memref_squeeze %dma_wait3A_179 : memref<1x128x128xf32, #tpu.memory_space<vmem>> -> memref<128x128xf32, #tpu.memory_space<vmem>>
      tpu.wait_dma2 semaphore(%run_scoped3A_156 : memref<!tpu.dma_semaphore, #tpu.memory_space<semaphore_mem>>) src(%dma_wait3A_180 : memref<128x128xf32, #tpu.memory_space<vmem>>) dst(%dma_wait3A_176 : memref<128x128xf32, #tpu.memory_space<vmem_shared>>)
      tpu.yield
    }) : () -> ()
    %add3A_19 = arith.constant 384 : i32
    %add3A_20 = arith.addi %multiple_of3A, %add3A_19 : i32
    %run_scoped3A_21 = arith.constant 0 : i32
    "tpu.region"() ({
      %run_scoped3A_156 = tpu.sem_alloc : memref<!tpu.dma_semaphore, #tpu.memory_space<semaphore_mem>>
      %dma_start3A_157 = arith.constant 0 : i32
      %dma_start3A_158 = arith.constant 0 : i32
      %dma_start3A_159 = tpu.memref_slice %arg8[%run_scoped3A_21, %dma_start3A_157, %dma_start3A_158] : memref<2x128x128xf32, #tpu.memory_space<vmem>> -> memref<1x128x128xf32, #tpu.memory_space<vmem>>
      %dma_start3A_160 = tpu.memref_squeeze %dma_start3A_159 : memref<1x128x128xf32, #tpu.memory_space<vmem>> -> memref<128x128xf32, #tpu.memory_space<vmem>>
      %dma_start3A_161 = arith.constant 0 : i32
      %dma_start3A_162 = tpu.memref_slice %arg9[%add3A_20, %dma_start3A_161] : memref<10240x128xf32, #tpu.memory_space<vmem_shared>> -> memref<128x128xf32, #tpu.memory_space<vmem_shared>>
      %dma_start3A_163 = arith.constant 0 : i32
      %dma_start3A_164 = tpu.memref_slice %arg9[%add3A_20, %dma_start3A_163] : memref<10240x128xf32, #tpu.memory_space<vmem_shared>> -> memref<128x128xf32, #tpu.memory_space<vmem_shared>>
      %dma_start3A_165 = arith.constant 0 : i32
      %dma_start3A_166 = arith.constant 0 : i32
      %dma_start3A_167 = tpu.memref_slice %arg8[%run_scoped3A_21, %dma_start3A_165, %dma_start3A_166] : memref<2x128x128xf32, #tpu.memory_space<vmem>> -> memref<1x128x128xf32, #tpu.memory_space<vmem>>
      %dma_start3A_168 = tpu.memref_squeeze %dma_start3A_167 : memref<1x128x128xf32, #tpu.memory_space<vmem>> -> memref<128x128xf32, #tpu.memory_space<vmem>>
      tpu.enqueue_dma source(%dma_start3A_168 : memref<128x128xf32, #tpu.memory_space<vmem>>) target(%dma_start3A_164 : memref<128x128xf32, #tpu.memory_space<vmem_shared>>) target_semaphore(%run_scoped3A_156 : memref<!tpu.dma_semaphore, #tpu.memory_space<semaphore_mem>>)
      %dma_wait3A_169 = arith.constant 0 : i32
      %dma_wait3A_170 = arith.constant 0 : i32
      %dma_wait3A_171 = tpu.memref_slice %arg8[%run_scoped3A_21, %dma_wait3A_169, %dma_wait3A_170] : memref<2x128x128xf32, #tpu.memory_space<vmem>> -> memref<1x128x128xf32, #tpu.memory_space<vmem>>
      %dma_wait3A_172 = tpu.memref_squeeze %dma_wait3A_171 : memref<1x128x128xf32, #tpu.memory_space<vmem>> -> memref<128x128xf32, #tpu.memory_space<vmem>>
      %dma_wait3A_173 = arith.constant 0 : i32
      %dma_wait3A_174 = tpu.memref_slice %arg9[%add3A_20, %dma_wait3A_173] : memref<10240x128xf32, #tpu.memory_space<vmem_shared>> -> memref<128x128xf32, #tpu.memory_space<vmem_shared>>
      %dma_wait3A_175 = arith.constant 0 : i32
      %dma_wait3A_176 = tpu.memref_slice %arg9[%add3A_20, %dma_wait3A_175] : memref<10240x128xf32, #tpu.memory_space<vmem_shared>> -> memref<128x128xf32, #tpu.memory_space<vmem_shared>>
      %dma_wait3A_177 = arith.constant 0 : i32
      %dma_wait3A_178 = arith.constant 0 : i32
      %dma_wait3A_179 = tpu.memref_slice %arg8[%run_scoped3A_21, %dma_wait3A_177, %dma_wait3A_178] : memref<2x128x128xf32, #tpu.memory_space<vmem>> -> memref<1x128x128xf32, #tpu.memory_space<vmem>>
      %dma_wait3A_180 = tpu.memref_squeeze %dma_wait3A_179 : memref<1x128x128xf32, #tpu.memory_space<vmem>> -> memref<128x128xf32, #tpu.memory_space<vmem>>
      tpu.wait_dma2 semaphore(%run_scoped3A_156 : memref<!tpu.dma_semaphore, #tpu.memory_space<semaphore_mem>>) src(%dma_wait3A_180 : memref<128x128xf32, #tpu.memory_space<vmem>>) dst(%dma_wait3A_176 : memref<128x128xf32, #tpu.memory_space<vmem_shared>>)
      tpu.yield
    }) : () -> ()
    %add3A_22 = arith.constant 512 : i32
    %add3A_23 = arith.addi %multiple_of3A, %add3A_22 : i32
    %run_scoped3A_24 = arith.constant 0 : i32
    "tpu.region"() ({
      %run_scoped3A_156 = tpu.sem_alloc : memref<!tpu.dma_semaphore, #tpu.memory_space<semaphore_mem>>
      %dma_start3A_157 = arith.constant 0 : i32
      %dma_start3A_158 = arith.constant 0 : i32
      %dma_start3A_159 = tpu.memref_slice %arg8[%run_scoped3A_24, %dma_start3A_157, %dma_start3A_158] : memref<2x128x128xf32, #tpu.memory_space<vmem>> -> memref<1x128x128xf32, #tpu.memory_space<vmem>>
      %dma_start3A_160 = tpu.memref_squeeze %dma_start3A_159 : memref<1x128x128xf32, #tpu.memory_space<vmem>> -> memref<128x128xf32, #tpu.memory_space<vmem>>
      %dma_start3A_161 = arith.constant 0 : i32
      %dma_start3A_162 = tpu.memref_slice %arg9[%add3A_23, %dma_start3A_161] : memref<10240x128xf32, #tpu.memory_space<vmem_shared>> -> memref<128x128xf32, #tpu.memory_space<vmem_shared>>
      %dma_start3A_163 = arith.constant 0 : i32
      %dma_start3A_164 = tpu.memref_slice %arg9[%add3A_23, %dma_start3A_163] : memref<10240x128xf32, #tpu.memory_space<vmem_shared>> -> memref<128x128xf32, #tpu.memory_space<vmem_shared>>
      %dma_start3A_165 = arith.constant 0 : i32
      %dma_start3A_166 = arith.constant 0 : i32
      %dma_start3A_167 = tpu.memref_slice %arg8[%run_scoped3A_24, %dma_start3A_165, %dma_start3A_166] : memref<2x128x128xf32, #tpu.memory_space<vmem>> -> memref<1x128x128xf32, #tpu.memory_space<vmem>>
      %dma_start3A_168 = tpu.memref_squeeze %dma_start3A_167 : memref<1x128x128xf32, #tpu.memory_space<vmem>> -> memref<128x128xf32, #tpu.memory_space<vmem>>
      tpu.enqueue_dma source(%dma_start3A_168 : memref<128x128xf32, #tpu.memory_space<vmem>>) target(%dma_start3A_164 : memref<128x128xf32, #tpu.memory_space<vmem_shared>>) target_semaphore(%run_scoped3A_156 : memref<!tpu.dma_semaphore, #tpu.memory_space<semaphore_mem>>)
      %dma_wait3A_169 = arith.constant 0 : i32
      %dma_wait3A_170 = arith.constant 0 : i32
      %dma_wait3A_171 = tpu.memref_slice %arg8[%run_scoped3A_24, %dma_wait3A_169, %dma_wait3A_170] : memref<2x128x128xf32, #tpu.memory_space<vmem>> -> memref<1x128x128xf32, #tpu.memory_space<vmem>>
      %dma_wait3A_172 = tpu.memref_squeeze %dma_wait3A_171 : memref<1x128x128xf32, #tpu.memory_space<vmem>> -> memref<128x128xf32, #tpu.memory_space<vmem>>
      %dma_wait3A_173 = arith.constant 0 : i32
      %dma_wait3A_174 = tpu.memref_slice %arg9[%add3A_23, %dma_wait3A_173] : memref<10240x128xf32, #tpu.memory_space<vmem_shared>> -> memref<128x128xf32, #tpu.memory_space<vmem_shared>>
      %dma_wait3A_175 = arith.constant 0 : i32
      %dma_wait3A_176 = tpu.memref_slice %arg9[%add3A_23, %dma_wait3A_175] : memref<10240x128xf32, #tpu.memory_space<vmem_shared>> -> memref<128x128xf32, #tpu.memory_space<vmem_shared>>
      %dma_wait3A_177 = arith.constant 0 : i32
      %dma_wait3A_178 = arith.constant 0 : i32
      %dma_wait3A_179 = tpu.memref_slice %arg8[%run_scoped3A_24, %dma_wait3A_177, %dma_wait3A_178] : memref<2x128x128xf32, #tpu.memory_space<vmem>> -> memref<1x128x128xf32, #tpu.memory_space<vmem>>
      %dma_wait3A_180 = tpu.memref_squeeze %dma_wait3A_179 : memref<1x128x128xf32, #tpu.memory_space<vmem>> -> memref<128x128xf32, #tpu.memory_space<vmem>>
      tpu.wait_dma2 semaphore(%run_scoped3A_156 : memref<!tpu.dma_semaphore, #tpu.memory_space<semaphore_mem>>) src(%dma_wait3A_180 : memref<128x128xf32, #tpu.memory_space<vmem>>) dst(%dma_wait3A_176 : memref<128x128xf32, #tpu.memory_space<vmem_shared>>)
      tpu.yield
    }) : () -> ()
    %barrier3A = arith.constant 0 : index
    tpu.barrier barrier_id(%barrier3A)
    %mul3A_25 = arith.constant 80 : i32
    %mul3A_26 = arith.muli %add3A, %mul3A_25 : i32
    %add3A_27 = arith.constant 0 : i32
    %add3A_28 = arith.addi %mul3A_26, %add3A_27 : i32
    "tpu.region"() ({
      %run_scoped3A_156 = tpu.sem_alloc : memref<!tpu.dma_semaphore, #tpu.memory_space<semaphore_mem>>
      %dma_start3A_157 = arith.constant 0 : i32
      %dma_start3A_158 = tpu.memref_slice %arg3[%add3A_28, %dma_start3A_157] : memref<2560x128xi32, #tpu.memory_space<hbm>> -> memref<40x128xi32, #tpu.memory_space<hbm>>
      %dma_start3A_159 = arith.constant 0 : i32
      %dma_start3A_160 = tpu.memref_slice %arg3[%add3A_28, %dma_start3A_159] : memref<2560x128xi32, #tpu.memory_space<hbm>> -> memref<40x128xi32, #tpu.memory_space<hbm>>
      tpu.enqueue_dma source(%dma_start3A_160 : memref<40x128xi32, #tpu.memory_space<hbm>>) target(%arg6 : memref<40x128xi32, #tpu.memory_space<vmem>>) target_semaphore(%run_scoped3A_156 : memref<!tpu.dma_semaphore, #tpu.memory_space<semaphore_mem>>)
      %dma_wait3A_161 = arith.constant 0 : i32
      %dma_wait3A_162 = tpu.memref_slice %arg3[%add3A_28, %dma_wait3A_161] : memref<2560x128xi32, #tpu.memory_space<hbm>> -> memref<40x128xi32, #tpu.memory_space<hbm>>
      %dma_wait3A_163 = arith.constant 0 : i32
      %dma_wait3A_164 = tpu.memref_slice %arg3[%add3A_28, %dma_wait3A_163] : memref<2560x128xi32, #tpu.memory_space<hbm>> -> memref<40x128xi32, #tpu.memory_space<hbm>>
      tpu.wait_dma2 semaphore(%run_scoped3A_156 : memref<!tpu.dma_semaphore, #tpu.memory_space<semaphore_mem>>) src(%dma_wait3A_164 : memref<40x128xi32, #tpu.memory_space<hbm>>) dst(%arg6 : memref<40x128xi32, #tpu.memory_space<vmem>>)
      tpu.yield
    }) : () -> ()
    "tpu.region"() ({
      %run_scoped3A_156 = tpu.sem_alloc : memref<!tpu.dma_semaphore, #tpu.memory_space<semaphore_mem>>
      %dma_start3A_157 = arith.constant 0 : i32
      %dma_start3A_158 = tpu.memref_slice %arg4[%add3A_28, %dma_start3A_157] : memref<2560x128xi32, #tpu.memory_space<hbm>> -> memref<40x128xi32, #tpu.memory_space<hbm>>
      %dma_start3A_159 = arith.constant 0 : i32
      %dma_start3A_160 = tpu.memref_slice %arg4[%add3A_28, %dma_start3A_159] : memref<2560x128xi32, #tpu.memory_space<hbm>> -> memref<40x128xi32, #tpu.memory_space<hbm>>
      tpu.enqueue_dma source(%dma_start3A_160 : memref<40x128xi32, #tpu.memory_space<hbm>>) target(%arg7 : memref<40x128xi32, #tpu.memory_space<vmem>>) target_semaphore(%run_scoped3A_156 : memref<!tpu.dma_semaphore, #tpu.memory_space<semaphore_mem>>)
      %dma_wait3A_161 = arith.constant 0 : i32
      %dma_wait3A_162 = tpu.memref_slice %arg4[%add3A_28, %dma_wait3A_161] : memref<2560x128xi32, #tpu.memory_space<hbm>> -> memref<40x128xi32, #tpu.memory_space<hbm>>
      %dma_wait3A_163 = arith.constant 0 : i32
      %dma_wait3A_164 = tpu.memref_slice %arg4[%add3A_28, %dma_wait3A_163] : memref<2560x128xi32, #tpu.memory_space<hbm>> -> memref<40x128xi32, #tpu.memory_space<hbm>>
      tpu.wait_dma2 semaphore(%run_scoped3A_156 : memref<!tpu.dma_semaphore, #tpu.memory_space<semaphore_mem>>) src(%dma_wait3A_164 : memref<40x128xi32, #tpu.memory_space<hbm>>) dst(%arg7 : memref<40x128xi32, #tpu.memory_space<vmem>>)
      tpu.yield
    }) : () -> ()
    %dma_start3A = arith.constant 0 : i32
    %dma_start3A_29 = arith.constant 0 : i32
    %dma_start3A_30 = arith.constant 0 : i32
    %dma_start3A_31 = arith.constant 0 : i32
    %dma_start3A_32 = tpu.memref_slice %arg8[%dma_start3A_29, %dma_start3A_30, %dma_start3A_31] : memref<2x128x128xf32, #tpu.memory_space<vmem>> -> memref<1x128x128xf32, #tpu.memory_space<vmem>>
    %dma_start3A_33 = tpu.memref_squeeze %dma_start3A_32 : memref<1x128x128xf32, #tpu.memory_space<vmem>> -> memref<128x128xf32, #tpu.memory_space<vmem>>
    %dma_start3A_34 = arith.constant 0 : i32
    %dma_start3A_35 = tpu.memref_slice %arg6[%dma_start3A, %dma_start3A_34] : memref<40x128xi32, #tpu.memory_space<vmem>> -> memref<1x128xi32, #tpu.memory_space<vmem>>
    %dma_start3A_36 = tpu.memref_squeeze %dma_start3A_35 : memref<1x128xi32, #tpu.memory_space<vmem>> -> memref<128xi32, #tpu.memory_space<vmem>>
    %dma_start3A_37 = arith.constant 0 : i32
    %dma_start3A_38 = arith.constant 0 : i32
    %dma_start3A_39 = tpu.memref_slice %arg2[%dma_start3A_37, %dma_start3A_38] : memref<10240x128xf32, #tpu.memory_space<hbm>> -> memref<10240x128xf32, #tpu.memory_space<hbm>>
    tpu.enqueue_indirect_dma source(%dma_start3A_39 : memref<10240x128xf32, #tpu.memory_space<hbm>>) target(%dma_start3A_33 : memref<128x128xf32, #tpu.memory_space<vmem>>) offsets(%dma_start3A_36 : memref<128xi32, #tpu.memory_space<vmem>>) semaphore(%arg10 : memref<!tpu.dma_semaphore, #tpu.memory_space<semaphore_mem>>)
    %dma_start3A_40 = arith.constant 1 : i32
    %dma_start3A_41 = arith.constant 1 : i32
    %dma_start3A_42 = arith.constant 0 : i32
    %dma_start3A_43 = arith.constant 0 : i32
    %dma_start3A_44 = tpu.memref_slice %arg8[%dma_start3A_41, %dma_start3A_42, %dma_start3A_43] : memref<2x128x128xf32, #tpu.memory_space<vmem>> -> memref<1x128x128xf32, #tpu.memory_space<vmem>>
    %dma_start3A_45 = tpu.memref_squeeze %dma_start3A_44 : memref<1x128x128xf32, #tpu.memory_space<vmem>> -> memref<128x128xf32, #tpu.memory_space<vmem>>
    %dma_start3A_46 = arith.constant 0 : i32
    %dma_start3A_47 = tpu.memref_slice %arg6[%dma_start3A_40, %dma_start3A_46] : memref<40x128xi32, #tpu.memory_space<vmem>> -> memref<1x128xi32, #tpu.memory_space<vmem>>
    %dma_start3A_48 = tpu.memref_squeeze %dma_start3A_47 : memref<1x128xi32, #tpu.memory_space<vmem>> -> memref<128xi32, #tpu.memory_space<vmem>>
    %dma_start3A_49 = arith.constant 0 : i32
    %dma_start3A_50 = arith.constant 0 : i32
    %dma_start3A_51 = tpu.memref_slice %arg2[%dma_start3A_49, %dma_start3A_50] : memref<10240x128xf32, #tpu.memory_space<hbm>> -> memref<10240x128xf32, #tpu.memory_space<hbm>>
    tpu.enqueue_indirect_dma source(%dma_start3A_51 : memref<10240x128xf32, #tpu.memory_space<hbm>>) target(%dma_start3A_45 : memref<128x128xf32, #tpu.memory_space<vmem>>) offsets(%dma_start3A_48 : memref<128xi32, #tpu.memory_space<vmem>>) semaphore(%arg11 : memref<!tpu.dma_semaphore, #tpu.memory_space<semaphore_mem>>)
    %scan3A_52 = arith.constant 0 : i32
    %scan3A_53 = arith.constant 0 : i32
    %scan3A_54 = arith.constant 19 : i32
    %scan3A_55 = arith.addi %scan3A_53, %scan3A_54 : i32
    %scan3A_56 = arith.constant 1 : i32
    %scan3A_57 = scf.for %scan3A_156 = %scan3A_53 to %scan3A_55 step %scan3A_56 iter_args(%scan3A_157 = %scan3A_52) -> (i32)  : i32 {
      %mul3A_158 = arith.constant 2 : i32
      %mul3A_159 = arith.muli %scan3A_156, %mul3A_158 : i32
      %add3A_160 = arith.constant 0 : i32
      %add3A_161 = arith.addi %mul3A_159, %add3A_160 : i32
      %dma_wait3A_162 = arith.constant 0 : i32
      %dma_wait3A_163 = arith.constant 0 : i32
      %dma_wait3A_164 = arith.constant 0 : i32
      %dma_wait3A_165 = tpu.memref_slice %arg8[%dma_wait3A_162, %dma_wait3A_163, %dma_wait3A_164] : memref<2x128x128xf32, #tpu.memory_space<vmem>> -> memref<1x128x128xf32, #tpu.memory_space<vmem>>
      %dma_wait3A_166 = tpu.memref_squeeze %dma_wait3A_165 : memref<1x128x128xf32, #tpu.memory_space<vmem>> -> memref<128x128xf32, #tpu.memory_space<vmem>>
      %dma_wait3A_167 = arith.constant 0 : i32
      %dma_wait3A_168 = tpu.memref_slice %arg6[%add3A_161, %dma_wait3A_167] : memref<40x128xi32, #tpu.memory_space<vmem>> -> memref<1x128xi32, #tpu.memory_space<vmem>>
      %dma_wait3A_169 = tpu.memref_squeeze %dma_wait3A_168 : memref<1x128xi32, #tpu.memory_space<vmem>> -> memref<128xi32, #tpu.memory_space<vmem>>
      %dma_wait3A_170 = arith.constant 0 : i32
      %dma_wait3A_171 = arith.constant 0 : i32
      %dma_wait3A_172 = tpu.memref_slice %arg2[%dma_wait3A_170, %dma_wait3A_171] : memref<10240x128xf32, #tpu.memory_space<hbm>> -> memref<10240x128xf32, #tpu.memory_space<hbm>>
      tpu.wait_indirect_dma semaphore(%arg10 : memref<!tpu.dma_semaphore, #tpu.memory_space<semaphore_mem>>) src(%dma_wait3A_172 : memref<10240x128xf32, #tpu.memory_space<hbm>>) dst(%dma_wait3A_166 : memref<128x128xf32, #tpu.memory_space<vmem>>)
      %run_scoped3A_173 = arith.constant 0 : i32
      "tpu.region"() ({
        %run_scoped3A_217 = tpu.sem_alloc : memref<!tpu.dma_semaphore, #tpu.memory_space<semaphore_mem>>
        %dma_start3A_218 = arith.constant 0 : i32
        %dma_start3A_219 = arith.constant 0 : i32
        %dma_start3A_220 = tpu.memref_slice %arg8[%run_scoped3A_173, %dma_start3A_218, %dma_start3A_219] : memref<2x128x128xf32, #tpu.memory_space<vmem>> -> memref<1x128x128xf32, #tpu.memory_space<vmem>>
        %dma_start3A_221 = tpu.memref_squeeze %dma_start3A_220 : memref<1x128x128xf32, #tpu.memory_space<vmem>> -> memref<128x128xf32, #tpu.memory_space<vmem>>
        %dma_start3A_222 = arith.constant 0 : i32
        %dma_start3A_223 = tpu.memref_slice %arg7[%add3A_161, %dma_start3A_222] : memref<40x128xi32, #tpu.memory_space<vmem>> -> memref<1x128xi32, #tpu.memory_space<vmem>>
        %dma_start3A_224 = tpu.memref_squeeze %dma_start3A_223 : memref<1x128xi32, #tpu.memory_space<vmem>> -> memref<128xi32, #tpu.memory_space<vmem>>
        %dma_start3A_225 = arith.constant 0 : i32
        %dma_start3A_226 = arith.constant 0 : i32
        %dma_start3A_227 = tpu.memref_slice %arg9[%dma_start3A_225, %dma_start3A_226] : memref<10240x128xf32, #tpu.memory_space<vmem_shared>> -> memref<10240x128xf32, #tpu.memory_space<vmem_shared>>
        tpu.enqueue_indirect_dma source(%dma_start3A_221 : memref<128x128xf32, #tpu.memory_space<vmem>>) target(%dma_start3A_227 : memref<10240x128xf32, #tpu.memory_space<vmem_shared>>) offsets(%dma_start3A_224 : memref<128xi32, #tpu.memory_space<vmem>>) semaphore(%run_scoped3A_217 : memref<!tpu.dma_semaphore, #tpu.memory_space<semaphore_mem>>) {add = true}
        %dma_wait3A_228 = arith.constant 0 : i32
        %dma_wait3A_229 = arith.constant 0 : i32
        %dma_wait3A_230 = tpu.memref_slice %arg8[%run_scoped3A_173, %dma_wait3A_228, %dma_wait3A_229] : memref<2x128x128xf32, #tpu.memory_space<vmem>> -> memref<1x128x128xf32, #tpu.memory_space<vmem>>
        %dma_wait3A_231 = tpu.memref_squeeze %dma_wait3A_230 : memref<1x128x128xf32, #tpu.memory_space<vmem>> -> memref<128x128xf32, #tpu.memory_space<vmem>>
        %dma_wait3A_232 = arith.constant 0 : i32
        %dma_wait3A_233 = tpu.memref_slice %arg7[%add3A_161, %dma_wait3A_232] : memref<40x128xi32, #tpu.memory_space<vmem>> -> memref<1x128xi32, #tpu.memory_space<vmem>>
        %dma_wait3A_234 = tpu.memref_squeeze %dma_wait3A_233 : memref<1x128xi32, #tpu.memory_space<vmem>> -> memref<128xi32, #tpu.memory_space<vmem>>
        %dma_wait3A_235 = arith.constant 0 : i32
        %dma_wait3A_236 = arith.constant 0 : i32
        %dma_wait3A_237 = tpu.memref_slice %arg9[%dma_wait3A_235, %dma_wait3A_236] : memref<10240x128xf32, #tpu.memory_space<vmem_shared>> -> memref<10240x128xf32, #tpu.memory_space<vmem_shared>>
        tpu.wait_indirect_dma semaphore(%run_scoped3A_217 : memref<!tpu.dma_semaphore, #tpu.memory_space<semaphore_mem>>) src(%dma_wait3A_231 : memref<128x128xf32, #tpu.memory_space<vmem>>) dst(%dma_wait3A_237 : memref<10240x128xf32, #tpu.memory_space<vmem_shared>>)
        tpu.yield
      }) : () -> ()
      %add3A_174 = arith.constant 2 : i32
      %add3A_175 = arith.addi %add3A_161, %add3A_174 : i32
      %dma_start3A_176 = arith.constant 0 : i32
      %dma_start3A_177 = arith.constant 0 : i32
      %dma_start3A_178 = arith.constant 0 : i32
      %dma_start3A_179 = tpu.memref_slice %arg8[%dma_start3A_176, %dma_start3A_177, %dma_start3A_178] : memref<2x128x128xf32, #tpu.memory_space<vmem>> -> memref<1x128x128xf32, #tpu.memory_space<vmem>>
      %dma_start3A_180 = tpu.memref_squeeze %dma_start3A_179 : memref<1x128x128xf32, #tpu.memory_space<vmem>> -> memref<128x128xf32, #tpu.memory_space<vmem>>
      %dma_start3A_181 = arith.constant 0 : i32
      %dma_start3A_182 = tpu.memref_slice %arg6[%add3A_175, %dma_start3A_181] : memref<40x128xi32, #tpu.memory_space<vmem>> -> memref<1x128xi32, #tpu.memory_space<vmem>>
      %dma_start3A_183 = tpu.memref_squeeze %dma_start3A_182 : memref<1x128xi32, #tpu.memory_space<vmem>> -> memref<128xi32, #tpu.memory_space<vmem>>
      %dma_start3A_184 = arith.constant 0 : i32
      %dma_start3A_185 = arith.constant 0 : i32
      %dma_start3A_186 = tpu.memref_slice %arg2[%dma_start3A_184, %dma_start3A_185] : memref<10240x128xf32, #tpu.memory_space<hbm>> -> memref<10240x128xf32, #tpu.memory_space<hbm>>
      tpu.enqueue_indirect_dma source(%dma_start3A_186 : memref<10240x128xf32, #tpu.memory_space<hbm>>) target(%dma_start3A_180 : memref<128x128xf32, #tpu.memory_space<vmem>>) offsets(%dma_start3A_183 : memref<128xi32, #tpu.memory_space<vmem>>) semaphore(%arg10 : memref<!tpu.dma_semaphore, #tpu.memory_space<semaphore_mem>>)
      %mul3A_187 = arith.constant 2 : i32
      %mul3A_188 = arith.muli %scan3A_156, %mul3A_187 : i32
      %add3A_189 = arith.constant 1 : i32
      %add3A_190 = arith.addi %mul3A_188, %add3A_189 : i32
      %dma_wait3A_191 = arith.constant 1 : i32
      %dma_wait3A_192 = arith.constant 0 : i32
      %dma_wait3A_193 = arith.constant 0 : i32
      %dma_wait3A_194 = tpu.memref_slice %arg8[%dma_wait3A_191, %dma_wait3A_192, %dma_wait3A_193] : memref<2x128x128xf32, #tpu.memory_space<vmem>> -> memref<1x128x128xf32, #tpu.memory_space<vmem>>
      %dma_wait3A_195 = tpu.memref_squeeze %dma_wait3A_194 : memref<1x128x128xf32, #tpu.memory_space<vmem>> -> memref<128x128xf32, #tpu.memory_space<vmem>>
      %dma_wait3A_196 = arith.constant 0 : i32
      %dma_wait3A_197 = tpu.memref_slice %arg6[%add3A_190, %dma_wait3A_196] : memref<40x128xi32, #tpu.memory_space<vmem>> -> memref<1x128xi32, #tpu.memory_space<vmem>>
      %dma_wait3A_198 = tpu.memref_squeeze %dma_wait3A_197 : memref<1x128xi32, #tpu.memory_space<vmem>> -> memref<128xi32, #tpu.memory_space<vmem>>
      %dma_wait3A_199 = arith.constant 0 : i32
      %dma_wait3A_200 = arith.constant 0 : i32
      %dma_wait3A_201 = tpu.memref_slice %arg2[%dma_wait3A_199, %dma_wait3A_200] : memref<10240x128xf32, #tpu.memory_space<hbm>> -> memref<10240x128xf32, #tpu.memory_space<hbm>>
      tpu.wait_indirect_dma semaphore(%arg11 : memref<!tpu.dma_semaphore, #tpu.memory_space<semaphore_mem>>) src(%dma_wait3A_201 : memref<10240x128xf32, #tpu.memory_space<hbm>>) dst(%dma_wait3A_195 : memref<128x128xf32, #tpu.memory_space<vmem>>)
      %run_scoped3A_202 = arith.constant 1 : i32
      "tpu.region"() ({
        %run_scoped3A_217 = tpu.sem_alloc : memref<!tpu.dma_semaphore, #tpu.memory_space<semaphore_mem>>
        %dma_start3A_218 = arith.constant 0 : i32
        %dma_start3A_219 = arith.constant 0 : i32
        %dma_start3A_220 = tpu.memref_slice %arg8[%run_scoped3A_202, %dma_start3A_218, %dma_start3A_219] : memref<2x128x128xf32, #tpu.memory_space<vmem>> -> memref<1x128x128xf32, #tpu.memory_space<vmem>>
        %dma_start3A_221 = tpu.memref_squeeze %dma_start3A_220 : memref<1x128x128xf32, #tpu.memory_space<vmem>> -> memref<128x128xf32, #tpu.memory_space<vmem>>
        %dma_start3A_222 = arith.constant 0 : i32
        %dma_start3A_223 = tpu.memref_slice %arg7[%add3A_190, %dma_start3A_222] : memref<40x128xi32, #tpu.memory_space<vmem>> -> memref<1x128xi32, #tpu.memory_space<vmem>>
        %dma_start3A_224 = tpu.memref_squeeze %dma_start3A_223 : memref<1x128xi32, #tpu.memory_space<vmem>> -> memref<128xi32, #tpu.memory_space<vmem>>
        %dma_start3A_225 = arith.constant 0 : i32
        %dma_start3A_226 = arith.constant 0 : i32
        %dma_start3A_227 = tpu.memref_slice %arg9[%dma_start3A_225, %dma_start3A_226] : memref<10240x128xf32, #tpu.memory_space<vmem_shared>> -> memref<10240x128xf32, #tpu.memory_space<vmem_shared>>
        tpu.enqueue_indirect_dma source(%dma_start3A_221 : memref<128x128xf32, #tpu.memory_space<vmem>>) target(%dma_start3A_227 : memref<10240x128xf32, #tpu.memory_space<vmem_shared>>) offsets(%dma_start3A_224 : memref<128xi32, #tpu.memory_space<vmem>>) semaphore(%run_scoped3A_217 : memref<!tpu.dma_semaphore, #tpu.memory_space<semaphore_mem>>) {add = true}
        %dma_wait3A_228 = arith.constant 0 : i32
        %dma_wait3A_229 = arith.constant 0 : i32
        %dma_wait3A_230 = tpu.memref_slice %arg8[%run_scoped3A_202, %dma_wait3A_228, %dma_wait3A_229] : memref<2x128x128xf32, #tpu.memory_space<vmem>> -> memref<1x128x128xf32, #tpu.memory_space<vmem>>
        %dma_wait3A_231 = tpu.memref_squeeze %dma_wait3A_230 : memref<1x128x128xf32, #tpu.memory_space<vmem>> -> memref<128x128xf32, #tpu.memory_space<vmem>>
        %dma_wait3A_232 = arith.constant 0 : i32
        %dma_wait3A_233 = tpu.memref_slice %arg7[%add3A_190, %dma_wait3A_232] : memref<40x128xi32, #tpu.memory_space<vmem>> -> memref<1x128xi32, #tpu.memory_space<vmem>>
        %dma_wait3A_234 = tpu.memref_squeeze %dma_wait3A_233 : memref<1x128xi32, #tpu.memory_space<vmem>> -> memref<128xi32, #tpu.memory_space<vmem>>
        %dma_wait3A_235 = arith.constant 0 : i32
        %dma_wait3A_236 = arith.constant 0 : i32
        %dma_wait3A_237 = tpu.memref_slice %arg9[%dma_wait3A_235, %dma_wait3A_236] : memref<10240x128xf32, #tpu.memory_space<vmem_shared>> -> memref<10240x128xf32, #tpu.memory_space<vmem_shared>>
        tpu.wait_indirect_dma semaphore(%run_scoped3A_217 : memref<!tpu.dma_semaphore, #tpu.memory_space<semaphore_mem>>) src(%dma_wait3A_231 : memref<128x128xf32, #tpu.memory_space<vmem>>) dst(%dma_wait3A_237 : memref<10240x128xf32, #tpu.memory_space<vmem_shared>>)
        tpu.yield
      }) : () -> ()
      %add3A_203 = arith.constant 2 : i32
      %add3A_204 = arith.addi %add3A_190, %add3A_203 : i32
      %dma_start3A_205 = arith.constant 1 : i32
      %dma_start3A_206 = arith.constant 0 : i32
      %dma_start3A_207 = arith.constant 0 : i32
      %dma_start3A_208 = tpu.memref_slice %arg8[%dma_start3A_205, %dma_start3A_206, %dma_start3A_207] : memref<2x128x128xf32, #tpu.memory_space<vmem>> -> memref<1x128x128xf32, #tpu.memory_space<vmem>>
      %dma_start3A_209 = tpu.memref_squeeze %dma_start3A_208 : memref<1x128x128xf32, #tpu.memory_space<vmem>> -> memref<128x128xf32, #tpu.memory_space<vmem>>
      %dma_start3A_210 = arith.constant 0 : i32
      %dma_start3A_211 = tpu.memref_slice %arg6[%add3A_204, %dma_start3A_210] : memref<40x128xi32, #tpu.memory_space<vmem>> -> memref<1x128xi32, #tpu.memory_space<vmem>>
      %dma_start3A_212 = tpu.memref_squeeze %dma_start3A_211 : memref<1x128xi32, #tpu.memory_space<vmem>> -> memref<128xi32, #tpu.memory_space<vmem>>
      %dma_start3A_213 = arith.constant 0 : i32
      %dma_start3A_214 = arith.constant 0 : i32
      %dma_start3A_215 = tpu.memref_slice %arg2[%dma_start3A_213, %dma_start3A_214] : memref<10240x128xf32, #tpu.memory_space<hbm>> -> memref<10240x128xf32, #tpu.memory_space<hbm>>
      tpu.enqueue_indirect_dma source(%dma_start3A_215 : memref<10240x128xf32, #tpu.memory_space<hbm>>) target(%dma_start3A_209 : memref<128x128xf32, #tpu.memory_space<vmem>>) offsets(%dma_start3A_212 : memref<128xi32, #tpu.memory_space<vmem>>) semaphore(%arg11 : memref<!tpu.dma_semaphore, #tpu.memory_space<semaphore_mem>>)
      %scan3A_216 = arith.constant 0 : i32
      scf.yield %scan3A_216 : i32
    }
    %scan3A_58 = arith.constant 19 : i32
    %dma_wait3A = arith.constant 38 : i32
    %dma_wait3A_59 = arith.constant 0 : i32
    %dma_wait3A_60 = arith.constant 0 : i32
    %dma_wait3A_61 = arith.constant 0 : i32
    %dma_wait3A_62 = tpu.memref_slice %arg8[%dma_wait3A_59, %dma_wait3A_60, %dma_wait3A_61] : memref<2x128x128xf32, #tpu.memory_space<vmem>> -> memref<1x128x128xf32, #tpu.memory_space<vmem>>
    %dma_wait3A_63 = tpu.memref_squeeze %dma_wait3A_62 : memref<1x128x128xf32, #tpu.memory_space<vmem>> -> memref<128x128xf32, #tpu.memory_space<vmem>>
    %dma_wait3A_64 = arith.constant 0 : i32
    %dma_wait3A_65 = tpu.memref_slice %arg6[%dma_wait3A, %dma_wait3A_64] : memref<40x128xi32, #tpu.memory_space<vmem>> -> memref<1x128xi32, #tpu.memory_space<vmem>>
    %dma_wait3A_66 = tpu.memref_squeeze %dma_wait3A_65 : memref<1x128xi32, #tpu.memory_space<vmem>> -> memref<128xi32, #tpu.memory_space<vmem>>
    %dma_wait3A_67 = arith.constant 0 : i32
    %dma_wait3A_68 = arith.constant 0 : i32
    %dma_wait3A_69 = tpu.memref_slice %arg2[%dma_wait3A_67, %dma_wait3A_68] : memref<10240x128xf32, #tpu.memory_space<hbm>> -> memref<10240x128xf32, #tpu.memory_space<hbm>>
    tpu.wait_indirect_dma semaphore(%arg10 : memref<!tpu.dma_semaphore, #tpu.memory_space<semaphore_mem>>) src(%dma_wait3A_69 : memref<10240x128xf32, #tpu.memory_space<hbm>>) dst(%dma_wait3A_63 : memref<128x128xf32, #tpu.memory_space<vmem>>)
    %run_scoped3A_70 = arith.constant 0 : i32
    %run_scoped3A_71 = arith.constant 38 : i32
    "tpu.region"() ({
      %run_scoped3A_156 = tpu.sem_alloc : memref<!tpu.dma_semaphore, #tpu.memory_space<semaphore_mem>>
      %dma_start3A_157 = arith.constant 0 : i32
      %dma_start3A_158 = arith.constant 0 : i32
      %dma_start3A_159 = tpu.memref_slice %arg8[%run_scoped3A_70, %dma_start3A_157, %dma_start3A_158] : memref<2x128x128xf32, #tpu.memory_space<vmem>> -> memref<1x128x128xf32, #tpu.memory_space<vmem>>
      %dma_start3A_160 = tpu.memref_squeeze %dma_start3A_159 : memref<1x128x128xf32, #tpu.memory_space<vmem>> -> memref<128x128xf32, #tpu.memory_space<vmem>>
      %dma_start3A_161 = arith.constant 0 : i32
      %dma_start3A_162 = tpu.memref_slice %arg7[%run_scoped3A_71, %dma_start3A_161] : memref<40x128xi32, #tpu.memory_space<vmem>> -> memref<1x128xi32, #tpu.memory_space<vmem>>
      %dma_start3A_163 = tpu.memref_squeeze %dma_start3A_162 : memref<1x128xi32, #tpu.memory_space<vmem>> -> memref<128xi32, #tpu.memory_space<vmem>>
      %dma_start3A_164 = arith.constant 0 : i32
      %dma_start3A_165 = arith.constant 0 : i32
      %dma_start3A_166 = tpu.memref_slice %arg9[%dma_start3A_164, %dma_start3A_165] : memref<10240x128xf32, #tpu.memory_space<vmem_shared>> -> memref<10240x128xf32, #tpu.memory_space<vmem_shared>>
      tpu.enqueue_indirect_dma source(%dma_start3A_160 : memref<128x128xf32, #tpu.memory_space<vmem>>) target(%dma_start3A_166 : memref<10240x128xf32, #tpu.memory_space<vmem_shared>>) offsets(%dma_start3A_163 : memref<128xi32, #tpu.memory_space<vmem>>) semaphore(%run_scoped3A_156 : memref<!tpu.dma_semaphore, #tpu.memory_space<semaphore_mem>>) {add = true}
      %dma_wait3A_167 = arith.constant 0 : i32
      %dma_wait3A_168 = arith.constant 0 : i32
      %dma_wait3A_169 = tpu.memref_slice %arg8[%run_scoped3A_70, %dma_wait3A_167, %dma_wait3A_168] : memref<2x128x128xf32, #tpu.memory_space<vmem>> -> memref<1x128x128xf32, #tpu.memory_space<vmem>>
      %dma_wait3A_170 = tpu.memref_squeeze %dma_wait3A_169 : memref<1x128x128xf32, #tpu.memory_space<vmem>> -> memref<128x128xf32, #tpu.memory_space<vmem>>
      %dma_wait3A_171 = arith.constant 0 : i32
      %dma_wait3A_172 = tpu.memref_slice %arg7[%run_scoped3A_71, %dma_wait3A_171] : memref<40x128xi32, #tpu.memory_space<vmem>> -> memref<1x128xi32, #tpu.memory_space<vmem>>
      %dma_wait3A_173 = tpu.memref_squeeze %dma_wait3A_172 : memref<1x128xi32, #tpu.memory_space<vmem>> -> memref<128xi32, #tpu.memory_space<vmem>>
      %dma_wait3A_174 = arith.constant 0 : i32
      %dma_wait3A_175 = arith.constant 0 : i32
      %dma_wait3A_176 = tpu.memref_slice %arg9[%dma_wait3A_174, %dma_wait3A_175] : memref<10240x128xf32, #tpu.memory_space<vmem_shared>> -> memref<10240x128xf32, #tpu.memory_space<vmem_shared>>
      tpu.wait_indirect_dma semaphore(%run_scoped3A_156 : memref<!tpu.dma_semaphore, #tpu.memory_space<semaphore_mem>>) src(%dma_wait3A_170 : memref<128x128xf32, #tpu.memory_space<vmem>>) dst(%dma_wait3A_176 : memref<10240x128xf32, #tpu.memory_space<vmem_shared>>)
      tpu.yield
    }) : () -> ()
    %dma_wait3A_72 = arith.constant 39 : i32
    %dma_wait3A_73 = arith.constant 1 : i32
    %dma_wait3A_74 = arith.constant 0 : i32
    %dma_wait3A_75 = arith.constant 0 : i32
    %dma_wait3A_76 = tpu.memref_slice %arg8[%dma_wait3A_73, %dma_wait3A_74, %dma_wait3A_75] : memref<2x128x128xf32, #tpu.memory_space<vmem>> -> memref<1x128x128xf32, #tpu.memory_space<vmem>>
    %dma_wait3A_77 = tpu.memref_squeeze %dma_wait3A_76 : memref<1x128x128xf32, #tpu.memory_space<vmem>> -> memref<128x128xf32, #tpu.memory_space<vmem>>
    %dma_wait3A_78 = arith.constant 0 : i32
    %dma_wait3A_79 = tpu.memref_slice %arg6[%dma_wait3A_72, %dma_wait3A_78] : memref<40x128xi32, #tpu.memory_space<vmem>> -> memref<1x128xi32, #tpu.memory_space<vmem>>
    %dma_wait3A_80 = tpu.memref_squeeze %dma_wait3A_79 : memref<1x128xi32, #tpu.memory_space<vmem>> -> memref<128xi32, #tpu.memory_space<vmem>>
    %dma_wait3A_81 = arith.constant 0 : i32
    %dma_wait3A_82 = arith.constant 0 : i32
    %dma_wait3A_83 = tpu.memref_slice %arg2[%dma_wait3A_81, %dma_wait3A_82] : memref<10240x128xf32, #tpu.memory_space<hbm>> -> memref<10240x128xf32, #tpu.memory_space<hbm>>
    tpu.wait_indirect_dma semaphore(%arg11 : memref<!tpu.dma_semaphore, #tpu.memory_space<semaphore_mem>>) src(%dma_wait3A_83 : memref<10240x128xf32, #tpu.memory_space<hbm>>) dst(%dma_wait3A_77 : memref<128x128xf32, #tpu.memory_space<vmem>>)
    %run_scoped3A_84 = arith.constant 1 : i32
    %run_scoped3A_85 = arith.constant 39 : i32
    "tpu.region"() ({
      %run_scoped3A_156 = tpu.sem_alloc : memref<!tpu.dma_semaphore, #tpu.memory_space<semaphore_mem>>
      %dma_start3A_157 = arith.constant 0 : i32
      %dma_start3A_158 = arith.constant 0 : i32
      %dma_start3A_159 = tpu.memref_slice %arg8[%run_scoped3A_84, %dma_start3A_157, %dma_start3A_158] : memref<2x128x128xf32, #tpu.memory_space<vmem>> -> memref<1x128x128xf32, #tpu.memory_space<vmem>>
      %dma_start3A_160 = tpu.memref_squeeze %dma_start3A_159 : memref<1x128x128xf32, #tpu.memory_space<vmem>> -> memref<128x128xf32, #tpu.memory_space<vmem>>
      %dma_start3A_161 = arith.constant 0 : i32
      %dma_start3A_162 = tpu.memref_slice %arg7[%run_scoped3A_85, %dma_start3A_161] : memref<40x128xi32, #tpu.memory_space<vmem>> -> memref<1x128xi32, #tpu.memory_space<vmem>>
      %dma_start3A_163 = tpu.memref_squeeze %dma_start3A_162 : memref<1x128xi32, #tpu.memory_space<vmem>> -> memref<128xi32, #tpu.memory_space<vmem>>
      %dma_start3A_164 = arith.constant 0 : i32
      %dma_start3A_165 = arith.constant 0 : i32
      %dma_start3A_166 = tpu.memref_slice %arg9[%dma_start3A_164, %dma_start3A_165] : memref<10240x128xf32, #tpu.memory_space<vmem_shared>> -> memref<10240x128xf32, #tpu.memory_space<vmem_shared>>
      tpu.enqueue_indirect_dma source(%dma_start3A_160 : memref<128x128xf32, #tpu.memory_space<vmem>>) target(%dma_start3A_166 : memref<10240x128xf32, #tpu.memory_space<vmem_shared>>) offsets(%dma_start3A_163 : memref<128xi32, #tpu.memory_space<vmem>>) semaphore(%run_scoped3A_156 : memref<!tpu.dma_semaphore, #tpu.memory_space<semaphore_mem>>) {add = true}
      %dma_wait3A_167 = arith.constant 0 : i32
      %dma_wait3A_168 = arith.constant 0 : i32
      %dma_wait3A_169 = tpu.memref_slice %arg8[%run_scoped3A_84, %dma_wait3A_167, %dma_wait3A_168] : memref<2x128x128xf32, #tpu.memory_space<vmem>> -> memref<1x128x128xf32, #tpu.memory_space<vmem>>
      %dma_wait3A_170 = tpu.memref_squeeze %dma_wait3A_169 : memref<1x128x128xf32, #tpu.memory_space<vmem>> -> memref<128x128xf32, #tpu.memory_space<vmem>>
      %dma_wait3A_171 = arith.constant 0 : i32
      %dma_wait3A_172 = tpu.memref_slice %arg7[%run_scoped3A_85, %dma_wait3A_171] : memref<40x128xi32, #tpu.memory_space<vmem>> -> memref<1x128xi32, #tpu.memory_space<vmem>>
      %dma_wait3A_173 = tpu.memref_squeeze %dma_wait3A_172 : memref<1x128xi32, #tpu.memory_space<vmem>> -> memref<128xi32, #tpu.memory_space<vmem>>
      %dma_wait3A_174 = arith.constant 0 : i32
      %dma_wait3A_175 = arith.constant 0 : i32
      %dma_wait3A_176 = tpu.memref_slice %arg9[%dma_wait3A_174, %dma_wait3A_175] : memref<10240x128xf32, #tpu.memory_space<vmem_shared>> -> memref<10240x128xf32, #tpu.memory_space<vmem_shared>>
      tpu.wait_indirect_dma semaphore(%run_scoped3A_156 : memref<!tpu.dma_semaphore, #tpu.memory_space<semaphore_mem>>) src(%dma_wait3A_170 : memref<128x128xf32, #tpu.memory_space<vmem>>) dst(%dma_wait3A_176 : memref<10240x128xf32, #tpu.memory_space<vmem_shared>>)
      tpu.yield
    }) : () -> ()
    %mul3A_86 = arith.constant 80 : i32
    %mul3A_87 = arith.muli %add3A, %mul3A_86 : i32
    %add3A_88 = arith.constant 40 : i32
    %add3A_89 = arith.addi %mul3A_87, %add3A_88 : i32
    "tpu.region"() ({
      %run_scoped3A_156 = tpu.sem_alloc : memref<!tpu.dma_semaphore, #tpu.memory_space<semaphore_mem>>
      %dma_start3A_157 = arith.constant 0 : i32
      %dma_start3A_158 = tpu.memref_slice %arg3[%add3A_89, %dma_start3A_157] : memref<2560x128xi32, #tpu.memory_space<hbm>> -> memref<40x128xi32, #tpu.memory_space<hbm>>
      %dma_start3A_159 = arith.constant 0 : i32
      %dma_start3A_160 = tpu.memref_slice %arg3[%add3A_89, %dma_start3A_159] : memref<2560x128xi32, #tpu.memory_space<hbm>> -> memref<40x128xi32, #tpu.memory_space<hbm>>
      tpu.enqueue_dma source(%dma_start3A_160 : memref<40x128xi32, #tpu.memory_space<hbm>>) target(%arg6 : memref<40x128xi32, #tpu.memory_space<vmem>>) target_semaphore(%run_scoped3A_156 : memref<!tpu.dma_semaphore, #tpu.memory_space<semaphore_mem>>)
      %dma_wait3A_161 = arith.constant 0 : i32
      %dma_wait3A_162 = tpu.memref_slice %arg3[%add3A_89, %dma_wait3A_161] : memref<2560x128xi32, #tpu.memory_space<hbm>> -> memref<40x128xi32, #tpu.memory_space<hbm>>
      %dma_wait3A_163 = arith.constant 0 : i32
      %dma_wait3A_164 = tpu.memref_slice %arg3[%add3A_89, %dma_wait3A_163] : memref<2560x128xi32, #tpu.memory_space<hbm>> -> memref<40x128xi32, #tpu.memory_space<hbm>>
      tpu.wait_dma2 semaphore(%run_scoped3A_156 : memref<!tpu.dma_semaphore, #tpu.memory_space<semaphore_mem>>) src(%dma_wait3A_164 : memref<40x128xi32, #tpu.memory_space<hbm>>) dst(%arg6 : memref<40x128xi32, #tpu.memory_space<vmem>>)
      tpu.yield
    }) : () -> ()
    "tpu.region"() ({
      %run_scoped3A_156 = tpu.sem_alloc : memref<!tpu.dma_semaphore, #tpu.memory_space<semaphore_mem>>
      %dma_start3A_157 = arith.constant 0 : i32
      %dma_start3A_158 = tpu.memref_slice %arg4[%add3A_89, %dma_start3A_157] : memref<2560x128xi32, #tpu.memory_space<hbm>> -> memref<40x128xi32, #tpu.memory_space<hbm>>
      %dma_start3A_159 = arith.constant 0 : i32
      %dma_start3A_160 = tpu.memref_slice %arg4[%add3A_89, %dma_start3A_159] : memref<2560x128xi32, #tpu.memory_space<hbm>> -> memref<40x128xi32, #tpu.memory_space<hbm>>
      tpu.enqueue_dma source(%dma_start3A_160 : memref<40x128xi32, #tpu.memory_space<hbm>>) target(%arg7 : memref<40x128xi32, #tpu.memory_space<vmem>>) target_semaphore(%run_scoped3A_156 : memref<!tpu.dma_semaphore, #tpu.memory_space<semaphore_mem>>)
      %dma_wait3A_161 = arith.constant 0 : i32
      %dma_wait3A_162 = tpu.memref_slice %arg4[%add3A_89, %dma_wait3A_161] : memref<2560x128xi32, #tpu.memory_space<hbm>> -> memref<40x128xi32, #tpu.memory_space<hbm>>
      %dma_wait3A_163 = arith.constant 0 : i32
      %dma_wait3A_164 = tpu.memref_slice %arg4[%add3A_89, %dma_wait3A_163] : memref<2560x128xi32, #tpu.memory_space<hbm>> -> memref<40x128xi32, #tpu.memory_space<hbm>>
      tpu.wait_dma2 semaphore(%run_scoped3A_156 : memref<!tpu.dma_semaphore, #tpu.memory_space<semaphore_mem>>) src(%dma_wait3A_164 : memref<40x128xi32, #tpu.memory_space<hbm>>) dst(%arg7 : memref<40x128xi32, #tpu.memory_space<vmem>>)
      tpu.yield
    }) : () -> ()
    %dma_start3A_90 = arith.constant 0 : i32
    %dma_start3A_91 = arith.constant 0 : i32
    %dma_start3A_92 = arith.constant 0 : i32
    %dma_start3A_93 = arith.constant 0 : i32
    %dma_start3A_94 = tpu.memref_slice %arg8[%dma_start3A_91, %dma_start3A_92, %dma_start3A_93] : memref<2x128x128xf32, #tpu.memory_space<vmem>> -> memref<1x128x128xf32, #tpu.memory_space<vmem>>
    %dma_start3A_95 = tpu.memref_squeeze %dma_start3A_94 : memref<1x128x128xf32, #tpu.memory_space<vmem>> -> memref<128x128xf32, #tpu.memory_space<vmem>>
    %dma_start3A_96 = arith.constant 0 : i32
    %dma_start3A_97 = tpu.memref_slice %arg6[%dma_start3A_90, %dma_start3A_96] : memref<40x128xi32, #tpu.memory_space<vmem>> -> memref<1x128xi32, #tpu.memory_space<vmem>>
    %dma_start3A_98 = tpu.memref_squeeze %dma_start3A_97 : memref<1x128xi32, #tpu.memory_space<vmem>> -> memref<128xi32, #tpu.memory_space<vmem>>
    %dma_start3A_99 = arith.constant 0 : i32
    %dma_start3A_100 = arith.constant 0 : i32
    %dma_start3A_101 = tpu.memref_slice %arg2[%dma_start3A_99, %dma_start3A_100] : memref<10240x128xf32, #tpu.memory_space<hbm>> -> memref<10240x128xf32, #tpu.memory_space<hbm>>
    tpu.enqueue_indirect_dma source(%dma_start3A_101 : memref<10240x128xf32, #tpu.memory_space<hbm>>) target(%dma_start3A_95 : memref<128x128xf32, #tpu.memory_space<vmem>>) offsets(%dma_start3A_98 : memref<128xi32, #tpu.memory_space<vmem>>) semaphore(%arg10 : memref<!tpu.dma_semaphore, #tpu.memory_space<semaphore_mem>>)
    %dma_start3A_102 = arith.constant 1 : i32
    %dma_start3A_103 = arith.constant 1 : i32
    %dma_start3A_104 = arith.constant 0 : i32
    %dma_start3A_105 = arith.constant 0 : i32
    %dma_start3A_106 = tpu.memref_slice %arg8[%dma_start3A_103, %dma_start3A_104, %dma_start3A_105] : memref<2x128x128xf32, #tpu.memory_space<vmem>> -> memref<1x128x128xf32, #tpu.memory_space<vmem>>
    %dma_start3A_107 = tpu.memref_squeeze %dma_start3A_106 : memref<1x128x128xf32, #tpu.memory_space<vmem>> -> memref<128x128xf32, #tpu.memory_space<vmem>>
    %dma_start3A_108 = arith.constant 0 : i32
    %dma_start3A_109 = tpu.memref_slice %arg6[%dma_start3A_102, %dma_start3A_108] : memref<40x128xi32, #tpu.memory_space<vmem>> -> memref<1x128xi32, #tpu.memory_space<vmem>>
    %dma_start3A_110 = tpu.memref_squeeze %dma_start3A_109 : memref<1x128xi32, #tpu.memory_space<vmem>> -> memref<128xi32, #tpu.memory_space<vmem>>
    %dma_start3A_111 = arith.constant 0 : i32
    %dma_start3A_112 = arith.constant 0 : i32
    %dma_start3A_113 = tpu.memref_slice %arg2[%dma_start3A_111, %dma_start3A_112] : memref<10240x128xf32, #tpu.memory_space<hbm>> -> memref<10240x128xf32, #tpu.memory_space<hbm>>
    tpu.enqueue_indirect_dma source(%dma_start3A_113 : memref<10240x128xf32, #tpu.memory_space<hbm>>) target(%dma_start3A_107 : memref<128x128xf32, #tpu.memory_space<vmem>>) offsets(%dma_start3A_110 : memref<128xi32, #tpu.memory_space<vmem>>) semaphore(%arg11 : memref<!tpu.dma_semaphore, #tpu.memory_space<semaphore_mem>>)
    %scan3A_114 = arith.constant 0 : i32
    %scan3A_115 = arith.constant 0 : i32
    %scan3A_116 = arith.constant 19 : i32
    %scan3A_117 = arith.addi %scan3A_115, %scan3A_116 : i32
    %scan3A_118 = arith.constant 1 : i32
    %scan3A_119 = scf.for %scan3A_156 = %scan3A_115 to %scan3A_117 step %scan3A_118 iter_args(%scan3A_157 = %scan3A_114) -> (i32)  : i32 {
      %mul3A_158 = arith.constant 2 : i32
      %mul3A_159 = arith.muli %scan3A_156, %mul3A_158 : i32
      %add3A_160 = arith.constant 0 : i32
      %add3A_161 = arith.addi %mul3A_159, %add3A_160 : i32
      %dma_wait3A_162 = arith.constant 0 : i32
      %dma_wait3A_163 = arith.constant 0 : i32
      %dma_wait3A_164 = arith.constant 0 : i32
      %dma_wait3A_165 = tpu.memref_slice %arg8[%dma_wait3A_162, %dma_wait3A_163, %dma_wait3A_164] : memref<2x128x128xf32, #tpu.memory_space<vmem>> -> memref<1x128x128xf32, #tpu.memory_space<vmem>>
      %dma_wait3A_166 = tpu.memref_squeeze %dma_wait3A_165 : memref<1x128x128xf32, #tpu.memory_space<vmem>> -> memref<128x128xf32, #tpu.memory_space<vmem>>
      %dma_wait3A_167 = arith.constant 0 : i32
      %dma_wait3A_168 = tpu.memref_slice %arg6[%add3A_161, %dma_wait3A_167] : memref<40x128xi32, #tpu.memory_space<vmem>> -> memref<1x128xi32, #tpu.memory_space<vmem>>
      %dma_wait3A_169 = tpu.memref_squeeze %dma_wait3A_168 : memref<1x128xi32, #tpu.memory_space<vmem>> -> memref<128xi32, #tpu.memory_space<vmem>>
      %dma_wait3A_170 = arith.constant 0 : i32
      %dma_wait3A_171 = arith.constant 0 : i32
      %dma_wait3A_172 = tpu.memref_slice %arg2[%dma_wait3A_170, %dma_wait3A_171] : memref<10240x128xf32, #tpu.memory_space<hbm>> -> memref<10240x128xf32, #tpu.memory_space<hbm>>
      tpu.wait_indirect_dma semaphore(%arg10 : memref<!tpu.dma_semaphore, #tpu.memory_space<semaphore_mem>>) src(%dma_wait3A_172 : memref<10240x128xf32, #tpu.memory_space<hbm>>) dst(%dma_wait3A_166 : memref<128x128xf32, #tpu.memory_space<vmem>>)
      %run_scoped3A_173 = arith.constant 0 : i32
      "tpu.region"() ({
        %run_scoped3A_217 = tpu.sem_alloc : memref<!tpu.dma_semaphore, #tpu.memory_space<semaphore_mem>>
        %dma_start3A_218 = arith.constant 0 : i32
        %dma_start3A_219 = arith.constant 0 : i32
        %dma_start3A_220 = tpu.memref_slice %arg8[%run_scoped3A_173, %dma_start3A_218, %dma_start3A_219] : memref<2x128x128xf32, #tpu.memory_space<vmem>> -> memref<1x128x128xf32, #tpu.memory_space<vmem>>
        %dma_start3A_221 = tpu.memref_squeeze %dma_start3A_220 : memref<1x128x128xf32, #tpu.memory_space<vmem>> -> memref<128x128xf32, #tpu.memory_space<vmem>>
        %dma_start3A_222 = arith.constant 0 : i32
        %dma_start3A_223 = tpu.memref_slice %arg7[%add3A_161, %dma_start3A_222] : memref<40x128xi32, #tpu.memory_space<vmem>> -> memref<1x128xi32, #tpu.memory_space<vmem>>
        %dma_start3A_224 = tpu.memref_squeeze %dma_start3A_223 : memref<1x128xi32, #tpu.memory_space<vmem>> -> memref<128xi32, #tpu.memory_space<vmem>>
        %dma_start3A_225 = arith.constant 0 : i32
        %dma_start3A_226 = arith.constant 0 : i32
        %dma_start3A_227 = tpu.memref_slice %arg9[%dma_start3A_225, %dma_start3A_226] : memref<10240x128xf32, #tpu.memory_space<vmem_shared>> -> memref<10240x128xf32, #tpu.memory_space<vmem_shared>>
        tpu.enqueue_indirect_dma source(%dma_start3A_221 : memref<128x128xf32, #tpu.memory_space<vmem>>) target(%dma_start3A_227 : memref<10240x128xf32, #tpu.memory_space<vmem_shared>>) offsets(%dma_start3A_224 : memref<128xi32, #tpu.memory_space<vmem>>) semaphore(%run_scoped3A_217 : memref<!tpu.dma_semaphore, #tpu.memory_space<semaphore_mem>>) {add = true}
        %dma_wait3A_228 = arith.constant 0 : i32
        %dma_wait3A_229 = arith.constant 0 : i32
        %dma_wait3A_230 = tpu.memref_slice %arg8[%run_scoped3A_173, %dma_wait3A_228, %dma_wait3A_229] : memref<2x128x128xf32, #tpu.memory_space<vmem>> -> memref<1x128x128xf32, #tpu.memory_space<vmem>>
        %dma_wait3A_231 = tpu.memref_squeeze %dma_wait3A_230 : memref<1x128x128xf32, #tpu.memory_space<vmem>> -> memref<128x128xf32, #tpu.memory_space<vmem>>
        %dma_wait3A_232 = arith.constant 0 : i32
        %dma_wait3A_233 = tpu.memref_slice %arg7[%add3A_161, %dma_wait3A_232] : memref<40x128xi32, #tpu.memory_space<vmem>> -> memref<1x128xi32, #tpu.memory_space<vmem>>
        %dma_wait3A_234 = tpu.memref_squeeze %dma_wait3A_233 : memref<1x128xi32, #tpu.memory_space<vmem>> -> memref<128xi32, #tpu.memory_space<vmem>>
        %dma_wait3A_235 = arith.constant 0 : i32
        %dma_wait3A_236 = arith.constant 0 : i32
        %dma_wait3A_237 = tpu.memref_slice %arg9[%dma_wait3A_235, %dma_wait3A_236] : memref<10240x128xf32, #tpu.memory_space<vmem_shared>> -> memref<10240x128xf32, #tpu.memory_space<vmem_shared>>
        tpu.wait_indirect_dma semaphore(%run_scoped3A_217 : memref<!tpu.dma_semaphore, #tpu.memory_space<semaphore_mem>>) src(%dma_wait3A_231 : memref<128x128xf32, #tpu.memory_space<vmem>>) dst(%dma_wait3A_237 : memref<10240x128xf32, #tpu.memory_space<vmem_shared>>)
        tpu.yield
      }) : () -> ()
      %add3A_174 = arith.constant 2 : i32
      %add3A_175 = arith.addi %add3A_161, %add3A_174 : i32
      %dma_start3A_176 = arith.constant 0 : i32
      %dma_start3A_177 = arith.constant 0 : i32
      %dma_start3A_178 = arith.constant 0 : i32
      %dma_start3A_179 = tpu.memref_slice %arg8[%dma_start3A_176, %dma_start3A_177, %dma_start3A_178] : memref<2x128x128xf32, #tpu.memory_space<vmem>> -> memref<1x128x128xf32, #tpu.memory_space<vmem>>
      %dma_start3A_180 = tpu.memref_squeeze %dma_start3A_179 : memref<1x128x128xf32, #tpu.memory_space<vmem>> -> memref<128x128xf32, #tpu.memory_space<vmem>>
      %dma_start3A_181 = arith.constant 0 : i32
      %dma_start3A_182 = tpu.memref_slice %arg6[%add3A_175, %dma_start3A_181] : memref<40x128xi32, #tpu.memory_space<vmem>> -> memref<1x128xi32, #tpu.memory_space<vmem>>
      %dma_start3A_183 = tpu.memref_squeeze %dma_start3A_182 : memref<1x128xi32, #tpu.memory_space<vmem>> -> memref<128xi32, #tpu.memory_space<vmem>>
      %dma_start3A_184 = arith.constant 0 : i32
      %dma_start3A_185 = arith.constant 0 : i32
      %dma_start3A_186 = tpu.memref_slice %arg2[%dma_start3A_184, %dma_start3A_185] : memref<10240x128xf32, #tpu.memory_space<hbm>> -> memref<10240x128xf32, #tpu.memory_space<hbm>>
      tpu.enqueue_indirect_dma source(%dma_start3A_186 : memref<10240x128xf32, #tpu.memory_space<hbm>>) target(%dma_start3A_180 : memref<128x128xf32, #tpu.memory_space<vmem>>) offsets(%dma_start3A_183 : memref<128xi32, #tpu.memory_space<vmem>>) semaphore(%arg10 : memref<!tpu.dma_semaphore, #tpu.memory_space<semaphore_mem>>)
      %mul3A_187 = arith.constant 2 : i32
      %mul3A_188 = arith.muli %scan3A_156, %mul3A_187 : i32
      %add3A_189 = arith.constant 1 : i32
      %add3A_190 = arith.addi %mul3A_188, %add3A_189 : i32
      %dma_wait3A_191 = arith.constant 1 : i32
      %dma_wait3A_192 = arith.constant 0 : i32
      %dma_wait3A_193 = arith.constant 0 : i32
      %dma_wait3A_194 = tpu.memref_slice %arg8[%dma_wait3A_191, %dma_wait3A_192, %dma_wait3A_193] : memref<2x128x128xf32, #tpu.memory_space<vmem>> -> memref<1x128x128xf32, #tpu.memory_space<vmem>>
      %dma_wait3A_195 = tpu.memref_squeeze %dma_wait3A_194 : memref<1x128x128xf32, #tpu.memory_space<vmem>> -> memref<128x128xf32, #tpu.memory_space<vmem>>
      %dma_wait3A_196 = arith.constant 0 : i32
      %dma_wait3A_197 = tpu.memref_slice %arg6[%add3A_190, %dma_wait3A_196] : memref<40x128xi32, #tpu.memory_space<vmem>> -> memref<1x128xi32, #tpu.memory_space<vmem>>
      %dma_wait3A_198 = tpu.memref_squeeze %dma_wait3A_197 : memref<1x128xi32, #tpu.memory_space<vmem>> -> memref<128xi32, #tpu.memory_space<vmem>>
      %dma_wait3A_199 = arith.constant 0 : i32
      %dma_wait3A_200 = arith.constant 0 : i32
      %dma_wait3A_201 = tpu.memref_slice %arg2[%dma_wait3A_199, %dma_wait3A_200] : memref<10240x128xf32, #tpu.memory_space<hbm>> -> memref<10240x128xf32, #tpu.memory_space<hbm>>
      tpu.wait_indirect_dma semaphore(%arg11 : memref<!tpu.dma_semaphore, #tpu.memory_space<semaphore_mem>>) src(%dma_wait3A_201 : memref<10240x128xf32, #tpu.memory_space<hbm>>) dst(%dma_wait3A_195 : memref<128x128xf32, #tpu.memory_space<vmem>>)
      %run_scoped3A_202 = arith.constant 1 : i32
      "tpu.region"() ({
        %run_scoped3A_217 = tpu.sem_alloc : memref<!tpu.dma_semaphore, #tpu.memory_space<semaphore_mem>>
        %dma_start3A_218 = arith.constant 0 : i32
        %dma_start3A_219 = arith.constant 0 : i32
        %dma_start3A_220 = tpu.memref_slice %arg8[%run_scoped3A_202, %dma_start3A_218, %dma_start3A_219] : memref<2x128x128xf32, #tpu.memory_space<vmem>> -> memref<1x128x128xf32, #tpu.memory_space<vmem>>
        %dma_start3A_221 = tpu.memref_squeeze %dma_start3A_220 : memref<1x128x128xf32, #tpu.memory_space<vmem>> -> memref<128x128xf32, #tpu.memory_space<vmem>>
        %dma_start3A_222 = arith.constant 0 : i32
        %dma_start3A_223 = tpu.memref_slice %arg7[%add3A_190, %dma_start3A_222] : memref<40x128xi32, #tpu.memory_space<vmem>> -> memref<1x128xi32, #tpu.memory_space<vmem>>
        %dma_start3A_224 = tpu.memref_squeeze %dma_start3A_223 : memref<1x128xi32, #tpu.memory_space<vmem>> -> memref<128xi32, #tpu.memory_space<vmem>>
        %dma_start3A_225 = arith.constant 0 : i32
        %dma_start3A_226 = arith.constant 0 : i32
        %dma_start3A_227 = tpu.memref_slice %arg9[%dma_start3A_225, %dma_start3A_226] : memref<10240x128xf32, #tpu.memory_space<vmem_shared>> -> memref<10240x128xf32, #tpu.memory_space<vmem_shared>>
        tpu.enqueue_indirect_dma source(%dma_start3A_221 : memref<128x128xf32, #tpu.memory_space<vmem>>) target(%dma_start3A_227 : memref<10240x128xf32, #tpu.memory_space<vmem_shared>>) offsets(%dma_start3A_224 : memref<128xi32, #tpu.memory_space<vmem>>) semaphore(%run_scoped3A_217 : memref<!tpu.dma_semaphore, #tpu.memory_space<semaphore_mem>>) {add = true}
        %dma_wait3A_228 = arith.constant 0 : i32
        %dma_wait3A_229 = arith.constant 0 : i32
        %dma_wait3A_230 = tpu.memref_slice %arg8[%run_scoped3A_202, %dma_wait3A_228, %dma_wait3A_229] : memref<2x128x128xf32, #tpu.memory_space<vmem>> -> memref<1x128x128xf32, #tpu.memory_space<vmem>>
        %dma_wait3A_231 = tpu.memref_squeeze %dma_wait3A_230 : memref<1x128x128xf32, #tpu.memory_space<vmem>> -> memref<128x128xf32, #tpu.memory_space<vmem>>
        %dma_wait3A_232 = arith.constant 0 : i32
        %dma_wait3A_233 = tpu.memref_slice %arg7[%add3A_190, %dma_wait3A_232] : memref<40x128xi32, #tpu.memory_space<vmem>> -> memref<1x128xi32, #tpu.memory_space<vmem>>
        %dma_wait3A_234 = tpu.memref_squeeze %dma_wait3A_233 : memref<1x128xi32, #tpu.memory_space<vmem>> -> memref<128xi32, #tpu.memory_space<vmem>>
        %dma_wait3A_235 = arith.constant 0 : i32
        %dma_wait3A_236 = arith.constant 0 : i32
        %dma_wait3A_237 = tpu.memref_slice %arg9[%dma_wait3A_235, %dma_wait3A_236] : memref<10240x128xf32, #tpu.memory_space<vmem_shared>> -> memref<10240x128xf32, #tpu.memory_space<vmem_shared>>
        tpu.wait_indirect_dma semaphore(%run_scoped3A_217 : memref<!tpu.dma_semaphore, #tpu.memory_space<semaphore_mem>>) src(%dma_wait3A_231 : memref<128x128xf32, #tpu.memory_space<vmem>>) dst(%dma_wait3A_237 : memref<10240x128xf32, #tpu.memory_space<vmem_shared>>)
        tpu.yield
      }) : () -> ()
      %add3A_203 = arith.constant 2 : i32
      %add3A_204 = arith.addi %add3A_190, %add3A_203 : i32
      %dma_start3A_205 = arith.constant 1 : i32
      %dma_start3A_206 = arith.constant 0 : i32
      %dma_start3A_207 = arith.constant 0 : i32
      %dma_start3A_208 = tpu.memref_slice %arg8[%dma_start3A_205, %dma_start3A_206, %dma_start3A_207] : memref<2x128x128xf32, #tpu.memory_space<vmem>> -> memref<1x128x128xf32, #tpu.memory_space<vmem>>
      %dma_start3A_209 = tpu.memref_squeeze %dma_start3A_208 : memref<1x128x128xf32, #tpu.memory_space<vmem>> -> memref<128x128xf32, #tpu.memory_space<vmem>>
      %dma_start3A_210 = arith.constant 0 : i32
      %dma_start3A_211 = tpu.memref_slice %arg6[%add3A_204, %dma_start3A_210] : memref<40x128xi32, #tpu.memory_space<vmem>> -> memref<1x128xi32, #tpu.memory_space<vmem>>
      %dma_start3A_212 = tpu.memref_squeeze %dma_start3A_211 : memref<1x128xi32, #tpu.memory_space<vmem>> -> memref<128xi32, #tpu.memory_space<vmem>>
      %dma_start3A_213 = arith.constant 0 : i32
      %dma_start3A_214 = arith.constant 0 : i32
      %dma_start3A_215 = tpu.memref_slice %arg2[%dma_start3A_213, %dma_start3A_214] : memref<10240x128xf32, #tpu.memory_space<hbm>> -> memref<10240x128xf32, #tpu.memory_space<hbm>>
      tpu.enqueue_indirect_dma source(%dma_start3A_215 : memref<10240x128xf32, #tpu.memory_space<hbm>>) target(%dma_start3A_209 : memref<128x128xf32, #tpu.memory_space<vmem>>) offsets(%dma_start3A_212 : memref<128xi32, #tpu.memory_space<vmem>>) semaphore(%arg11 : memref<!tpu.dma_semaphore, #tpu.memory_space<semaphore_mem>>)
      %scan3A_216 = arith.constant 0 : i32
      scf.yield %scan3A_216 : i32
    }
    %scan3A_120 = arith.constant 19 : i32
    %dma_wait3A_121 = arith.constant 38 : i32
    %dma_wait3A_122 = arith.constant 0 : i32
    %dma_wait3A_123 = arith.constant 0 : i32
    %dma_wait3A_124 = arith.constant 0 : i32
    %dma_wait3A_125 = tpu.memref_slice %arg8[%dma_wait3A_122, %dma_wait3A_123, %dma_wait3A_124] : memref<2x128x128xf32, #tpu.memory_space<vmem>> -> memref<1x128x128xf32, #tpu.memory_space<vmem>>
    %dma_wait3A_126 = tpu.memref_squeeze %dma_wait3A_125 : memref<1x128x128xf32, #tpu.memory_space<vmem>> -> memref<128x128xf32, #tpu.memory_space<vmem>>
    %dma_wait3A_127 = arith.constant 0 : i32
    %dma_wait3A_128 = tpu.memref_slice %arg6[%dma_wait3A_121, %dma_wait3A_127] : memref<40x128xi32, #tpu.memory_space<vmem>> -> memref<1x128xi32, #tpu.memory_space<vmem>>
    %dma_wait3A_129 = tpu.memref_squeeze %dma_wait3A_128 : memref<1x128xi32, #tpu.memory_space<vmem>> -> memref<128xi32, #tpu.memory_space<vmem>>
    %dma_wait3A_130 = arith.constant 0 : i32
    %dma_wait3A_131 = arith.constant 0 : i32
    %dma_wait3A_132 = tpu.memref_slice %arg2[%dma_wait3A_130, %dma_wait3A_131] : memref<10240x128xf32, #tpu.memory_space<hbm>> -> memref<10240x128xf32, #tpu.memory_space<hbm>>
    tpu.wait_indirect_dma semaphore(%arg10 : memref<!tpu.dma_semaphore, #tpu.memory_space<semaphore_mem>>) src(%dma_wait3A_132 : memref<10240x128xf32, #tpu.memory_space<hbm>>) dst(%dma_wait3A_126 : memref<128x128xf32, #tpu.memory_space<vmem>>)
    %run_scoped3A_133 = arith.constant 0 : i32
    %run_scoped3A_134 = arith.constant 38 : i32
    "tpu.region"() ({
      %run_scoped3A_156 = tpu.sem_alloc : memref<!tpu.dma_semaphore, #tpu.memory_space<semaphore_mem>>
      %dma_start3A_157 = arith.constant 0 : i32
      %dma_start3A_158 = arith.constant 0 : i32
      %dma_start3A_159 = tpu.memref_slice %arg8[%run_scoped3A_133, %dma_start3A_157, %dma_start3A_158] : memref<2x128x128xf32, #tpu.memory_space<vmem>> -> memref<1x128x128xf32, #tpu.memory_space<vmem>>
      %dma_start3A_160 = tpu.memref_squeeze %dma_start3A_159 : memref<1x128x128xf32, #tpu.memory_space<vmem>> -> memref<128x128xf32, #tpu.memory_space<vmem>>
      %dma_start3A_161 = arith.constant 0 : i32
      %dma_start3A_162 = tpu.memref_slice %arg7[%run_scoped3A_134, %dma_start3A_161] : memref<40x128xi32, #tpu.memory_space<vmem>> -> memref<1x128xi32, #tpu.memory_space<vmem>>
      %dma_start3A_163 = tpu.memref_squeeze %dma_start3A_162 : memref<1x128xi32, #tpu.memory_space<vmem>> -> memref<128xi32, #tpu.memory_space<vmem>>
      %dma_start3A_164 = arith.constant 0 : i32
      %dma_start3A_165 = arith.constant 0 : i32
      %dma_start3A_166 = tpu.memref_slice %arg9[%dma_start3A_164, %dma_start3A_165] : memref<10240x128xf32, #tpu.memory_space<vmem_shared>> -> memref<10240x128xf32, #tpu.memory_space<vmem_shared>>
      tpu.enqueue_indirect_dma source(%dma_start3A_160 : memref<128x128xf32, #tpu.memory_space<vmem>>) target(%dma_start3A_166 : memref<10240x128xf32, #tpu.memory_space<vmem_shared>>) offsets(%dma_start3A_163 : memref<128xi32, #tpu.memory_space<vmem>>) semaphore(%run_scoped3A_156 : memref<!tpu.dma_semaphore, #tpu.memory_space<semaphore_mem>>) {add = true}
      %dma_wait3A_167 = arith.constant 0 : i32
      %dma_wait3A_168 = arith.constant 0 : i32
      %dma_wait3A_169 = tpu.memref_slice %arg8[%run_scoped3A_133, %dma_wait3A_167, %dma_wait3A_168] : memref<2x128x128xf32, #tpu.memory_space<vmem>> -> memref<1x128x128xf32, #tpu.memory_space<vmem>>
      %dma_wait3A_170 = tpu.memref_squeeze %dma_wait3A_169 : memref<1x128x128xf32, #tpu.memory_space<vmem>> -> memref<128x128xf32, #tpu.memory_space<vmem>>
      %dma_wait3A_171 = arith.constant 0 : i32
      %dma_wait3A_172 = tpu.memref_slice %arg7[%run_scoped3A_134, %dma_wait3A_171] : memref<40x128xi32, #tpu.memory_space<vmem>> -> memref<1x128xi32, #tpu.memory_space<vmem>>
      %dma_wait3A_173 = tpu.memref_squeeze %dma_wait3A_172 : memref<1x128xi32, #tpu.memory_space<vmem>> -> memref<128xi32, #tpu.memory_space<vmem>>
      %dma_wait3A_174 = arith.constant 0 : i32
      %dma_wait3A_175 = arith.constant 0 : i32
      %dma_wait3A_176 = tpu.memref_slice %arg9[%dma_wait3A_174, %dma_wait3A_175] : memref<10240x128xf32, #tpu.memory_space<vmem_shared>> -> memref<10240x128xf32, #tpu.memory_space<vmem_shared>>
      tpu.wait_indirect_dma semaphore(%run_scoped3A_156 : memref<!tpu.dma_semaphore, #tpu.memory_space<semaphore_mem>>) src(%dma_wait3A_170 : memref<128x128xf32, #tpu.memory_space<vmem>>) dst(%dma_wait3A_176 : memref<10240x128xf32, #tpu.memory_space<vmem_shared>>)
      tpu.yield
    }) : () -> ()
    %dma_wait3A_135 = arith.constant 39 : i32
    %dma_wait3A_136 = arith.constant 1 : i32
    %dma_wait3A_137 = arith.constant 0 : i32
    %dma_wait3A_138 = arith.constant 0 : i32
    %dma_wait3A_139 = tpu.memref_slice %arg8[%dma_wait3A_136, %dma_wait3A_137, %dma_wait3A_138] : memref<2x128x128xf32, #tpu.memory_space<vmem>> -> memref<1x128x128xf32, #tpu.memory_space<vmem>>
    %dma_wait3A_140 = tpu.memref_squeeze %dma_wait3A_139 : memref<1x128x128xf32, #tpu.memory_space<vmem>> -> memref<128x128xf32, #tpu.memory_space<vmem>>
    %dma_wait3A_141 = arith.constant 0 : i32
    %dma_wait3A_142 = tpu.memref_slice %arg6[%dma_wait3A_135, %dma_wait3A_141] : memref<40x128xi32, #tpu.memory_space<vmem>> -> memref<1x128xi32, #tpu.memory_space<vmem>>
    %dma_wait3A_143 = tpu.memref_squeeze %dma_wait3A_142 : memref<1x128xi32, #tpu.memory_space<vmem>> -> memref<128xi32, #tpu.memory_space<vmem>>
    %dma_wait3A_144 = arith.constant 0 : i32
    %dma_wait3A_145 = arith.constant 0 : i32
    %dma_wait3A_146 = tpu.memref_slice %arg2[%dma_wait3A_144, %dma_wait3A_145] : memref<10240x128xf32, #tpu.memory_space<hbm>> -> memref<10240x128xf32, #tpu.memory_space<hbm>>
    tpu.wait_indirect_dma semaphore(%arg11 : memref<!tpu.dma_semaphore, #tpu.memory_space<semaphore_mem>>) src(%dma_wait3A_146 : memref<10240x128xf32, #tpu.memory_space<hbm>>) dst(%dma_wait3A_140 : memref<128x128xf32, #tpu.memory_space<vmem>>)
    %run_scoped3A_147 = arith.constant 1 : i32
    %run_scoped3A_148 = arith.constant 39 : i32
    "tpu.region"() ({
      %run_scoped3A_156 = tpu.sem_alloc : memref<!tpu.dma_semaphore, #tpu.memory_space<semaphore_mem>>
      %dma_start3A_157 = arith.constant 0 : i32
      %dma_start3A_158 = arith.constant 0 : i32
      %dma_start3A_159 = tpu.memref_slice %arg8[%run_scoped3A_147, %dma_start3A_157, %dma_start3A_158] : memref<2x128x128xf32, #tpu.memory_space<vmem>> -> memref<1x128x128xf32, #tpu.memory_space<vmem>>
      %dma_start3A_160 = tpu.memref_squeeze %dma_start3A_159 : memref<1x128x128xf32, #tpu.memory_space<vmem>> -> memref<128x128xf32, #tpu.memory_space<vmem>>
      %dma_start3A_161 = arith.constant 0 : i32
      %dma_start3A_162 = tpu.memref_slice %arg7[%run_scoped3A_148, %dma_start3A_161] : memref<40x128xi32, #tpu.memory_space<vmem>> -> memref<1x128xi32, #tpu.memory_space<vmem>>
      %dma_start3A_163 = tpu.memref_squeeze %dma_start3A_162 : memref<1x128xi32, #tpu.memory_space<vmem>> -> memref<128xi32, #tpu.memory_space<vmem>>
      %dma_start3A_164 = arith.constant 0 : i32
      %dma_start3A_165 = arith.constant 0 : i32
      %dma_start3A_166 = tpu.memref_slice %arg9[%dma_start3A_164, %dma_start3A_165] : memref<10240x128xf32, #tpu.memory_space<vmem_shared>> -> memref<10240x128xf32, #tpu.memory_space<vmem_shared>>
      tpu.enqueue_indirect_dma source(%dma_start3A_160 : memref<128x128xf32, #tpu.memory_space<vmem>>) target(%dma_start3A_166 : memref<10240x128xf32, #tpu.memory_space<vmem_shared>>) offsets(%dma_start3A_163 : memref<128xi32, #tpu.memory_space<vmem>>) semaphore(%run_scoped3A_156 : memref<!tpu.dma_semaphore, #tpu.memory_space<semaphore_mem>>) {add = true}
      %dma_wait3A_167 = arith.constant 0 : i32
      %dma_wait3A_168 = arith.constant 0 : i32
      %dma_wait3A_169 = tpu.memref_slice %arg8[%run_scoped3A_147, %dma_wait3A_167, %dma_wait3A_168] : memref<2x128x128xf32, #tpu.memory_space<vmem>> -> memref<1x128x128xf32, #tpu.memory_space<vmem>>
      %dma_wait3A_170 = tpu.memref_squeeze %dma_wait3A_169 : memref<1x128x128xf32, #tpu.memory_space<vmem>> -> memref<128x128xf32, #tpu.memory_space<vmem>>
      %dma_wait3A_171 = arith.constant 0 : i32
      %dma_wait3A_172 = tpu.memref_slice %arg7[%run_scoped3A_148, %dma_wait3A_171] : memref<40x128xi32, #tpu.memory_space<vmem>> -> memref<1x128xi32, #tpu.memory_space<vmem>>
      %dma_wait3A_173 = tpu.memref_squeeze %dma_wait3A_172 : memref<1x128xi32, #tpu.memory_space<vmem>> -> memref<128xi32, #tpu.memory_space<vmem>>
      %dma_wait3A_174 = arith.constant 0 : i32
      %dma_wait3A_175 = arith.constant 0 : i32
      %dma_wait3A_176 = tpu.memref_slice %arg9[%dma_wait3A_174, %dma_wait3A_175] : memref<10240x128xf32, #tpu.memory_space<vmem_shared>> -> memref<10240x128xf32, #tpu.memory_space<vmem_shared>>
      tpu.wait_indirect_dma semaphore(%run_scoped3A_156 : memref<!tpu.dma_semaphore, #tpu.memory_space<semaphore_mem>>) src(%dma_wait3A_170 : memref<128x128xf32, #tpu.memory_space<vmem>>) dst(%dma_wait3A_176 : memref<10240x128xf32, #tpu.memory_space<vmem_shared>>)
      tpu.yield
    }) : () -> ()
    %barrier3A_149 = arith.constant 0 : index
    tpu.barrier barrier_id(%barrier3A_149)
    %mul3A_150 = arith.constant 10240 : i32
    %mul3A_151 = arith.muli %arg0, %mul3A_150 : i32
    %mul3A_152 = arith.constant 640 : i32
    %mul3A_153 = arith.muli %arg1, %mul3A_152 : i32
    %add3A_154 = arith.addi %mul3A_151, %mul3A_153 : i32
    %multiple_of3A_155 = tpu.assume_multiple %add3A_154, 8 : i32
    "tpu.region"() ({
      %run_scoped3A_156 = tpu.sem_alloc : memref<!tpu.dma_semaphore, #tpu.memory_space<semaphore_mem>>
      %dma_start3A_157 = arith.constant 0 : i32
      %dma_start3A_158 = tpu.memref_slice %arg5[%multiple_of3A_155, %dma_start3A_157] : memref<20480x128xf32, #tpu.memory_space<hbm>> -> memref<640x128xf32, #tpu.memory_space<hbm>>
      %dma_start3A_159 = arith.constant 0 : i32
      %dma_start3A_160 = tpu.memref_slice %arg9[%multiple_of3A, %dma_start3A_159] : memref<10240x128xf32, #tpu.memory_space<vmem_shared>> -> memref<640x128xf32, #tpu.memory_space<vmem_shared>>
      tpu.enqueue_dma source(%dma_start3A_160 : memref<640x128xf32, #tpu.memory_space<vmem_shared>>) target(%dma_start3A_158 : memref<640x128xf32, #tpu.memory_space<hbm>>) target_semaphore(%run_scoped3A_156 : memref<!tpu.dma_semaphore, #tpu.memory_space<semaphore_mem>>)
      %dma_wait3A_161 = arith.constant 0 : i32
      %dma_wait3A_162 = tpu.memref_slice %arg5[%multiple_of3A_155, %dma_wait3A_161] : memref<20480x128xf32, #tpu.memory_space<hbm>> -> memref<640x128xf32, #tpu.memory_space<hbm>>
      %dma_wait3A_163 = arith.constant 0 : i32
      %dma_wait3A_164 = tpu.memref_slice %arg9[%multiple_of3A, %dma_wait3A_163] : memref<10240x128xf32, #tpu.memory_space<vmem_shared>> -> memref<640x128xf32, #tpu.memory_space<vmem_shared>>
      tpu.wait_dma2 semaphore(%run_scoped3A_156 : memref<!tpu.dma_semaphore, #tpu.memory_space<semaphore_mem>>) src(%dma_wait3A_164 : memref<640x128xf32, #tpu.memory_space<vmem_shared>>) dst(%dma_wait3A_162 : memref<640x128xf32, #tpu.memory_space<hbm>>)
      tpu.yield
    }) : () -> ()
    return
  }
}

module attributes {stable_mosaic.version = 14 : i64} {
  func.func @_mm_first_body(%arg0: i32, %arg1: memref<1024x128xf32, #tpu.memory_space<vmem>>, %arg2: memref<1024x128xf32, #tpu.memory_space<vmem>>, %arg3: memref<1024x128xf32, #tpu.memory_space<vmem>>, %arg4: memref<128x128xf32, #tpu.memory_space<vmem>>, %arg5: memref<1024x128xf32, #tpu.memory_space<vmem>>, %arg6: memref<1024x16xf32, #tpu.memory_space<vmem>>) attributes {dimension_semantics = [#tpu.dimension_semantics<arbitrary>], iteration_bounds = array<i64: 10>, scalar_prefetch = 0 : i64, scratch_operands = 0 : i64, tpu.core_type = #tpu.core_type<tc>, window_params = [{transform_indices = @transform_0, window_bounds = array<i64: 1024, 128>}, {transform_indices = @transform_1, window_bounds = array<i64: 1024, 128>}, {transform_indices = @transform_2, window_bounds = array<i64: 1024, 128>}, {pipeline_mode = #tpu.pipeline_mode<synchronous>, transform_indices = @transform_3, window_bounds = array<i64: 128, 128>}, {transform_indices = @transform_4, window_bounds = array<i64: 1024, 128>}, {transform_indices = @transform_5, window_bounds = array<i64: 1024, 16>}]} {
    %get3A = arith.constant 0 : index
    %get3A_0 = arith.constant 0 : index
    %get3A_1 = vector.load %arg1[%get3A, %get3A_0] : memref<1024x128xf32, #tpu.memory_space<vmem>>, vector<1024x1xf32>
    %get3A_2 = arith.constant 0 : index
    %get3A_3 = arith.constant 0 : index
    %get3A_4 = vector.load %arg2[%get3A_2, %get3A_3] : memref<1024x128xf32, #tpu.memory_space<vmem>>, vector<1024x1xf32>
    %add3A = arith.addf %get3A_1, %get3A_4 : vector<1024x1xf32>
    %add3A_5 = arith.constant 1.000000e+00 : f32
    %add3A_6 = vector.broadcast %add3A_5 : f32 to vector<1024x1xf32>
    %add3A_7 = arith.addf %add3A, %add3A_6 : vector<1024x1xf32>
    %sqrt3A = math.sqrt %add3A_7 : vector<1024x1xf32>
    %div3A = arith.constant 1.000000e+00 : f32
    %div3A_8 = vector.broadcast %div3A : f32 to vector<1024x1xf32>
    %div3A_9 = arith.divf %div3A_8, %sqrt3A : vector<1024x1xf32>
    %get3A_10 = arith.constant 0 : index
    %get3A_11 = arith.constant 0 : index
    %get3A_12 = vector.load %arg3[%get3A_10, %get3A_11] : memref<1024x128xf32, #tpu.memory_space<vmem>>, vector<1024x128xf32>
    %get3A_13 = arith.constant 0 : index
    %get3A_14 = arith.constant 0 : index
    %get3A_15 = vector.load %arg4[%get3A_13, %get3A_14] : memref<128x128xf32, #tpu.memory_space<vmem>>, vector<128x128xf32>
    %dot_general3A = arith.constant dense<0.000000e+00> : vector<1024x128xf32>
    %dot_general3A_16 = tpu.matmul %get3A_12, %get3A_15, %dot_general3A {dimension_numbers = #tpu.dot_dimension_numbers<[1], [0], [0], [1], [0, 0, 1, 1], [], []>, transpose_lhs_hint = false} : vector<1024x128xf32>, vector<128x128xf32>, vector<1024x128xf32> -> vector<1024x128xf32>
    %mul3A = vector.broadcast %div3A_9 : vector<1024x1xf32> to vector<1024x128xf32>
    %mul3A_17 = arith.mulf %dot_general3A_16, %mul3A : vector<1024x128xf32>
    %swap3A = arith.constant 0 : index
    %swap3A_18 = arith.constant 0 : index
    %swap3A_19 = vector.load %arg5[%swap3A, %swap3A_18] : memref<1024x128xf32, #tpu.memory_space<vmem>>, vector<1024x128xf32>
    tpu.vector_store %arg5[%swap3A, %swap3A_18], %mul3A_17 {strides = array<i32>} : memref<1024x128xf32, #tpu.memory_space<vmem>>, vector<1024x128xf32>,
    %broadcast_in_dim3A = vector.shape_cast %div3A_9 : vector<1024x1xf32> to vector<1024x1xf32>
    %broadcast_in_dim3A_20 = vector.broadcast %broadcast_in_dim3A : vector<1024x1xf32> to vector<1024x16xf32>
    %swap3A_21 = arith.constant 0 : index
    %swap3A_22 = arith.constant 0 : index
    %swap3A_23 = vector.load %arg6[%swap3A_21, %swap3A_22] : memref<1024x16xf32, #tpu.memory_space<vmem>>, vector<1024x16xf32>
    tpu.vector_store %arg6[%swap3A_21, %swap3A_22], %broadcast_in_dim3A_20 {strides = array<i32>} : memref<1024x16xf32, #tpu.memory_space<vmem>>, vector<1024x16xf32>,
    return
  }
  func.func @transform_0(%arg0: i32) -> (i32, i32) {
    %c0_i32 = arith.constant 0 : i32
    %c0_i32_0 = arith.constant 0 : i32
    return %arg0, %c0_i32 : i32, i32
  }
  func.func @transform_1(%arg0: i32) -> (i32, i32) {
    %add3A = arith.constant 10 : i32
    %add3A_0 = arith.addi %add3A, %arg0 : i32
    %c0_i32 = arith.constant 0 : i32
    %c0_i32_1 = arith.constant 0 : i32
    return %add3A_0, %c0_i32 : i32, i32
  }
  func.func @transform_2(%arg0: i32) -> (i32, i32) {
    %c0_i32 = arith.constant 0 : i32
    %c0_i32_0 = arith.constant 0 : i32
    return %arg0, %c0_i32 : i32, i32
  }
  func.func @transform_3(%arg0: i32) -> (i32, i32) {
    %c0_i32 = arith.constant 0 : i32
    %c0_i32_0 = arith.constant 0 : i32
    %c0_i32_1 = arith.constant 0 : i32
    return %c0_i32, %c0_i32_0 : i32, i32
  }
  func.func @transform_4(%arg0: i32) -> (i32, i32) {
    %c0_i32 = arith.constant 0 : i32
    %c0_i32_0 = arith.constant 0 : i32
    return %arg0, %c0_i32 : i32, i32
  }
  func.func @transform_5(%arg0: i32) -> (i32, i32) {
    %c0_i32 = arith.constant 0 : i32
    %c0_i32_0 = arith.constant 0 : i32
    return %arg0, %c0_i32 : i32, i32
  }
}

module attributes {stable_mosaic.version = 14 : i64} {
  func.func @_mm_mid_body(%arg0: i32, %arg1: memref<1024x16xf32, #tpu.memory_space<vmem>>, %arg2: memref<1024x128xf32, #tpu.memory_space<vmem>>, %arg3: memref<1024x128xf32, #tpu.memory_space<vmem>>, %arg4: memref<1024x128xf32, #tpu.memory_space<vmem>>, %arg5: memref<1x128xf32, #tpu.memory_space<vmem>>, %arg6: memref<128x128xf32, #tpu.memory_space<vmem>>, %arg7: memref<1024x128xf32, #tpu.memory_space<vmem>>) attributes {dimension_semantics = [#tpu.dimension_semantics<arbitrary>], iteration_bounds = array<i64: 10>, scalar_prefetch = 0 : i64, scratch_operands = 0 : i64, tpu.core_type = #tpu.core_type<tc>, window_params = [{transform_indices = @transform_0, window_bounds = array<i64: 1024, 16>}, {transform_indices = @transform_1, window_bounds = array<i64: 1024, 128>}, {transform_indices = @transform_2, window_bounds = array<i64: 1024, 128>}, {transform_indices = @transform_3, window_bounds = array<i64: 1024, 128>}, {pipeline_mode = #tpu.pipeline_mode<synchronous>, transform_indices = @transform_4, window_bounds = array<i64: 1, 128>}, {pipeline_mode = #tpu.pipeline_mode<synchronous>, transform_indices = @transform_5, window_bounds = array<i64: 128, 128>}, {transform_indices = @transform_6, window_bounds = array<i64: 1024, 128>}]} {
    %get3A = arith.constant 0 : index
    %get3A_0 = arith.constant 0 : index
    %get3A_1 = vector.load %arg1[%get3A, %get3A_0] : memref<1024x16xf32, #tpu.memory_space<vmem>>, vector<1024x1xf32>
    %get3A_2 = arith.constant 0 : index
    %get3A_3 = arith.constant 0 : index
    %get3A_4 = vector.load %arg2[%get3A_2, %get3A_3] : memref<1024x128xf32, #tpu.memory_space<vmem>>, vector<1024x128xf32>
    %get3A_5 = arith.constant 0 : index
    %get3A_6 = arith.constant 0 : index
    %get3A_7 = vector.load %arg3[%get3A_5, %get3A_6] : memref<1024x128xf32, #tpu.memory_space<vmem>>, vector<1024x128xf32>
    %add3A = arith.addf %get3A_4, %get3A_7 : vector<1024x128xf32>
    %get3A_8 = arith.constant 0 : index
    %get3A_9 = arith.constant 0 : index
    %get3A_10 = vector.load %arg4[%get3A_8, %get3A_9] : memref<1024x128xf32, #tpu.memory_space<vmem>>, vector<1024x128xf32>
    %add3A_11 = arith.addf %add3A, %get3A_10 : vector<1024x128xf32>
    %mul3A = vector.broadcast %get3A_1 : vector<1024x1xf32> to vector<1024x128xf32>
    %mul3A_12 = arith.mulf %mul3A, %add3A_11 : vector<1024x128xf32>
    %get3A_13 = arith.constant 0 : index
    %get3A_14 = arith.constant 0 : index
    %get3A_15 = vector.load %arg5[%get3A_13, %get3A_14] : memref<1x128xf32, #tpu.memory_space<vmem>>, vector<1x128xf32>
    %add3A_16 = vector.broadcast %get3A_15 : vector<1x128xf32> to vector<1024x128xf32>
    %add3A_17 = arith.addf %mul3A_12, %add3A_16 : vector<1024x128xf32>
    %max3A = arith.constant 0.000000e+00 : f32
    %max3A_18 = vector.broadcast %max3A : f32 to vector<1024x128xf32>
    %max3A_19 = arith.maximumf %add3A_17, %max3A_18 : vector<1024x128xf32>
    %get3A_20 = arith.constant 0 : index
    %get3A_21 = arith.constant 0 : index
    %get3A_22 = vector.load %arg6[%get3A_20, %get3A_21] : memref<128x128xf32, #tpu.memory_space<vmem>>, vector<128x128xf32>
    %dot_general3A = arith.constant dense<0.000000e+00> : vector<1024x128xf32>
    %dot_general3A_23 = tpu.matmul %max3A_19, %get3A_22, %dot_general3A {dimension_numbers = #tpu.dot_dimension_numbers<[1], [0], [0], [1], [0, 0, 1, 1], [], []>, transpose_lhs_hint = false} : vector<1024x128xf32>, vector<128x128xf32>, vector<1024x128xf32> -> vector<1024x128xf32>
    %mul3A_24 = vector.broadcast %get3A_1 : vector<1024x1xf32> to vector<1024x128xf32>
    %mul3A_25 = arith.mulf %mul3A_24, %dot_general3A_23 : vector<1024x128xf32>
    %swap3A = arith.constant 0 : index
    %swap3A_26 = arith.constant 0 : index
    %swap3A_27 = vector.load %arg7[%swap3A, %swap3A_26] : memref<1024x128xf32, #tpu.memory_space<vmem>>, vector<1024x128xf32>
    tpu.vector_store %arg7[%swap3A, %swap3A_26], %mul3A_25 {strides = array<i32>} : memref<1024x128xf32, #tpu.memory_space<vmem>>, vector<1024x128xf32>,
    return
  }
  func.func @transform_0(%arg0: i32) -> (i32, i32) {
    %c0_i32 = arith.constant 0 : i32
    %c0_i32_0 = arith.constant 0 : i32
    return %arg0, %c0_i32 : i32, i32
  }
  func.func @transform_1(%arg0: i32) -> (i32, i32) {
    %c0_i32 = arith.constant 0 : i32
    %c0_i32_0 = arith.constant 0 : i32
    return %arg0, %c0_i32 : i32, i32
  }
  func.func @transform_2(%arg0: i32) -> (i32, i32) {
    %add3A = arith.constant 10 : i32
    %add3A_0 = arith.addi %add3A, %arg0 : i32
    %c0_i32 = arith.constant 0 : i32
    %c0_i32_1 = arith.constant 0 : i32
    return %add3A_0, %c0_i32 : i32, i32
  }
  func.func @transform_3(%arg0: i32) -> (i32, i32) {
    %c0_i32 = arith.constant 0 : i32
    %c0_i32_0 = arith.constant 0 : i32
    return %arg0, %c0_i32 : i32, i32
  }
  func.func @transform_4(%arg0: i32) -> (i32, i32) {
    %c0_i32 = arith.constant 0 : i32
    %c0_i32_0 = arith.constant 0 : i32
    %c0_i32_1 = arith.constant 0 : i32
    return %c0_i32, %c0_i32_0 : i32, i32
  }
  func.func @transform_5(%arg0: i32) -> (i32, i32) {
    %c0_i32 = arith.constant 0 : i32
    %c0_i32_0 = arith.constant 0 : i32
    %c0_i32_1 = arith.constant 0 : i32
    return %c0_i32, %c0_i32_0 : i32, i32
  }
  func.func @transform_6(%arg0: i32) -> (i32, i32) {
    %c0_i32 = arith.constant 0 : i32
    %c0_i32_0 = arith.constant 0 : i32
    return %arg0, %c0_i32 : i32, i32
  }
}

module attributes {stable_mosaic.version = 14 : i64} {
  func.func @_final_body(%arg0: i32, %arg1: memref<1024x16xf32, #tpu.memory_space<vmem>>, %arg2: memref<1024x128xf32, #tpu.memory_space<vmem>>, %arg3: memref<1024x128xf32, #tpu.memory_space<vmem>>, %arg4: memref<1024x128xf32, #tpu.memory_space<vmem>>, %arg5: memref<1x128xf32, #tpu.memory_space<vmem>>, %arg6: memref<1x1x1024xi32, #tpu.memory_space<vmem>>, %arg7: memref<128x128xf32, #tpu.memory_space<vmem>>, %arg8: memref<1x128xf32, #tpu.memory_space<vmem>>, %arg9: memref<128x64xf32, #tpu.memory_space<vmem>>, %arg10: memref<1x64xf32, #tpu.memory_space<vmem>>, %arg11: memref<16x64xf32, #tpu.memory_space<vmem>>, %arg12: memref<16x128xf32, #tpu.memory_space<vmem>>, %arg13: memref<16x1xf32, #tpu.memory_space<vmem>>) attributes {dimension_semantics = [#tpu.dimension_semantics<arbitrary>], iteration_bounds = array<i64: 10>, scalar_prefetch = 0 : i64, scratch_operands = 2 : i64, tpu.core_type = #tpu.core_type<tc>, window_params = [{transform_indices = @transform_0, window_bounds = array<i64: 1024, 16>}, {transform_indices = @transform_1, window_bounds = array<i64: 1024, 128>}, {transform_indices = @transform_2, window_bounds = array<i64: 1024, 128>}, {transform_indices = @transform_3, window_bounds = array<i64: 1024, 128>}, {pipeline_mode = #tpu.pipeline_mode<synchronous>, transform_indices = @transform_4, window_bounds = array<i64: 1, 128>}, {transform_indices = @transform_5, window_bounds = array<i64: 1, 1, 1024>}, {pipeline_mode = #tpu.pipeline_mode<synchronous>, transform_indices = @transform_6, window_bounds = array<i64: 128, 128>}, {pipeline_mode = #tpu.pipeline_mode<synchronous>, transform_indices = @transform_7, window_bounds = array<i64: 1, 128>}, {pipeline_mode = #tpu.pipeline_mode<synchronous>, transform_indices = @transform_8, window_bounds = array<i64: 128, 64>}, {pipeline_mode = #tpu.pipeline_mode<synchronous>, transform_indices = @transform_9, window_bounds = array<i64: 1, 64>}, {pipeline_mode = #tpu.pipeline_mode<synchronous>, transform_indices = @transform_10, window_bounds = array<i64: 16, 64>}]} {
    %eq3A = arith.constant 0 : i32
    %eq3A_0 = arith.cmpi eq, %arg0, %eq3A : i32
    %convert_element_type3A = arith.extui %eq3A_0 : i1 to i32
    %cond3A = arith.constant 0 : i32
    %cond3A_1 = arith.cmpi ne, %convert_element_type3A, %cond3A : i32
    scf.if %cond3A_1 {
      %broadcast_in_dim3A_51 = arith.constant 0.000000e+00 : f32
      %broadcast_in_dim3A_52 = vector.broadcast %broadcast_in_dim3A_51 : f32 to vector<16x128xf32>
      %swap3A_53 = arith.constant 0 : index
      %swap3A_54 = arith.constant 0 : index
      %swap3A_55 = vector.load %arg12[%swap3A_53, %swap3A_54] : memref<16x128xf32, #tpu.memory_space<vmem>>, vector<16x128xf32>
      tpu.vector_store %arg12[%swap3A_53, %swap3A_54], %broadcast_in_dim3A_52 {strides = array<i32>} : memref<16x128xf32, #tpu.memory_space<vmem>>, vector<16x128xf32>,
      %broadcast_in_dim3A_56 = arith.constant 0.000000e+00 : f32
      %broadcast_in_dim3A_57 = vector.broadcast %broadcast_in_dim3A_56 : f32 to vector<16x1xf32>
      %swap3A_58 = arith.constant 0 : index
      %swap3A_59 = arith.constant 0 : index
      %swap3A_60 = vector.load %arg13[%swap3A_58, %swap3A_59] : memref<16x1xf32, #tpu.memory_space<vmem>>, vector<16x1xf32>
      tpu.vector_store %arg13[%swap3A_58, %swap3A_59], %broadcast_in_dim3A_57 {strides = array<i32>} : memref<16x1xf32, #tpu.memory_space<vmem>>, vector<16x1xf32>,
    } else {
    }
    %get3A = arith.constant 0 : index
    %get3A_2 = arith.constant 0 : index
    %get3A_3 = vector.load %arg1[%get3A, %get3A_2] : memref<1024x16xf32, #tpu.memory_space<vmem>>, vector<1024x1xf32>
    %get3A_4 = arith.constant 0 : index
    %get3A_5 = arith.constant 0 : index
    %get3A_6 = vector.load %arg2[%get3A_4, %get3A_5] : memref<1024x128xf32, #tpu.memory_space<vmem>>, vector<1024x128xf32>
    %get3A_7 = arith.constant 0 : index
    %get3A_8 = arith.constant 0 : index
    %get3A_9 = vector.load %arg3[%get3A_7, %get3A_8] : memref<1024x128xf32, #tpu.memory_space<vmem>>, vector<1024x128xf32>
    %add3A = arith.addf %get3A_6, %get3A_9 : vector<1024x128xf32>
    %get3A_10 = arith.constant 0 : index
    %get3A_11 = arith.constant 0 : index
    %get3A_12 = vector.load %arg4[%get3A_10, %get3A_11] : memref<1024x128xf32, #tpu.memory_space<vmem>>, vector<1024x128xf32>
    %add3A_13 = arith.addf %add3A, %get3A_12 : vector<1024x128xf32>
    %mul3A = vector.broadcast %get3A_3 : vector<1024x1xf32> to vector<1024x128xf32>
    %mul3A_14 = arith.mulf %mul3A, %add3A_13 : vector<1024x128xf32>
    %get3A_15 = arith.constant 0 : index
    %get3A_16 = arith.constant 0 : index
    %get3A_17 = vector.load %arg5[%get3A_15, %get3A_16] : memref<1x128xf32, #tpu.memory_space<vmem>>, vector<1x128xf32>
    %add3A_18 = vector.broadcast %get3A_17 : vector<1x128xf32> to vector<1024x128xf32>
    %add3A_19 = arith.addf %mul3A_14, %add3A_18 : vector<1024x128xf32>
    %max3A = arith.constant 0.000000e+00 : f32
    %max3A_20 = vector.broadcast %max3A : f32 to vector<1024x128xf32>
    %max3A_21 = arith.maximumf %add3A_19, %max3A_20 : vector<1024x128xf32>
    %get3A_22 = arith.constant 0 : index
    %get3A_23 = arith.constant 0 : index
    %get3A_24 = arith.constant 0 : index
    %get3A_25 = vector.load %arg6[%get3A_22, %get3A_23, %get3A_24] : memref<1x1x1024xi32, #tpu.memory_space<vmem>>, vector<1x1x1024xi32>
    %get3A_26 = vector.shape_cast %get3A_25 : vector<1x1x1024xi32> to vector<1x1024xi32>
    %iota3A = tpu.iota {dimensions = array<i32: 0>} : vector<16x1024xi32>
    %eq3A_27 = vector.broadcast %get3A_26 : vector<1x1024xi32> to vector<16x1024xi32>
    %eq3A_28 = arith.cmpi eq, %iota3A, %eq3A_27 : vector<16x1024xi32>
    %convert_element_type3A_29 = arith.extui %eq3A_28 : vector<16x1024xi1> to vector<16x1024xi32>
    %convert_element_type3A_30 = arith.sitofp %convert_element_type3A_29 : vector<16x1024xi32> to vector<16x1024xf32>
    %get3A_31 = arith.constant 0 : index
    %get3A_32 = arith.constant 0 : index
    %get3A_33 = vector.load %arg12[%get3A_31, %get3A_32] : memref<16x128xf32, #tpu.memory_space<vmem>>, vector<16x128xf32>
    %dot_general3A = arith.constant dense<0.000000e+00> : vector<16x128xf32>
    %dot_general3A_34 = tpu.matmul %convert_element_type3A_30, %max3A_21, %dot_general3A {dimension_numbers = #tpu.dot_dimension_numbers<[1], [0], [0], [1], [0, 0, 1, 1], [], []>, transpose_lhs_hint = false} : vector<16x1024xf32>, vector<1024x128xf32>, vector<16x128xf32> -> vector<16x128xf32>
    %add3A_35 = arith.addf %get3A_33, %dot_general3A_34 : vector<16x128xf32>
    %swap3A = arith.constant 0 : index
    %swap3A_36 = arith.constant 0 : index
    %swap3A_37 = vector.load %arg12[%swap3A, %swap3A_36] : memref<16x128xf32, #tpu.memory_space<vmem>>, vector<16x128xf32>
    tpu.vector_store %arg12[%swap3A, %swap3A_36], %add3A_35 {strides = array<i32>} : memref<16x128xf32, #tpu.memory_space<vmem>>, vector<16x128xf32>,
    %get3A_38 = arith.constant 0 : index
    %get3A_39 = arith.constant 0 : index
    %get3A_40 = vector.load %arg13[%get3A_38, %get3A_39] : memref<16x1xf32, #tpu.memory_space<vmem>>, vector<16x1xf32>
    %reduce_sum3A = arith.constant dense<0.000000e+00> : vector<16xf32>
    %reduce_sum3A_41 = vector.multi_reduction <add>, %convert_element_type3A_30, %reduce_sum3A [1] : vector<16x1024xf32> to vector<16xf32>
    %broadcast_in_dim3A = vector.shape_cast %reduce_sum3A_41 : vector<16xf32> to vector<16x1xf32>
    %add3A_42 = arith.addf %get3A_40, %broadcast_in_dim3A : vector<16x1xf32>
    %swap3A_43 = arith.constant 0 : index
    %swap3A_44 = arith.constant 0 : index
    %swap3A_45 = vector.load %arg13[%swap3A_43, %swap3A_44] : memref<16x1xf32, #tpu.memory_space<vmem>>, vector<16x1xf32>
    tpu.vector_store %arg13[%swap3A_43, %swap3A_44], %add3A_42 {strides = array<i32>} : memref<16x1xf32, #tpu.memory_space<vmem>>, vector<16x1xf32>,
    %eq3A_46 = arith.constant 9 : i32
    %eq3A_47 = arith.cmpi eq, %arg0, %eq3A_46 : i32
    %convert_element_type3A_48 = arith.extui %eq3A_47 : i1 to i32
    %cond3A_49 = arith.constant 0 : i32
    %cond3A_50 = arith.cmpi ne, %convert_element_type3A_48, %cond3A_49 : i32
    scf.if %cond3A_50 {
      %get3A_51 = arith.constant 0 : index
      %get3A_52 = arith.constant 0 : index
      %get3A_53 = vector.load %arg12[%get3A_51, %get3A_52] : memref<16x128xf32, #tpu.memory_space<vmem>>, vector<16x128xf32>
      %get3A_54 = arith.constant 0 : index
      %get3A_55 = arith.constant 0 : index
      %get3A_56 = vector.load %arg13[%get3A_54, %get3A_55] : memref<16x1xf32, #tpu.memory_space<vmem>>, vector<16x1xf32>
      %max3A_57 = arith.constant 1.000000e+00 : f32
      %max3A_58 = vector.broadcast %max3A_57 : f32 to vector<16x1xf32>
      %max3A_59 = arith.maximumf %get3A_56, %max3A_58 : vector<16x1xf32>
      %div3A = vector.broadcast %max3A_59 : vector<16x1xf32> to vector<16x128xf32>
      %div3A_60 = arith.divf %get3A_53, %div3A : vector<16x128xf32>
      %get3A_61 = arith.constant 0 : index
      %get3A_62 = arith.constant 0 : index
      %get3A_63 = vector.load %arg7[%get3A_61, %get3A_62] : memref<128x128xf32, #tpu.memory_space<vmem>>, vector<128x128xf32>
      %dot_general3A_64 = arith.constant dense<0.000000e+00> : vector<16x128xf32>
      %dot_general3A_65 = tpu.matmul %div3A_60, %get3A_63, %dot_general3A_64 {dimension_numbers = #tpu.dot_dimension_numbers<[1], [0], [0], [1], [0, 0, 1, 1], [], []>, transpose_lhs_hint = false} : vector<16x128xf32>, vector<128x128xf32>, vector<16x128xf32> -> vector<16x128xf32>
      %get3A_66 = arith.constant 0 : index
      %get3A_67 = arith.constant 0 : index
      %get3A_68 = vector.load %arg8[%get3A_66, %get3A_67] : memref<1x128xf32, #tpu.memory_space<vmem>>, vector<1x128xf32>
      %add3A_69 = vector.broadcast %get3A_68 : vector<1x128xf32> to vector<16x128xf32>
      %add3A_70 = arith.addf %dot_general3A_65, %add3A_69 : vector<16x128xf32>
      %max3A_71 = arith.constant 0.000000e+00 : f32
      %max3A_72 = vector.broadcast %max3A_71 : f32 to vector<16x128xf32>
      %max3A_73 = arith.maximumf %add3A_70, %max3A_72 : vector<16x128xf32>
      %get3A_74 = arith.constant 0 : index
      %get3A_75 = arith.constant 0 : index
      %get3A_76 = vector.load %arg9[%get3A_74, %get3A_75] : memref<128x64xf32, #tpu.memory_space<vmem>>, vector<128x64xf32>
      %dot_general3A_77 = arith.constant dense<0.000000e+00> : vector<16x64xf32>
      %dot_general3A_78 = tpu.matmul %max3A_73, %get3A_76, %dot_general3A_77 {dimension_numbers = #tpu.dot_dimension_numbers<[1], [0], [0], [1], [0, 0, 1, 1], [], []>, transpose_lhs_hint = false} : vector<16x128xf32>, vector<128x64xf32>, vector<16x64xf32> -> vector<16x64xf32>
      %get3A_79 = arith.constant 0 : index
      %get3A_80 = arith.constant 0 : index
      %get3A_81 = vector.load %arg10[%get3A_79, %get3A_80] : memref<1x64xf32, #tpu.memory_space<vmem>>, vector<1x64xf32>
      %add3A_82 = vector.broadcast %get3A_81 : vector<1x64xf32> to vector<16x64xf32>
      %add3A_83 = arith.addf %dot_general3A_78, %add3A_82 : vector<16x64xf32>
      %reduce_max3A = arith.constant dense<0xFF800000> : vector<16xf32>
      %reduce_max3A_84 = vector.multi_reduction <maximumf>, %add3A_83, %reduce_max3A [1] : vector<16x64xf32> to vector<16xf32>
      %broadcast_in_dim3A_85 = vector.shape_cast %reduce_max3A_84 : vector<16xf32> to vector<16x1xf32>
      %sub3A = vector.broadcast %broadcast_in_dim3A_85 : vector<16x1xf32> to vector<16x64xf32>
      %sub3A_86 = arith.subf %add3A_83, %sub3A : vector<16x64xf32>
      %exp3A = math.exp %sub3A_86 : vector<16x64xf32>
      %sub3A_87 = vector.broadcast %broadcast_in_dim3A_85 : vector<16x1xf32> to vector<16x64xf32>
      %sub3A_88 = arith.subf %add3A_83, %sub3A_87 : vector<16x64xf32>
      %reduce_sum3A_89 = arith.constant dense<0.000000e+00> : vector<16xf32>
      %reduce_sum3A_90 = vector.multi_reduction <add>, %exp3A, %reduce_sum3A_89 [1] : vector<16x64xf32> to vector<16xf32>
      %broadcast_in_dim3A_91 = vector.shape_cast %reduce_sum3A_90 : vector<16xf32> to vector<16x1xf32>
      %log3A = math.log %broadcast_in_dim3A_91 : vector<16x1xf32>
      %sub3A_92 = vector.broadcast %log3A : vector<16x1xf32> to vector<16x64xf32>
      %sub3A_93 = arith.subf %sub3A_88, %sub3A_92 : vector<16x64xf32>
      %swap3A_94 = arith.constant 0 : index
      %swap3A_95 = arith.constant 0 : index
      %swap3A_96 = vector.load %arg11[%swap3A_94, %swap3A_95] : memref<16x64xf32, #tpu.memory_space<vmem>>, vector<16x64xf32>
      tpu.vector_store %arg11[%swap3A_94, %swap3A_95], %sub3A_93 {strides = array<i32>} : memref<16x64xf32, #tpu.memory_space<vmem>>, vector<16x64xf32>,
    } else {
    }
    return
  }
  func.func @transform_0(%arg0: i32) -> (i32, i32) {
    %c0_i32 = arith.constant 0 : i32
    %c0_i32_0 = arith.constant 0 : i32
    return %arg0, %c0_i32 : i32, i32
  }
  func.func @transform_1(%arg0: i32) -> (i32, i32) {
    %c0_i32 = arith.constant 0 : i32
    %c0_i32_0 = arith.constant 0 : i32
    return %arg0, %c0_i32 : i32, i32
  }
  func.func @transform_2(%arg0: i32) -> (i32, i32) {
    %add3A = arith.constant 10 : i32
    %add3A_0 = arith.addi %add3A, %arg0 : i32
    %c0_i32 = arith.constant 0 : i32
    %c0_i32_1 = arith.constant 0 : i32
    return %add3A_0, %c0_i32 : i32, i32
  }
  func.func @transform_3(%arg0: i32) -> (i32, i32) {
    %c0_i32 = arith.constant 0 : i32
    %c0_i32_0 = arith.constant 0 : i32
    return %arg0, %c0_i32 : i32, i32
  }
  func.func @transform_4(%arg0: i32) -> (i32, i32) {
    %c0_i32 = arith.constant 0 : i32
    %c0_i32_0 = arith.constant 0 : i32
    %c0_i32_1 = arith.constant 0 : i32
    return %c0_i32, %c0_i32_0 : i32, i32
  }
  func.func @transform_5(%arg0: i32) -> (i32, i32, i32) {
    %c0_i32 = arith.constant 0 : i32
    %c0_i32_0 = arith.constant 0 : i32
    %c0_i32_1 = arith.constant 0 : i32
    return %arg0, %c0_i32, %c0_i32_0 : i32, i32, i32
  }
  func.func @transform_6(%arg0: i32) -> (i32, i32) {
    %c0_i32 = arith.constant 0 : i32
    %c0_i32_0 = arith.constant 0 : i32
    %c0_i32_1 = arith.constant 0 : i32
    return %c0_i32, %c0_i32_0 : i32, i32
  }
  func.func @transform_7(%arg0: i32) -> (i32, i32) {
    %c0_i32 = arith.constant 0 : i32
    %c0_i32_0 = arith.constant 0 : i32
    %c0_i32_1 = arith.constant 0 : i32
    return %c0_i32, %c0_i32_0 : i32, i32
  }
  func.func @transform_8(%arg0: i32) -> (i32, i32) {
    %c0_i32 = arith.constant 0 : i32
    %c0_i32_0 = arith.constant 0 : i32
    %c0_i32_1 = arith.constant 0 : i32
    return %c0_i32, %c0_i32_0 : i32, i32
  }
  func.func @transform_9(%arg0: i32) -> (i32, i32) {
    %c0_i32 = arith.constant 0 : i32
    %c0_i32_0 = arith.constant 0 : i32
    %c0_i32_1 = arith.constant 0 : i32
    return %c0_i32, %c0_i32_0 : i32, i32
  }
  func.func @transform_10(%arg0: i32) -> (i32, i32) {
    %c0_i32 = arith.constant 0 : i32
    %c0_i32_0 = arith.constant 0 : i32
    %c0_i32_1 = arith.constant 0 : i32
    return %c0_i32, %c0_i32_0 : i32, i32
  }
}

</mosaic_0001>

<sc_bundles>
// kernel: kernel.12.cloned.1.call-start
scs
__scs_entry_jumppad:
0x0: {  	(pc) =	sbr.rel $0x88, $3  }
0x1: {  	(tag) =	ssettag $0x0;
	lr =	simm.s32 $0x1  }
0x2: {  	[smem:$0x3F96] =	sst lr;
	_ =	strace $0xD0000000  }
0x3: {  	_ = 	snop  }
0x4: {  	_ = 	snop  }
0x5: {  	_ = 	snop  }
0x6: {  	_ = 	snop  }
0x7: {  	_ = 	snop  }
__scs_overlays_trampoline_lowered:
0x8: {  	[smem:$0x3FA5] =	sst s0  }
0x9: {  	[smem:$0x3FA6] =	sst s1  }
0xa: {  	[smem:$0x3FA7] =	sst s2  }
0xb: {  	[smem:$0x3FA8] =	sst s3  }
0xc: {  	[smem:$0x3FA9] =	sst s4  }
0xd: {  	[smem:$0x3FAA] =	sst s5  }
0xe: {  	[smem:$0x3FAB] =	sst s6  }
0xf: {  	[smem:$0x3FAC] =	sst s7  }
0x10: {  	[smem:$0x3FAD] =	sst s8  }
0x11: {  	[smem:$0x3FAE] =	sst s9;
	s0 =	simm.s32 @!p0 $0x0  }
0x12: {  	s1 =	sld [smem:$0x3F94];
	s0 =	simm.s32 @p0 $0x1  }
0x13: {  	[smem:$0x3FAF] =	sst s0;
	s0 =	simm.s32 @!p1 $0x0  }
0x14: {  	s2 =	sld [smem:$0x3F93];
	s0 =	simm.s32 @p1 $0x1  }
0x15: {  	[smem:$0x3FB0] =	sst s0;
	s0 =	simm.s32 @!p2 $0x0  }
0x16: {  	s3 =	sld [smem:$0x3FDB];
	s0 =	simm.s32 @p2 $0x1  }
0x17: {  	s4 =	simm.s32 $0x1BF5;
	[smem:$0x3FB2] =	sst s0  }
0x18: {  	s0 =	sld [smem:$0x3F95];
	_ =	swait.ge [sflag:s4], $0x0  }
0x19: {  	s7 =	sld [smem:$0x3F96]  }
0x1a: {  	s8 =	sadd.s32 $0xFFFFE003, lr  }
0x1b: {  	s9 =	sadd.s32 $0xFFFFFEF7, lr;
	s5 =	simm.s32 $0xFFFFFFFF;
	p2 =	slt.u32 s8, $0xFFFFF086  }
0x1c: {  	p1 =	slt.u32 s9, $0xF7A;
	s5 =	simm.s32 @!p2 $0x0  }
0x1d: {  	s5 =	simm.s32 @p1 $0x1;
	p0 =	seq.s32 s7, s2  }
0x1e: {  	s7 =	smul.u32 @!p0 $0xF7A, s2;
	p2 =	seq.s32 @!p0 s5, $0x0  }
0x1f: {  	s9 =	smul.u32 $0xF7A, s1;
	s8 =	simm.s32 @!p0 $0x1BF5;
	p2 =	por !p2, p0  }
0x20: {  	[sflag:s8] =	ssyncset.s32 @!p0 $0xFFFFF086;
	s6 =	sadd.s32 @!p0 s3, s7;
	s7 =	simm.s32 @!p0 $0x108  }
0x21: {  	s3 =	sadd.s32 s3, s9;
	s6 =	sadd.s32 @!p0 $0x88, s6;
	s7 =	simm.s32 @p2 $0x1082  }
0x22: {  	[simem:s7], [sflag:s8] =	dma.local @!p0 [hbm:s6], $0xF7A  }
0x23: {  	s9 =	sor.u32 $0xD0000000, s2;
	s6 =	simm.s32 $0x108;
	_ =	swait.ge @!p0 [sflag:s8], $0x0  }
0x24: {  	s3 =	sadd.s32 $0x88, s3;
	s6 =	simm.s32 @!p1 $0x1082;
	[sflag:s4] =	ssyncset.s32 $0xFFFFF086  }
0x25: {  	[simem:s6], [sflag:s4] =	dma.local [hbm:s3], $0xF7A  }
0x26: {  	[smem:$0x3F96] =	sst s1;
	(tag) =	ssettag s2;
	_ =	strace s9  }
0x27: {  	s1 =	sld [smem:$0x3FA6]  }
0x28: {  	s2 =	sld [smem:$0x3FA7]  }
0x29: {  	s4 =	sld [smem:$0x3FA9]  }
0x2a: {  	p0 =	seq.s32 s5, $0x0;
	s5 =	sld [smem:$0x3FAA]  }
0x2b: {  	s6 =	sld [smem:$0x3FAB]  }
0x2c: {  	s7 =	sld [smem:$0x3FAC]  }
0x2d: {  	s3 =	simm.s32 $0x108;
	s8 =	sld [smem:$0x3FAD]  }
0x2e: {  	s3 =	simm.s32 @!p0 $0x1082;
	s9 =	sld [smem:$0x3FAE]  }
0x2f: {  	lr =	sadd.s32 s0, s3;
	s0 =	sld [smem:$0x3FA5]  }
0x30: {  	s3 =	sld [smem:$0x3FA8]  }
0x31: {  	[smem:$0x3FB1] =	sst s10  }
0x32: {  	s10 =	sld [smem:$0x3FAF];
	_ =	sdelay $0x3  }
0x33: {  	p0 =	seq.s32 s10, $0x1;
	s10 =	sld [smem:$0x3FB1];
	_ =	sdelay $0x3  }
0x34: {  	[smem:$0x3FB1] =	sst s10  }
0x35: {  	s10 =	sld [smem:$0x3FB0];
	_ =	sdelay $0x3  }
0x36: {  	p1 =	seq.s32 s10, $0x1;
	s10 =	sld [smem:$0x3FB1];
	_ =	sdelay $0x3  }
0x37: {  	[smem:$0x3FB1] =	sst s10  }
0x38: {  	s10 =	sld [smem:$0x3FB2]  }
0x39: {  	_ = 	snop;
	(pc) =	sbr.ind lr, $3  }
0x3a: {  	_ = 	snop  }
0x3b: {  	_ = 	snop  }
0x3c: {  	p2 =	seq.s32 s10, $0x1;
	s10 =	sld [smem:$0x3FB1]  }
0x3d: {  	_ =	shalt  }
0x3e: {  	_ =	shalt  }
0x3f: {  	_ =	shalt  }
0x40: {  	_ =	shalt  }
0x41: {  	_ =	shalt  }
0x42: {  	_ =	shalt  }
0x43: {  	_ =	shalt  }
0x44: {  	_ =	shalt  }
0x45: {  	_ =	shalt  }
0x46: {  	_ =	shalt  }
0x47: {  	_ =	shalt  }
0x48: {  	_ =	shalt  }
0x49: {  	_ =	shalt  }
0x4a: {  	_ =	shalt  }
0x4b: {  	_ =	shalt  }
0x4c: {  	_ =	shalt  }
0x4d: {  	_ =	shalt  }
0x4e: {  	_ =	shalt  }
0x4f: {  	_ =	shalt  }
0x50: {  	_ =	shalt  }
0x51: {  	_ =	shalt  }
0x52: {  	_ =	shalt  }
0x53: {  	_ =	shalt  }
0x54: {  	_ =	shalt  }
0x55: {  	_ =	shalt  }
0x56: {  	_ =	shalt  }
0x57: {  	_ =	shalt  }
0x58: {  	_ =	shalt  }
0x59: {  	_ =	shalt  }
0x5a: {  	_ =	shalt  }
0x5b: {  	_ =	shalt  }
0x5c: {  	_ =	shalt  }
0x5d: {  	_ =	shalt  }
0x5e: {  	_ =	shalt  }
0x5f: {  	_ =	shalt  }
0x60: {  	_ =	shalt  }
0x61: {  	_ =	shalt  }
0x62: {  	_ =	shalt  }
0x63: {  	_ =	shalt  }
0x64: {  	_ =	shalt  }
0x65: {  	_ =	shalt  }
0x66: {  	_ =	shalt  }
0x67: {  	_ =	shalt  }
0x68: {  	_ =	shalt  }
0x69: {  	_ =	shalt  }
0x6a: {  	_ =	shalt  }
0x6b: {  	_ =	shalt  }
0x6c: {  	_ =	shalt  }
0x6d: {  	_ =	shalt  }
0x6e: {  	_ =	shalt  }
0x6f: {  	_ =	shalt  }
0x70: {  	_ =	shalt  }
0x71: {  	_ =	shalt  }
0x72: {  	_ =	shalt  }
0x73: {  	_ =	shalt  }
0x74: {  	_ =	shalt  }
0x75: {  	_ =	shalt  }
0x76: {  	_ =	shalt  }
0x77: {  	_ =	shalt  }
0x78: {  	_ =	shalt  }
0x79: {  	_ =	shalt  }
0x7a: {  	_ =	shalt  }
0x7b: {  	_ =	shalt  }
0x7c: {  	_ =	shalt  }
0x7d: {  	_ =	shalt  }
0x7e: {  	_ =	shalt  }
0x7f: {  	_ =	shalt  }
0x80: {  	_ =	shalt  }
0x81: {  	_ =	shalt  }
0x82: {  	_ =	shalt  }
0x83: {  	_ =	shalt  }
0x84: {  	_ =	shalt  }
0x85: {  	_ =	shalt  }
0x86: {  	_ =	shalt  }
0x87: {  	_ =	shalt  }
.Lfunc_end0:
.L_simem_size_0:
called_computation_lowered:
.L_overlay_start_0:
0x88: {  	s2 =	sld [smem:$0x3FD9]  }
0x89: {  	s3 =	sld [smem:$0x3FFE];
	_ =	sdelay $0x1  }
0x8a: {  	s1 =	srdreg.scid  }
0x8b: {  	s0 =	sand.u32 $0x1, s1  }
0x8c: {  	s16 =	sshll.u32 s0, $0xA;
	s2 =	sadd.s32 s3, s2  }
0x8d: {  	s2 =	sadd.s32 s2, s16  }
0x8e: {  	[smem:$0x3FBD] =	sst s2  }
0x8f: {  	_ = 	snop  }
0x90: {  	(tm) =	ssettm $0x1  }
0x91: {  	s17 =	sld [smem:$0x3FFB];
	_ =	sdelay $0x3  }
0x92: {  	_ =	strace s17  }
0x93: {  	s2 =	sld [smem:$0x3FFC];
	_ =	sdelay $0x3  }
0x94: {  	_ =	strace s2  }
0x95: {  	s2 =	sld [smem:$0x3FFD];
	_ =	sdelay $0x3  }
0x96: {  	_ =	strace s2  }
0x97: {  	_ =	strace $0x8FFFFFFF  }
0x98: {  	s18 =	sld [smem:$0x3FDB];
	_ =	sdelay $0x1  }
0x99: {  	s19 =	simm.s32 $_scs_section_size  }
0x9a: {  	s4 =	simm.s32 $_size__tile_overlayer_lowered;
	s5 =	simm.s32 $_tile_overlayer_lowered  }
0x9b: {  	s22 =	simm.s32 $0x1BFF;
	s21 =	sshll.u32 s5, $0x1;
	s2 =	sadd.s32 s19, s18  }
0x9c: {  	s6 =	simm.s32 $0x0;
	s20 =	sshll.u32 s4, $0x1;
	s4 =	sadd.s32 s21, s2  }
0x9d: {  	[timem:s6], [sflag:s22] =	dma.local [hbm:s4], s20  }
0x9e: {  	_ =	swait.ge [sflag:s22], s20  }
0x9f: {  	s3 =	ssub.s32 $0x0, s20;
	[sflag:s22] =	ssyncset.done $0x0  }
0xa0: {  	[sflag:s22] =	ssyncadd.s32 s3;
	_ =	sdelay $0x1  }
0xa1: {  	s23 =	simm.s32 $0x1B8B  }
0xa2: {  	_ =	swait.ge [sflag:s23], $0x1  }
0xa3: {  	[sflag:s23] =	ssyncset.done $0x0  }
0xa4: {  	s25 =	simm.s32 $0x1B8E;
	s24 =	sld [smem:$0x3FFE];
	[sflag:s23] =	ssyncadd.s32 $0xFFFFFFFF  }
0xa5: {  	s26 =	simm.s32 $execute0_lowered;
	[smem:$0x3FD2] =	sst s25  }
0xa6: {  	s4 =	sshll.u32 s26, $0x1;
	_ =	strace $0x80000046;
	[dreg:$0x1] =	wrdreg $0xFFFFFFFF  }
0xa7: {  	s28 =	simm.s32 $_size_execute0_lowered;
	s2 =	sadd.s32 s2, s4;
	[dreg:$0x0] =	wrdreg $0x0  }
0xa8: {  	s4 =	sshll.u32 s28, $0x1;
	[dreg:$0x2] =	wrdreg s2  }
0xa9: {  	[dreg:$0x3] =	wrdreg s4  }
0xaa: {  	[dreg:$0x4] =	wrdreg $0xC0  }
0xab: {  	_ =	task [dreg:s6], $0x5FFFF  }
0xac: {  	[dreg:$0x1] =	wrdreg $0xFFFFFFFF  }
0xad: {  	[dreg:$0x0] =	wrdreg $0x60  }
0xae: {  	[dreg:$0x2] =	wrdreg s24  }
0xaf: {  	[dreg:$0x3] =	wrdreg $0x68000  }
0xb0: {  	[dreg:$0x4] =	wrdreg $0x9  }
0xb1: {  	_ =	task.clear_ibuf [dreg:s6], $0x5FFFF;
	_ =	strace $0x90000046  }
0xb2: {  	s29 =	simm.s32 $0x9;
	_ =	strace $0x80000048  }
0xb3: {  	_ =	swait.ge [sflag:s29], $0x1  }
0xb4: {  	[sflag:s29] =	ssyncadd.s32 $0xFFFFFFFF  }
0xb5: {  	_ =	strace $0x90000048  }
0xb6: {  	_ =	sfence  }
0xb7: {  	s30 =	sld [smem:$0x0];
	_ =	sdelay $0x2  }
0xb8: {  	s31 =	sshll.u32 s1, $0xD;
	s1 =	sshrl.u32 s1, $0x2  }
0xb9: {  	s3 =	sand.u32 $0x4000, s31;
	s1 =	sadd.s32 s1, s30  }
0xba: {  	s0 =	sor.u32 s3, s0;
	s1 =	sshll.u32 s1, $0x11  }
0xbb: {  	s0 =	sor.u32 s1, s0  }
0xbc: {  	s0 =	sadd.s32 $0x8F2B, s0  }
0xbd: {  	[sflag:s0] =	ssyncadd.remote.s32 $0x1  }
0xbe: {  	_ =	sfence.sel $0xFFFF  }
0xbf: {  	[dreg:$0x0] =	wrdreg $0xFFFFFFFF;
	(pc) =	sbr.abs _section_cstart, $3  }
0xc0: {  	[dreg:$0x1] =	wrdreg $0xFFFFFFFF  }
0xc1: {  	_ =	task.clear_ibuf [dreg:s6], $0x2FFFF;
	_ =	strace $0x9FFFFFFF  }
0xc2: {  	(tm) =	ssettm $0x7FFFFFFF  }
0xc3: {  	_ =	shalt  }
tec
execute0_lowered:
.L_overlay_start_1:
0x0: {  	(tag) =	ssettag $0x1  }
0x1: {  	s1 =	srdreg.scid;
	s5 =	rddreg [dreg:$0x0]  }
0x2: {  	s0 =	stileid.u32;
	s2 =	rddreg [dreg:$0x1]  }
0x3: {  	s3 =	simm.s32 $0x0;
	s13 =	simm.s32 $0x4000;
	s14 =	simm.s32 $0x80  }
0x4: {  	s15 =	simm.s32 $0x4080;
	s16 =	simm.s32 $0x1;
	s17 =	simm.s32 $0x2  }
0x5: {  	s20 =	simm.s32 $0x0;
	s4 =	sand.u32 $0x1, s1;
	s7 =	smul.u32 $0x2800, s0  }
0x6: {  	s26 =	sshll.u32 s0, $0x1;
	[smem:$0x7FF] =	sst s3;
	s9 =	smul.u32 $0x50000, s0  }
0x7: {  	s18 =	sshll.u32 s0, $0x6;
	s1 =	sor.u32 s4, s26;
	s8 =	smul.u32 $0x28000, s4  }
0x8: {  	s29 =	ssub.s32 $0x2, s4;
	s18 =	sor.u32 $0x1C03, s18;
	s6 =	smul.u32 $0x500, s1  }
0x9: {  	s1 =	rddreg [dreg:$0x2];
	_ =	strace $0x80000047;
	s30 =	sshrl.u32 s9, $0x2  }
0xa: {  	s31 =	sshrl.u32 s29, $0x1;
	s28 =	sadd.s32 s7, s8;
	s4 =	sadd.s32 s30, s2  }
0xb: {  	s12 =	ssub.s32 s29, s31;
	s10 =	sadd.s32 s6, s5;
	s11 =	sadd.s32 s28, s5  }
0xc: {  	s5 =	sadd.s32 $0x4000, s4;
	s6 =	sadd.s32 $0x8000, s4;
	s7 =	sadd.s32 $0xC000, s4  }
0xd: {  	s8 =	sadd.s32 $0x10000, s4;
	s19 =	sshrl.u32 s4, $0x3;
	s9 =	sadd.s32 $0xE600, s10  }
0xe: {  	v0 =	vimm.f32 $0.0e+00;
	v1 =	vimm.f32 $1.000000000e+00;
	s10 =	sadd.s32 $0x18600, s11;
	s11 =	smax.u32 s12, $0x1;
	s12 =	simm.s32 $0x3  }
.LBB2_1:
0xf: {  	s21 =	simm.s32 $0x0;
	s22 =	simm.s32 $0x200  }
.LBB2_2:
0x10: {  	p0 =	sne.s32 s22, $0xFE00;
	[tilespmem:s21+$0x70] =	vst v0  }
0x11: {  	[tilespmem:s21+$0x0] =	vst v0  }
0x12: {  	[tilespmem:s21+$0x10] =	vst v0  }
.Ltmp0:
0x13: {  	[tilespmem:s21+$0x20] =	vst v0;
	(pc) =	sbr.rel @p0 .LBB2_2-.Ltmp0, $4  }
0x14: {  	[tilespmem:s21+$0x30] =	vst v0  }
0x15: {  	[tilespmem:s21+$0x40] =	vst v0  }
0x16: {  	[tilespmem:s21+$0x50] =	vst v0  }
0x17: {  	[tilespmem:s21+$0x60] =	vst v0;
	s21 =	sshra.s32 s22, $0x2;
	s22 =	sadd.s32 $0x200, s22  }
0x18: {  	[tilespmem:s21+$0x70] =	vst v0  }
0x19: {  	[tilespmem:s21+$0x0] =	vst v0  }
0x1a: {  	[tilespmem:s21+$0x10] =	vst v0  }
0x1b: {  	[tilespmem:s21+$0x20] =	vst v0  }
0x1c: {  	[tilespmem:s21+$0x30] =	vst v0  }
0x1d: {  	[tilespmem:s21+$0x40] =	vst v0  }
0x1e: {  	[tilespmem:s21+$0x50] =	vst v0  }
0x1f: {  	[tilespmem:s21+$0x60] =	vst v0;
	s31 =	simm.s32 $0x0  }
0x20: {  	[spmem:s4] =	stream.linear.scatter [tilespmem:s31], [sflag:$0x3], $0x4000, $0x38;
	[tilespmem:$0x1A800] =	vst v63  }
0x21: {  	_ =	swait.ge [sflag:s12], $0x4000  }
0x22: {  	[sflag:s12] =	ssyncset.done $0x0  }
0x23: {  	[sflag:s12] =	ssyncadd.s32 $0xFFFFC000  }
0x24: {  	[spmem:s5] =	stream.linear.scatter [tilespmem:s31], [sflag:$0x3], $0x4000, $0x38;
	[tilespmem:$0x1A800] =	vst v63  }
0x25: {  	_ =	swait.ge [sflag:s12], $0x4000  }
0x26: {  	[sflag:s12] =	ssyncset.done $0x0  }
0x27: {  	[sflag:s12] =	ssyncadd.s32 $0xFFFFC000  }
0x28: {  	[spmem:s6] =	stream.linear.scatter [tilespmem:s31], [sflag:$0x3], $0x4000, $0x38;
	[tilespmem:$0x1A800] =	vst v63  }
0x29: {  	_ =	swait.ge [sflag:s12], $0x4000  }
0x2a: {  	[sflag:s12] =	ssyncset.done $0x0  }
0x2b: {  	[sflag:s12] =	ssyncadd.s32 $0xFFFFC000  }
0x2c: {  	[spmem:s7] =	stream.linear.scatter [tilespmem:s31], [sflag:$0x3], $0x4000, $0x38;
	[tilespmem:$0x1A800] =	vst v63  }
0x2d: {  	_ =	swait.ge [sflag:s12], $0x4000  }
0x2e: {  	[sflag:s12] =	ssyncset.done $0x0  }
0x2f: {  	[sflag:s12] =	ssyncadd.s32 $0xFFFFC000  }
0x30: {  	[spmem:s8] =	stream.linear.scatter [tilespmem:s31], [sflag:$0x3], $0x4000, $0x38;
	[tilespmem:$0x1A800] =	vst v63  }
0x31: {  	_ =	swait.ge [sflag:s12], $0x4000  }
0x32: {  	[sflag:s12] =	ssyncset.done $0x0  }
0x33: {  	s21 =	simm.s32 $0x0;
	s22 =	simm.s32 $0x200;
	[sflag:s12] =	ssyncadd.s32 $0xFFFFC000  }
.LBB2_4:
0x34: {  	p0 =	sne.s32 s22, $0xFE00;
	[tilespmem:s21+$0x70] =	vst v1  }
0x35: {  	[tilespmem:s21+$0x0] =	vst v1  }
0x36: {  	[tilespmem:s21+$0x10] =	vst v1  }
.Ltmp1:
0x37: {  	[tilespmem:s21+$0x20] =	vst v1;
	(pc) =	sbr.rel @p0 .LBB2_4-.Ltmp1, $4  }
0x38: {  	[tilespmem:s21+$0x30] =	vst v1  }
0x39: {  	[tilespmem:s21+$0x40] =	vst v1  }
0x3a: {  	[tilespmem:s21+$0x50] =	vst v1  }
0x3b: {  	[tilespmem:s21+$0x60] =	vst v1;
	s21 =	sshra.s32 s22, $0x2;
	s22 =	sadd.s32 $0x200, s22  }
0x3c: {  	[tilespmem:s21+$0x70] =	vst v1  }
0x3d: {  	[tilespmem:s21+$0x0] =	vst v1  }
0x3e: {  	[tilespmem:s21+$0x10] =	vst v1  }
0x3f: {  	[tilespmem:s21+$0x20] =	vst v1  }
0x40: {  	[tilespmem:s21+$0x30] =	vst v1  }
0x41: {  	[tilespmem:s21+$0x40] =	vst v1  }
0x42: {  	[tilespmem:s21+$0x50] =	vst v1  }
0x43: {  	[tilespmem:s21+$0x60] =	vst v1  }
0x44: {  	[tilespmem:s13], [sflag:$0x3] =	stream.linear.gather [hbm4b:s9+s3], $0x2800, $0x38;
	[tilespmem:$0x1A800] =	vst v63  }
0x45: {  	_ =	swait.ge [sflag:s12], $0x2800  }
0x46: {  	[sflag:s12] =	ssyncset.done $0x0  }
0x47: {  	[sflag:s12] =	ssyncadd.s32 $0xFFFFD800  }
0x48: {  	[bflag:$0x0] =	sbarrier.arrive $0xFFFF  }
0x49: {  	[spmem:s2] =	stream.indirect.scatter.add.f32 [tilespmem:s3], [sflag:$0x1], $0x80, s13, s14, $0xb8;
	[tilespmem:$0x1A800] =	vst v63  }
0x4a: {  	_ = 	snop  }
0x4b: {  	[spmem:s2] =	stream.indirect.scatter.add.f32 [tilespmem:s3], [sflag:$0x2], $0x80, s15, s14, $0xb8;
	[tilespmem:$0x1A800] =	vst v63  }
0x4c: {  	_ =	swait.ge [sflag:s16], $0x4000  }
0x4d: {  	[sflag:s16] =	ssyncset.done $0x0  }
0x4e: {  	s31 =	simm.s32 $0x4100;
	[sflag:s16] =	ssyncadd.s32 $0xFFFFC000  }
0x4f: {  	[spmem:s2] =	stream.indirect.scatter.add.f32 [tilespmem:s3], [sflag:$0x1], $0x80, s31, s14, $0xb8;
	[tilespmem:$0x1A800] =	vst v63  }
0x50: {  	_ =	swait.ge [sflag:s17], $0x4000  }
0x51: {  	[sflag:s17] =	ssyncset.done $0x0  }
0x52: {  	s21 =	simm.s32 $0xFFFF6800;
	s22 =	simm.s32 $0x4180;
	[sflag:s17] =	ssyncadd.s32 $0xFFFFC000  }
.LBB2_6:
0x53: {  	[spmem:s2] =	stream.indirect.scatter.add.f32 [tilespmem:s3], [sflag:$0x2], $0x80, s22, s14, $0xb8;
	[tilespmem:$0x1A800] =	vst v63  }
0x54: {  	s22 =	smov.u32 s21  }
0x55: {  	p0 =	sne.s32 s21, $0xFFFFFC00;
	s21 =	sadd.s32 $0x400, s21;
	_ =	swait.ge [sflag:s16], $0x4000  }
0x56: {  	s22 =	sshra.s32 s22, $0x2;
	[sflag:s16] =	ssyncset.done $0x0  }
.Ltmp2:
0x57: {  	s23 =	sadd.s32 $0x6800, s22;
	[sflag:s16] =	ssyncadd.s32 $0xFFFFC000;
	(pc) =	sbr.rel @p0 .LBB2_6-.Ltmp2, $4  }
0x58: {  	[spmem:s2] =	stream.indirect.scatter.add.f32 [tilespmem:s3], [sflag:$0x1], $0x80, s23, s14, $0xb8;
	[tilespmem:$0x1A800] =	vst v63  }
0x59: {  	_ =	swait.ge [sflag:s17], $0x4000  }
0x5a: {  	[sflag:s17] =	ssyncset.done $0x0  }
0x5b: {  	s22 =	sadd.s32 $0x6880, s22;
	[sflag:s17] =	ssyncadd.s32 $0xFFFFC000  }
0x5c: {  	[spmem:s2] =	stream.indirect.scatter.add.f32 [tilespmem:s3], [sflag:$0x2], $0x80, s22, s14, $0xb8;
	[tilespmem:$0x1A800] =	vst v63  }
0x5d: {  	_ =	swait.ge [sflag:s16], $0x4000  }
0x5e: {  	[sflag:s16] =	ssyncset.done $0x0  }
0x5f: {  	[sflag:s16] =	ssyncadd.s32 $0xFFFFC000  }
0x60: {  	_ =	swait.ge [sflag:s17], $0x4000  }
0x61: {  	s20 =	sadd.s32 $0x1, s20;
	[sflag:s17] =	ssyncset.done $0x0  }
0x62: {  	p0 =	sne.s32 s20, s11;
	[sflag:s17] =	ssyncadd.s32 $0xFFFFC000  }
.Ltmp3:
0x63: {  	[bflag:$0x0] =	sbarrier.arrive $0xFFFF;
	(pc) =	sbr.rel @p0 .LBB2_1-.Ltmp3, $4  }
0x64: {  	[hbm:s10], [sflag:s18] =	dma.local [spmem:s19], $0x2800  }
0x65: {  	_ =	swait.ge [sflag:s12], $0x2800  }
0x66: {  	[sflag:s12] =	ssyncset.done $0x0  }
0x67: {  	[sflag:s12] =	ssyncadd.s32 $0xFFFFD800  }
0x68: {  	_ =	sfence.sel $0x180000  }
0x69: {  	[bflag:$0x0] =	sbarrier.arrive $0xFFFF  }
0x6a: {  	p0 =	sne.s32 s0, $0x0;
	_ =	strace $0x90000047  }
0x6b: {  	s0 =	sadd.s32 @!p0 $0x100000, s1;
	[bflag:$0x2] =	sbarrier.arrive $0xFFFF  }
0x6c: {  	[sflag:s0] =	ssyncadd.tile.s32 @!p0 $0x1;
	_ =	shalt  }
.Lfunc_end2:
_tile_overlayer_lowered:
.L_overlay_start_2:
0x6d: {  	(tag) =	ssettag $0x2  }
0x6e: {  	s0 =	rddreg [dreg:$0x0];
	s2 =	stileid.u32  }
0x6f: {  	s1 =	rddreg [dreg:$0x1];
	p0 =	sne.s32 s2, $0x0  }
0x70: {  	s3 =	rddreg [dreg:$0x2];
	[bflag:$0x3] =	sbarrier.arrive $0xFFFF;
	s2 =	simm.s32 @!p0 $0x1C03  }
0x71: {  	[timem:s3], [sflag:s2] =	dma.local @!p0 [hbm:s0], s1  }
0x72: {  	s0 =	simm.s32 @!p0 $0x3  }
0x73: {  	_ =	swait.ge @!p0 [sflag:s0], s1  }
0x74: {  	s1 =	ssub.s32 @!p0 $0x0, s1;
	[sflag:s0] =	ssyncset.done @!p0 $0x0  }
0x75: {  	[sflag:s0] =	ssyncadd.s32 @!p0 s1  }
0x76: {  	[bflag:$0x3] =	sbarrier.arrive $0xFFFF  }
0x77: {  	_ =	shalt  }

// kernel: kernel.15.cloned.1.call-start
scs
__scs_entry_jumppad:
0x0: {  	(pc) =	sbr.rel $0x88, $3  }
0x1: {  	(tag) =	ssettag $0x0;
	lr =	simm.s32 $0x1  }
0x2: {  	[smem:$0x3F96] =	sst lr;
	_ =	strace $0xD0000000  }
0x3: {  	_ = 	snop  }
0x4: {  	_ = 	snop  }
0x5: {  	_ = 	snop  }
0x6: {  	_ = 	snop  }
0x7: {  	_ = 	snop  }
__scs_overlays_trampoline_lowered:
0x8: {  	[smem:$0x3FA5] =	sst s0  }
0x9: {  	[smem:$0x3FA6] =	sst s1  }
0xa: {  	[smem:$0x3FA7] =	sst s2  }
0xb: {  	[smem:$0x3FA8] =	sst s3  }
0xc: {  	[smem:$0x3FA9] =	sst s4  }
0xd: {  	[smem:$0x3FAA] =	sst s5  }
0xe: {  	[smem:$0x3FAB] =	sst s6  }
0xf: {  	[smem:$0x3FAC] =	sst s7  }
0x10: {  	[smem:$0x3FAD] =	sst s8  }
0x11: {  	[smem:$0x3FAE] =	sst s9;
	s0 =	simm.s32 @!p0 $0x0  }
0x12: {  	s1 =	sld [smem:$0x3F94];
	s0 =	simm.s32 @p0 $0x1  }
0x13: {  	[smem:$0x3FAF] =	sst s0;
	s0 =	simm.s32 @!p1 $0x0  }
0x14: {  	s2 =	sld [smem:$0x3F93];
	s0 =	simm.s32 @p1 $0x1  }
0x15: {  	[smem:$0x3FB0] =	sst s0;
	s0 =	simm.s32 @!p2 $0x0  }
0x16: {  	s3 =	sld [smem:$0x3FDB];
	s0 =	simm.s32 @p2 $0x1  }
0x17: {  	s4 =	simm.s32 $0x1BF5;
	[smem:$0x3FB2] =	sst s0  }
0x18: {  	s0 =	sld [smem:$0x3F95];
	_ =	swait.ge [sflag:s4], $0x0  }
0x19: {  	s7 =	sld [smem:$0x3F96]  }
0x1a: {  	s8 =	sadd.s32 $0xFFFFE003, lr  }
0x1b: {  	s9 =	sadd.s32 $0xFFFFFEF7, lr;
	s5 =	simm.s32 $0xFFFFFFFF;
	p2 =	slt.u32 s8, $0xFFFFF086  }
0x1c: {  	p1 =	slt.u32 s9, $0xF7A;
	s5 =	simm.s32 @!p2 $0x0  }
0x1d: {  	s5 =	simm.s32 @p1 $0x1;
	p0 =	seq.s32 s7, s2  }
0x1e: {  	s7 =	smul.u32 @!p0 $0xF7A, s2;
	p2 =	seq.s32 @!p0 s5, $0x0  }
0x1f: {  	s9 =	smul.u32 $0xF7A, s1;
	s8 =	simm.s32 @!p0 $0x1BF5;
	p2 =	por !p2, p0  }
0x20: {  	[sflag:s8] =	ssyncset.s32 @!p0 $0xFFFFF086;
	s6 =	sadd.s32 @!p0 s3, s7;
	s7 =	simm.s32 @!p0 $0x108  }
0x21: {  	s3 =	sadd.s32 s3, s9;
	s6 =	sadd.s32 @!p0 $0x88, s6;
	s7 =	simm.s32 @p2 $0x1082  }
0x22: {  	[simem:s7], [sflag:s8] =	dma.local @!p0 [hbm:s6], $0xF7A  }
0x23: {  	s9 =	sor.u32 $0xD0000000, s2;
	s6 =	simm.s32 $0x108;
	_ =	swait.ge @!p0 [sflag:s8], $0x0  }
0x24: {  	s3 =	sadd.s32 $0x88, s3;
	s6 =	simm.s32 @!p1 $0x1082;
	[sflag:s4] =	ssyncset.s32 $0xFFFFF086  }
0x25: {  	[simem:s6], [sflag:s4] =	dma.local [hbm:s3], $0xF7A  }
0x26: {  	[smem:$0x3F96] =	sst s1;
	(tag) =	ssettag s2;
	_ =	strace s9  }
0x27: {  	s1 =	sld [smem:$0x3FA6]  }
0x28: {  	s2 =	sld [smem:$0x3FA7]  }
0x29: {  	s4 =	sld [smem:$0x3FA9]  }
0x2a: {  	p0 =	seq.s32 s5, $0x0;
	s5 =	sld [smem:$0x3FAA]  }
0x2b: {  	s6 =	sld [smem:$0x3FAB]  }
0x2c: {  	s7 =	sld [smem:$0x3FAC]  }
0x2d: {  	s3 =	simm.s32 $0x108;
	s8 =	sld [smem:$0x3FAD]  }
0x2e: {  	s3 =	simm.s32 @!p0 $0x1082;
	s9 =	sld [smem:$0x3FAE]  }
0x2f: {  	lr =	sadd.s32 s0, s3;
	s0 =	sld [smem:$0x3FA5]  }
0x30: {  	s3 =	sld [smem:$0x3FA8]  }
0x31: {  	[smem:$0x3FB1] =	sst s10  }
0x32: {  	s10 =	sld [smem:$0x3FAF];
	_ =	sdelay $0x3  }
0x33: {  	p0 =	seq.s32 s10, $0x1;
	s10 =	sld [smem:$0x3FB1];
	_ =	sdelay $0x3  }
0x34: {  	[smem:$0x3FB1] =	sst s10  }
0x35: {  	s10 =	sld [smem:$0x3FB0];
	_ =	sdelay $0x3  }
0x36: {  	p1 =	seq.s32 s10, $0x1;
	s10 =	sld [smem:$0x3FB1];
	_ =	sdelay $0x3  }
0x37: {  	[smem:$0x3FB1] =	sst s10  }
0x38: {  	s10 =	sld [smem:$0x3FB2]  }
0x39: {  	_ = 	snop;
	(pc) =	sbr.ind lr, $3  }
0x3a: {  	_ = 	snop  }
0x3b: {  	_ = 	snop  }
0x3c: {  	p2 =	seq.s32 s10, $0x1;
	s10 =	sld [smem:$0x3FB1]  }
0x3d: {  	_ =	shalt  }
0x3e: {  	_ =	shalt  }
0x3f: {  	_ =	shalt  }
0x40: {  	_ =	shalt  }
0x41: {  	_ =	shalt  }
0x42: {  	_ =	shalt  }
0x43: {  	_ =	shalt  }
0x44: {  	_ =	shalt  }
0x45: {  	_ =	shalt  }
0x46: {  	_ =	shalt  }
0x47: {  	_ =	shalt  }
0x48: {  	_ =	shalt  }
0x49: {  	_ =	shalt  }
0x4a: {  	_ =	shalt  }
0x4b: {  	_ =	shalt  }
0x4c: {  	_ =	shalt  }
0x4d: {  	_ =	shalt  }
0x4e: {  	_ =	shalt  }
0x4f: {  	_ =	shalt  }
0x50: {  	_ =	shalt  }
0x51: {  	_ =	shalt  }
0x52: {  	_ =	shalt  }
0x53: {  	_ =	shalt  }
0x54: {  	_ =	shalt  }
0x55: {  	_ =	shalt  }
0x56: {  	_ =	shalt  }
0x57: {  	_ =	shalt  }
0x58: {  	_ =	shalt  }
0x59: {  	_ =	shalt  }
0x5a: {  	_ =	shalt  }
0x5b: {  	_ =	shalt  }
0x5c: {  	_ =	shalt  }
0x5d: {  	_ =	shalt  }
0x5e: {  	_ =	shalt  }
0x5f: {  	_ =	shalt  }
0x60: {  	_ =	shalt  }
0x61: {  	_ =	shalt  }
0x62: {  	_ =	shalt  }
0x63: {  	_ =	shalt  }
0x64: {  	_ =	shalt  }
0x65: {  	_ =	shalt  }
0x66: {  	_ =	shalt  }
0x67: {  	_ =	shalt  }
0x68: {  	_ =	shalt  }
0x69: {  	_ =	shalt  }
0x6a: {  	_ =	shalt  }
0x6b: {  	_ =	shalt  }
0x6c: {  	_ =	shalt  }
0x6d: {  	_ =	shalt  }
0x6e: {  	_ =	shalt  }
0x6f: {  	_ =	shalt  }
0x70: {  	_ =	shalt  }
0x71: {  	_ =	shalt  }
0x72: {  	_ =	shalt  }
0x73: {  	_ =	shalt  }
0x74: {  	_ =	shalt  }
0x75: {  	_ =	shalt  }
0x76: {  	_ =	shalt  }
0x77: {  	_ =	shalt  }
0x78: {  	_ =	shalt  }
0x79: {  	_ =	shalt  }
0x7a: {  	_ =	shalt  }
0x7b: {  	_ =	shalt  }
0x7c: {  	_ =	shalt  }
0x7d: {  	_ =	shalt  }
0x7e: {  	_ =	shalt  }
0x7f: {  	_ =	shalt  }
0x80: {  	_ =	shalt  }
0x81: {  	_ =	shalt  }
0x82: {  	_ =	shalt  }
0x83: {  	_ =	shalt  }
0x84: {  	_ =	shalt  }
0x85: {  	_ =	shalt  }
0x86: {  	_ =	shalt  }
0x87: {  	_ =	shalt  }
.Lfunc_end0:
.L_simem_size_0:
called_computation.1_lowered:
.L_overlay_start_0:
0x88: {  	s2 =	sld [smem:$0x3FD9]  }
0x89: {  	s3 =	sld [smem:$0x3FFE];
	_ =	sdelay $0x1  }
0x8a: {  	s1 =	srdreg.scid  }
0x8b: {  	s0 =	sand.u32 $0x1, s1  }
0x8c: {  	s16 =	sshll.u32 s0, $0xA;
	s2 =	sadd.s32 s3, s2  }
0x8d: {  	s2 =	sadd.s32 s2, s16  }
0x8e: {  	[smem:$0x3FBD] =	sst s2  }
0x8f: {  	_ = 	snop  }
0x90: {  	(tm) =	ssettm $0x1  }
0x91: {  	s17 =	sld [smem:$0x3FFB];
	_ =	sdelay $0x3  }
0x92: {  	_ =	strace s17  }
0x93: {  	s2 =	sld [smem:$0x3FFC];
	_ =	sdelay $0x3  }
0x94: {  	_ =	strace s2  }
0x95: {  	s2 =	sld [smem:$0x3FFD];
	_ =	sdelay $0x3  }
0x96: {  	_ =	strace s2  }
0x97: {  	_ =	strace $0x8FFFFFFF  }
0x98: {  	s18 =	sld [smem:$0x3FDB];
	_ =	sdelay $0x1  }
0x99: {  	s19 =	simm.s32 $_scs_section_size  }
0x9a: {  	s4 =	simm.s32 $_size__tile_overlayer_lowered;
	s5 =	simm.s32 $_tile_overlayer_lowered  }
0x9b: {  	s22 =	simm.s32 $0x1BFF;
	s21 =	sshll.u32 s5, $0x1;
	s2 =	sadd.s32 s19, s18  }
0x9c: {  	s6 =	simm.s32 $0x0;
	s20 =	sshll.u32 s4, $0x1;
	s4 =	sadd.s32 s21, s2  }
0x9d: {  	[timem:s6], [sflag:s22] =	dma.local [hbm:s4], s20  }
0x9e: {  	_ =	swait.ge [sflag:s22], s20  }
0x9f: {  	s3 =	ssub.s32 $0x0, s20;
	[sflag:s22] =	ssyncset.done $0x0  }
0xa0: {  	[sflag:s22] =	ssyncadd.s32 s3;
	_ =	sdelay $0x1  }
0xa1: {  	s23 =	simm.s32 $0x1B8B  }
0xa2: {  	_ =	swait.ge [sflag:s23], $0x1  }
0xa3: {  	[sflag:s23] =	ssyncset.done $0x0  }
0xa4: {  	s25 =	simm.s32 $0x1B8E;
	s24 =	sld [smem:$0x3FFE];
	[sflag:s23] =	ssyncadd.s32 $0xFFFFFFFF  }
0xa5: {  	s26 =	simm.s32 $execute0_lowered;
	[smem:$0x3FD2] =	sst s25  }
0xa6: {  	s4 =	sshll.u32 s26, $0x1;
	_ =	strace $0x80000049;
	[dreg:$0x1] =	wrdreg $0xFFFFFFFF  }
0xa7: {  	s28 =	simm.s32 $_size_execute0_lowered;
	s2 =	sadd.s32 s2, s4;
	[dreg:$0x0] =	wrdreg $0x0  }
0xa8: {  	s4 =	sshll.u32 s28, $0x1;
	[dreg:$0x2] =	wrdreg s2  }
0xa9: {  	[dreg:$0x3] =	wrdreg s4  }
0xaa: {  	[dreg:$0x4] =	wrdreg $0xC0  }
0xab: {  	_ =	task [dreg:s6], $0x5FFFF  }
0xac: {  	[dreg:$0x1] =	wrdreg $0xFFFFFFFF  }
0xad: {  	[dreg:$0x0] =	wrdreg $0x60  }
0xae: {  	[dreg:$0x2] =	wrdreg s24  }
0xaf: {  	[dreg:$0x3] =	wrdreg $0xA8000  }
0xb0: {  	[dreg:$0x4] =	wrdreg $0x9  }
0xb1: {  	_ =	task.clear_ibuf [dreg:s6], $0x5FFFF;
	_ =	strace $0x90000049  }
0xb2: {  	s29 =	simm.s32 $0x9;
	_ =	strace $0x8000004B  }
0xb3: {  	_ =	swait.ge [sflag:s29], $0x1  }
0xb4: {  	[sflag:s29] =	ssyncadd.s32 $0xFFFFFFFF  }
0xb5: {  	_ =	strace $0x9000004B  }
0xb6: {  	_ =	sfence  }
0xb7: {  	s30 =	sld [smem:$0x0];
	_ =	sdelay $0x2  }
0xb8: {  	s31 =	sshll.u32 s1, $0xD;
	s1 =	sshrl.u32 s1, $0x2  }
0xb9: {  	s3 =	sand.u32 $0x4000, s31;
	s1 =	sadd.s32 s1, s30  }
0xba: {  	s0 =	sor.u32 s3, s0;
	s1 =	sshll.u32 s1, $0x11  }
0xbb: {  	s0 =	sor.u32 s1, s0  }
0xbc: {  	s0 =	sadd.s32 $0x8F2B, s0  }
0xbd: {  	[sflag:s0] =	ssyncadd.remote.s32 $0x1  }
0xbe: {  	_ =	sfence.sel $0xFFFF  }
0xbf: {  	[dreg:$0x0] =	wrdreg $0xFFFFFFFF;
	(pc) =	sbr.abs _section_cstart, $3  }
0xc0: {  	[dreg:$0x1] =	wrdreg $0xFFFFFFFF  }
0xc1: {  	_ =	task.clear_ibuf [dreg:s6], $0x2FFFF;
	_ =	strace $0x9FFFFFFF  }
0xc2: {  	(tm) =	ssettm $0x7FFFFFFF  }
0xc3: {  	_ =	shalt  }
tec
execute0_lowered:
.L_overlay_start_1:
0x0: {  	(tag) =	ssettag $0x1  }
0x1: {  	s6 =	rddreg [dreg:$0x0]  }
0x2: {  	s2 =	rddreg [dreg:$0x1]  }
0x3: {  	s0 =	rddreg [dreg:$0x2];
	s3 =	simm.s32 $0x0;
	s4 =	srdreg.scid  }
0x4: {  	s1 =	stileid.u32;
	s18 =	simm.s32 $0x1400;
	s19 =	simm.s32 $0x80  }
0x5: {  	s20 =	simm.s32 $0x6800;
	s21 =	simm.s32 $0x1;
	s22 =	simm.s32 $0x2  }
0x6: {  	s23 =	simm.s32 $0x2700;
	s24 =	simm.s32 $0x2780;
	[smem:$0x7FF] =	sst s3  }
0x7: {  	s5 =	sand.u32 $0x1, s4;
	s7 =	smul.u32 $0x2800, s1;
	s4 =	sadd.s32 $0x18600, s6  }
0x8: {  	s12 =	sadd.s32 $0x4600, s6;
	s9 =	smul.u32 $0x50000, s1;
	s13 =	sadd.s32 $0xE600, s6  }
0x9: {  	s28 =	sshll.u32 s1, $0x1;
	s8 =	smul.u32 $0x28000, s5;
	s10 =	ssub.s32 $0x2, s5  }
0xa: {  	_ =	strace $0x8000004A;
	s29 =	sshrl.u32 s9, $0x2;
	s30 =	sshrl.u32 s10, $0x1  }
0xb: {  	s7 =	sadd.s32 s7, s8;
	s8 =	sor.u32 s5, s28;
	s5 =	sadd.s32 s29, s2  }
0xc: {  	s15 =	ssub.s32 s10, s30;
	s11 =	smul.u32 $0x2800, s8;
	s14 =	sadd.s32 s7, s6  }
0xd: {  	s6 =	sadd.s32 $0x4000, s5;
	s7 =	sadd.s32 $0x8000, s5;
	s16 =	smul.u32 $0x500, s8  }
0xe: {  	s8 =	sadd.s32 $0xC000, s5;
	s9 =	sadd.s32 $0x10000, s5;
	s15 =	smax.u32 s15, $0x1  }
0xf: {  	s14 =	sadd.s32 $0x40600, s14;
	s31 =	sshrl.u32 s11, $0x3;
	s10 =	sadd.s32 s12, s16  }
0x10: {  	s11 =	sadd.s32 s13, s16;
	s16 =	simm.s32 $0x2800;
	s17 =	sadd.s32 $0x280, s31  }
0x11: {  	v0 =	vimm.f32 $0.0e+00;
	s12 =	sadd.s32 s12, s17;
	s13 =	sadd.s32 s13, s17;
	s17 =	simm.s32 $0x3  }
.LBB2_1:
0x12: {  	s25 =	simm.s32 $0x0;
	s26 =	simm.s32 $0x200  }
.LBB2_2:
0x13: {  	p0 =	sne.s32 s26, $0xFE00;
	[tilespmem:s25+$0x2870] =	vst v0  }
0x14: {  	[tilespmem:s25+$0x2800] =	vst v0  }
0x15: {  	[tilespmem:s25+$0x2810] =	vst v0  }
.Ltmp0:
0x16: {  	[tilespmem:s25+$0x2820] =	vst v0;
	(pc) =	sbr.rel @p0 .LBB2_2-.Ltmp0, $4  }
0x17: {  	[tilespmem:s25+$0x2830] =	vst v0  }
0x18: {  	[tilespmem:s25+$0x2840] =	vst v0  }
0x19: {  	[tilespmem:s25+$0x2850] =	vst v0  }
0x1a: {  	[tilespmem:s25+$0x2860] =	vst v0;
	s25 =	sshra.s32 s26, $0x2;
	s26 =	sadd.s32 $0x200, s26  }
0x1b: {  	[tilespmem:s25+$0x2870] =	vst v0  }
0x1c: {  	[tilespmem:s25+$0x2800] =	vst v0  }
0x1d: {  	[tilespmem:s25+$0x2810] =	vst v0  }
0x1e: {  	[tilespmem:s25+$0x2820] =	vst v0  }
0x1f: {  	[tilespmem:s25+$0x2830] =	vst v0  }
0x20: {  	[tilespmem:s25+$0x2840] =	vst v0  }
0x21: {  	[tilespmem:s25+$0x2850] =	vst v0  }
0x22: {  	[tilespmem:s25+$0x2860] =	vst v0  }
0x23: {  	[spmem:s5] =	stream.linear.scatter [tilespmem:s16], [sflag:$0x3], $0x4000, $0x38;
	[tilespmem:$0x1E800] =	vst v63  }
0x24: {  	_ =	swait.ge [sflag:s17], $0x4000  }
0x25: {  	[sflag:s17] =	ssyncset.done $0x0  }
0x26: {  	[sflag:s17] =	ssyncadd.s32 $0xFFFFC000  }
0x27: {  	[spmem:s6] =	stream.linear.scatter [tilespmem:s16], [sflag:$0x3], $0x4000, $0x38;
	[tilespmem:$0x1E800] =	vst v63  }
0x28: {  	_ =	swait.ge [sflag:s17], $0x4000  }
0x29: {  	[sflag:s17] =	ssyncset.done $0x0  }
0x2a: {  	[sflag:s17] =	ssyncadd.s32 $0xFFFFC000  }
0x2b: {  	[spmem:s7] =	stream.linear.scatter [tilespmem:s16], [sflag:$0x3], $0x4000, $0x38;
	[tilespmem:$0x1E800] =	vst v63  }
0x2c: {  	_ =	swait.ge [sflag:s17], $0x4000  }
0x2d: {  	[sflag:s17] =	ssyncset.done $0x0  }
0x2e: {  	[sflag:s17] =	ssyncadd.s32 $0xFFFFC000  }
0x2f: {  	[spmem:s8] =	stream.linear.scatter [tilespmem:s16], [sflag:$0x3], $0x4000, $0x38;
	[tilespmem:$0x1E800] =	vst v63  }
0x30: {  	_ =	swait.ge [sflag:s17], $0x4000  }
0x31: {  	[sflag:s17] =	ssyncset.done $0x0  }
0x32: {  	[sflag:s17] =	ssyncadd.s32 $0xFFFFC000  }
0x33: {  	[spmem:s9] =	stream.linear.scatter [tilespmem:s16], [sflag:$0x3], $0x4000, $0x38;
	[tilespmem:$0x1E800] =	vst v63  }
0x34: {  	_ =	swait.ge [sflag:s17], $0x4000  }
0x35: {  	[sflag:s17] =	ssyncset.done $0x0  }
0x36: {  	[sflag:s17] =	ssyncadd.s32 $0xFFFFC000  }
0x37: {  	s28 =	simm.s32 $0x0;
	[bflag:$0x0] =	sbarrier.arrive $0xFFFF  }
0x38: {  	[tilespmem:s28], [sflag:$0x3] =	stream.linear.gather [hbm4b:s10+s28], $0x1400, $0x38;
	[tilespmem:$0x1E800] =	vst v63  }
0x39: {  	_ =	swait.ge [sflag:s17], $0x1400  }
0x3a: {  	[sflag:s17] =	ssyncset.done $0x0  }
0x3b: {  	[sflag:s17] =	ssyncadd.s32 $0xFFFFEC00  }
0x3c: {  	[tilespmem:s18], [sflag:$0x3] =	stream.linear.gather [hbm4b:s11+s28], $0x1400, $0x38;
	[tilespmem:$0x1E800] =	vst v63  }
0x3d: {  	_ =	swait.ge [sflag:s17], $0x1400  }
0x3e: {  	[sflag:s17] =	ssyncset.done $0x0  }
0x3f: {  	[sflag:s17] =	ssyncadd.s32 $0xFFFFEC00  }
0x40: {  	[tilespmem:s16], [sflag:$0x1] =	stream.indirect.gather [hbm4b:s4+s19], $0x80, s28, s19, $0xb8;
	[tilespmem:$0x1E800] =	vst v63  }
0x41: {  	_ = 	snop  }
0x42: {  	[tilespmem:s20], [sflag:$0x2] =	stream.indirect.gather [hbm4b:s4+s19], $0x80, s19, s19, $0xb8;
	[tilespmem:$0x1E800] =	vst v63  }
0x43: {  	_ =	swait.ge [sflag:s21], $0x4000  }
0x44: {  	[sflag:s21] =	ssyncset.done $0x0  }
0x45: {  	s29 =	simm.s32 $0x1400;
	[sflag:s21] =	ssyncadd.s32 $0xFFFFC000  }
0x46: {  	[spmem:s2] =	stream.indirect.scatter.add.f32 [tilespmem:s16], [sflag:$0x3], $0x80, s29, s19, $0xb8;
	[tilespmem:$0x1E800] =	vst v63  }
0x47: {  	_ =	swait.ge [sflag:s17], $0x4000  }
0x48: {  	[sflag:s17] =	ssyncset.done $0x0  }
0x49: {  	s30 =	simm.s32 $0x100;
	[sflag:s17] =	ssyncadd.s32 $0xFFFFC000  }
0x4a: {  	[tilespmem:s16], [sflag:$0x1] =	stream.indirect.gather [hbm4b:s4+s19], $0x80, s30, s19, $0xb8;
	[tilespmem:$0x1E800] =	vst v63  }
0x4b: {  	_ =	swait.ge [sflag:s22], $0x4000  }
0x4c: {  	[sflag:s22] =	ssyncset.done $0x0  }
0x4d: {  	s31 =	simm.s32 $0x1480;
	[sflag:s22] =	ssyncadd.s32 $0xFFFFC000  }
0x4e: {  	[spmem:s2] =	stream.indirect.scatter.add.f32 [tilespmem:s20], [sflag:$0x3], $0x80, s31, s19, $0xb8;
	[tilespmem:$0x1E800] =	vst v63  }
0x4f: {  	_ =	swait.ge [sflag:s17], $0x4000  }
0x50: {  	[sflag:s17] =	ssyncset.done $0x0  }
0x51: {  	s25 =	simm.s32 $0x400;
	s26 =	simm.s32 $0x180;
	[sflag:s17] =	ssyncadd.s32 $0xFFFFC000  }
.LBB2_4:
0x52: {  	[tilespmem:s20], [sflag:$0x2] =	stream.indirect.gather [hbm4b:s4+s19], $0x80, s26, s19, $0xb8;
	[tilespmem:$0x1E800] =	vst v63  }
0x53: {  	s26 =	smov.u32 s25  }
0x54: {  	p0 =	sne.s32 s25, $0x4800;
	s25 =	sadd.s32 $0x400, s25;
	_ =	swait.ge [sflag:s21], $0x4000  }
0x55: {  	s26 =	sshra.s32 s26, $0x2;
	[sflag:s21] =	ssyncset.done $0x0  }
0x56: {  	s28 =	sadd.s32 $0x1400, s26;
	[sflag:s21] =	ssyncadd.s32 $0xFFFFC000  }
0x57: {  	[spmem:s2] =	stream.indirect.scatter.add.f32 [tilespmem:s16], [sflag:$0x3], $0x80, s28, s19, $0xb8;
	[tilespmem:$0x1E800] =	vst v63  }
0x58: {  	_ =	swait.ge [sflag:s17], $0x4000  }
0x59: {  	[sflag:s17] =	ssyncset.done $0x0  }
0x5a: {  	s28 =	sadd.s32 $0x100, s26;
	[sflag:s17] =	ssyncadd.s32 $0xFFFFC000  }
0x5b: {  	[tilespmem:s16], [sflag:$0x1] =	stream.indirect.gather [hbm4b:s4+s19], $0x80, s28, s19, $0xb8;
	[tilespmem:$0x1E800] =	vst v63  }
0x5c: {  	_ =	swait.ge [sflag:s22], $0x4000  }
0x5d: {  	[sflag:s22] =	ssyncset.done $0x0  }
.Ltmp1:
0x5e: {  	s28 =	sadd.s32 $0x1480, s26;
	[sflag:s22] =	ssyncadd.s32 $0xFFFFC000;
	(pc) =	sbr.rel @p0 .LBB2_4-.Ltmp1, $4  }
0x5f: {  	[spmem:s2] =	stream.indirect.scatter.add.f32 [tilespmem:s20], [sflag:$0x3], $0x80, s28, s19, $0xb8;
	[tilespmem:$0x1E800] =	vst v63  }
0x60: {  	_ =	swait.ge [sflag:s17], $0x4000  }
0x61: {  	[sflag:s17] =	ssyncset.done $0x0  }
0x62: {  	s26 =	sadd.s32 $0x180, s26;
	[sflag:s17] =	ssyncadd.s32 $0xFFFFC000  }
0x63: {  	[tilespmem:s20], [sflag:$0x2] =	stream.indirect.gather [hbm4b:s4+s19], $0x80, s26, s19, $0xb8;
	[tilespmem:$0x1E800] =	vst v63  }
0x64: {  	_ =	swait.ge [sflag:s21], $0x4000  }
0x65: {  	[sflag:s21] =	ssyncset.done $0x0  }
0x66: {  	[sflag:s21] =	ssyncadd.s32 $0xFFFFC000  }
0x67: {  	[spmem:s2] =	stream.indirect.scatter.add.f32 [tilespmem:s16], [sflag:$0x3], $0x80, s23, s19, $0xb8;
	[tilespmem:$0x1E800] =	vst v63  }
0x68: {  	_ =	swait.ge [sflag:s17], $0x4000  }
0x69: {  	[sflag:s17] =	ssyncset.done $0x0  }
0x6a: {  	[sflag:s17] =	ssyncadd.s32 $0xFFFFC000  }
0x6b: {  	_ =	swait.ge [sflag:s22], $0x4000  }
0x6c: {  	[sflag:s22] =	ssyncset.done $0x0  }
0x6d: {  	[sflag:s22] =	ssyncadd.s32 $0xFFFFC000  }
0x6e: {  	[spmem:s2] =	stream.indirect.scatter.add.f32 [tilespmem:s20], [sflag:$0x3], $0x80, s24, s19, $0xb8;
	[tilespmem:$0x1E800] =	vst v63  }
0x6f: {  	_ =	swait.ge [sflag:s17], $0x4000  }
0x70: {  	[sflag:s17] =	ssyncset.done $0x0  }
0x71: {  	s25 =	simm.s32 $0x0;
	[sflag:s17] =	ssyncadd.s32 $0xFFFFC000  }
0x72: {  	[tilespmem:s25], [sflag:$0x3] =	stream.linear.gather [hbm4b:s12+s25], $0x1400, $0x38;
	[tilespmem:$0x1E800] =	vst v63  }
0x73: {  	_ =	swait.ge [sflag:s17], $0x1400  }
0x74: {  	[sflag:s17] =	ssyncset.done $0x0  }
0x75: {  	[sflag:s17] =	ssyncadd.s32 $0xFFFFEC00  }
0x76: {  	[tilespmem:s18], [sflag:$0x3] =	stream.linear.gather [hbm4b:s13+s25], $0x1400, $0x38;
	[tilespmem:$0x1E800] =	vst v63  }
0x77: {  	_ =	swait.ge [sflag:s17], $0x1400  }
0x78: {  	[sflag:s17] =	ssyncset.done $0x0  }
0x79: {  	[sflag:s17] =	ssyncadd.s32 $0xFFFFEC00  }
0x7a: {  	[tilespmem:s16], [sflag:$0x1] =	stream.indirect.gather [hbm4b:s4+s19], $0x80, s25, s19, $0xb8;
	[tilespmem:$0x1E800] =	vst v63  }
0x7b: {  	_ = 	snop  }
0x7c: {  	[tilespmem:s20], [sflag:$0x2] =	stream.indirect.gather [hbm4b:s4+s19], $0x80, s19, s19, $0xb8;
	[tilespmem:$0x1E800] =	vst v63  }
0x7d: {  	_ =	swait.ge [sflag:s21], $0x4000  }
0x7e: {  	[sflag:s21] =	ssyncset.done $0x0  }
0x7f: {  	s29 =	simm.s32 $0x1400;
	[sflag:s21] =	ssyncadd.s32 $0xFFFFC000  }
0x80: {  	[spmem:s2] =	stream.indirect.scatter.add.f32 [tilespmem:s16], [sflag:$0x3], $0x80, s29, s19, $0xb8;
	[tilespmem:$0x1E800] =	vst v63  }
0x81: {  	_ =	swait.ge [sflag:s17], $0x4000  }
0x82: {  	[sflag:s17] =	ssyncset.done $0x0  }
0x83: {  	s30 =	simm.s32 $0x100;
	[sflag:s17] =	ssyncadd.s32 $0xFFFFC000  }
0x84: {  	[tilespmem:s16], [sflag:$0x1] =	stream.indirect.gather [hbm4b:s4+s19], $0x80, s30, s19, $0xb8;
	[tilespmem:$0x1E800] =	vst v63  }
0x85: {  	_ =	swait.ge [sflag:s22], $0x4000  }
0x86: {  	[sflag:s22] =	ssyncset.done $0x0  }
0x87: {  	s31 =	simm.s32 $0x1480;
	[sflag:s22] =	ssyncadd.s32 $0xFFFFC000  }
0x88: {  	[spmem:s2] =	stream.indirect.scatter.add.f32 [tilespmem:s20], [sflag:$0x3], $0x80, s31, s19, $0xb8;
	[tilespmem:$0x1E800] =	vst v63  }
0x89: {  	_ =	swait.ge [sflag:s17], $0x4000  }
0x8a: {  	[sflag:s17] =	ssyncset.done $0x0  }
0x8b: {  	s26 =	simm.s32 $0x180;
	s25 =	simm.s32 $0x400;
	[sflag:s17] =	ssyncadd.s32 $0xFFFFC000  }
.LBB2_6:
0x8c: {  	[tilespmem:s20], [sflag:$0x2] =	stream.indirect.gather [hbm4b:s4+s19], $0x80, s26, s19, $0xb8;
	[tilespmem:$0x1E800] =	vst v63  }
0x8d: {  	s26 =	smov.u32 s25  }
0x8e: {  	p0 =	sne.s32 s25, $0x4800;
	s25 =	sadd.s32 $0x400, s25;
	_ =	swait.ge [sflag:s21], $0x4000  }
0x8f: {  	s26 =	sshra.s32 s26, $0x2;
	[sflag:s21] =	ssyncset.done $0x0  }
0x90: {  	s28 =	sadd.s32 $0x1400, s26;
	[sflag:s21] =	ssyncadd.s32 $0xFFFFC000  }
0x91: {  	[spmem:s2] =	stream.indirect.scatter.add.f32 [tilespmem:s16], [sflag:$0x3], $0x80, s28, s19, $0xb8;
	[tilespmem:$0x1E800] =	vst v63  }
0x92: {  	_ =	swait.ge [sflag:s17], $0x4000  }
0x93: {  	[sflag:s17] =	ssyncset.done $0x0  }
0x94: {  	s28 =	sadd.s32 $0x100, s26;
	[sflag:s17] =	ssyncadd.s32 $0xFFFFC000  }
0x95: {  	[tilespmem:s16], [sflag:$0x1] =	stream.indirect.gather [hbm4b:s4+s19], $0x80, s28, s19, $0xb8;
	[tilespmem:$0x1E800] =	vst v63  }
0x96: {  	_ =	swait.ge [sflag:s22], $0x4000  }
0x97: {  	[sflag:s22] =	ssyncset.done $0x0  }
.Ltmp2:
0x98: {  	s28 =	sadd.s32 $0x1480, s26;
	[sflag:s22] =	ssyncadd.s32 $0xFFFFC000;
	(pc) =	sbr.rel @p0 .LBB2_6-.Ltmp2, $4  }
0x99: {  	[spmem:s2] =	stream.indirect.scatter.add.f32 [tilespmem:s20], [sflag:$0x3], $0x80, s28, s19, $0xb8;
	[tilespmem:$0x1E800] =	vst v63  }
0x9a: {  	_ =	swait.ge [sflag:s17], $0x4000  }
0x9b: {  	[sflag:s17] =	ssyncset.done $0x0  }
0x9c: {  	s26 =	sadd.s32 $0x180, s26;
	[sflag:s17] =	ssyncadd.s32 $0xFFFFC000  }
0x9d: {  	[tilespmem:s20], [sflag:$0x2] =	stream.indirect.gather [hbm4b:s4+s19], $0x80, s26, s19, $0xb8;
	[tilespmem:$0x1E800] =	vst v63  }
0x9e: {  	_ =	swait.ge [sflag:s21], $0x4000  }
0x9f: {  	[sflag:s21] =	ssyncset.done $0x0  }
0xa0: {  	[sflag:s21] =	ssyncadd.s32 $0xFFFFC000  }
0xa1: {  	[spmem:s2] =	stream.indirect.scatter.add.f32 [tilespmem:s16], [sflag:$0x3], $0x80, s23, s19, $0xb8;
	[tilespmem:$0x1E800] =	vst v63  }
0xa2: {  	_ =	swait.ge [sflag:s17], $0x4000  }
0xa3: {  	[sflag:s17] =	ssyncset.done $0x0  }
0xa4: {  	[sflag:s17] =	ssyncadd.s32 $0xFFFFC000  }
0xa5: {  	_ =	swait.ge [sflag:s22], $0x4000  }
0xa6: {  	[sflag:s22] =	ssyncset.done $0x0  }
0xa7: {  	[sflag:s22] =	ssyncadd.s32 $0xFFFFC000  }
0xa8: {  	[spmem:s2] =	stream.indirect.scatter.add.f32 [tilespmem:s20], [sflag:$0x3], $0x80, s24, s19, $0xb8;
	[tilespmem:$0x1E800] =	vst v63  }
0xa9: {  	_ =	swait.ge [sflag:s17], $0x4000  }
0xaa: {  	s25 =	sshll.u32 s1, $0x6;
	s3 =	sadd.s32 $0x1, s3;
	[sflag:s17] =	ssyncset.done $0x0  }
0xab: {  	s31 =	sshrl.u32 s5, $0x3;
	p0 =	sne.s32 s3, s15;
	[sflag:s17] =	ssyncadd.s32 $0xFFFFC000  }
.Ltmp3:
0xac: {  	s25 =	sor.u32 $0x1C03, s25;
	[bflag:$0x0] =	sbarrier.arrive $0xFFFF;
	(pc) =	sbr.rel @p0 .LBB2_1-.Ltmp3, $4  }
0xad: {  	[hbm:s14], [sflag:s25] =	dma.local [spmem:s31], $0x2800  }
0xae: {  	_ =	swait.ge [sflag:s17], $0x2800  }
0xaf: {  	[sflag:s17] =	ssyncset.done $0x0  }
0xb0: {  	[sflag:s17] =	ssyncadd.s32 $0xFFFFD800  }
0xb1: {  	_ =	sfence.sel $0x180000  }
0xb2: {  	[bflag:$0x0] =	sbarrier.arrive $0xFFFF  }
0xb3: {  	p0 =	sne.s32 s1, $0x0;
	_ =	strace $0x9000004A  }
0xb4: {  	s0 =	sadd.s32 @!p0 $0x100000, s0;
	[bflag:$0x2] =	sbarrier.arrive $0xFFFF  }
0xb5: {  	[sflag:s0] =	ssyncadd.tile.s32 @!p0 $0x1;
	_ =	shalt  }
.Lfunc_end2:
_tile_overlayer_lowered:
.L_overlay_start_2:
0xb6: {  	(tag) =	ssettag $0x2  }
0xb7: {  	s0 =	rddreg [dreg:$0x0];
	s2 =	stileid.u32  }
0xb8: {  	s1 =	rddreg [dreg:$0x1];
	p0 =	sne.s32 s2, $0x0  }
0xb9: {  	s3 =	rddreg [dreg:$0x2];
	[bflag:$0x3] =	sbarrier.arrive $0xFFFF;
	s2 =	simm.s32 @!p0 $0x1C03  }
0xba: {  	[timem:s3], [sflag:s2] =	dma.local @!p0 [hbm:s0], s1  }
0xbb: {  	s0 =	simm.s32 @!p0 $0x3  }
0xbc: {  	_ =	swait.ge @!p0 [sflag:s0], s1  }
0xbd: {  	s1 =	ssub.s32 @!p0 $0x0, s1;
	[sflag:s0] =	ssyncset.done @!p0 $0x0  }
0xbe: {  	[sflag:s0] =	ssyncadd.s32 @!p0 s1  }
0xbf: {  	[bflag:$0x3] =	sbarrier.arrive $0xFFFF  }
0xc0: {  	_ =	shalt  }

// kernel: kernel.18.cloned.1.call-start
scs
__scs_entry_jumppad:
0x0: {  	(pc) =	sbr.rel $0x88, $3  }
0x1: {  	(tag) =	ssettag $0x0;
	lr =	simm.s32 $0x1  }
0x2: {  	[smem:$0x3F96] =	sst lr;
	_ =	strace $0xD0000000  }
0x3: {  	_ = 	snop  }
0x4: {  	_ = 	snop  }
0x5: {  	_ = 	snop  }
0x6: {  	_ = 	snop  }
0x7: {  	_ = 	snop  }
__scs_overlays_trampoline_lowered:
0x8: {  	[smem:$0x3FA5] =	sst s0  }
0x9: {  	[smem:$0x3FA6] =	sst s1  }
0xa: {  	[smem:$0x3FA7] =	sst s2  }
0xb: {  	[smem:$0x3FA8] =	sst s3  }
0xc: {  	[smem:$0x3FA9] =	sst s4  }
0xd: {  	[smem:$0x3FAA] =	sst s5  }
0xe: {  	[smem:$0x3FAB] =	sst s6  }
0xf: {  	[smem:$0x3FAC] =	sst s7  }
0x10: {  	[smem:$0x3FAD] =	sst s8  }
0x11: {  	[smem:$0x3FAE] =	sst s9;
	s0 =	simm.s32 @!p0 $0x0  }
0x12: {  	s1 =	sld [smem:$0x3F94];
	s0 =	simm.s32 @p0 $0x1  }
0x13: {  	[smem:$0x3FAF] =	sst s0;
	s0 =	simm.s32 @!p1 $0x0  }
0x14: {  	s2 =	sld [smem:$0x3F93];
	s0 =	simm.s32 @p1 $0x1  }
0x15: {  	[smem:$0x3FB0] =	sst s0;
	s0 =	simm.s32 @!p2 $0x0  }
0x16: {  	s3 =	sld [smem:$0x3FDB];
	s0 =	simm.s32 @p2 $0x1  }
0x17: {  	s4 =	simm.s32 $0x1BF5;
	[smem:$0x3FB2] =	sst s0  }
0x18: {  	s0 =	sld [smem:$0x3F95];
	_ =	swait.ge [sflag:s4], $0x0  }
0x19: {  	s7 =	sld [smem:$0x3F96]  }
0x1a: {  	s8 =	sadd.s32 $0xFFFFE003, lr  }
0x1b: {  	s9 =	sadd.s32 $0xFFFFFEF7, lr;
	s5 =	simm.s32 $0xFFFFFFFF;
	p2 =	slt.u32 s8, $0xFFFFF086  }
0x1c: {  	p1 =	slt.u32 s9, $0xF7A;
	s5 =	simm.s32 @!p2 $0x0  }
0x1d: {  	s5 =	simm.s32 @p1 $0x1;
	p0 =	seq.s32 s7, s2  }
0x1e: {  	s7 =	smul.u32 @!p0 $0xF7A, s2;
	p2 =	seq.s32 @!p0 s5, $0x0  }
0x1f: {  	s9 =	smul.u32 $0xF7A, s1;
	s8 =	simm.s32 @!p0 $0x1BF5;
	p2 =	por !p2, p0  }
0x20: {  	[sflag:s8] =	ssyncset.s32 @!p0 $0xFFFFF086;
	s6 =	sadd.s32 @!p0 s3, s7;
	s7 =	simm.s32 @!p0 $0x108  }
0x21: {  	s3 =	sadd.s32 s3, s9;
	s6 =	sadd.s32 @!p0 $0x88, s6;
	s7 =	simm.s32 @p2 $0x1082  }
0x22: {  	[simem:s7], [sflag:s8] =	dma.local @!p0 [hbm:s6], $0xF7A  }
0x23: {  	s9 =	sor.u32 $0xD0000000, s2;
	s6 =	simm.s32 $0x108;
	_ =	swait.ge @!p0 [sflag:s8], $0x0  }
0x24: {  	s3 =	sadd.s32 $0x88, s3;
	s6 =	simm.s32 @!p1 $0x1082;
	[sflag:s4] =	ssyncset.s32 $0xFFFFF086  }
0x25: {  	[simem:s6], [sflag:s4] =	dma.local [hbm:s3], $0xF7A  }
0x26: {  	[smem:$0x3F96] =	sst s1;
	(tag) =	ssettag s2;
	_ =	strace s9  }
0x27: {  	s1 =	sld [smem:$0x3FA6]  }
0x28: {  	s2 =	sld [smem:$0x3FA7]  }
0x29: {  	s4 =	sld [smem:$0x3FA9]  }
0x2a: {  	p0 =	seq.s32 s5, $0x0;
	s5 =	sld [smem:$0x3FAA]  }
0x2b: {  	s6 =	sld [smem:$0x3FAB]  }
0x2c: {  	s7 =	sld [smem:$0x3FAC]  }
0x2d: {  	s3 =	simm.s32 $0x108;
	s8 =	sld [smem:$0x3FAD]  }
0x2e: {  	s3 =	simm.s32 @!p0 $0x1082;
	s9 =	sld [smem:$0x3FAE]  }
0x2f: {  	lr =	sadd.s32 s0, s3;
	s0 =	sld [smem:$0x3FA5]  }
0x30: {  	s3 =	sld [smem:$0x3FA8]  }
0x31: {  	[smem:$0x3FB1] =	sst s10  }
0x32: {  	s10 =	sld [smem:$0x3FAF];
	_ =	sdelay $0x3  }
0x33: {  	p0 =	seq.s32 s10, $0x1;
	s10 =	sld [smem:$0x3FB1];
	_ =	sdelay $0x3  }
0x34: {  	[smem:$0x3FB1] =	sst s10  }
0x35: {  	s10 =	sld [smem:$0x3FB0];
	_ =	sdelay $0x3  }
0x36: {  	p1 =	seq.s32 s10, $0x1;
	s10 =	sld [smem:$0x3FB1];
	_ =	sdelay $0x3  }
0x37: {  	[smem:$0x3FB1] =	sst s10  }
0x38: {  	s10 =	sld [smem:$0x3FB2]  }
0x39: {  	_ = 	snop;
	(pc) =	sbr.ind lr, $3  }
0x3a: {  	_ = 	snop  }
0x3b: {  	_ = 	snop  }
0x3c: {  	p2 =	seq.s32 s10, $0x1;
	s10 =	sld [smem:$0x3FB1]  }
0x3d: {  	_ =	shalt  }
0x3e: {  	_ =	shalt  }
0x3f: {  	_ =	shalt  }
0x40: {  	_ =	shalt  }
0x41: {  	_ =	shalt  }
0x42: {  	_ =	shalt  }
0x43: {  	_ =	shalt  }
0x44: {  	_ =	shalt  }
0x45: {  	_ =	shalt  }
0x46: {  	_ =	shalt  }
0x47: {  	_ =	shalt  }
0x48: {  	_ =	shalt  }
0x49: {  	_ =	shalt  }
0x4a: {  	_ =	shalt  }
0x4b: {  	_ =	shalt  }
0x4c: {  	_ =	shalt  }
0x4d: {  	_ =	shalt  }
0x4e: {  	_ =	shalt  }
0x4f: {  	_ =	shalt  }
0x50: {  	_ =	shalt  }
0x51: {  	_ =	shalt  }
0x52: {  	_ =	shalt  }
0x53: {  	_ =	shalt  }
0x54: {  	_ =	shalt  }
0x55: {  	_ =	shalt  }
0x56: {  	_ =	shalt  }
0x57: {  	_ =	shalt  }
0x58: {  	_ =	shalt  }
0x59: {  	_ =	shalt  }
0x5a: {  	_ =	shalt  }
0x5b: {  	_ =	shalt  }
0x5c: {  	_ =	shalt  }
0x5d: {  	_ =	shalt  }
0x5e: {  	_ =	shalt  }
0x5f: {  	_ =	shalt  }
0x60: {  	_ =	shalt  }
0x61: {  	_ =	shalt  }
0x62: {  	_ =	shalt  }
0x63: {  	_ =	shalt  }
0x64: {  	_ =	shalt  }
0x65: {  	_ =	shalt  }
0x66: {  	_ =	shalt  }
0x67: {  	_ =	shalt  }
0x68: {  	_ =	shalt  }
0x69: {  	_ =	shalt  }
0x6a: {  	_ =	shalt  }
0x6b: {  	_ =	shalt  }
0x6c: {  	_ =	shalt  }
0x6d: {  	_ =	shalt  }
0x6e: {  	_ =	shalt  }
0x6f: {  	_ =	shalt  }
0x70: {  	_ =	shalt  }
0x71: {  	_ =	shalt  }
0x72: {  	_ =	shalt  }
0x73: {  	_ =	shalt  }
0x74: {  	_ =	shalt  }
0x75: {  	_ =	shalt  }
0x76: {  	_ =	shalt  }
0x77: {  	_ =	shalt  }
0x78: {  	_ =	shalt  }
0x79: {  	_ =	shalt  }
0x7a: {  	_ =	shalt  }
0x7b: {  	_ =	shalt  }
0x7c: {  	_ =	shalt  }
0x7d: {  	_ =	shalt  }
0x7e: {  	_ =	shalt  }
0x7f: {  	_ =	shalt  }
0x80: {  	_ =	shalt  }
0x81: {  	_ =	shalt  }
0x82: {  	_ =	shalt  }
0x83: {  	_ =	shalt  }
0x84: {  	_ =	shalt  }
0x85: {  	_ =	shalt  }
0x86: {  	_ =	shalt  }
0x87: {  	_ =	shalt  }
.Lfunc_end0:
.L_simem_size_0:
called_computation.2_lowered:
.L_overlay_start_0:
0x88: {  	s2 =	sld [smem:$0x3FD9]  }
0x89: {  	s3 =	sld [smem:$0x3FFE];
	_ =	sdelay $0x1  }
0x8a: {  	s1 =	srdreg.scid  }
0x8b: {  	s0 =	sand.u32 $0x1, s1  }
0x8c: {  	s16 =	sshll.u32 s0, $0xA;
	s2 =	sadd.s32 s3, s2  }
0x8d: {  	s2 =	sadd.s32 s2, s16  }
0x8e: {  	[smem:$0x3FBD] =	sst s2  }
0x8f: {  	_ = 	snop  }
0x90: {  	(tm) =	ssettm $0x1  }
0x91: {  	s17 =	sld [smem:$0x3FFB];
	_ =	sdelay $0x3  }
0x92: {  	_ =	strace s17  }
0x93: {  	s2 =	sld [smem:$0x3FFC];
	_ =	sdelay $0x3  }
0x94: {  	_ =	strace s2  }
0x95: {  	s2 =	sld [smem:$0x3FFD];
	_ =	sdelay $0x3  }
0x96: {  	_ =	strace s2  }
0x97: {  	_ =	strace $0x8FFFFFFF  }
0x98: {  	s18 =	sld [smem:$0x3FDB];
	_ =	sdelay $0x1  }
0x99: {  	s19 =	simm.s32 $_scs_section_size  }
0x9a: {  	s4 =	simm.s32 $_size__tile_overlayer_lowered;
	s5 =	simm.s32 $_tile_overlayer_lowered  }
0x9b: {  	s22 =	simm.s32 $0x1BFF;
	s21 =	sshll.u32 s5, $0x1;
	s2 =	sadd.s32 s19, s18  }
0x9c: {  	s6 =	simm.s32 $0x0;
	s20 =	sshll.u32 s4, $0x1;
	s4 =	sadd.s32 s21, s2  }
0x9d: {  	[timem:s6], [sflag:s22] =	dma.local [hbm:s4], s20  }
0x9e: {  	_ =	swait.ge [sflag:s22], s20  }
0x9f: {  	s3 =	ssub.s32 $0x0, s20;
	[sflag:s22] =	ssyncset.done $0x0  }
0xa0: {  	[sflag:s22] =	ssyncadd.s32 s3;
	_ =	sdelay $0x1  }
0xa1: {  	s23 =	simm.s32 $0x1B8B  }
0xa2: {  	_ =	swait.ge [sflag:s23], $0x1  }
0xa3: {  	[sflag:s23] =	ssyncset.done $0x0  }
0xa4: {  	s25 =	simm.s32 $0x1B8E;
	s24 =	sld [smem:$0x3FFE];
	[sflag:s23] =	ssyncadd.s32 $0xFFFFFFFF  }
0xa5: {  	s26 =	simm.s32 $execute0_lowered;
	[smem:$0x3FD2] =	sst s25  }
0xa6: {  	s4 =	sshll.u32 s26, $0x1;
	_ =	strace $0x8000004C;
	[dreg:$0x1] =	wrdreg $0xFFFFFFFF  }
0xa7: {  	s28 =	simm.s32 $_size_execute0_lowered;
	s2 =	sadd.s32 s2, s4;
	[dreg:$0x0] =	wrdreg $0x0  }
0xa8: {  	s4 =	sshll.u32 s28, $0x1;
	[dreg:$0x2] =	wrdreg s2  }
0xa9: {  	[dreg:$0x3] =	wrdreg s4  }
0xaa: {  	[dreg:$0x4] =	wrdreg $0xC0  }
0xab: {  	_ =	task [dreg:s6], $0x5FFFF  }
0xac: {  	[dreg:$0x1] =	wrdreg $0xFFFFFFFF  }
0xad: {  	[dreg:$0x0] =	wrdreg $0x60  }
0xae: {  	[dreg:$0x2] =	wrdreg s24  }
0xaf: {  	[dreg:$0x3] =	wrdreg $0xA8000  }
0xb0: {  	[dreg:$0x4] =	wrdreg $0x9  }
0xb1: {  	_ =	task.clear_ibuf [dreg:s6], $0x5FFFF;
	_ =	strace $0x9000004C  }
0xb2: {  	s29 =	simm.s32 $0x9;
	_ =	strace $0x8000004E  }
0xb3: {  	_ =	swait.ge [sflag:s29], $0x1  }
0xb4: {  	[sflag:s29] =	ssyncadd.s32 $0xFFFFFFFF  }
0xb5: {  	_ =	strace $0x9000004E  }
0xb6: {  	_ =	sfence  }
0xb7: {  	s30 =	sld [smem:$0x0];
	_ =	sdelay $0x2  }
0xb8: {  	s31 =	sshll.u32 s1, $0xD;
	s1 =	sshrl.u32 s1, $0x2  }
0xb9: {  	s3 =	sand.u32 $0x4000, s31;
	s1 =	sadd.s32 s1, s30  }
0xba: {  	s0 =	sor.u32 s3, s0;
	s1 =	sshll.u32 s1, $0x11  }
0xbb: {  	s0 =	sor.u32 s1, s0  }
0xbc: {  	s0 =	sadd.s32 $0x8F2B, s0  }
0xbd: {  	[sflag:s0] =	ssyncadd.remote.s32 $0x1  }
0xbe: {  	_ =	sfence.sel $0xFFFF  }
0xbf: {  	[dreg:$0x0] =	wrdreg $0xFFFFFFFF;
	(pc) =	sbr.abs _section_cstart, $3  }
0xc0: {  	[dreg:$0x1] =	wrdreg $0xFFFFFFFF  }
0xc1: {  	_ =	task.clear_ibuf [dreg:s6], $0x2FFFF;
	_ =	strace $0x9FFFFFFF  }
0xc2: {  	(tm) =	ssettm $0x7FFFFFFF  }
0xc3: {  	_ =	shalt  }
tec
execute0_lowered:
.L_overlay_start_1:
0x0: {  	(tag) =	ssettag $0x1  }
0x1: {  	s6 =	rddreg [dreg:$0x0]  }
0x2: {  	s2 =	rddreg [dreg:$0x1]  }
0x3: {  	s0 =	rddreg [dreg:$0x2];
	s3 =	simm.s32 $0x0;
	s4 =	srdreg.scid  }
0x4: {  	s1 =	stileid.u32;
	s18 =	simm.s32 $0x1400;
	s19 =	simm.s32 $0x80  }
0x5: {  	s20 =	simm.s32 $0x6800;
	s21 =	simm.s32 $0x1;
	s22 =	simm.s32 $0x2  }
0x6: {  	s23 =	simm.s32 $0x2700;
	s24 =	simm.s32 $0x2780;
	[smem:$0x7FF] =	sst s3  }
0x7: {  	s5 =	sand.u32 $0x1, s4;
	s7 =	smul.u32 $0x2800, s1;
	s4 =	sadd.s32 $0x18600, s6  }
0x8: {  	s12 =	sadd.s32 $0x4600, s6;
	s9 =	smul.u32 $0x50000, s1;
	s13 =	sadd.s32 $0xE600, s6  }
0x9: {  	s28 =	sshll.u32 s1, $0x1;
	s8 =	smul.u32 $0x28000, s5;
	s10 =	ssub.s32 $0x2, s5  }
0xa: {  	_ =	strace $0x8000004D;
	s29 =	sshrl.u32 s9, $0x2;
	s30 =	sshrl.u32 s10, $0x1  }
0xb: {  	s7 =	sadd.s32 s7, s8;
	s8 =	sor.u32 s5, s28;
	s5 =	sadd.s32 s29, s2  }
0xc: {  	s15 =	ssub.s32 s10, s30;
	s11 =	smul.u32 $0x2800, s8;
	s14 =	sadd.s32 s7, s6  }
0xd: {  	s6 =	sadd.s32 $0x4000, s5;
	s7 =	sadd.s32 $0x8000, s5;
	s16 =	smul.u32 $0x500, s8  }
0xe: {  	s8 =	sadd.s32 $0xC000, s5;
	s9 =	sadd.s32 $0x10000, s5;
	s15 =	smax.u32 s15, $0x1  }
0xf: {  	s14 =	sadd.s32 $0x40600, s14;
	s31 =	sshrl.u32 s11, $0x3;
	s10 =	sadd.s32 s12, s16  }
0x10: {  	s11 =	sadd.s32 s13, s16;
	s16 =	simm.s32 $0x2800;
	s17 =	sadd.s32 $0x280, s31  }
0x11: {  	v0 =	vimm.f32 $0.0e+00;
	s12 =	sadd.s32 s12, s17;
	s13 =	sadd.s32 s13, s17;
	s17 =	simm.s32 $0x3  }
.LBB2_1:
0x12: {  	s25 =	simm.s32 $0x0;
	s26 =	simm.s32 $0x200  }
.LBB2_2:
0x13: {  	p0 =	sne.s32 s26, $0xFE00;
	[tilespmem:s25+$0x2870] =	vst v0  }
0x14: {  	[tilespmem:s25+$0x2800] =	vst v0  }
0x15: {  	[tilespmem:s25+$0x2810] =	vst v0  }
.Ltmp0:
0x16: {  	[tilespmem:s25+$0x2820] =	vst v0;
	(pc) =	sbr.rel @p0 .LBB2_2-.Ltmp0, $4  }
0x17: {  	[tilespmem:s25+$0x2830] =	vst v0  }
0x18: {  	[tilespmem:s25+$0x2840] =	vst v0  }
0x19: {  	[tilespmem:s25+$0x2850] =	vst v0  }
0x1a: {  	[tilespmem:s25+$0x2860] =	vst v0;
	s25 =	sshra.s32 s26, $0x2;
	s26 =	sadd.s32 $0x200, s26  }
0x1b: {  	[tilespmem:s25+$0x2870] =	vst v0  }
0x1c: {  	[tilespmem:s25+$0x2800] =	vst v0  }
0x1d: {  	[tilespmem:s25+$0x2810] =	vst v0  }
0x1e: {  	[tilespmem:s25+$0x2820] =	vst v0  }
0x1f: {  	[tilespmem:s25+$0x2830] =	vst v0  }
0x20: {  	[tilespmem:s25+$0x2840] =	vst v0  }
0x21: {  	[tilespmem:s25+$0x2850] =	vst v0  }
0x22: {  	[tilespmem:s25+$0x2860] =	vst v0  }
0x23: {  	[spmem:s5] =	stream.linear.scatter [tilespmem:s16], [sflag:$0x3], $0x4000, $0x38;
	[tilespmem:$0x1E800] =	vst v63  }
0x24: {  	_ =	swait.ge [sflag:s17], $0x4000  }
0x25: {  	[sflag:s17] =	ssyncset.done $0x0  }
0x26: {  	[sflag:s17] =	ssyncadd.s32 $0xFFFFC000  }
0x27: {  	[spmem:s6] =	stream.linear.scatter [tilespmem:s16], [sflag:$0x3], $0x4000, $0x38;
	[tilespmem:$0x1E800] =	vst v63  }
0x28: {  	_ =	swait.ge [sflag:s17], $0x4000  }
0x29: {  	[sflag:s17] =	ssyncset.done $0x0  }
0x2a: {  	[sflag:s17] =	ssyncadd.s32 $0xFFFFC000  }
0x2b: {  	[spmem:s7] =	stream.linear.scatter [tilespmem:s16], [sflag:$0x3], $0x4000, $0x38;
	[tilespmem:$0x1E800] =	vst v63  }
0x2c: {  	_ =	swait.ge [sflag:s17], $0x4000  }
0x2d: {  	[sflag:s17] =	ssyncset.done $0x0  }
0x2e: {  	[sflag:s17] =	ssyncadd.s32 $0xFFFFC000  }
0x2f: {  	[spmem:s8] =	stream.linear.scatter [tilespmem:s16], [sflag:$0x3], $0x4000, $0x38;
	[tilespmem:$0x1E800] =	vst v63  }
0x30: {  	_ =	swait.ge [sflag:s17], $0x4000  }
0x31: {  	[sflag:s17] =	ssyncset.done $0x0  }
0x32: {  	[sflag:s17] =	ssyncadd.s32 $0xFFFFC000  }
0x33: {  	[spmem:s9] =	stream.linear.scatter [tilespmem:s16], [sflag:$0x3], $0x4000, $0x38;
	[tilespmem:$0x1E800] =	vst v63  }
0x34: {  	_ =	swait.ge [sflag:s17], $0x4000  }
0x35: {  	[sflag:s17] =	ssyncset.done $0x0  }
0x36: {  	[sflag:s17] =	ssyncadd.s32 $0xFFFFC000  }
0x37: {  	s28 =	simm.s32 $0x0;
	[bflag:$0x0] =	sbarrier.arrive $0xFFFF  }
0x38: {  	[tilespmem:s28], [sflag:$0x3] =	stream.linear.gather [hbm4b:s10+s28], $0x1400, $0x38;
	[tilespmem:$0x1E800] =	vst v63  }
0x39: {  	_ =	swait.ge [sflag:s17], $0x1400  }
0x3a: {  	[sflag:s17] =	ssyncset.done $0x0  }
0x3b: {  	[sflag:s17] =	ssyncadd.s32 $0xFFFFEC00  }
0x3c: {  	[tilespmem:s18], [sflag:$0x3] =	stream.linear.gather [hbm4b:s11+s28], $0x1400, $0x38;
	[tilespmem:$0x1E800] =	vst v63  }
0x3d: {  	_ =	swait.ge [sflag:s17], $0x1400  }
0x3e: {  	[sflag:s17] =	ssyncset.done $0x0  }
0x3f: {  	[sflag:s17] =	ssyncadd.s32 $0xFFFFEC00  }
0x40: {  	[tilespmem:s16], [sflag:$0x1] =	stream.indirect.gather [hbm4b:s4+s19], $0x80, s28, s19, $0xb8;
	[tilespmem:$0x1E800] =	vst v63  }
0x41: {  	_ = 	snop  }
0x42: {  	[tilespmem:s20], [sflag:$0x2] =	stream.indirect.gather [hbm4b:s4+s19], $0x80, s19, s19, $0xb8;
	[tilespmem:$0x1E800] =	vst v63  }
0x43: {  	_ =	swait.ge [sflag:s21], $0x4000  }
0x44: {  	[sflag:s21] =	ssyncset.done $0x0  }
0x45: {  	s29 =	simm.s32 $0x1400;
	[sflag:s21] =	ssyncadd.s32 $0xFFFFC000  }
0x46: {  	[spmem:s2] =	stream.indirect.scatter.add.f32 [tilespmem:s16], [sflag:$0x3], $0x80, s29, s19, $0xb8;
	[tilespmem:$0x1E800] =	vst v63  }
0x47: {  	_ =	swait.ge [sflag:s17], $0x4000  }
0x48: {  	[sflag:s17] =	ssyncset.done $0x0  }
0x49: {  	s30 =	simm.s32 $0x100;
	[sflag:s17] =	ssyncadd.s32 $0xFFFFC000  }
0x4a: {  	[tilespmem:s16], [sflag:$0x1] =	stream.indirect.gather [hbm4b:s4+s19], $0x80, s30, s19, $0xb8;
	[tilespmem:$0x1E800] =	vst v63  }
0x4b: {  	_ =	swait.ge [sflag:s22], $0x4000  }
0x4c: {  	[sflag:s22] =	ssyncset.done $0x0  }
0x4d: {  	s31 =	simm.s32 $0x1480;
	[sflag:s22] =	ssyncadd.s32 $0xFFFFC000  }
0x4e: {  	[spmem:s2] =	stream.indirect.scatter.add.f32 [tilespmem:s20], [sflag:$0x3], $0x80, s31, s19, $0xb8;
	[tilespmem:$0x1E800] =	vst v63  }
0x4f: {  	_ =	swait.ge [sflag:s17], $0x4000  }
0x50: {  	[sflag:s17] =	ssyncset.done $0x0  }
0x51: {  	s25 =	simm.s32 $0x400;
	s26 =	simm.s32 $0x180;
	[sflag:s17] =	ssyncadd.s32 $0xFFFFC000  }
.LBB2_4:
0x52: {  	[tilespmem:s20], [sflag:$0x2] =	stream.indirect.gather [hbm4b:s4+s19], $0x80, s26, s19, $0xb8;
	[tilespmem:$0x1E800] =	vst v63  }
0x53: {  	s26 =	smov.u32 s25  }
0x54: {  	p0 =	sne.s32 s25, $0x4800;
	s25 =	sadd.s32 $0x400, s25;
	_ =	swait.ge [sflag:s21], $0x4000  }
0x55: {  	s26 =	sshra.s32 s26, $0x2;
	[sflag:s21] =	ssyncset.done $0x0  }
0x56: {  	s28 =	sadd.s32 $0x1400, s26;
	[sflag:s21] =	ssyncadd.s32 $0xFFFFC000  }
0x57: {  	[spmem:s2] =	stream.indirect.scatter.add.f32 [tilespmem:s16], [sflag:$0x3], $0x80, s28, s19, $0xb8;
	[tilespmem:$0x1E800] =	vst v63  }
0x58: {  	_ =	swait.ge [sflag:s17], $0x4000  }
0x59: {  	[sflag:s17] =	ssyncset.done $0x0  }
0x5a: {  	s28 =	sadd.s32 $0x100, s26;
	[sflag:s17] =	ssyncadd.s32 $0xFFFFC000  }
0x5b: {  	[tilespmem:s16], [sflag:$0x1] =	stream.indirect.gather [hbm4b:s4+s19], $0x80, s28, s19, $0xb8;
	[tilespmem:$0x1E800] =	vst v63  }
0x5c: {  	_ =	swait.ge [sflag:s22], $0x4000  }
0x5d: {  	[sflag:s22] =	ssyncset.done $0x0  }
.Ltmp1:
0x5e: {  	s28 =	sadd.s32 $0x1480, s26;
	[sflag:s22] =	ssyncadd.s32 $0xFFFFC000;
	(pc) =	sbr.rel @p0 .LBB2_4-.Ltmp1, $4  }
0x5f: {  	[spmem:s2] =	stream.indirect.scatter.add.f32 [tilespmem:s20], [sflag:$0x3], $0x80, s28, s19, $0xb8;
	[tilespmem:$0x1E800] =	vst v63  }
0x60: {  	_ =	swait.ge [sflag:s17], $0x4000  }
0x61: {  	[sflag:s17] =	ssyncset.done $0x0  }
0x62: {  	s26 =	sadd.s32 $0x180, s26;
	[sflag:s17] =	ssyncadd.s32 $0xFFFFC000  }
0x63: {  	[tilespmem:s20], [sflag:$0x2] =	stream.indirect.gather [hbm4b:s4+s19], $0x80, s26, s19, $0xb8;
	[tilespmem:$0x1E800] =	vst v63  }
0x64: {  	_ =	swait.ge [sflag:s21], $0x4000  }
0x65: {  	[sflag:s21] =	ssyncset.done $0x0  }
0x66: {  	[sflag:s21] =	ssyncadd.s32 $0xFFFFC000  }
0x67: {  	[spmem:s2] =	stream.indirect.scatter.add.f32 [tilespmem:s16], [sflag:$0x3], $0x80, s23, s19, $0xb8;
	[tilespmem:$0x1E800] =	vst v63  }
0x68: {  	_ =	swait.ge [sflag:s17], $0x4000  }
0x69: {  	[sflag:s17] =	ssyncset.done $0x0  }
0x6a: {  	[sflag:s17] =	ssyncadd.s32 $0xFFFFC000  }
0x6b: {  	_ =	swait.ge [sflag:s22], $0x4000  }
0x6c: {  	[sflag:s22] =	ssyncset.done $0x0  }
0x6d: {  	[sflag:s22] =	ssyncadd.s32 $0xFFFFC000  }
0x6e: {  	[spmem:s2] =	stream.indirect.scatter.add.f32 [tilespmem:s20], [sflag:$0x3], $0x80, s24, s19, $0xb8;
	[tilespmem:$0x1E800] =	vst v63  }
0x6f: {  	_ =	swait.ge [sflag:s17], $0x4000  }
0x70: {  	[sflag:s17] =	ssyncset.done $0x0  }
0x71: {  	s25 =	simm.s32 $0x0;
	[sflag:s17] =	ssyncadd.s32 $0xFFFFC000  }
0x72: {  	[tilespmem:s25], [sflag:$0x3] =	stream.linear.gather [hbm4b:s12+s25], $0x1400, $0x38;
	[tilespmem:$0x1E800] =	vst v63  }
0x73: {  	_ =	swait.ge [sflag:s17], $0x1400  }
0x74: {  	[sflag:s17] =	ssyncset.done $0x0  }
0x75: {  	[sflag:s17] =	ssyncadd.s32 $0xFFFFEC00  }
0x76: {  	[tilespmem:s18], [sflag:$0x3] =	stream.linear.gather [hbm4b:s13+s25], $0x1400, $0x38;
	[tilespmem:$0x1E800] =	vst v63  }
0x77: {  	_ =	swait.ge [sflag:s17], $0x1400  }
0x78: {  	[sflag:s17] =	ssyncset.done $0x0  }
0x79: {  	[sflag:s17] =	ssyncadd.s32 $0xFFFFEC00  }
0x7a: {  	[tilespmem:s16], [sflag:$0x1] =	stream.indirect.gather [hbm4b:s4+s19], $0x80, s25, s19, $0xb8;
	[tilespmem:$0x1E800] =	vst v63  }
0x7b: {  	_ = 	snop  }
0x7c: {  	[tilespmem:s20], [sflag:$0x2] =	stream.indirect.gather [hbm4b:s4+s19], $0x80, s19, s19, $0xb8;
	[tilespmem:$0x1E800] =	vst v63  }
0x7d: {  	_ =	swait.ge [sflag:s21], $0x4000  }
0x7e: {  	[sflag:s21] =	ssyncset.done $0x0  }
0x7f: {  	s29 =	simm.s32 $0x1400;
	[sflag:s21] =	ssyncadd.s32 $0xFFFFC000  }
0x80: {  	[spmem:s2] =	stream.indirect.scatter.add.f32 [tilespmem:s16], [sflag:$0x3], $0x80, s29, s19, $0xb8;
	[tilespmem:$0x1E800] =	vst v63  }
0x81: {  	_ =	swait.ge [sflag:s17], $0x4000  }
0x82: {  	[sflag:s17] =	ssyncset.done $0x0  }
0x83: {  	s30 =	simm.s32 $0x100;
	[sflag:s17] =	ssyncadd.s32 $0xFFFFC000  }
0x84: {  	[tilespmem:s16], [sflag:$0x1] =	stream.indirect.gather [hbm4b:s4+s19], $0x80, s30, s19, $0xb8;
	[tilespmem:$0x1E800] =	vst v63  }
0x85: {  	_ =	swait.ge [sflag:s22], $0x4000  }
0x86: {  	[sflag:s22] =	ssyncset.done $0x0  }
0x87: {  	s31 =	simm.s32 $0x1480;
	[sflag:s22] =	ssyncadd.s32 $0xFFFFC000  }
0x88: {  	[spmem:s2] =	stream.indirect.scatter.add.f32 [tilespmem:s20], [sflag:$0x3], $0x80, s31, s19, $0xb8;
	[tilespmem:$0x1E800] =	vst v63  }
0x89: {  	_ =	swait.ge [sflag:s17], $0x4000  }
0x8a: {  	[sflag:s17] =	ssyncset.done $0x0  }
0x8b: {  	s26 =	simm.s32 $0x180;
	s25 =	simm.s32 $0x400;
	[sflag:s17] =	ssyncadd.s32 $0xFFFFC000  }
.LBB2_6:
0x8c: {  	[tilespmem:s20], [sflag:$0x2] =	stream.indirect.gather [hbm4b:s4+s19], $0x80, s26, s19, $0xb8;
	[tilespmem:$0x1E800] =	vst v63  }
0x8d: {  	s26 =	smov.u32 s25  }
0x8e: {  	p0 =	sne.s32 s25, $0x4800;
	s25 =	sadd.s32 $0x400, s25;
	_ =	swait.ge [sflag:s21], $0x4000  }
0x8f: {  	s26 =	sshra.s32 s26, $0x2;
	[sflag:s21] =	ssyncset.done $0x0  }
0x90: {  	s28 =	sadd.s32 $0x1400, s26;
	[sflag:s21] =	ssyncadd.s32 $0xFFFFC000  }
0x91: {  	[spmem:s2] =	stream.indirect.scatter.add.f32 [tilespmem:s16], [sflag:$0x3], $0x80, s28, s19, $0xb8;
	[tilespmem:$0x1E800] =	vst v63  }
0x92: {  	_ =	swait.ge [sflag:s17], $0x4000  }
0x93: {  	[sflag:s17] =	ssyncset.done $0x0  }
0x94: {  	s28 =	sadd.s32 $0x100, s26;
	[sflag:s17] =	ssyncadd.s32 $0xFFFFC000  }
0x95: {  	[tilespmem:s16], [sflag:$0x1] =	stream.indirect.gather [hbm4b:s4+s19], $0x80, s28, s19, $0xb8;
	[tilespmem:$0x1E800] =	vst v63  }
0x96: {  	_ =	swait.ge [sflag:s22], $0x4000  }
0x97: {  	[sflag:s22] =	ssyncset.done $0x0  }
.Ltmp2:
0x98: {  	s28 =	sadd.s32 $0x1480, s26;
	[sflag:s22] =	ssyncadd.s32 $0xFFFFC000;
	(pc) =	sbr.rel @p0 .LBB2_6-.Ltmp2, $4  }
0x99: {  	[spmem:s2] =	stream.indirect.scatter.add.f32 [tilespmem:s20], [sflag:$0x3], $0x80, s28, s19, $0xb8;
	[tilespmem:$0x1E800] =	vst v63  }
0x9a: {  	_ =	swait.ge [sflag:s17], $0x4000  }
0x9b: {  	[sflag:s17] =	ssyncset.done $0x0  }
0x9c: {  	s26 =	sadd.s32 $0x180, s26;
	[sflag:s17] =	ssyncadd.s32 $0xFFFFC000  }
0x9d: {  	[tilespmem:s20], [sflag:$0x2] =	stream.indirect.gather [hbm4b:s4+s19], $0x80, s26, s19, $0xb8;
	[tilespmem:$0x1E800] =	vst v63  }
0x9e: {  	_ =	swait.ge [sflag:s21], $0x4000  }
0x9f: {  	[sflag:s21] =	ssyncset.done $0x0  }
0xa0: {  	[sflag:s21] =	ssyncadd.s32 $0xFFFFC000  }
0xa1: {  	[spmem:s2] =	stream.indirect.scatter.add.f32 [tilespmem:s16], [sflag:$0x3], $0x80, s23, s19, $0xb8;
	[tilespmem:$0x1E800] =	vst v63  }
0xa2: {  	_ =	swait.ge [sflag:s17], $0x4000  }
0xa3: {  	[sflag:s17] =	ssyncset.done $0x0  }
0xa4: {  	[sflag:s17] =	ssyncadd.s32 $0xFFFFC000  }
0xa5: {  	_ =	swait.ge [sflag:s22], $0x4000  }
0xa6: {  	[sflag:s22] =	ssyncset.done $0x0  }
0xa7: {  	[sflag:s22] =	ssyncadd.s32 $0xFFFFC000  }
0xa8: {  	[spmem:s2] =	stream.indirect.scatter.add.f32 [tilespmem:s20], [sflag:$0x3], $0x80, s24, s19, $0xb8;
	[tilespmem:$0x1E800] =	vst v63  }
0xa9: {  	_ =	swait.ge [sflag:s17], $0x4000  }
0xaa: {  	s25 =	sshll.u32 s1, $0x6;
	s3 =	sadd.s32 $0x1, s3;
	[sflag:s17] =	ssyncset.done $0x0  }
0xab: {  	s31 =	sshrl.u32 s5, $0x3;
	p0 =	sne.s32 s3, s15;
	[sflag:s17] =	ssyncadd.s32 $0xFFFFC000  }
.Ltmp3:
0xac: {  	s25 =	sor.u32 $0x1C03, s25;
	[bflag:$0x0] =	sbarrier.arrive $0xFFFF;
	(pc) =	sbr.rel @p0 .LBB2_1-.Ltmp3, $4  }
0xad: {  	[hbm:s14], [sflag:s25] =	dma.local [spmem:s31], $0x2800  }
0xae: {  	_ =	swait.ge [sflag:s17], $0x2800  }
0xaf: {  	[sflag:s17] =	ssyncset.done $0x0  }
0xb0: {  	[sflag:s17] =	ssyncadd.s32 $0xFFFFD800  }
0xb1: {  	_ =	sfence.sel $0x180000  }
0xb2: {  	[bflag:$0x0] =	sbarrier.arrive $0xFFFF  }
0xb3: {  	p0 =	sne.s32 s1, $0x0;
	_ =	strace $0x9000004D  }
0xb4: {  	s0 =	sadd.s32 @!p0 $0x100000, s0;
	[bflag:$0x2] =	sbarrier.arrive $0xFFFF  }
0xb5: {  	[sflag:s0] =	ssyncadd.tile.s32 @!p0 $0x1;
	_ =	shalt  }
.Lfunc_end2:
_tile_overlayer_lowered:
.L_overlay_start_2:
0xb6: {  	(tag) =	ssettag $0x2  }
0xb7: {  	s0 =	rddreg [dreg:$0x0];
	s2 =	stileid.u32  }
0xb8: {  	s1 =	rddreg [dreg:$0x1];
	p0 =	sne.s32 s2, $0x0  }
0xb9: {  	s3 =	rddreg [dreg:$0x2];
	[bflag:$0x3] =	sbarrier.arrive $0xFFFF;
	s2 =	simm.s32 @!p0 $0x1C03  }
0xba: {  	[timem:s3], [sflag:s2] =	dma.local @!p0 [hbm:s0], s1  }
0xbb: {  	s0 =	simm.s32 @!p0 $0x3  }
0xbc: {  	_ =	swait.ge @!p0 [sflag:s0], s1  }
0xbd: {  	s1 =	ssub.s32 @!p0 $0x0, s1;
	[sflag:s0] =	ssyncset.done @!p0 $0x0  }
0xbe: {  	[sflag:s0] =	ssyncadd.s32 @!p0 s1  }
0xbf: {  	[bflag:$0x3] =	sbarrier.arrive $0xFFFF  }
0xc0: {  	_ =	shalt  }

// kernel: kernel.21.cloned.1.call-start
scs
__scs_entry_jumppad:
0x0: {  	(pc) =	sbr.rel $0x88, $3  }
0x1: {  	(tag) =	ssettag $0x0;
	lr =	simm.s32 $0x1  }
0x2: {  	[smem:$0x3F96] =	sst lr;
	_ =	strace $0xD0000000  }
0x3: {  	_ = 	snop  }
0x4: {  	_ = 	snop  }
0x5: {  	_ = 	snop  }
0x6: {  	_ = 	snop  }
0x7: {  	_ = 	snop  }
__scs_overlays_trampoline_lowered:
0x8: {  	[smem:$0x3FA5] =	sst s0  }
0x9: {  	[smem:$0x3FA6] =	sst s1  }
0xa: {  	[smem:$0x3FA7] =	sst s2  }
0xb: {  	[smem:$0x3FA8] =	sst s3  }
0xc: {  	[smem:$0x3FA9] =	sst s4  }
0xd: {  	[smem:$0x3FAA] =	sst s5  }
0xe: {  	[smem:$0x3FAB] =	sst s6  }
0xf: {  	[smem:$0x3FAC] =	sst s7  }
0x10: {  	[smem:$0x3FAD] =	sst s8  }
0x11: {  	[smem:$0x3FAE] =	sst s9;
	s0 =	simm.s32 @!p0 $0x0  }
0x12: {  	s1 =	sld [smem:$0x3F94];
	s0 =	simm.s32 @p0 $0x1  }
0x13: {  	[smem:$0x3FAF] =	sst s0;
	s0 =	simm.s32 @!p1 $0x0  }
0x14: {  	s2 =	sld [smem:$0x3F93];
	s0 =	simm.s32 @p1 $0x1  }
0x15: {  	[smem:$0x3FB0] =	sst s0;
	s0 =	simm.s32 @!p2 $0x0  }
0x16: {  	s3 =	sld [smem:$0x3FDB];
	s0 =	simm.s32 @p2 $0x1  }
0x17: {  	s4 =	simm.s32 $0x1BF5;
	[smem:$0x3FB2] =	sst s0  }
0x18: {  	s0 =	sld [smem:$0x3F95];
	_ =	swait.ge [sflag:s4], $0x0  }
0x19: {  	s7 =	sld [smem:$0x3F96]  }
0x1a: {  	s8 =	sadd.s32 $0xFFFFE003, lr  }
0x1b: {  	s9 =	sadd.s32 $0xFFFFFEF7, lr;
	s5 =	simm.s32 $0xFFFFFFFF;
	p2 =	slt.u32 s8, $0xFFFFF086  }
0x1c: {  	p1 =	slt.u32 s9, $0xF7A;
	s5 =	simm.s32 @!p2 $0x0  }
0x1d: {  	s5 =	simm.s32 @p1 $0x1;
	p0 =	seq.s32 s7, s2  }
0x1e: {  	s7 =	smul.u32 @!p0 $0xF7A, s2;
	p2 =	seq.s32 @!p0 s5, $0x0  }
0x1f: {  	s9 =	smul.u32 $0xF7A, s1;
	s8 =	simm.s32 @!p0 $0x1BF5;
	p2 =	por !p2, p0  }
0x20: {  	[sflag:s8] =	ssyncset.s32 @!p0 $0xFFFFF086;
	s6 =	sadd.s32 @!p0 s3, s7;
	s7 =	simm.s32 @!p0 $0x108  }
0x21: {  	s3 =	sadd.s32 s3, s9;
	s6 =	sadd.s32 @!p0 $0x88, s6;
	s7 =	simm.s32 @p2 $0x1082  }
0x22: {  	[simem:s7], [sflag:s8] =	dma.local @!p0 [hbm:s6], $0xF7A  }
0x23: {  	s9 =	sor.u32 $0xD0000000, s2;
	s6 =	simm.s32 $0x108;
	_ =	swait.ge @!p0 [sflag:s8], $0x0  }
0x24: {  	s3 =	sadd.s32 $0x88, s3;
	s6 =	simm.s32 @!p1 $0x1082;
	[sflag:s4] =	ssyncset.s32 $0xFFFFF086  }
0x25: {  	[simem:s6], [sflag:s4] =	dma.local [hbm:s3], $0xF7A  }
0x26: {  	[smem:$0x3F96] =	sst s1;
	(tag) =	ssettag s2;
	_ =	strace s9  }
0x27: {  	s1 =	sld [smem:$0x3FA6]  }
0x28: {  	s2 =	sld [smem:$0x3FA7]  }
0x29: {  	s4 =	sld [smem:$0x3FA9]  }
0x2a: {  	p0 =	seq.s32 s5, $0x0;
	s5 =	sld [smem:$0x3FAA]  }
0x2b: {  	s6 =	sld [smem:$0x3FAB]  }
0x2c: {  	s7 =	sld [smem:$0x3FAC]  }
0x2d: {  	s3 =	simm.s32 $0x108;
	s8 =	sld [smem:$0x3FAD]  }
0x2e: {  	s3 =	simm.s32 @!p0 $0x1082;
	s9 =	sld [smem:$0x3FAE]  }
0x2f: {  	lr =	sadd.s32 s0, s3;
	s0 =	sld [smem:$0x3FA5]  }
0x30: {  	s3 =	sld [smem:$0x3FA8]  }
0x31: {  	[smem:$0x3FB1] =	sst s10  }
0x32: {  	s10 =	sld [smem:$0x3FAF];
	_ =	sdelay $0x3  }
0x33: {  	p0 =	seq.s32 s10, $0x1;
	s10 =	sld [smem:$0x3FB1];
	_ =	sdelay $0x3  }
0x34: {  	[smem:$0x3FB1] =	sst s10  }
0x35: {  	s10 =	sld [smem:$0x3FB0];
	_ =	sdelay $0x3  }
0x36: {  	p1 =	seq.s32 s10, $0x1;
	s10 =	sld [smem:$0x3FB1];
	_ =	sdelay $0x3  }
0x37: {  	[smem:$0x3FB1] =	sst s10  }
0x38: {  	s10 =	sld [smem:$0x3FB2]  }
0x39: {  	_ = 	snop;
	(pc) =	sbr.ind lr, $3  }
0x3a: {  	_ = 	snop  }
0x3b: {  	_ = 	snop  }
0x3c: {  	p2 =	seq.s32 s10, $0x1;
	s10 =	sld [smem:$0x3FB1]  }
0x3d: {  	_ =	shalt  }
0x3e: {  	_ =	shalt  }
0x3f: {  	_ =	shalt  }
0x40: {  	_ =	shalt  }
0x41: {  	_ =	shalt  }
0x42: {  	_ =	shalt  }
0x43: {  	_ =	shalt  }
0x44: {  	_ =	shalt  }
0x45: {  	_ =	shalt  }
0x46: {  	_ =	shalt  }
0x47: {  	_ =	shalt  }
0x48: {  	_ =	shalt  }
0x49: {  	_ =	shalt  }
0x4a: {  	_ =	shalt  }
0x4b: {  	_ =	shalt  }
0x4c: {  	_ =	shalt  }
0x4d: {  	_ =	shalt  }
0x4e: {  	_ =	shalt  }
0x4f: {  	_ =	shalt  }
0x50: {  	_ =	shalt  }
0x51: {  	_ =	shalt  }
0x52: {  	_ =	shalt  }
0x53: {  	_ =	shalt  }
0x54: {  	_ =	shalt  }
0x55: {  	_ =	shalt  }
0x56: {  	_ =	shalt  }
0x57: {  	_ =	shalt  }
0x58: {  	_ =	shalt  }
0x59: {  	_ =	shalt  }
0x5a: {  	_ =	shalt  }
0x5b: {  	_ =	shalt  }
0x5c: {  	_ =	shalt  }
0x5d: {  	_ =	shalt  }
0x5e: {  	_ =	shalt  }
0x5f: {  	_ =	shalt  }
0x60: {  	_ =	shalt  }
0x61: {  	_ =	shalt  }
0x62: {  	_ =	shalt  }
0x63: {  	_ =	shalt  }
0x64: {  	_ =	shalt  }
0x65: {  	_ =	shalt  }
0x66: {  	_ =	shalt  }
0x67: {  	_ =	shalt  }
0x68: {  	_ =	shalt  }
0x69: {  	_ =	shalt  }
0x6a: {  	_ =	shalt  }
0x6b: {  	_ =	shalt  }
0x6c: {  	_ =	shalt  }
0x6d: {  	_ =	shalt  }
0x6e: {  	_ =	shalt  }
0x6f: {  	_ =	shalt  }
0x70: {  	_ =	shalt  }
0x71: {  	_ =	shalt  }
0x72: {  	_ =	shalt  }
0x73: {  	_ =	shalt  }
0x74: {  	_ =	shalt  }
0x75: {  	_ =	shalt  }
0x76: {  	_ =	shalt  }
0x77: {  	_ =	shalt  }
0x78: {  	_ =	shalt  }
0x79: {  	_ =	shalt  }
0x7a: {  	_ =	shalt  }
0x7b: {  	_ =	shalt  }
0x7c: {  	_ =	shalt  }
0x7d: {  	_ =	shalt  }
0x7e: {  	_ =	shalt  }
0x7f: {  	_ =	shalt  }
0x80: {  	_ =	shalt  }
0x81: {  	_ =	shalt  }
0x82: {  	_ =	shalt  }
0x83: {  	_ =	shalt  }
0x84: {  	_ =	shalt  }
0x85: {  	_ =	shalt  }
0x86: {  	_ =	shalt  }
0x87: {  	_ =	shalt  }
.Lfunc_end0:
.L_simem_size_0:
called_computation.3_lowered:
.L_overlay_start_0:
0x88: {  	s2 =	sld [smem:$0x3FD9]  }
0x89: {  	s3 =	sld [smem:$0x3FFE];
	_ =	sdelay $0x1  }
0x8a: {  	s1 =	srdreg.scid  }
0x8b: {  	s0 =	sand.u32 $0x1, s1  }
0x8c: {  	s16 =	sshll.u32 s0, $0xA;
	s2 =	sadd.s32 s3, s2  }
0x8d: {  	s2 =	sadd.s32 s2, s16  }
0x8e: {  	[smem:$0x3FBD] =	sst s2  }
0x8f: {  	_ = 	snop  }
0x90: {  	(tm) =	ssettm $0x1  }
0x91: {  	s17 =	sld [smem:$0x3FFB];
	_ =	sdelay $0x3  }
0x92: {  	_ =	strace s17  }
0x93: {  	s2 =	sld [smem:$0x3FFC];
	_ =	sdelay $0x3  }
0x94: {  	_ =	strace s2  }
0x95: {  	s2 =	sld [smem:$0x3FFD];
	_ =	sdelay $0x3  }
0x96: {  	_ =	strace s2  }
0x97: {  	_ =	strace $0x8FFFFFFF  }
0x98: {  	s18 =	sld [smem:$0x3FDB];
	_ =	sdelay $0x1  }
0x99: {  	s19 =	simm.s32 $_scs_section_size  }
0x9a: {  	s4 =	simm.s32 $_size__tile_overlayer_lowered;
	s5 =	simm.s32 $_tile_overlayer_lowered  }
0x9b: {  	s22 =	simm.s32 $0x1BFF;
	s21 =	sshll.u32 s5, $0x1;
	s2 =	sadd.s32 s19, s18  }
0x9c: {  	s6 =	simm.s32 $0x0;
	s20 =	sshll.u32 s4, $0x1;
	s4 =	sadd.s32 s21, s2  }
0x9d: {  	[timem:s6], [sflag:s22] =	dma.local [hbm:s4], s20  }
0x9e: {  	_ =	swait.ge [sflag:s22], s20  }
0x9f: {  	s3 =	ssub.s32 $0x0, s20;
	[sflag:s22] =	ssyncset.done $0x0  }
0xa0: {  	[sflag:s22] =	ssyncadd.s32 s3;
	_ =	sdelay $0x1  }
0xa1: {  	s23 =	simm.s32 $0x1B8B  }
0xa2: {  	_ =	swait.ge [sflag:s23], $0x1  }
0xa3: {  	[sflag:s23] =	ssyncset.done $0x0  }
0xa4: {  	s25 =	simm.s32 $0x1B8E;
	s24 =	sld [smem:$0x3FFE];
	[sflag:s23] =	ssyncadd.s32 $0xFFFFFFFF  }
0xa5: {  	s26 =	simm.s32 $execute0_lowered;
	[smem:$0x3FD2] =	sst s25  }
0xa6: {  	s4 =	sshll.u32 s26, $0x1;
	_ =	strace $0x8000004F;
	[dreg:$0x1] =	wrdreg $0xFFFFFFFF  }
0xa7: {  	s28 =	simm.s32 $_size_execute0_lowered;
	s2 =	sadd.s32 s2, s4;
	[dreg:$0x0] =	wrdreg $0x0  }
0xa8: {  	s4 =	sshll.u32 s28, $0x1;
	[dreg:$0x2] =	wrdreg s2  }
0xa9: {  	[dreg:$0x3] =	wrdreg s4  }
0xaa: {  	[dreg:$0x4] =	wrdreg $0xC0  }
0xab: {  	_ =	task [dreg:s6], $0x5FFFF  }
0xac: {  	[dreg:$0x1] =	wrdreg $0xFFFFFFFF  }
0xad: {  	[dreg:$0x0] =	wrdreg $0x60  }
0xae: {  	[dreg:$0x2] =	wrdreg s24  }
0xaf: {  	[dreg:$0x3] =	wrdreg $0xA8000  }
0xb0: {  	[dreg:$0x4] =	wrdreg $0x9  }
0xb1: {  	_ =	task.clear_ibuf [dreg:s6], $0x5FFFF;
	_ =	strace $0x9000004F  }
0xb2: {  	s29 =	simm.s32 $0x9;
	_ =	strace $0x80000051  }
0xb3: {  	_ =	swait.ge [sflag:s29], $0x1  }
0xb4: {  	[sflag:s29] =	ssyncadd.s32 $0xFFFFFFFF  }
0xb5: {  	_ =	strace $0x90000051  }
0xb6: {  	_ =	sfence  }
0xb7: {  	s30 =	sld [smem:$0x0];
	_ =	sdelay $0x2  }
0xb8: {  	s31 =	sshll.u32 s1, $0xD;
	s1 =	sshrl.u32 s1, $0x2  }
0xb9: {  	s3 =	sand.u32 $0x4000, s31;
	s1 =	sadd.s32 s1, s30  }
0xba: {  	s0 =	sor.u32 s3, s0;
	s1 =	sshll.u32 s1, $0x11  }
0xbb: {  	s0 =	sor.u32 s1, s0  }
0xbc: {  	s0 =	sadd.s32 $0x8F2B, s0  }
0xbd: {  	[sflag:s0] =	ssyncadd.remote.s32 $0x1  }
0xbe: {  	_ =	sfence.sel $0xFFFF  }
0xbf: {  	[dreg:$0x0] =	wrdreg $0xFFFFFFFF;
	(pc) =	sbr.abs _section_cstart, $3  }
0xc0: {  	[dreg:$0x1] =	wrdreg $0xFFFFFFFF  }
0xc1: {  	_ =	task.clear_ibuf [dreg:s6], $0x2FFFF;
	_ =	strace $0x9FFFFFFF  }
0xc2: {  	(tm) =	ssettm $0x7FFFFFFF  }
0xc3: {  	_ =	shalt  }
tec
execute0_lowered:
.L_overlay_start_1:
0x0: {  	(tag) =	ssettag $0x1  }
0x1: {  	s6 =	rddreg [dreg:$0x0]  }
0x2: {  	s2 =	rddreg [dreg:$0x1]  }
0x3: {  	s0 =	rddreg [dreg:$0x2];
	s3 =	simm.s32 $0x0;
	s4 =	srdreg.scid  }
0x4: {  	s1 =	stileid.u32;
	s18 =	simm.s32 $0x1400;
	s19 =	simm.s32 $0x80  }
0x5: {  	s20 =	simm.s32 $0x6800;
	s21 =	simm.s32 $0x1;
	s22 =	simm.s32 $0x2  }
0x6: {  	s23 =	simm.s32 $0x2700;
	s24 =	simm.s32 $0x2780;
	[smem:$0x7FF] =	sst s3  }
0x7: {  	s5 =	sand.u32 $0x1, s4;
	s7 =	smul.u32 $0x2800, s1;
	s4 =	sadd.s32 $0x18600, s6  }
0x8: {  	s12 =	sadd.s32 $0x4600, s6;
	s9 =	smul.u32 $0x50000, s1;
	s13 =	sadd.s32 $0xE600, s6  }
0x9: {  	s28 =	sshll.u32 s1, $0x1;
	s8 =	smul.u32 $0x28000, s5;
	s10 =	ssub.s32 $0x2, s5  }
0xa: {  	_ =	strace $0x80000050;
	s29 =	sshrl.u32 s9, $0x2;
	s30 =	sshrl.u32 s10, $0x1  }
0xb: {  	s7 =	sadd.s32 s7, s8;
	s8 =	sor.u32 s5, s28;
	s5 =	sadd.s32 s29, s2  }
0xc: {  	s15 =	ssub.s32 s10, s30;
	s11 =	smul.u32 $0x2800, s8;
	s14 =	sadd.s32 s7, s6  }
0xd: {  	s6 =	sadd.s32 $0x4000, s5;
	s7 =	sadd.s32 $0x8000, s5;
	s16 =	smul.u32 $0x500, s8  }
0xe: {  	s8 =	sadd.s32 $0xC000, s5;
	s9 =	sadd.s32 $0x10000, s5;
	s15 =	smax.u32 s15, $0x1  }
0xf: {  	s14 =	sadd.s32 $0x40600, s14;
	s31 =	sshrl.u32 s11, $0x3;
	s10 =	sadd.s32 s12, s16  }
0x10: {  	s11 =	sadd.s32 s13, s16;
	s16 =	simm.s32 $0x2800;
	s17 =	sadd.s32 $0x280, s31  }
0x11: {  	v0 =	vimm.f32 $0.0e+00;
	s12 =	sadd.s32 s12, s17;
	s13 =	sadd.s32 s13, s17;
	s17 =	simm.s32 $0x3  }
.LBB2_1:
0x12: {  	s25 =	simm.s32 $0x0;
	s26 =	simm.s32 $0x200  }
.LBB2_2:
0x13: {  	p0 =	sne.s32 s26, $0xFE00;
	[tilespmem:s25+$0x2870] =	vst v0  }
0x14: {  	[tilespmem:s25+$0x2800] =	vst v0  }
0x15: {  	[tilespmem:s25+$0x2810] =	vst v0  }
.Ltmp0:
0x16: {  	[tilespmem:s25+$0x2820] =	vst v0;
	(pc) =	sbr.rel @p0 .LBB2_2-.Ltmp0, $4  }
0x17: {  	[tilespmem:s25+$0x2830] =	vst v0  }
0x18: {  	[tilespmem:s25+$0x2840] =	vst v0  }
0x19: {  	[tilespmem:s25+$0x2850] =	vst v0  }
0x1a: {  	[tilespmem:s25+$0x2860] =	vst v0;
	s25 =	sshra.s32 s26, $0x2;
	s26 =	sadd.s32 $0x200, s26  }
0x1b: {  	[tilespmem:s25+$0x2870] =	vst v0  }
0x1c: {  	[tilespmem:s25+$0x2800] =	vst v0  }
0x1d: {  	[tilespmem:s25+$0x2810] =	vst v0  }
0x1e: {  	[tilespmem:s25+$0x2820] =	vst v0  }
0x1f: {  	[tilespmem:s25+$0x2830] =	vst v0  }
0x20: {  	[tilespmem:s25+$0x2840] =	vst v0  }
0x21: {  	[tilespmem:s25+$0x2850] =	vst v0  }
0x22: {  	[tilespmem:s25+$0x2860] =	vst v0  }
0x23: {  	[spmem:s5] =	stream.linear.scatter [tilespmem:s16], [sflag:$0x3], $0x4000, $0x38;
	[tilespmem:$0x1E800] =	vst v63  }
0x24: {  	_ =	swait.ge [sflag:s17], $0x4000  }
0x25: {  	[sflag:s17] =	ssyncset.done $0x0  }
0x26: {  	[sflag:s17] =	ssyncadd.s32 $0xFFFFC000  }
0x27: {  	[spmem:s6] =	stream.linear.scatter [tilespmem:s16], [sflag:$0x3], $0x4000, $0x38;
	[tilespmem:$0x1E800] =	vst v63  }
0x28: {  	_ =	swait.ge [sflag:s17], $0x4000  }
0x29: {  	[sflag:s17] =	ssyncset.done $0x0  }
0x2a: {  	[sflag:s17] =	ssyncadd.s32 $0xFFFFC000  }
0x2b: {  	[spmem:s7] =	stream.linear.scatter [tilespmem:s16], [sflag:$0x3], $0x4000, $0x38;
	[tilespmem:$0x1E800] =	vst v63  }
0x2c: {  	_ =	swait.ge [sflag:s17], $0x4000  }
0x2d: {  	[sflag:s17] =	ssyncset.done $0x0  }
0x2e: {  	[sflag:s17] =	ssyncadd.s32 $0xFFFFC000  }
0x2f: {  	[spmem:s8] =	stream.linear.scatter [tilespmem:s16], [sflag:$0x3], $0x4000, $0x38;
	[tilespmem:$0x1E800] =	vst v63  }
0x30: {  	_ =	swait.ge [sflag:s17], $0x4000  }
0x31: {  	[sflag:s17] =	ssyncset.done $0x0  }
0x32: {  	[sflag:s17] =	ssyncadd.s32 $0xFFFFC000  }
0x33: {  	[spmem:s9] =	stream.linear.scatter [tilespmem:s16], [sflag:$0x3], $0x4000, $0x38;
	[tilespmem:$0x1E800] =	vst v63  }
0x34: {  	_ =	swait.ge [sflag:s17], $0x4000  }
0x35: {  	[sflag:s17] =	ssyncset.done $0x0  }
0x36: {  	[sflag:s17] =	ssyncadd.s32 $0xFFFFC000  }
0x37: {  	s28 =	simm.s32 $0x0;
	[bflag:$0x0] =	sbarrier.arrive $0xFFFF  }
0x38: {  	[tilespmem:s28], [sflag:$0x3] =	stream.linear.gather [hbm4b:s10+s28], $0x1400, $0x38;
	[tilespmem:$0x1E800] =	vst v63  }
0x39: {  	_ =	swait.ge [sflag:s17], $0x1400  }
0x3a: {  	[sflag:s17] =	ssyncset.done $0x0  }
0x3b: {  	[sflag:s17] =	ssyncadd.s32 $0xFFFFEC00  }
0x3c: {  	[tilespmem:s18], [sflag:$0x3] =	stream.linear.gather [hbm4b:s11+s28], $0x1400, $0x38;
	[tilespmem:$0x1E800] =	vst v63  }
0x3d: {  	_ =	swait.ge [sflag:s17], $0x1400  }
0x3e: {  	[sflag:s17] =	ssyncset.done $0x0  }
0x3f: {  	[sflag:s17] =	ssyncadd.s32 $0xFFFFEC00  }
0x40: {  	[tilespmem:s16], [sflag:$0x1] =	stream.indirect.gather [hbm4b:s4+s19], $0x80, s28, s19, $0xb8;
	[tilespmem:$0x1E800] =	vst v63  }
0x41: {  	_ = 	snop  }
0x42: {  	[tilespmem:s20], [sflag:$0x2] =	stream.indirect.gather [hbm4b:s4+s19], $0x80, s19, s19, $0xb8;
	[tilespmem:$0x1E800] =	vst v63  }
0x43: {  	_ =	swait.ge [sflag:s21], $0x4000  }
0x44: {  	[sflag:s21] =	ssyncset.done $0x0  }
0x45: {  	s29 =	simm.s32 $0x1400;
	[sflag:s21] =	ssyncadd.s32 $0xFFFFC000  }
0x46: {  	[spmem:s2] =	stream.indirect.scatter.add.f32 [tilespmem:s16], [sflag:$0x3], $0x80, s29, s19, $0xb8;
	[tilespmem:$0x1E800] =	vst v63  }
0x47: {  	_ =	swait.ge [sflag:s17], $0x4000  }
0x48: {  	[sflag:s17] =	ssyncset.done $0x0  }
0x49: {  	s30 =	simm.s32 $0x100;
	[sflag:s17] =	ssyncadd.s32 $0xFFFFC000  }
0x4a: {  	[tilespmem:s16], [sflag:$0x1] =	stream.indirect.gather [hbm4b:s4+s19], $0x80, s30, s19, $0xb8;
	[tilespmem:$0x1E800] =	vst v63  }
0x4b: {  	_ =	swait.ge [sflag:s22], $0x4000  }
0x4c: {  	[sflag:s22] =	ssyncset.done $0x0  }
0x4d: {  	s31 =	simm.s32 $0x1480;
	[sflag:s22] =	ssyncadd.s32 $0xFFFFC000  }
0x4e: {  	[spmem:s2] =	stream.indirect.scatter.add.f32 [tilespmem:s20], [sflag:$0x3], $0x80, s31, s19, $0xb8;
	[tilespmem:$0x1E800] =	vst v63  }
0x4f: {  	_ =	swait.ge [sflag:s17], $0x4000  }
0x50: {  	[sflag:s17] =	ssyncset.done $0x0  }
0x51: {  	s25 =	simm.s32 $0x400;
	s26 =	simm.s32 $0x180;
	[sflag:s17] =	ssyncadd.s32 $0xFFFFC000  }
.LBB2_4:
0x52: {  	[tilespmem:s20], [sflag:$0x2] =	stream.indirect.gather [hbm4b:s4+s19], $0x80, s26, s19, $0xb8;
	[tilespmem:$0x1E800] =	vst v63  }
0x53: {  	s26 =	smov.u32 s25  }
0x54: {  	p0 =	sne.s32 s25, $0x4800;
	s25 =	sadd.s32 $0x400, s25;
	_ =	swait.ge [sflag:s21], $0x4000  }
0x55: {  	s26 =	sshra.s32 s26, $0x2;
	[sflag:s21] =	ssyncset.done $0x0  }
0x56: {  	s28 =	sadd.s32 $0x1400, s26;
	[sflag:s21] =	ssyncadd.s32 $0xFFFFC000  }
0x57: {  	[spmem:s2] =	stream.indirect.scatter.add.f32 [tilespmem:s16], [sflag:$0x3], $0x80, s28, s19, $0xb8;
	[tilespmem:$0x1E800] =	vst v63  }
0x58: {  	_ =	swait.ge [sflag:s17], $0x4000  }
0x59: {  	[sflag:s17] =	ssyncset.done $0x0  }
0x5a: {  	s28 =	sadd.s32 $0x100, s26;
	[sflag:s17] =	ssyncadd.s32 $0xFFFFC000  }
0x5b: {  	[tilespmem:s16], [sflag:$0x1] =	stream.indirect.gather [hbm4b:s4+s19], $0x80, s28, s19, $0xb8;
	[tilespmem:$0x1E800] =	vst v63  }
0x5c: {  	_ =	swait.ge [sflag:s22], $0x4000  }
0x5d: {  	[sflag:s22] =	ssyncset.done $0x0  }
.Ltmp1:
0x5e: {  	s28 =	sadd.s32 $0x1480, s26;
	[sflag:s22] =	ssyncadd.s32 $0xFFFFC000;
	(pc) =	sbr.rel @p0 .LBB2_4-.Ltmp1, $4  }
0x5f: {  	[spmem:s2] =	stream.indirect.scatter.add.f32 [tilespmem:s20], [sflag:$0x3], $0x80, s28, s19, $0xb8;
	[tilespmem:$0x1E800] =	vst v63  }
0x60: {  	_ =	swait.ge [sflag:s17], $0x4000  }
0x61: {  	[sflag:s17] =	ssyncset.done $0x0  }
0x62: {  	s26 =	sadd.s32 $0x180, s26;
	[sflag:s17] =	ssyncadd.s32 $0xFFFFC000  }
0x63: {  	[tilespmem:s20], [sflag:$0x2] =	stream.indirect.gather [hbm4b:s4+s19], $0x80, s26, s19, $0xb8;
	[tilespmem:$0x1E800] =	vst v63  }
0x64: {  	_ =	swait.ge [sflag:s21], $0x4000  }
0x65: {  	[sflag:s21] =	ssyncset.done $0x0  }
0x66: {  	[sflag:s21] =	ssyncadd.s32 $0xFFFFC000  }
0x67: {  	[spmem:s2] =	stream.indirect.scatter.add.f32 [tilespmem:s16], [sflag:$0x3], $0x80, s23, s19, $0xb8;
	[tilespmem:$0x1E800] =	vst v63  }
0x68: {  	_ =	swait.ge [sflag:s17], $0x4000  }
0x69: {  	[sflag:s17] =	ssyncset.done $0x0  }
0x6a: {  	[sflag:s17] =	ssyncadd.s32 $0xFFFFC000  }
0x6b: {  	_ =	swait.ge [sflag:s22], $0x4000  }
0x6c: {  	[sflag:s22] =	ssyncset.done $0x0  }
0x6d: {  	[sflag:s22] =	ssyncadd.s32 $0xFFFFC000  }
0x6e: {  	[spmem:s2] =	stream.indirect.scatter.add.f32 [tilespmem:s20], [sflag:$0x3], $0x80, s24, s19, $0xb8;
	[tilespmem:$0x1E800] =	vst v63  }
0x6f: {  	_ =	swait.ge [sflag:s17], $0x4000  }
0x70: {  	[sflag:s17] =	ssyncset.done $0x0  }
0x71: {  	s25 =	simm.s32 $0x0;
	[sflag:s17] =	ssyncadd.s32 $0xFFFFC000  }
0x72: {  	[tilespmem:s25], [sflag:$0x3] =	stream.linear.gather [hbm4b:s12+s25], $0x1400, $0x38;
	[tilespmem:$0x1E800] =	vst v63  }
0x73: {  	_ =	swait.ge [sflag:s17], $0x1400  }
0x74: {  	[sflag:s17] =	ssyncset.done $0x0  }
0x75: {  	[sflag:s17] =	ssyncadd.s32 $0xFFFFEC00  }
0x76: {  	[tilespmem:s18], [sflag:$0x3] =	stream.linear.gather [hbm4b:s13+s25], $0x1400, $0x38;
	[tilespmem:$0x1E800] =	vst v63  }
0x77: {  	_ =	swait.ge [sflag:s17], $0x1400  }
0x78: {  	[sflag:s17] =	ssyncset.done $0x0  }
0x79: {  	[sflag:s17] =	ssyncadd.s32 $0xFFFFEC00  }
0x7a: {  	[tilespmem:s16], [sflag:$0x1] =	stream.indirect.gather [hbm4b:s4+s19], $0x80, s25, s19, $0xb8;
	[tilespmem:$0x1E800] =	vst v63  }
0x7b: {  	_ = 	snop  }
0x7c: {  	[tilespmem:s20], [sflag:$0x2] =	stream.indirect.gather [hbm4b:s4+s19], $0x80, s19, s19, $0xb8;
	[tilespmem:$0x1E800] =	vst v63  }
0x7d: {  	_ =	swait.ge [sflag:s21], $0x4000  }
0x7e: {  	[sflag:s21] =	ssyncset.done $0x0  }
0x7f: {  	s29 =	simm.s32 $0x1400;
	[sflag:s21] =	ssyncadd.s32 $0xFFFFC000  }
0x80: {  	[spmem:s2] =	stream.indirect.scatter.add.f32 [tilespmem:s16], [sflag:$0x3], $0x80, s29, s19, $0xb8;
	[tilespmem:$0x1E800] =	vst v63  }
0x81: {  	_ =	swait.ge [sflag:s17], $0x4000  }
0x82: {  	[sflag:s17] =	ssyncset.done $0x0  }
0x83: {  	s30 =	simm.s32 $0x100;
	[sflag:s17] =	ssyncadd.s32 $0xFFFFC000  }
0x84: {  	[tilespmem:s16], [sflag:$0x1] =	stream.indirect.gather [hbm4b:s4+s19], $0x80, s30, s19, $0xb8;
	[tilespmem:$0x1E800] =	vst v63  }
0x85: {  	_ =	swait.ge [sflag:s22], $0x4000  }
0x86: {  	[sflag:s22] =	ssyncset.done $0x0  }
0x87: {  	s31 =	simm.s32 $0x1480;
	[sflag:s22] =	ssyncadd.s32 $0xFFFFC000  }
0x88: {  	[spmem:s2] =	stream.indirect.scatter.add.f32 [tilespmem:s20], [sflag:$0x3], $0x80, s31, s19, $0xb8;
	[tilespmem:$0x1E800] =	vst v63  }
0x89: {  	_ =	swait.ge [sflag:s17], $0x4000  }
0x8a: {  	[sflag:s17] =	ssyncset.done $0x0  }
0x8b: {  	s26 =	simm.s32 $0x180;
	s25 =	simm.s32 $0x400;
	[sflag:s17] =	ssyncadd.s32 $0xFFFFC000  }
.LBB2_6:
0x8c: {  	[tilespmem:s20], [sflag:$0x2] =	stream.indirect.gather [hbm4b:s4+s19], $0x80, s26, s19, $0xb8;
	[tilespmem:$0x1E800] =	vst v63  }
0x8d: {  	s26 =	smov.u32 s25  }
0x8e: {  	p0 =	sne.s32 s25, $0x4800;
	s25 =	sadd.s32 $0x400, s25;
	_ =	swait.ge [sflag:s21], $0x4000  }
0x8f: {  	s26 =	sshra.s32 s26, $0x2;
	[sflag:s21] =	ssyncset.done $0x0  }
0x90: {  	s28 =	sadd.s32 $0x1400, s26;
	[sflag:s21] =	ssyncadd.s32 $0xFFFFC000  }
0x91: {  	[spmem:s2] =	stream.indirect.scatter.add.f32 [tilespmem:s16], [sflag:$0x3], $0x80, s28, s19, $0xb8;
	[tilespmem:$0x1E800] =	vst v63  }
0x92: {  	_ =	swait.ge [sflag:s17], $0x4000  }
0x93: {  	[sflag:s17] =	ssyncset.done $0x0  }
0x94: {  	s28 =	sadd.s32 $0x100, s26;
	[sflag:s17] =	ssyncadd.s32 $0xFFFFC000  }
0x95: {  	[tilespmem:s16], [sflag:$0x1] =	stream.indirect.gather [hbm4b:s4+s19], $0x80, s28, s19, $0xb8;
	[tilespmem:$0x1E800] =	vst v63  }
0x96: {  	_ =	swait.ge [sflag:s22], $0x4000  }
0x97: {  	[sflag:s22] =	ssyncset.done $0x0  }
.Ltmp2:
0x98: {  	s28 =	sadd.s32 $0x1480, s26;
	[sflag:s22] =	ssyncadd.s32 $0xFFFFC000;
	(pc) =	sbr.rel @p0 .LBB2_6-.Ltmp2, $4  }
0x99: {  	[spmem:s2] =	stream.indirect.scatter.add.f32 [tilespmem:s20], [sflag:$0x3], $0x80, s28, s19, $0xb8;
	[tilespmem:$0x1E800] =	vst v63  }
0x9a: {  	_ =	swait.ge [sflag:s17], $0x4000  }
0x9b: {  	[sflag:s17] =	ssyncset.done $0x0  }
0x9c: {  	s26 =	sadd.s32 $0x180, s26;
	[sflag:s17] =	ssyncadd.s32 $0xFFFFC000  }
0x9d: {  	[tilespmem:s20], [sflag:$0x2] =	stream.indirect.gather [hbm4b:s4+s19], $0x80, s26, s19, $0xb8;
	[tilespmem:$0x1E800] =	vst v63  }
0x9e: {  	_ =	swait.ge [sflag:s21], $0x4000  }
0x9f: {  	[sflag:s21] =	ssyncset.done $0x0  }
0xa0: {  	[sflag:s21] =	ssyncadd.s32 $0xFFFFC000  }
0xa1: {  	[spmem:s2] =	stream.indirect.scatter.add.f32 [tilespmem:s16], [sflag:$0x3], $0x80, s23, s19, $0xb8;
	[tilespmem:$0x1E800] =	vst v63  }
0xa2: {  	_ =	swait.ge [sflag:s17], $0x4000  }
0xa3: {  	[sflag:s17] =	ssyncset.done $0x0  }
0xa4: {  	[sflag:s17] =	ssyncadd.s32 $0xFFFFC000  }
0xa5: {  	_ =	swait.ge [sflag:s22], $0x4000  }
0xa6: {  	[sflag:s22] =	ssyncset.done $0x0  }
0xa7: {  	[sflag:s22] =	ssyncadd.s32 $0xFFFFC000  }
0xa8: {  	[spmem:s2] =	stream.indirect.scatter.add.f32 [tilespmem:s20], [sflag:$0x3], $0x80, s24, s19, $0xb8;
	[tilespmem:$0x1E800] =	vst v63  }
0xa9: {  	_ =	swait.ge [sflag:s17], $0x4000  }
0xaa: {  	s25 =	sshll.u32 s1, $0x6;
	s3 =	sadd.s32 $0x1, s3;
	[sflag:s17] =	ssyncset.done $0x0  }
0xab: {  	s31 =	sshrl.u32 s5, $0x3;
	p0 =	sne.s32 s3, s15;
	[sflag:s17] =	ssyncadd.s32 $0xFFFFC000  }
.Ltmp3:
0xac: {  	s25 =	sor.u32 $0x1C03, s25;
	[bflag:$0x0] =	sbarrier.arrive $0xFFFF;
	(pc) =	sbr.rel @p0 .LBB2_1-.Ltmp3, $4  }
0xad: {  	[hbm:s14], [sflag:s25] =	dma.local [spmem:s31], $0x2800  }
0xae: {  	_ =	swait.ge [sflag:s17], $0x2800  }
0xaf: {  	[sflag:s17] =	ssyncset.done $0x0  }
0xb0: {  	[sflag:s17] =	ssyncadd.s32 $0xFFFFD800  }
0xb1: {  	_ =	sfence.sel $0x180000  }
0xb2: {  	[bflag:$0x0] =	sbarrier.arrive $0xFFFF  }
0xb3: {  	p0 =	sne.s32 s1, $0x0;
	_ =	strace $0x90000050  }
0xb4: {  	s0 =	sadd.s32 @!p0 $0x100000, s0;
	[bflag:$0x2] =	sbarrier.arrive $0xFFFF  }
0xb5: {  	[sflag:s0] =	ssyncadd.tile.s32 @!p0 $0x1;
	_ =	shalt  }
.Lfunc_end2:
_tile_overlayer_lowered:
.L_overlay_start_2:
0xb6: {  	(tag) =	ssettag $0x2  }
0xb7: {  	s0 =	rddreg [dreg:$0x0];
	s2 =	stileid.u32  }
0xb8: {  	s1 =	rddreg [dreg:$0x1];
	p0 =	sne.s32 s2, $0x0  }
0xb9: {  	s3 =	rddreg [dreg:$0x2];
	[bflag:$0x3] =	sbarrier.arrive $0xFFFF;
	s2 =	simm.s32 @!p0 $0x1C03  }
0xba: {  	[timem:s3], [sflag:s2] =	dma.local @!p0 [hbm:s0], s1  }
0xbb: {  	s0 =	simm.s32 @!p0 $0x3  }
0xbc: {  	_ =	swait.ge @!p0 [sflag:s0], s1  }
0xbd: {  	s1 =	ssub.s32 @!p0 $0x0, s1;
	[sflag:s0] =	ssyncset.done @!p0 $0x0  }
0xbe: {  	[sflag:s0] =	ssyncadd.s32 @!p0 s1  }
0xbf: {  	[bflag:$0x3] =	sbarrier.arrive $0xFFFF  }
0xc0: {  	_ =	shalt  }

// kernel: kernel.24.cloned.1.call-start
scs
__scs_entry_jumppad:
0x0: {  	(pc) =	sbr.rel $0x88, $3  }
0x1: {  	(tag) =	ssettag $0x0;
	lr =	simm.s32 $0x1  }
0x2: {  	[smem:$0x3F96] =	sst lr;
	_ =	strace $0xD0000000  }
0x3: {  	_ = 	snop  }
0x4: {  	_ = 	snop  }
0x5: {  	_ = 	snop  }
0x6: {  	_ = 	snop  }
0x7: {  	_ = 	snop  }
__scs_overlays_trampoline_lowered:
0x8: {  	[smem:$0x3FA5] =	sst s0  }
0x9: {  	[smem:$0x3FA6] =	sst s1  }
0xa: {  	[smem:$0x3FA7] =	sst s2  }
0xb: {  	[smem:$0x3FA8] =	sst s3  }
0xc: {  	[smem:$0x3FA9] =	sst s4  }
0xd: {  	[smem:$0x3FAA] =	sst s5  }
0xe: {  	[smem:$0x3FAB] =	sst s6  }
0xf: {  	[smem:$0x3FAC] =	sst s7  }
0x10: {  	[smem:$0x3FAD] =	sst s8  }
0x11: {  	[smem:$0x3FAE] =	sst s9;
	s0 =	simm.s32 @!p0 $0x0  }
0x12: {  	s1 =	sld [smem:$0x3F94];
	s0 =	simm.s32 @p0 $0x1  }
0x13: {  	[smem:$0x3FAF] =	sst s0;
	s0 =	simm.s32 @!p1 $0x0  }
0x14: {  	s2 =	sld [smem:$0x3F93];
	s0 =	simm.s32 @p1 $0x1  }
0x15: {  	[smem:$0x3FB0] =	sst s0;
	s0 =	simm.s32 @!p2 $0x0  }
0x16: {  	s3 =	sld [smem:$0x3FDB];
	s0 =	simm.s32 @p2 $0x1  }
0x17: {  	s4 =	simm.s32 $0x1BF5;
	[smem:$0x3FB2] =	sst s0  }
0x18: {  	s0 =	sld [smem:$0x3F95];
	_ =	swait.ge [sflag:s4], $0x0  }
0x19: {  	s7 =	sld [smem:$0x3F96]  }
0x1a: {  	s8 =	sadd.s32 $0xFFFFE003, lr  }
0x1b: {  	s9 =	sadd.s32 $0xFFFFFEF7, lr;
	s5 =	simm.s32 $0xFFFFFFFF;
	p2 =	slt.u32 s8, $0xFFFFF086  }
0x1c: {  	p1 =	slt.u32 s9, $0xF7A;
	s5 =	simm.s32 @!p2 $0x0  }
0x1d: {  	s5 =	simm.s32 @p1 $0x1;
	p0 =	seq.s32 s7, s2  }
0x1e: {  	s7 =	smul.u32 @!p0 $0xF7A, s2;
	p2 =	seq.s32 @!p0 s5, $0x0  }
0x1f: {  	s9 =	smul.u32 $0xF7A, s1;
	s8 =	simm.s32 @!p0 $0x1BF5;
	p2 =	por !p2, p0  }
0x20: {  	[sflag:s8] =	ssyncset.s32 @!p0 $0xFFFFF086;
	s6 =	sadd.s32 @!p0 s3, s7;
	s7 =	simm.s32 @!p0 $0x108  }
0x21: {  	s3 =	sadd.s32 s3, s9;
	s6 =	sadd.s32 @!p0 $0x88, s6;
	s7 =	simm.s32 @p2 $0x1082  }
0x22: {  	[simem:s7], [sflag:s8] =	dma.local @!p0 [hbm:s6], $0xF7A  }
0x23: {  	s9 =	sor.u32 $0xD0000000, s2;
	s6 =	simm.s32 $0x108;
	_ =	swait.ge @!p0 [sflag:s8], $0x0  }
0x24: {  	s3 =	sadd.s32 $0x88, s3;
	s6 =	simm.s32 @!p1 $0x1082;
	[sflag:s4] =	ssyncset.s32 $0xFFFFF086  }
0x25: {  	[simem:s6], [sflag:s4] =	dma.local [hbm:s3], $0xF7A  }
0x26: {  	[smem:$0x3F96] =	sst s1;
	(tag) =	ssettag s2;
	_ =	strace s9  }
0x27: {  	s1 =	sld [smem:$0x3FA6]  }
0x28: {  	s2 =	sld [smem:$0x3FA7]  }
0x29: {  	s4 =	sld [smem:$0x3FA9]  }
0x2a: {  	p0 =	seq.s32 s5, $0x0;
	s5 =	sld [smem:$0x3FAA]  }
0x2b: {  	s6 =	sld [smem:$0x3FAB]  }
0x2c: {  	s7 =	sld [smem:$0x3FAC]  }
0x2d: {  	s3 =	simm.s32 $0x108;
	s8 =	sld [smem:$0x3FAD]  }
0x2e: {  	s3 =	simm.s32 @!p0 $0x1082;
	s9 =	sld [smem:$0x3FAE]  }
0x2f: {  	lr =	sadd.s32 s0, s3;
	s0 =	sld [smem:$0x3FA5]  }
0x30: {  	s3 =	sld [smem:$0x3FA8]  }
0x31: {  	[smem:$0x3FB1] =	sst s10  }
0x32: {  	s10 =	sld [smem:$0x3FAF];
	_ =	sdelay $0x3  }
0x33: {  	p0 =	seq.s32 s10, $0x1;
	s10 =	sld [smem:$0x3FB1];
	_ =	sdelay $0x3  }
0x34: {  	[smem:$0x3FB1] =	sst s10  }
0x35: {  	s10 =	sld [smem:$0x3FB0];
	_ =	sdelay $0x3  }
0x36: {  	p1 =	seq.s32 s10, $0x1;
	s10 =	sld [smem:$0x3FB1];
	_ =	sdelay $0x3  }
0x37: {  	[smem:$0x3FB1] =	sst s10  }
0x38: {  	s10 =	sld [smem:$0x3FB2]  }
0x39: {  	_ = 	snop;
	(pc) =	sbr.ind lr, $3  }
0x3a: {  	_ = 	snop  }
0x3b: {  	_ = 	snop  }
0x3c: {  	p2 =	seq.s32 s10, $0x1;
	s10 =	sld [smem:$0x3FB1]  }
0x3d: {  	_ =	shalt  }
0x3e: {  	_ =	shalt  }
0x3f: {  	_ =	shalt  }
0x40: {  	_ =	shalt  }
0x41: {  	_ =	shalt  }
0x42: {  	_ =	shalt  }
0x43: {  	_ =	shalt  }
0x44: {  	_ =	shalt  }
0x45: {  	_ =	shalt  }
0x46: {  	_ =	shalt  }
0x47: {  	_ =	shalt  }
0x48: {  	_ =	shalt  }
0x49: {  	_ =	shalt  }
0x4a: {  	_ =	shalt  }
0x4b: {  	_ =	shalt  }
0x4c: {  	_ =	shalt  }
0x4d: {  	_ =	shalt  }
0x4e: {  	_ =	shalt  }
0x4f: {  	_ =	shalt  }
0x50: {  	_ =	shalt  }
0x51: {  	_ =	shalt  }
0x52: {  	_ =	shalt  }
0x53: {  	_ =	shalt  }
0x54: {  	_ =	shalt  }
0x55: {  	_ =	shalt  }
0x56: {  	_ =	shalt  }
0x57: {  	_ =	shalt  }
0x58: {  	_ =	shalt  }
0x59: {  	_ =	shalt  }
0x5a: {  	_ =	shalt  }
0x5b: {  	_ =	shalt  }
0x5c: {  	_ =	shalt  }
0x5d: {  	_ =	shalt  }
0x5e: {  	_ =	shalt  }
0x5f: {  	_ =	shalt  }
0x60: {  	_ =	shalt  }
0x61: {  	_ =	shalt  }
0x62: {  	_ =	shalt  }
0x63: {  	_ =	shalt  }
0x64: {  	_ =	shalt  }
0x65: {  	_ =	shalt  }
0x66: {  	_ =	shalt  }
0x67: {  	_ =	shalt  }
0x68: {  	_ =	shalt  }
0x69: {  	_ =	shalt  }
0x6a: {  	_ =	shalt  }
0x6b: {  	_ =	shalt  }
0x6c: {  	_ =	shalt  }
0x6d: {  	_ =	shalt  }
0x6e: {  	_ =	shalt  }
0x6f: {  	_ =	shalt  }
0x70: {  	_ =	shalt  }
0x71: {  	_ =	shalt  }
0x72: {  	_ =	shalt  }
0x73: {  	_ =	shalt  }
0x74: {  	_ =	shalt  }
0x75: {  	_ =	shalt  }
0x76: {  	_ =	shalt  }
0x77: {  	_ =	shalt  }
0x78: {  	_ =	shalt  }
0x79: {  	_ =	shalt  }
0x7a: {  	_ =	shalt  }
0x7b: {  	_ =	shalt  }
0x7c: {  	_ =	shalt  }
0x7d: {  	_ =	shalt  }
0x7e: {  	_ =	shalt  }
0x7f: {  	_ =	shalt  }
0x80: {  	_ =	shalt  }
0x81: {  	_ =	shalt  }
0x82: {  	_ =	shalt  }
0x83: {  	_ =	shalt  }
0x84: {  	_ =	shalt  }
0x85: {  	_ =	shalt  }
0x86: {  	_ =	shalt  }
0x87: {  	_ =	shalt  }
.Lfunc_end0:
.L_simem_size_0:
called_computation.4_lowered:
.L_overlay_start_0:
0x88: {  	s2 =	sld [smem:$0x3FD9]  }
0x89: {  	s3 =	sld [smem:$0x3FFE];
	_ =	sdelay $0x1  }
0x8a: {  	s1 =	srdreg.scid  }
0x8b: {  	s0 =	sand.u32 $0x1, s1  }
0x8c: {  	s16 =	sshll.u32 s0, $0xA;
	s2 =	sadd.s32 s3, s2  }
0x8d: {  	s2 =	sadd.s32 s2, s16  }
0x8e: {  	[smem:$0x3FBD] =	sst s2  }
0x8f: {  	_ = 	snop  }
0x90: {  	(tm) =	ssettm $0x1  }
0x91: {  	s17 =	sld [smem:$0x3FFB];
	_ =	sdelay $0x3  }
0x92: {  	_ =	strace s17  }
0x93: {  	s2 =	sld [smem:$0x3FFC];
	_ =	sdelay $0x3  }
0x94: {  	_ =	strace s2  }
0x95: {  	s2 =	sld [smem:$0x3FFD];
	_ =	sdelay $0x3  }
0x96: {  	_ =	strace s2  }
0x97: {  	_ =	strace $0x8FFFFFFF  }
0x98: {  	s18 =	sld [smem:$0x3FDB];
	_ =	sdelay $0x1  }
0x99: {  	s19 =	simm.s32 $_scs_section_size  }
0x9a: {  	s4 =	simm.s32 $_size__tile_overlayer_lowered;
	s5 =	simm.s32 $_tile_overlayer_lowered  }
0x9b: {  	s22 =	simm.s32 $0x1BFF;
	s21 =	sshll.u32 s5, $0x1;
	s2 =	sadd.s32 s19, s18  }
0x9c: {  	s6 =	simm.s32 $0x0;
	s20 =	sshll.u32 s4, $0x1;
	s4 =	sadd.s32 s21, s2  }
0x9d: {  	[timem:s6], [sflag:s22] =	dma.local [hbm:s4], s20  }
0x9e: {  	_ =	swait.ge [sflag:s22], s20  }
0x9f: {  	s3 =	ssub.s32 $0x0, s20;
	[sflag:s22] =	ssyncset.done $0x0  }
0xa0: {  	[sflag:s22] =	ssyncadd.s32 s3;
	_ =	sdelay $0x1  }
0xa1: {  	s23 =	simm.s32 $0x1B8B  }
0xa2: {  	_ =	swait.ge [sflag:s23], $0x1  }
0xa3: {  	[sflag:s23] =	ssyncset.done $0x0  }
0xa4: {  	s25 =	simm.s32 $0x1B8E;
	s24 =	sld [smem:$0x3FFE];
	[sflag:s23] =	ssyncadd.s32 $0xFFFFFFFF  }
0xa5: {  	s26 =	simm.s32 $execute0_lowered;
	[smem:$0x3FD2] =	sst s25  }
0xa6: {  	s4 =	sshll.u32 s26, $0x1;
	_ =	strace $0x80000052;
	[dreg:$0x1] =	wrdreg $0xFFFFFFFF  }
0xa7: {  	s28 =	simm.s32 $_size_execute0_lowered;
	s2 =	sadd.s32 s2, s4;
	[dreg:$0x0] =	wrdreg $0x0  }
0xa8: {  	s4 =	sshll.u32 s28, $0x1;
	[dreg:$0x2] =	wrdreg s2  }
0xa9: {  	[dreg:$0x3] =	wrdreg s4  }
0xaa: {  	[dreg:$0x4] =	wrdreg $0xC0  }
0xab: {  	_ =	task [dreg:s6], $0x5FFFF  }
0xac: {  	[dreg:$0x1] =	wrdreg $0xFFFFFFFF  }
0xad: {  	[dreg:$0x0] =	wrdreg $0x60  }
0xae: {  	[dreg:$0x2] =	wrdreg s24  }
0xaf: {  	[dreg:$0x3] =	wrdreg $0xA8000  }
0xb0: {  	[dreg:$0x4] =	wrdreg $0x9  }
0xb1: {  	_ =	task.clear_ibuf [dreg:s6], $0x5FFFF;
	_ =	strace $0x90000052  }
0xb2: {  	s29 =	simm.s32 $0x9;
	_ =	strace $0x80000054  }
0xb3: {  	_ =	swait.ge [sflag:s29], $0x1  }
0xb4: {  	[sflag:s29] =	ssyncadd.s32 $0xFFFFFFFF  }
0xb5: {  	_ =	strace $0x90000054  }
0xb6: {  	_ =	sfence  }
0xb7: {  	s30 =	sld [smem:$0x0];
	_ =	sdelay $0x2  }
0xb8: {  	s31 =	sshll.u32 s1, $0xD;
	s1 =	sshrl.u32 s1, $0x2  }
0xb9: {  	s3 =	sand.u32 $0x4000, s31;
	s1 =	sadd.s32 s1, s30  }
0xba: {  	s0 =	sor.u32 s3, s0;
	s1 =	sshll.u32 s1, $0x11  }
0xbb: {  	s0 =	sor.u32 s1, s0  }
0xbc: {  	s0 =	sadd.s32 $0x8F2B, s0  }
0xbd: {  	[sflag:s0] =	ssyncadd.remote.s32 $0x1  }
0xbe: {  	_ =	sfence.sel $0xFFFF  }
0xbf: {  	[dreg:$0x0] =	wrdreg $0xFFFFFFFF;
	(pc) =	sbr.abs _section_cstart, $3  }
0xc0: {  	[dreg:$0x1] =	wrdreg $0xFFFFFFFF  }
0xc1: {  	_ =	task.clear_ibuf [dreg:s6], $0x2FFFF;
	_ =	strace $0x9FFFFFFF  }
0xc2: {  	(tm) =	ssettm $0x7FFFFFFF  }
0xc3: {  	_ =	shalt  }
tec
execute0_lowered:
.L_overlay_start_1:
0x0: {  	(tag) =	ssettag $0x1  }
0x1: {  	s6 =	rddreg [dreg:$0x0]  }
0x2: {  	s2 =	rddreg [dreg:$0x1]  }
0x3: {  	s0 =	rddreg [dreg:$0x2];
	s3 =	simm.s32 $0x0;
	s4 =	srdreg.scid  }
0x4: {  	s1 =	stileid.u32;
	s18 =	simm.s32 $0x1400;
	s19 =	simm.s32 $0x80  }
0x5: {  	s20 =	simm.s32 $0x6800;
	s21 =	simm.s32 $0x1;
	s22 =	simm.s32 $0x2  }
0x6: {  	s23 =	simm.s32 $0x2700;
	s24 =	simm.s32 $0x2780;
	[smem:$0x7FF] =	sst s3  }
0x7: {  	s5 =	sand.u32 $0x1, s4;
	s7 =	smul.u32 $0x2800, s1;
	s4 =	sadd.s32 $0x18600, s6  }
0x8: {  	s12 =	sadd.s32 $0x4600, s6;
	s9 =	smul.u32 $0x50000, s1;
	s13 =	sadd.s32 $0xE600, s6  }
0x9: {  	s28 =	sshll.u32 s1, $0x1;
	s8 =	smul.u32 $0x28000, s5;
	s10 =	ssub.s32 $0x2, s5  }
0xa: {  	_ =	strace $0x80000053;
	s29 =	sshrl.u32 s9, $0x2;
	s30 =	sshrl.u32 s10, $0x1  }
0xb: {  	s7 =	sadd.s32 s7, s8;
	s8 =	sor.u32 s5, s28;
	s5 =	sadd.s32 s29, s2  }
0xc: {  	s15 =	ssub.s32 s10, s30;
	s11 =	smul.u32 $0x2800, s8;
	s14 =	sadd.s32 s7, s6  }
0xd: {  	s6 =	sadd.s32 $0x4000, s5;
	s7 =	sadd.s32 $0x8000, s5;
	s16 =	smul.u32 $0x500, s8  }
0xe: {  	s8 =	sadd.s32 $0xC000, s5;
	s9 =	sadd.s32 $0x10000, s5;
	s15 =	smax.u32 s15, $0x1  }
0xf: {  	s14 =	sadd.s32 $0x40600, s14;
	s31 =	sshrl.u32 s11, $0x3;
	s10 =	sadd.s32 s12, s16  }
0x10: {  	s11 =	sadd.s32 s13, s16;
	s16 =	simm.s32 $0x2800;
	s17 =	sadd.s32 $0x280, s31  }
0x11: {  	v0 =	vimm.f32 $0.0e+00;
	s12 =	sadd.s32 s12, s17;
	s13 =	sadd.s32 s13, s17;
	s17 =	simm.s32 $0x3  }
.LBB2_1:
0x12: {  	s25 =	simm.s32 $0x0;
	s26 =	simm.s32 $0x200  }
.LBB2_2:
0x13: {  	p0 =	sne.s32 s26, $0xFE00;
	[tilespmem:s25+$0x2870] =	vst v0  }
0x14: {  	[tilespmem:s25+$0x2800] =	vst v0  }
0x15: {  	[tilespmem:s25+$0x2810] =	vst v0  }
.Ltmp0:
0x16: {  	[tilespmem:s25+$0x2820] =	vst v0;
	(pc) =	sbr.rel @p0 .LBB2_2-.Ltmp0, $4  }
0x17: {  	[tilespmem:s25+$0x2830] =	vst v0  }
0x18: {  	[tilespmem:s25+$0x2840] =	vst v0  }
0x19: {  	[tilespmem:s25+$0x2850] =	vst v0  }
0x1a: {  	[tilespmem:s25+$0x2860] =	vst v0;
	s25 =	sshra.s32 s26, $0x2;
	s26 =	sadd.s32 $0x200, s26  }
0x1b: {  	[tilespmem:s25+$0x2870] =	vst v0  }
0x1c: {  	[tilespmem:s25+$0x2800] =	vst v0  }
0x1d: {  	[tilespmem:s25+$0x2810] =	vst v0  }
0x1e: {  	[tilespmem:s25+$0x2820] =	vst v0  }
0x1f: {  	[tilespmem:s25+$0x2830] =	vst v0  }
0x20: {  	[tilespmem:s25+$0x2840] =	vst v0  }
0x21: {  	[tilespmem:s25+$0x2850] =	vst v0  }
0x22: {  	[tilespmem:s25+$0x2860] =	vst v0  }
0x23: {  	[spmem:s5] =	stream.linear.scatter [tilespmem:s16], [sflag:$0x3], $0x4000, $0x38;
	[tilespmem:$0x1E800] =	vst v63  }
0x24: {  	_ =	swait.ge [sflag:s17], $0x4000  }
0x25: {  	[sflag:s17] =	ssyncset.done $0x0  }
0x26: {  	[sflag:s17] =	ssyncadd.s32 $0xFFFFC000  }
0x27: {  	[spmem:s6] =	stream.linear.scatter [tilespmem:s16], [sflag:$0x3], $0x4000, $0x38;
	[tilespmem:$0x1E800] =	vst v63  }
0x28: {  	_ =	swait.ge [sflag:s17], $0x4000  }
0x29: {  	[sflag:s17] =	ssyncset.done $0x0  }
0x2a: {  	[sflag:s17] =	ssyncadd.s32 $0xFFFFC000  }
0x2b: {  	[spmem:s7] =	stream.linear.scatter [tilespmem:s16], [sflag:$0x3], $0x4000, $0x38;
	[tilespmem:$0x1E800] =	vst v63  }
0x2c: {  	_ =	swait.ge [sflag:s17], $0x4000  }
0x2d: {  	[sflag:s17] =	ssyncset.done $0x0  }
0x2e: {  	[sflag:s17] =	ssyncadd.s32 $0xFFFFC000  }
0x2f: {  	[spmem:s8] =	stream.linear.scatter [tilespmem:s16], [sflag:$0x3], $0x4000, $0x38;
	[tilespmem:$0x1E800] =	vst v63  }
0x30: {  	_ =	swait.ge [sflag:s17], $0x4000  }
0x31: {  	[sflag:s17] =	ssyncset.done $0x0  }
0x32: {  	[sflag:s17] =	ssyncadd.s32 $0xFFFFC000  }
0x33: {  	[spmem:s9] =	stream.linear.scatter [tilespmem:s16], [sflag:$0x3], $0x4000, $0x38;
	[tilespmem:$0x1E800] =	vst v63  }
0x34: {  	_ =	swait.ge [sflag:s17], $0x4000  }
0x35: {  	[sflag:s17] =	ssyncset.done $0x0  }
0x36: {  	[sflag:s17] =	ssyncadd.s32 $0xFFFFC000  }
0x37: {  	s28 =	simm.s32 $0x0;
	[bflag:$0x0] =	sbarrier.arrive $0xFFFF  }
0x38: {  	[tilespmem:s28], [sflag:$0x3] =	stream.linear.gather [hbm4b:s10+s28], $0x1400, $0x38;
	[tilespmem:$0x1E800] =	vst v63  }
0x39: {  	_ =	swait.ge [sflag:s17], $0x1400  }
0x3a: {  	[sflag:s17] =	ssyncset.done $0x0  }
0x3b: {  	[sflag:s17] =	ssyncadd.s32 $0xFFFFEC00  }
0x3c: {  	[tilespmem:s18], [sflag:$0x3] =	stream.linear.gather [hbm4b:s11+s28], $0x1400, $0x38;
	[tilespmem:$0x1E800] =	vst v63  }
0x3d: {  	_ =	swait.ge [sflag:s17], $0x1400  }
0x3e: {  	[sflag:s17] =	ssyncset.done $0x0  }
0x3f: {  	[sflag:s17] =	ssyncadd.s32 $0xFFFFEC00  }
0x40: {  	[tilespmem:s16], [sflag:$0x1] =	stream.indirect.gather [hbm4b:s4+s19], $0x80, s28, s19, $0xb8;
	[tilespmem:$0x1E800] =	vst v63  }
0x41: {  	_ = 	snop  }
0x42: {  	[tilespmem:s20], [sflag:$0x2] =	stream.indirect.gather [hbm4b:s4+s19], $0x80, s19, s19, $0xb8;
	[tilespmem:$0x1E800] =	vst v63  }
0x43: {  	_ =	swait.ge [sflag:s21], $0x4000  }
0x44: {  	[sflag:s21] =	ssyncset.done $0x0  }
0x45: {  	s29 =	simm.s32 $0x1400;
	[sflag:s21] =	ssyncadd.s32 $0xFFFFC000  }
0x46: {  	[spmem:s2] =	stream.indirect.scatter.add.f32 [tilespmem:s16], [sflag:$0x3], $0x80, s29, s19, $0xb8;
	[tilespmem:$0x1E800] =	vst v63  }
0x47: {  	_ =	swait.ge [sflag:s17], $0x4000  }
0x48: {  	[sflag:s17] =	ssyncset.done $0x0  }
0x49: {  	s30 =	simm.s32 $0x100;
	[sflag:s17] =	ssyncadd.s32 $0xFFFFC000  }
0x4a: {  	[tilespmem:s16], [sflag:$0x1] =	stream.indirect.gather [hbm4b:s4+s19], $0x80, s30, s19, $0xb8;
	[tilespmem:$0x1E800] =	vst v63  }
0x4b: {  	_ =	swait.ge [sflag:s22], $0x4000  }
0x4c: {  	[sflag:s22] =	ssyncset.done $0x0  }
0x4d: {  	s31 =	simm.s32 $0x1480;
	[sflag:s22] =	ssyncadd.s32 $0xFFFFC000  }
0x4e: {  	[spmem:s2] =	stream.indirect.scatter.add.f32 [tilespmem:s20], [sflag:$0x3], $0x80, s31, s19, $0xb8;
	[tilespmem:$0x1E800] =	vst v63  }
0x4f: {  	_ =	swait.ge [sflag:s17], $0x4000  }
0x50: {  	[sflag:s17] =	ssyncset.done $0x0  }
0x51: {  	s25 =	simm.s32 $0x400;
	s26 =	simm.s32 $0x180;
	[sflag:s17] =	ssyncadd.s32 $0xFFFFC000  }
.LBB2_4:
0x52: {  	[tilespmem:s20], [sflag:$0x2] =	stream.indirect.gather [hbm4b:s4+s19], $0x80, s26, s19, $0xb8;
	[tilespmem:$0x1E800] =	vst v63  }
0x53: {  	s26 =	smov.u32 s25  }
0x54: {  	p0 =	sne.s32 s25, $0x4800;
	s25 =	sadd.s32 $0x400, s25;
	_ =	swait.ge [sflag:s21], $0x4000  }
0x55: {  	s26 =	sshra.s32 s26, $0x2;
	[sflag:s21] =	ssyncset.done $0x0  }
0x56: {  	s28 =	sadd.s32 $0x1400, s26;
	[sflag:s21] =	ssyncadd.s32 $0xFFFFC000  }
0x57: {  	[spmem:s2] =	stream.indirect.scatter.add.f32 [tilespmem:s16], [sflag:$0x3], $0x80, s28, s19, $0xb8;
	[tilespmem:$0x1E800] =	vst v63  }
0x58: {  	_ =	swait.ge [sflag:s17], $0x4000  }
0x59: {  	[sflag:s17] =	ssyncset.done $0x0  }
0x5a: {  	s28 =	sadd.s32 $0x100, s26;
	[sflag:s17] =	ssyncadd.s32 $0xFFFFC000  }
0x5b: {  	[tilespmem:s16], [sflag:$0x1] =	stream.indirect.gather [hbm4b:s4+s19], $0x80, s28, s19, $0xb8;
	[tilespmem:$0x1E800] =	vst v63  }
0x5c: {  	_ =	swait.ge [sflag:s22], $0x4000  }
0x5d: {  	[sflag:s22] =	ssyncset.done $0x0  }
.Ltmp1:
0x5e: {  	s28 =	sadd.s32 $0x1480, s26;
	[sflag:s22] =	ssyncadd.s32 $0xFFFFC000;
	(pc) =	sbr.rel @p0 .LBB2_4-.Ltmp1, $4  }
0x5f: {  	[spmem:s2] =	stream.indirect.scatter.add.f32 [tilespmem:s20], [sflag:$0x3], $0x80, s28, s19, $0xb8;
	[tilespmem:$0x1E800] =	vst v63  }
0x60: {  	_ =	swait.ge [sflag:s17], $0x4000  }
0x61: {  	[sflag:s17] =	ssyncset.done $0x0  }
0x62: {  	s26 =	sadd.s32 $0x180, s26;
	[sflag:s17] =	ssyncadd.s32 $0xFFFFC000  }
0x63: {  	[tilespmem:s20], [sflag:$0x2] =	stream.indirect.gather [hbm4b:s4+s19], $0x80, s26, s19, $0xb8;
	[tilespmem:$0x1E800] =	vst v63  }
0x64: {  	_ =	swait.ge [sflag:s21], $0x4000  }
0x65: {  	[sflag:s21] =	ssyncset.done $0x0  }
0x66: {  	[sflag:s21] =	ssyncadd.s32 $0xFFFFC000  }
0x67: {  	[spmem:s2] =	stream.indirect.scatter.add.f32 [tilespmem:s16], [sflag:$0x3], $0x80, s23, s19, $0xb8;
	[tilespmem:$0x1E800] =	vst v63  }
0x68: {  	_ =	swait.ge [sflag:s17], $0x4000  }
0x69: {  	[sflag:s17] =	ssyncset.done $0x0  }
0x6a: {  	[sflag:s17] =	ssyncadd.s32 $0xFFFFC000  }
0x6b: {  	_ =	swait.ge [sflag:s22], $0x4000  }
0x6c: {  	[sflag:s22] =	ssyncset.done $0x0  }
0x6d: {  	[sflag:s22] =	ssyncadd.s32 $0xFFFFC000  }
0x6e: {  	[spmem:s2] =	stream.indirect.scatter.add.f32 [tilespmem:s20], [sflag:$0x3], $0x80, s24, s19, $0xb8;
	[tilespmem:$0x1E800] =	vst v63  }
0x6f: {  	_ =	swait.ge [sflag:s17], $0x4000  }
0x70: {  	[sflag:s17] =	ssyncset.done $0x0  }
0x71: {  	s25 =	simm.s32 $0x0;
	[sflag:s17] =	ssyncadd.s32 $0xFFFFC000  }
0x72: {  	[tilespmem:s25], [sflag:$0x3] =	stream.linear.gather [hbm4b:s12+s25], $0x1400, $0x38;
	[tilespmem:$0x1E800] =	vst v63  }
0x73: {  	_ =	swait.ge [sflag:s17], $0x1400  }
0x74: {  	[sflag:s17] =	ssyncset.done $0x0  }
0x75: {  	[sflag:s17] =	ssyncadd.s32 $0xFFFFEC00  }
0x76: {  	[tilespmem:s18], [sflag:$0x3] =	stream.linear.gather [hbm4b:s13+s25], $0x1400, $0x38;
	[tilespmem:$0x1E800] =	vst v63  }
0x77: {  	_ =	swait.ge [sflag:s17], $0x1400  }
0x78: {  	[sflag:s17] =	ssyncset.done $0x0  }
0x79: {  	[sflag:s17] =	ssyncadd.s32 $0xFFFFEC00  }
0x7a: {  	[tilespmem:s16], [sflag:$0x1] =	stream.indirect.gather [hbm4b:s4+s19], $0x80, s25, s19, $0xb8;
	[tilespmem:$0x1E800] =	vst v63  }
0x7b: {  	_ = 	snop  }
0x7c: {  	[tilespmem:s20], [sflag:$0x2] =	stream.indirect.gather [hbm4b:s4+s19], $0x80, s19, s19, $0xb8;
	[tilespmem:$0x1E800] =	vst v63  }
0x7d: {  	_ =	swait.ge [sflag:s21], $0x4000  }
0x7e: {  	[sflag:s21] =	ssyncset.done $0x0  }
0x7f: {  	s29 =	simm.s32 $0x1400;
	[sflag:s21] =	ssyncadd.s32 $0xFFFFC000  }
0x80: {  	[spmem:s2] =	stream.indirect.scatter.add.f32 [tilespmem:s16], [sflag:$0x3], $0x80, s29, s19, $0xb8;
	[tilespmem:$0x1E800] =	vst v63  }
0x81: {  	_ =	swait.ge [sflag:s17], $0x4000  }
0x82: {  	[sflag:s17] =	ssyncset.done $0x0  }
0x83: {  	s30 =	simm.s32 $0x100;
	[sflag:s17] =	ssyncadd.s32 $0xFFFFC000  }
0x84: {  	[tilespmem:s16], [sflag:$0x1] =	stream.indirect.gather [hbm4b:s4+s19], $0x80, s30, s19, $0xb8;
	[tilespmem:$0x1E800] =	vst v63  }
0x85: {  	_ =	swait.ge [sflag:s22], $0x4000  }
0x86: {  	[sflag:s22] =	ssyncset.done $0x0  }
0x87: {  	s31 =	simm.s32 $0x1480;
	[sflag:s22] =	ssyncadd.s32 $0xFFFFC000  }
0x88: {  	[spmem:s2] =	stream.indirect.scatter.add.f32 [tilespmem:s20], [sflag:$0x3], $0x80, s31, s19, $0xb8;
	[tilespmem:$0x1E800] =	vst v63  }
0x89: {  	_ =	swait.ge [sflag:s17], $0x4000  }
0x8a: {  	[sflag:s17] =	ssyncset.done $0x0  }
0x8b: {  	s26 =	simm.s32 $0x180;
	s25 =	simm.s32 $0x400;
	[sflag:s17] =	ssyncadd.s32 $0xFFFFC000  }
.LBB2_6:
0x8c: {  	[tilespmem:s20], [sflag:$0x2] =	stream.indirect.gather [hbm4b:s4+s19], $0x80, s26, s19, $0xb8;
	[tilespmem:$0x1E800] =	vst v63  }
0x8d: {  	s26 =	smov.u32 s25  }
0x8e: {  	p0 =	sne.s32 s25, $0x4800;
	s25 =	sadd.s32 $0x400, s25;
	_ =	swait.ge [sflag:s21], $0x4000  }
0x8f: {  	s26 =	sshra.s32 s26, $0x2;
	[sflag:s21] =	ssyncset.done $0x0  }
0x90: {  	s28 =	sadd.s32 $0x1400, s26;
	[sflag:s21] =	ssyncadd.s32 $0xFFFFC000  }
0x91: {  	[spmem:s2] =	stream.indirect.scatter.add.f32 [tilespmem:s16], [sflag:$0x3], $0x80, s28, s19, $0xb8;
	[tilespmem:$0x1E800] =	vst v63  }
0x92: {  	_ =	swait.ge [sflag:s17], $0x4000  }
0x93: {  	[sflag:s17] =	ssyncset.done $0x0  }
0x94: {  	s28 =	sadd.s32 $0x100, s26;
	[sflag:s17] =	ssyncadd.s32 $0xFFFFC000  }
0x95: {  	[tilespmem:s16], [sflag:$0x1] =	stream.indirect.gather [hbm4b:s4+s19], $0x80, s28, s19, $0xb8;
	[tilespmem:$0x1E800] =	vst v63  }
0x96: {  	_ =	swait.ge [sflag:s22], $0x4000  }
0x97: {  	[sflag:s22] =	ssyncset.done $0x0  }
.Ltmp2:
0x98: {  	s28 =	sadd.s32 $0x1480, s26;
	[sflag:s22] =	ssyncadd.s32 $0xFFFFC000;
	(pc) =	sbr.rel @p0 .LBB2_6-.Ltmp2, $4  }
0x99: {  	[spmem:s2] =	stream.indirect.scatter.add.f32 [tilespmem:s20], [sflag:$0x3], $0x80, s28, s19, $0xb8;
	[tilespmem:$0x1E800] =	vst v63  }
0x9a: {  	_ =	swait.ge [sflag:s17], $0x4000  }
0x9b: {  	[sflag:s17] =	ssyncset.done $0x0  }
0x9c: {  	s26 =	sadd.s32 $0x180, s26;
	[sflag:s17] =	ssyncadd.s32 $0xFFFFC000  }
0x9d: {  	[tilespmem:s20], [sflag:$0x2] =	stream.indirect.gather [hbm4b:s4+s19], $0x80, s26, s19, $0xb8;
	[tilespmem:$0x1E800] =	vst v63  }
0x9e: {  	_ =	swait.ge [sflag:s21], $0x4000  }
0x9f: {  	[sflag:s21] =	ssyncset.done $0x0  }
0xa0: {  	[sflag:s21] =	ssyncadd.s32 $0xFFFFC000  }
0xa1: {  	[spmem:s2] =	stream.indirect.scatter.add.f32 [tilespmem:s16], [sflag:$0x3], $0x80, s23, s19, $0xb8;
	[tilespmem:$0x1E800] =	vst v63  }
0xa2: {  	_ =	swait.ge [sflag:s17], $0x4000  }
0xa3: {  	[sflag:s17] =	ssyncset.done $0x0  }
0xa4: {  	[sflag:s17] =	ssyncadd.s32 $0xFFFFC000  }
0xa5: {  	_ =	swait.ge [sflag:s22], $0x4000  }
0xa6: {  	[sflag:s22] =	ssyncset.done $0x0  }
0xa7: {  	[sflag:s22] =	ssyncadd.s32 $0xFFFFC000  }
0xa8: {  	[spmem:s2] =	stream.indirect.scatter.add.f32 [tilespmem:s20], [sflag:$0x3], $0x80, s24, s19, $0xb8;
	[tilespmem:$0x1E800] =	vst v63  }
0xa9: {  	_ =	swait.ge [sflag:s17], $0x4000  }
0xaa: {  	s25 =	sshll.u32 s1, $0x6;
	s3 =	sadd.s32 $0x1, s3;
	[sflag:s17] =	ssyncset.done $0x0  }
0xab: {  	s31 =	sshrl.u32 s5, $0x3;
	p0 =	sne.s32 s3, s15;
	[sflag:s17] =	ssyncadd.s32 $0xFFFFC000  }
.Ltmp3:
0xac: {  	s25 =	sor.u32 $0x1C03, s25;
	[bflag:$0x0] =	sbarrier.arrive $0xFFFF;
	(pc) =	sbr.rel @p0 .LBB2_1-.Ltmp3, $4  }
0xad: {  	[hbm:s14], [sflag:s25] =	dma.local [spmem:s31], $0x2800  }
0xae: {  	_ =	swait.ge [sflag:s17], $0x2800  }
0xaf: {  	[sflag:s17] =	ssyncset.done $0x0  }
0xb0: {  	[sflag:s17] =	ssyncadd.s32 $0xFFFFD800  }
0xb1: {  	_ =	sfence.sel $0x180000  }
0xb2: {  	[bflag:$0x0] =	sbarrier.arrive $0xFFFF  }
0xb3: {  	p0 =	sne.s32 s1, $0x0;
	_ =	strace $0x90000053  }
0xb4: {  	s0 =	sadd.s32 @!p0 $0x100000, s0;
	[bflag:$0x2] =	sbarrier.arrive $0xFFFF  }
0xb5: {  	[sflag:s0] =	ssyncadd.tile.s32 @!p0 $0x1;
	_ =	shalt  }
.Lfunc_end2:
_tile_overlayer_lowered:
.L_overlay_start_2:
0xb6: {  	(tag) =	ssettag $0x2  }
0xb7: {  	s0 =	rddreg [dreg:$0x0];
	s2 =	stileid.u32  }
0xb8: {  	s1 =	rddreg [dreg:$0x1];
	p0 =	sne.s32 s2, $0x0  }
0xb9: {  	s3 =	rddreg [dreg:$0x2];
	[bflag:$0x3] =	sbarrier.arrive $0xFFFF;
	s2 =	simm.s32 @!p0 $0x1C03  }
0xba: {  	[timem:s3], [sflag:s2] =	dma.local @!p0 [hbm:s0], s1  }
0xbb: {  	s0 =	simm.s32 @!p0 $0x3  }
0xbc: {  	_ =	swait.ge @!p0 [sflag:s0], s1  }
0xbd: {  	s1 =	ssub.s32 @!p0 $0x0, s1;
	[sflag:s0] =	ssyncset.done @!p0 $0x0  }
0xbe: {  	[sflag:s0] =	ssyncadd.s32 @!p0 s1  }
0xbf: {  	[bflag:$0x3] =	sbarrier.arrive $0xFFFF  }
0xc0: {  	_ =	shalt  }

</sc_bundles>
